<compile_context>
chip_gen: v7x
topology: tpu7x:2x2x1
jax: 0.10.2.dev20260603
libtpu: 0.0.44.dev20260713+nightly
codegen_flags: <defaults>
</compile_context>

<pallas_src>
import jax
import jax.numpy as jnp
from jax import lax
from jax.experimental import pallas as pl
from jax.experimental.pallas import tpu as pltpu
from jax.experimental.pallas import tpu_sc as plsc

_N = 10000
_E = 320000
_D = 128
_NC = 2
_NS = 16
_NW = _NC * _NS
_CH = 128
_NCHUNK = 80
_EPAD = _NW * _NCHUNK * _CH
_IB = 8
_NBLK = _NCHUNK // _IB
_K0 = 152
_K1 = 2 * _NCHUNK - _K0
_NP = 10240
_RPT = _NP // _NS
_ZC = 128
_L = 16

_mesh = plsc.VectorSubcoreMesh(core_axis_name="c", subcore_axis_name="s")


def _fill_rows(rows_v, value):
    vv = jnp.full((_L,), value, jnp.float32)

    def frow(i, _):
        def fcol(j, _):
            rows_v[i, pl.ds(j * _L, _L)] = vv
            return 0
        return lax.fori_loop(0, _D // _L, fcol, 0)
    lax.fori_loop(0, _ZC, frow, 0)


def _make_sc_agg(count_only):
    def body(table, src, dst, out_p, src_v, dst_v, rows0, rows1, acc,
             sem0, sem1):
        c = lax.axis_index("c")
        s = lax.axis_index("s")
        wid = s * _NC + c
        base = s * _RPT

        _fill_rows(rows0, 0.0)
        for k in range(_RPT // _ZC):
            pltpu.sync_copy(rows0, acc.at[pl.ds(base + k * _ZC, _ZC)])
        if count_only:
            _fill_rows(rows0, 1.0)
        plsc.subcore_barrier()

        rows = (rows0, rows1)
        sems = (sem0, sem1)

        if count_only:
            def block(b, _):
                pltpu.sync_copy(dst.at[pl.ds(wid * _NCHUNK + b * _IB, _IB)],
                                dst_v.at[0])

                def chunk(j, _):
                    pltpu.sync_copy(rows0, acc.at[dst_v.at[0, j]], add=True)
                    return 0
                lax.fori_loop(0, _IB, chunk, 0)
                return 0
            lax.fori_loop(0, _NBLK, block, 0)
        else:
            nblk = jnp.where(c == 0, _K0 // _IB, _K1 // _IB)
            start = jnp.where(c == 0, s * _K0, _NS * _K0 + s * _K1)

            def stage(b):
                ibase = start + b * _IB
                pltpu.sync_copy(src.at[pl.ds(ibase, _IB)], src_v.at[b % 2])
                pltpu.sync_copy(dst.at[pl.ds(ibase, _IB)], dst_v.at[b % 2])

            def issue(b, j, par):
                return pltpu.async_copy(table.at[src_v.at[b % 2, j]],
                                        rows[par], sems[par])

            @pl.when(nblk > 0)
            def _():
                stage(0)
                issue(0, 0, 0)

            def block(b, _):
                @pl.when(b + 1 < nblk)
                def _():
                    stage(b + 1)
                for j in range(_IB):
                    par = j % 2
                    if j + 1 < _IB:
                        issue(b, j + 1, (j + 1) % 2)
                    else:
                        @pl.when(b + 1 < nblk)
                        def _():
                            issue(b + 1, 0, (j + 1) % 2)
                    pltpu.make_async_copy(table.at[src_v.at[b % 2, j]],
                                          rows[par], sems[par]).wait()
                    pltpu.sync_copy(rows[par],
                                    acc.at[dst_v.at[b % 2, j]], add=True)
                return 0
            lax.fori_loop(0, nblk, block, 0)
        plsc.subcore_barrier()

        pltpu.sync_copy(acc.at[pl.ds(base, _RPT)],
                        out_p.at[c, pl.ds(base, _RPT)])

    return pl.kernel(
        body,
        out_type=[jax.ShapeDtypeStruct((_NC, _NP, _D), jnp.float32)],
        mesh=_mesh,
        scratch_types=[
            pltpu.VMEM((2, _IB, _CH), jnp.int32),
            pltpu.VMEM((2, _IB, _CH), jnp.int32),
            pltpu.VMEM((_ZC, _D), jnp.float32),
            pltpu.VMEM((_ZC, _D), jnp.float32),
            pltpu.VMEM_SHARED((_NP, _D), jnp.float32),
            pltpu.SemaphoreType.DMA,
            pltpu.SemaphoreType.DMA,
        ],
    )


_sc_agg = _make_sc_agg(False)
_sc_count = _make_sc_agg(True)

_BR = 1000
_dn = (((1,), (1,)), ((), ()))


def _tc1_body(p_ref, c_ref, x_ref, wl_ref, bl_ref, wr_ref, h_ref, inv_ref):
    ps = p_ref[0] + p_ref[1]
    cn = c_ref[0, :, 0:1] + c_ref[1, :, 0:1]
    inv = 1.0 / jnp.maximum(cn, 1.0)
    agg = ps * inv
    y = lax.dot_general(agg, wl_ref[...], _dn, preferred_element_type=jnp.float32)
    y = y + bl_ref[...] + lax.dot_general(x_ref[...], wr_ref[...], _dn,
                                          preferred_element_type=jnp.float32)
    h_ref[...] = jnp.maximum(y, 0.0)
    inv_ref[...] = inv


def _tc2_body(p_ref, inv_ref, x_ref, wl_ref, bl_ref, wr_ref, o_ref):
    agg = (p_ref[0] + p_ref[1]) * inv_ref[...]
    y = lax.dot_general(agg, wl_ref[...], _dn, preferred_element_type=jnp.float32)
    y = y + bl_ref[...] + lax.dot_general(x_ref[...], wr_ref[...], _dn,
                                          preferred_element_type=jnp.float32)
    o_ref[...] = y


_w_spec = pl.BlockSpec((_D, _D), lambda i: (0, 0))
_b_spec = pl.BlockSpec((1, _D), lambda i: (0, 0))
_r_spec = pl.BlockSpec((_BR, _D), lambda i: (i, 0))
_p_spec = pl.BlockSpec((_NC, _BR, _D), lambda i: (0, i, 0))
_i_spec = pl.BlockSpec((_BR, 1), lambda i: (i, 0))


def _tc1(p, cnt, x, Wl, bl, Wr):
    return pl.pallas_call(
        _tc1_body,
        grid=(_N // _BR,),
        in_specs=[_p_spec, _p_spec, _r_spec, _w_spec, _b_spec, _w_spec],
        out_specs=[_r_spec, _i_spec],
        out_shape=[jax.ShapeDtypeStruct((_N, _D), jnp.float32),
                   jax.ShapeDtypeStruct((_N, 1), jnp.float32)],
    )(p, cnt, x, Wl, bl, Wr)


def _tc2(p, inv, x, Wl, bl, Wr):
    return pl.pallas_call(
        _tc2_body,
        grid=(_N // _BR,),
        in_specs=[_p_spec, _i_spec, _r_spec, _w_spec, _b_spec, _w_spec],
        out_specs=_r_spec,
        out_shape=jax.ShapeDtypeStruct((_N, _D), jnp.float32),
    )(p, inv, x, Wl, bl, Wr)


def kernel(x, edge_index, Wl1, bl1, Wr1, Wl2, bl2, Wr2):
    npad = _EPAD - _E
    src = jnp.concatenate(
        [edge_index[0], jnp.zeros((npad,), jnp.int32)]).reshape(-1, _CH)
    dst = jnp.concatenate(
        [edge_index[1], jnp.full((npad,), _N, jnp.int32)]).reshape(-1, _CH)

    (cnt,) = _sc_count(x, src, dst)
    (p1,) = _sc_agg(x, src, dst)
    h, inv = _tc1(p1, cnt, x, Wl1, bl1.reshape(1, _D), Wr1)
    (p2,) = _sc_agg(h, src, dst)
    return _tc2(p2, inv, h, Wl2, bl2.reshape(1, _D), Wr2)

# --- scband reference (transcript-rebuilt; emitter-appended) ---
"""Pipeline reference for scband-gnntime-11622181503214 (READ-ONLY COPY).

The authoritative reference and input builder live on the scoring server;
editing this copy changes nothing except your own understanding.
"""

import jax, jax.numpy as jnp
import numpy as np

N = 10000
E = 320000
D_IN = 128
D_H = 128
D_OUT = 128


def setup_inputs(seed: int = 0) -> dict:
    key = jax.random.key(seed)
    ks = jax.random.split(key, 8)
    x = jax.random.normal(ks[0], (N, D_IN), dtype=jnp.float32)
    edge_index = jax.random.randint(ks[1], (2, E), 0, N, dtype=jnp.int32)
    # SAGEConv layer 1 params: lin_l (applied to aggregated neighbors, has bias), lin_r (applied to root, no bias)
    Wl1 = jax.random.normal(ks[2], (D_H, D_IN), dtype=jnp.float32) * (1.0 / np.sqrt(D_IN))
    bl1 = jnp.zeros((D_H,), dtype=jnp.float32)
    Wr1 = jax.random.normal(ks[3], (D_H, D_IN), dtype=jnp.float32) * (1.0 / np.sqrt(D_IN))
    # SAGEConv layer 2 params
    Wl2 = jax.random.normal(ks[4], (D_OUT, D_H), dtype=jnp.float32) * (1.0 / np.sqrt(D_H))
    bl2 = jnp.zeros((D_OUT,), dtype=jnp.float32)
    Wr2 = jax.random.normal(ks[5], (D_OUT, D_H), dtype=jnp.float32) * (1.0 / np.sqrt(D_H))
    return {"x": x, "edge_index": edge_index, "Wl1": Wl1, "bl1": bl1, "Wr1": Wr1,
            "Wl2": Wl2, "bl2": bl2, "Wr2": Wr2}


def _sage_conv(x, src, dst, Wl, bl, Wr, num_nodes):
    # mean aggregation of source features at destination nodes (PyG SAGEConv default)
    msg = jnp.take(x, src, axis=0)                                   # gather: [E, d]
    agg = jax.ops.segment_sum(msg, dst, num_segments=num_nodes)      # scatter-add: [N, d]
    cnt = jax.ops.segment_sum(jnp.ones((src.shape[0], 1), dtype=x.dtype), dst, num_segments=num_nodes)
    agg = agg / jnp.clip(cnt, 1.0, None)
    return agg @ Wl.T + bl + x @ Wr.T


def reference(x, edge_index, Wl1, bl1, Wr1, Wl2, bl2, Wr2):
    src = edge_index[0]
    dst = edge_index[1]
    h = _sage_conv(x, src, dst, Wl1, bl1, Wr1, N)
    # self.pre = Sequential(ReLU(), Dropout()); dropout is identity in eval mode
    h = jax.nn.relu(h)
    h = _sage_conv(h, src, dst, Wl2, bl2, Wr2, N)
    return h

if __name__ == "__main__":
    import jax
    _d = setup_inputs()
    print(jax.jit(kernel)(*tuple(_d.values())))

</pallas_src>

<mosaic_0001>
#map = affine_map<(d0, d1) -> (0, 0)>
#map1 = affine_map<(d0, d1) -> (0, 0, 0)>
module attributes {stable_mosaic.version = 14 : i64} {
  func.func @body(%arg0: i32, %arg1: i32, %arg2: memref<10000x128xf32, #tpu.memory_space<hbm>>, %arg3: memref<2560x128xi32, #tpu.memory_space<hbm>>, %arg4: memref<2560x128xi32, #tpu.memory_space<hbm>>, %arg5: memref<2x10240x128xf32, #tpu.memory_space<hbm>>, %arg6: memref<2x8x128xi32, #tpu.memory_space<vmem>>, %arg7: memref<2x8x128xi32, #tpu.memory_space<vmem>>, %arg8: memref<128x128xf32, #tpu.memory_space<vmem>>, %arg9: memref<128x128xf32, #tpu.memory_space<vmem>>, %arg10: memref<10240x128xf32, #tpu.memory_space<vmem_shared>>, %arg11: memref<!tpu.dma_semaphore, #tpu.memory_space<semaphore_mem>>, %arg12: memref<!tpu.dma_semaphore, #tpu.memory_space<semaphore_mem>>) attributes {dimension_semantics = [#tpu.dimension_semantics<core_parallel>, #tpu.dimension_semantics<subcore_parallel>], iteration_bounds = array<i64: 2, 16>, scalar_prefetch = 0 : i64, scratch_operands = 7 : i64, tpu.core_type = #tpu.core_type<sc_vector_subcore>, window_params = [{transform_indices = #map}, {transform_indices = #map}, {transform_indices = #map}, {transform_indices = #map1}]} {
    %mul3A = arith.constant 2 : i32
    %mul3A_0 = arith.muli %arg1, %mul3A : i32
    %add3A = arith.addi %mul3A_0, %arg0 : i32
    %mul3A_1 = arith.constant 640 : i32
    %mul3A_2 = arith.muli %arg1, %mul3A_1 : i32
    %broadcast_in_dim3A = arith.constant 0.000000e+00 : f32
    %broadcast_in_dim3A_3 = vector.broadcast %broadcast_in_dim3A : f32 to vector<16xf32>
    %scan3A = arith.constant 0 : i32
    %scan3A_4 = arith.constant 0 : i32
    %scan3A_5 = arith.constant 128 : i32
    %scan3A_6 = arith.addi %scan3A_4, %scan3A_5 : i32
    %scan3A_7 = arith.constant 1 : i32
    %scan3A_8 = scf.for %scan3A_45 = %scan3A_4 to %scan3A_6 step %scan3A_7 iter_args(%scan3A_46 = %scan3A) -> (i32)  : i32 {
      %scan3A_47 = arith.constant 0 : i32
      %scan3A_48 = arith.constant 0 : i32
      %scan3A_49 = arith.constant 8 : i32
      %scan3A_50 = arith.addi %scan3A_48, %scan3A_49 : i32
      %scan3A_51 = arith.constant 1 : i32
      %scan3A_52 = scf.for %scan3A_54 = %scan3A_48 to %scan3A_50 step %scan3A_51 iter_args(%scan3A_55 = %scan3A_47) -> (i32)  : i32 {
        %mul3A_56 = arith.constant 16 : i32
        %mul3A_57 = arith.muli %scan3A_54, %mul3A_56 : i32
        %swap3A = arith.index_cast %scan3A_45 : i32 to index
        %swap3A_58 = arith.index_cast %mul3A_57 : i32 to index
        %swap3A_59 = tpu.vector_load %arg8[%swap3A, %swap3A_58] {strides = array<i32>} : memref<128x128xf32, #tpu.memory_space<vmem>>, vector<1x16xf32>,
        %swap3A_60 = vector.shape_cast %swap3A_59 : vector<1x16xf32> to vector<16xf32>
        %swap3A_61 = vector.shape_cast %broadcast_in_dim3A_3 : vector<16xf32> to vector<1x16xf32>
        tpu.vector_store %arg8[%swap3A, %swap3A_58], %swap3A_61 {strides = array<i32>} : memref<128x128xf32, #tpu.memory_space<vmem>>, vector<1x16xf32>,
        %scan3A_62 = arith.constant 0 : i32
        scf.yield %scan3A_62 : i32
      }
      %scan3A_53 = arith.constant 8 : i32
      scf.yield %scan3A_52 : i32
    }
    %scan3A_9 = arith.constant 128 : i32
    %add3A_10 = arith.constant 0 : i32
    %add3A_11 = arith.addi %mul3A_2, %add3A_10 : i32
    "tpu.region"() ({
      %run_scoped3A = tpu.sem_alloc : memref<!tpu.dma_semaphore, #tpu.memory_space<semaphore_mem>>
      %dma_start3A = arith.constant 0 : i32
      %dma_start3A_45 = tpu.memref_slice %arg10[%add3A_11, %dma_start3A] : memref<10240x128xf32, #tpu.memory_space<vmem_shared>> -> memref<128x128xf32, #tpu.memory_space<vmem_shared>>
      %dma_start3A_46 = arith.constant 0 : i32
      %dma_start3A_47 = tpu.memref_slice %arg10[%add3A_11, %dma_start3A_46] : memref<10240x128xf32, #tpu.memory_space<vmem_shared>> -> memref<128x128xf32, #tpu.memory_space<vmem_shared>>
      tpu.enqueue_dma source(%arg8 : memref<128x128xf32, #tpu.memory_space<vmem>>) target(%dma_start3A_47 : memref<128x128xf32, #tpu.memory_space<vmem_shared>>) target_semaphore(%run_scoped3A : memref<!tpu.dma_semaphore, #tpu.memory_space<semaphore_mem>>)
      %dma_wait3A = arith.constant 0 : i32
      %dma_wait3A_48 = tpu.memref_slice %arg10[%add3A_11, %dma_wait3A] : memref<10240x128xf32, #tpu.memory_space<vmem_shared>> -> memref<128x128xf32, #tpu.memory_space<vmem_shared>>
      %dma_wait3A_49 = arith.constant 0 : i32
      %dma_wait3A_50 = tpu.memref_slice %arg10[%add3A_11, %dma_wait3A_49] : memref<10240x128xf32, #tpu.memory_space<vmem_shared>> -> memref<128x128xf32, #tpu.memory_space<vmem_shared>>
      tpu.wait_dma2 semaphore(%run_scoped3A : memref<!tpu.dma_semaphore, #tpu.memory_space<semaphore_mem>>) src(%arg8 : memref<128x128xf32, #tpu.memory_space<vmem>>) dst(%dma_wait3A_50 : memref<128x128xf32, #tpu.memory_space<vmem_shared>>)
      tpu.yield
    }) : () -> ()
    %add3A_12 = arith.constant 128 : i32
    %add3A_13 = arith.addi %mul3A_2, %add3A_12 : i32
    "tpu.region"() ({
      %run_scoped3A = tpu.sem_alloc : memref<!tpu.dma_semaphore, #tpu.memory_space<semaphore_mem>>
      %dma_start3A = arith.constant 0 : i32
      %dma_start3A_45 = tpu.memref_slice %arg10[%add3A_13, %dma_start3A] : memref<10240x128xf32, #tpu.memory_space<vmem_shared>> -> memref<128x128xf32, #tpu.memory_space<vmem_shared>>
      %dma_start3A_46 = arith.constant 0 : i32
      %dma_start3A_47 = tpu.memref_slice %arg10[%add3A_13, %dma_start3A_46] : memref<10240x128xf32, #tpu.memory_space<vmem_shared>> -> memref<128x128xf32, #tpu.memory_space<vmem_shared>>
      tpu.enqueue_dma source(%arg8 : memref<128x128xf32, #tpu.memory_space<vmem>>) target(%dma_start3A_47 : memref<128x128xf32, #tpu.memory_space<vmem_shared>>) target_semaphore(%run_scoped3A : memref<!tpu.dma_semaphore, #tpu.memory_space<semaphore_mem>>)
      %dma_wait3A = arith.constant 0 : i32
      %dma_wait3A_48 = tpu.memref_slice %arg10[%add3A_13, %dma_wait3A] : memref<10240x128xf32, #tpu.memory_space<vmem_shared>> -> memref<128x128xf32, #tpu.memory_space<vmem_shared>>
      %dma_wait3A_49 = arith.constant 0 : i32
      %dma_wait3A_50 = tpu.memref_slice %arg10[%add3A_13, %dma_wait3A_49] : memref<10240x128xf32, #tpu.memory_space<vmem_shared>> -> memref<128x128xf32, #tpu.memory_space<vmem_shared>>
      tpu.wait_dma2 semaphore(%run_scoped3A : memref<!tpu.dma_semaphore, #tpu.memory_space<semaphore_mem>>) src(%arg8 : memref<128x128xf32, #tpu.memory_space<vmem>>) dst(%dma_wait3A_50 : memref<128x128xf32, #tpu.memory_space<vmem_shared>>)
      tpu.yield
    }) : () -> ()
    %add3A_14 = arith.constant 256 : i32
    %add3A_15 = arith.addi %mul3A_2, %add3A_14 : i32
    "tpu.region"() ({
      %run_scoped3A = tpu.sem_alloc : memref<!tpu.dma_semaphore, #tpu.memory_space<semaphore_mem>>
      %dma_start3A = arith.constant 0 : i32
      %dma_start3A_45 = tpu.memref_slice %arg10[%add3A_15, %dma_start3A] : memref<10240x128xf32, #tpu.memory_space<vmem_shared>> -> memref<128x128xf32, #tpu.memory_space<vmem_shared>>
      %dma_start3A_46 = arith.constant 0 : i32
      %dma_start3A_47 = tpu.memref_slice %arg10[%add3A_15, %dma_start3A_46] : memref<10240x128xf32, #tpu.memory_space<vmem_shared>> -> memref<128x128xf32, #tpu.memory_space<vmem_shared>>
      tpu.enqueue_dma source(%arg8 : memref<128x128xf32, #tpu.memory_space<vmem>>) target(%dma_start3A_47 : memref<128x128xf32, #tpu.memory_space<vmem_shared>>) target_semaphore(%run_scoped3A : memref<!tpu.dma_semaphore, #tpu.memory_space<semaphore_mem>>)
      %dma_wait3A = arith.constant 0 : i32
      %dma_wait3A_48 = tpu.memref_slice %arg10[%add3A_15, %dma_wait3A] : memref<10240x128xf32, #tpu.memory_space<vmem_shared>> -> memref<128x128xf32, #tpu.memory_space<vmem_shared>>
      %dma_wait3A_49 = arith.constant 0 : i32
      %dma_wait3A_50 = tpu.memref_slice %arg10[%add3A_15, %dma_wait3A_49] : memref<10240x128xf32, #tpu.memory_space<vmem_shared>> -> memref<128x128xf32, #tpu.memory_space<vmem_shared>>
      tpu.wait_dma2 semaphore(%run_scoped3A : memref<!tpu.dma_semaphore, #tpu.memory_space<semaphore_mem>>) src(%arg8 : memref<128x128xf32, #tpu.memory_space<vmem>>) dst(%dma_wait3A_50 : memref<128x128xf32, #tpu.memory_space<vmem_shared>>)
      tpu.yield
    }) : () -> ()
    %add3A_16 = arith.constant 384 : i32
    %add3A_17 = arith.addi %mul3A_2, %add3A_16 : i32
    "tpu.region"() ({
      %run_scoped3A = tpu.sem_alloc : memref<!tpu.dma_semaphore, #tpu.memory_space<semaphore_mem>>
      %dma_start3A = arith.constant 0 : i32
      %dma_start3A_45 = tpu.memref_slice %arg10[%add3A_17, %dma_start3A] : memref<10240x128xf32, #tpu.memory_space<vmem_shared>> -> memref<128x128xf32, #tpu.memory_space<vmem_shared>>
      %dma_start3A_46 = arith.constant 0 : i32
      %dma_start3A_47 = tpu.memref_slice %arg10[%add3A_17, %dma_start3A_46] : memref<10240x128xf32, #tpu.memory_space<vmem_shared>> -> memref<128x128xf32, #tpu.memory_space<vmem_shared>>
      tpu.enqueue_dma source(%arg8 : memref<128x128xf32, #tpu.memory_space<vmem>>) target(%dma_start3A_47 : memref<128x128xf32, #tpu.memory_space<vmem_shared>>) target_semaphore(%run_scoped3A : memref<!tpu.dma_semaphore, #tpu.memory_space<semaphore_mem>>)
      %dma_wait3A = arith.constant 0 : i32
      %dma_wait3A_48 = tpu.memref_slice %arg10[%add3A_17, %dma_wait3A] : memref<10240x128xf32, #tpu.memory_space<vmem_shared>> -> memref<128x128xf32, #tpu.memory_space<vmem_shared>>
      %dma_wait3A_49 = arith.constant 0 : i32
      %dma_wait3A_50 = tpu.memref_slice %arg10[%add3A_17, %dma_wait3A_49] : memref<10240x128xf32, #tpu.memory_space<vmem_shared>> -> memref<128x128xf32, #tpu.memory_space<vmem_shared>>
      tpu.wait_dma2 semaphore(%run_scoped3A : memref<!tpu.dma_semaphore, #tpu.memory_space<semaphore_mem>>) src(%arg8 : memref<128x128xf32, #tpu.memory_space<vmem>>) dst(%dma_wait3A_50 : memref<128x128xf32, #tpu.memory_space<vmem_shared>>)
      tpu.yield
    }) : () -> ()
    %add3A_18 = arith.constant 512 : i32
    %add3A_19 = arith.addi %mul3A_2, %add3A_18 : i32
    "tpu.region"() ({
      %run_scoped3A = tpu.sem_alloc : memref<!tpu.dma_semaphore, #tpu.memory_space<semaphore_mem>>
      %dma_start3A = arith.constant 0 : i32
      %dma_start3A_45 = tpu.memref_slice %arg10[%add3A_19, %dma_start3A] : memref<10240x128xf32, #tpu.memory_space<vmem_shared>> -> memref<128x128xf32, #tpu.memory_space<vmem_shared>>
      %dma_start3A_46 = arith.constant 0 : i32
      %dma_start3A_47 = tpu.memref_slice %arg10[%add3A_19, %dma_start3A_46] : memref<10240x128xf32, #tpu.memory_space<vmem_shared>> -> memref<128x128xf32, #tpu.memory_space<vmem_shared>>
      tpu.enqueue_dma source(%arg8 : memref<128x128xf32, #tpu.memory_space<vmem>>) target(%dma_start3A_47 : memref<128x128xf32, #tpu.memory_space<vmem_shared>>) target_semaphore(%run_scoped3A : memref<!tpu.dma_semaphore, #tpu.memory_space<semaphore_mem>>)
      %dma_wait3A = arith.constant 0 : i32
      %dma_wait3A_48 = tpu.memref_slice %arg10[%add3A_19, %dma_wait3A] : memref<10240x128xf32, #tpu.memory_space<vmem_shared>> -> memref<128x128xf32, #tpu.memory_space<vmem_shared>>
      %dma_wait3A_49 = arith.constant 0 : i32
      %dma_wait3A_50 = tpu.memref_slice %arg10[%add3A_19, %dma_wait3A_49] : memref<10240x128xf32, #tpu.memory_space<vmem_shared>> -> memref<128x128xf32, #tpu.memory_space<vmem_shared>>
      tpu.wait_dma2 semaphore(%run_scoped3A : memref<!tpu.dma_semaphore, #tpu.memory_space<semaphore_mem>>) src(%arg8 : memref<128x128xf32, #tpu.memory_space<vmem>>) dst(%dma_wait3A_50 : memref<128x128xf32, #tpu.memory_space<vmem_shared>>)
      tpu.yield
    }) : () -> ()
    %barrier3A = arith.constant 0 : index
    tpu.barrier barrier_id(%barrier3A)
    %eq3A = arith.constant 0 : i32
    %eq3A_20 = arith.cmpi eq, %arg0, %eq3A : i32
    %jit3A = arith.constant 19 : i32
    %jit3A_21 = arith.constant 1 : i32
    %select_n3A = arith.select %eq3A_20, %jit3A, %jit3A_21 : i32
    %eq3A_22 = arith.constant 0 : i32
    %eq3A_23 = arith.cmpi eq, %arg0, %eq3A_22 : i32
    %mul3A_24 = arith.constant 152 : i32
    %mul3A_25 = arith.muli %arg1, %mul3A_24 : i32
    %mul3A_26 = arith.constant 8 : i32
    %mul3A_27 = arith.muli %arg1, %mul3A_26 : i32
    %add3A_28 = arith.constant 2432 : i32
    %add3A_29 = arith.addi %add3A_28, %mul3A_27 : i32
    %select_n3A_30 = arith.select %eq3A_23, %mul3A_25, %add3A_29 : i32
    %gt3A = arith.constant 0 : i32
    %gt3A_31 = arith.cmpi sgt, %select_n3A, %gt3A : i32
    %convert_element_type3A = arith.extui %gt3A_31 : i1 to i32
    %cond3A = arith.constant 0 : i32
    %cond3A_32 = arith.cmpi ne, %convert_element_type3A, %cond3A : i32
    scf.if %cond3A_32 {
      %add3A_45 = arith.constant 0 : i32
      %add3A_46 = arith.addi %select_n3A_30, %add3A_45 : i32
      %run_scoped3A = arith.constant 0 : i32
      "tpu.region"() ({
        %run_scoped3A_55 = tpu.sem_alloc : memref<!tpu.dma_semaphore, #tpu.memory_space<semaphore_mem>>
        %dma_start3A_56 = arith.constant 0 : i32
        %dma_start3A_57 = arith.constant 0 : i32
        %dma_start3A_58 = tpu.memref_slice %arg6[%run_scoped3A, %dma_start3A_56, %dma_start3A_57] : memref<2x8x128xi32, #tpu.memory_space<vmem>> -> memref<1x8x128xi32, #tpu.memory_space<vmem>>
        %dma_start3A_59 = tpu.memref_squeeze %dma_start3A_58 : memref<1x8x128xi32, #tpu.memory_space<vmem>> -> memref<8x128xi32, #tpu.memory_space<vmem>>
        %dma_start3A_60 = arith.constant 0 : i32
        %dma_start3A_61 = tpu.memref_slice %arg3[%add3A_46, %dma_start3A_60] : memref<2560x128xi32, #tpu.memory_space<hbm>> -> memref<8x128xi32, #tpu.memory_space<hbm>>
        %dma_start3A_62 = arith.constant 0 : i32
        %dma_start3A_63 = arith.constant 0 : i32
        %dma_start3A_64 = tpu.memref_slice %arg6[%run_scoped3A, %dma_start3A_62, %dma_start3A_63] : memref<2x8x128xi32, #tpu.memory_space<vmem>> -> memref<1x8x128xi32, #tpu.memory_space<vmem>>
        %dma_start3A_65 = tpu.memref_squeeze %dma_start3A_64 : memref<1x8x128xi32, #tpu.memory_space<vmem>> -> memref<8x128xi32, #tpu.memory_space<vmem>>
        %dma_start3A_66 = arith.constant 0 : i32
        %dma_start3A_67 = tpu.memref_slice %arg3[%add3A_46, %dma_start3A_66] : memref<2560x128xi32, #tpu.memory_space<hbm>> -> memref<8x128xi32, #tpu.memory_space<hbm>>
        tpu.enqueue_dma source(%dma_start3A_67 : memref<8x128xi32, #tpu.memory_space<hbm>>) target(%dma_start3A_65 : memref<8x128xi32, #tpu.memory_space<vmem>>) target_semaphore(%run_scoped3A_55 : memref<!tpu.dma_semaphore, #tpu.memory_space<semaphore_mem>>)
        %dma_wait3A = arith.constant 0 : i32
        %dma_wait3A_68 = arith.constant 0 : i32
        %dma_wait3A_69 = tpu.memref_slice %arg6[%run_scoped3A, %dma_wait3A, %dma_wait3A_68] : memref<2x8x128xi32, #tpu.memory_space<vmem>> -> memref<1x8x128xi32, #tpu.memory_space<vmem>>
        %dma_wait3A_70 = tpu.memref_squeeze %dma_wait3A_69 : memref<1x8x128xi32, #tpu.memory_space<vmem>> -> memref<8x128xi32, #tpu.memory_space<vmem>>
        %dma_wait3A_71 = arith.constant 0 : i32
        %dma_wait3A_72 = tpu.memref_slice %arg3[%add3A_46, %dma_wait3A_71] : memref<2560x128xi32, #tpu.memory_space<hbm>> -> memref<8x128xi32, #tpu.memory_space<hbm>>
        %dma_wait3A_73 = arith.constant 0 : i32
        %dma_wait3A_74 = arith.constant 0 : i32
        %dma_wait3A_75 = tpu.memref_slice %arg6[%run_scoped3A, %dma_wait3A_73, %dma_wait3A_74] : memref<2x8x128xi32, #tpu.memory_space<vmem>> -> memref<1x8x128xi32, #tpu.memory_space<vmem>>
        %dma_wait3A_76 = tpu.memref_squeeze %dma_wait3A_75 : memref<1x8x128xi32, #tpu.memory_space<vmem>> -> memref<8x128xi32, #tpu.memory_space<vmem>>
        %dma_wait3A_77 = arith.constant 0 : i32
        %dma_wait3A_78 = tpu.memref_slice %arg3[%add3A_46, %dma_wait3A_77] : memref<2560x128xi32, #tpu.memory_space<hbm>> -> memref<8x128xi32, #tpu.memory_space<hbm>>
        tpu.wait_dma2 semaphore(%run_scoped3A_55 : memref<!tpu.dma_semaphore, #tpu.memory_space<semaphore_mem>>) src(%dma_wait3A_78 : memref<8x128xi32, #tpu.memory_space<hbm>>) dst(%dma_wait3A_76 : memref<8x128xi32, #tpu.memory_space<vmem>>)
        tpu.yield
      }) : () -> ()
      %run_scoped3A_47 = arith.constant 0 : i32
      "tpu.region"() ({
        %run_scoped3A_55 = tpu.sem_alloc : memref<!tpu.dma_semaphore, #tpu.memory_space<semaphore_mem>>
        %dma_start3A_56 = arith.constant 0 : i32
        %dma_start3A_57 = arith.constant 0 : i32
        %dma_start3A_58 = tpu.memref_slice %arg7[%run_scoped3A_47, %dma_start3A_56, %dma_start3A_57] : memref<2x8x128xi32, #tpu.memory_space<vmem>> -> memref<1x8x128xi32, #tpu.memory_space<vmem>>
        %dma_start3A_59 = tpu.memref_squeeze %dma_start3A_58 : memref<1x8x128xi32, #tpu.memory_space<vmem>> -> memref<8x128xi32, #tpu.memory_space<vmem>>
        %dma_start3A_60 = arith.constant 0 : i32
        %dma_start3A_61 = tpu.memref_slice %arg4[%add3A_46, %dma_start3A_60] : memref<2560x128xi32, #tpu.memory_space<hbm>> -> memref<8x128xi32, #tpu.memory_space<hbm>>
        %dma_start3A_62 = arith.constant 0 : i32
        %dma_start3A_63 = arith.constant 0 : i32
        %dma_start3A_64 = tpu.memref_slice %arg7[%run_scoped3A_47, %dma_start3A_62, %dma_start3A_63] : memref<2x8x128xi32, #tpu.memory_space<vmem>> -> memref<1x8x128xi32, #tpu.memory_space<vmem>>
        %dma_start3A_65 = tpu.memref_squeeze %dma_start3A_64 : memref<1x8x128xi32, #tpu.memory_space<vmem>> -> memref<8x128xi32, #tpu.memory_space<vmem>>
        %dma_start3A_66 = arith.constant 0 : i32
        %dma_start3A_67 = tpu.memref_slice %arg4[%add3A_46, %dma_start3A_66] : memref<2560x128xi32, #tpu.memory_space<hbm>> -> memref<8x128xi32, #tpu.memory_space<hbm>>
        tpu.enqueue_dma source(%dma_start3A_67 : memref<8x128xi32, #tpu.memory_space<hbm>>) target(%dma_start3A_65 : memref<8x128xi32, #tpu.memory_space<vmem>>) target_semaphore(%run_scoped3A_55 : memref<!tpu.dma_semaphore, #tpu.memory_space<semaphore_mem>>)
        %dma_wait3A = arith.constant 0 : i32
        %dma_wait3A_68 = arith.constant 0 : i32
        %dma_wait3A_69 = tpu.memref_slice %arg7[%run_scoped3A_47, %dma_wait3A, %dma_wait3A_68] : memref<2x8x128xi32, #tpu.memory_space<vmem>> -> memref<1x8x128xi32, #tpu.memory_space<vmem>>
        %dma_wait3A_70 = tpu.memref_squeeze %dma_wait3A_69 : memref<1x8x128xi32, #tpu.memory_space<vmem>> -> memref<8x128xi32, #tpu.memory_space<vmem>>
        %dma_wait3A_71 = arith.constant 0 : i32
        %dma_wait3A_72 = tpu.memref_slice %arg4[%add3A_46, %dma_wait3A_71] : memref<2560x128xi32, #tpu.memory_space<hbm>> -> memref<8x128xi32, #tpu.memory_space<hbm>>
        %dma_wait3A_73 = arith.constant 0 : i32
        %dma_wait3A_74 = arith.constant 0 : i32
        %dma_wait3A_75 = tpu.memref_slice %arg7[%run_scoped3A_47, %dma_wait3A_73, %dma_wait3A_74] : memref<2x8x128xi32, #tpu.memory_space<vmem>> -> memref<1x8x128xi32, #tpu.memory_space<vmem>>
        %dma_wait3A_76 = tpu.memref_squeeze %dma_wait3A_75 : memref<1x8x128xi32, #tpu.memory_space<vmem>> -> memref<8x128xi32, #tpu.memory_space<vmem>>
        %dma_wait3A_77 = arith.constant 0 : i32
        %dma_wait3A_78 = tpu.memref_slice %arg4[%add3A_46, %dma_wait3A_77] : memref<2560x128xi32, #tpu.memory_space<hbm>> -> memref<8x128xi32, #tpu.memory_space<hbm>>
        tpu.wait_dma2 semaphore(%run_scoped3A_55 : memref<!tpu.dma_semaphore, #tpu.memory_space<semaphore_mem>>) src(%dma_wait3A_78 : memref<8x128xi32, #tpu.memory_space<hbm>>) dst(%dma_wait3A_76 : memref<8x128xi32, #tpu.memory_space<vmem>>)
        tpu.yield
      }) : () -> ()
      %dma_start3A = arith.constant 0 : i32
      %dma_start3A_48 = arith.constant 0 : i32
      %dma_start3A_49 = arith.constant 0 : i32
      %dma_start3A_50 = tpu.memref_slice %arg6[%dma_start3A, %dma_start3A_48, %dma_start3A_49] : memref<2x8x128xi32, #tpu.memory_space<vmem>> -> memref<1x1x128xi32, #tpu.memory_space<vmem>>
      %dma_start3A_51 = tpu.memref_squeeze %dma_start3A_50 : memref<1x1x128xi32, #tpu.memory_space<vmem>> -> memref<128xi32, #tpu.memory_space<vmem>>
      %dma_start3A_52 = arith.constant 0 : i32
      %dma_start3A_53 = arith.constant 0 : i32
      %dma_start3A_54 = tpu.memref_slice %arg2[%dma_start3A_52, %dma_start3A_53] : memref<10000x128xf32, #tpu.memory_space<hbm>> -> memref<10000x128xf32, #tpu.memory_space<hbm>>
      tpu.enqueue_indirect_dma source(%dma_start3A_54 : memref<10000x128xf32, #tpu.memory_space<hbm>>) target(%arg8 : memref<128x128xf32, #tpu.memory_space<vmem>>) offsets(%dma_start3A_51 : memref<128xi32, #tpu.memory_space<vmem>>) semaphore(%arg11 : memref<!tpu.dma_semaphore, #tpu.memory_space<semaphore_mem>>)
    } else {
    }
    %while3A = arith.constant 0 : i32
    %while3A_33 = arith.constant 0 : i32
    %while3A_34 = arith.subi %select_n3A, %while3A : i32
    %while3A_35 = arith.addi %while3A, %while3A_34 : i32
    %while3A_36 = arith.constant 1 : i32
    %while3A_37 = arith.divsi %while3A_34, %while3A_36 : i32
    %while3A_38 = arith.muli %while3A_37, %while3A_36 : i32
    %while3A_39 = arith.addi %while3A, %while3A_38 : i32
    %while3A_40 = arith.constant 1 : i32
    %while3A_41 = scf.for %while3A_45 = %while3A to %while3A_39 step %while3A_40 iter_args(%while3A_46 = %while3A_33) -> (i32)  : i32 {
      %add3A_47 = arith.constant 1 : i32
      %add3A_48 = arith.addi %while3A_45, %add3A_47 : i32
      %lt3A = arith.cmpi slt, %add3A_48, %select_n3A : i32
      %convert_element_type3A_49 = arith.extui %lt3A : i1 to i32
      %cond3A_50 = arith.constant 0 : i32
      %cond3A_51 = arith.cmpi ne, %convert_element_type3A_49, %cond3A_50 : i32
      scf.if %cond3A_51 {
        %add3A_534 = arith.constant 1 : i32
        %add3A_535 = arith.addi %while3A_45, %add3A_534 : i32
        %mul3A_536 = arith.constant 8 : i32
        %mul3A_537 = arith.muli %add3A_535, %mul3A_536 : i32
        %add3A_538 = arith.addi %select_n3A_30, %mul3A_537 : i32
        %jit3A_539 = arith.constant 2 : i32
        %eq3A_540 = arith.constant 0 : i32
        %eq3A_541 = arith.cmpi eq, %jit3A_539, %eq3A_540 : i32
        %jit3A_542 = arith.constant 1 : i32
        %select_n3A_543 = arith.select %eq3A_541, %jit3A_542, %jit3A_539 : i32
        %rem3A_544 = arith.remsi %add3A_535, %select_n3A_543 : i32
        %ne3A_545 = arith.constant 0 : i32
        %ne3A_546 = arith.cmpi ne, %rem3A_544, %ne3A_545 : i32
        %lt3A_547 = arith.constant 0 : i32
        %lt3A_548 = arith.cmpi slt, %rem3A_544, %lt3A_547 : i32
        %lt3A_549 = arith.constant 0 : i32
        %lt3A_550 = arith.cmpi slt, %select_n3A_543, %lt3A_549 : i32
        %ne3A_551 = arith.xori %lt3A_548, %lt3A_550 : i1
        %and3A_552 = arith.andi %ne3A_551, %ne3A_546 : i1
        %add3A_553 = arith.addi %rem3A_544, %select_n3A_543 : i32
        %select_n3A_554 = arith.select %and3A_552, %add3A_553, %rem3A_544 : i32
        "tpu.region"() ({
          %run_scoped3A_571 = tpu.sem_alloc : memref<!tpu.dma_semaphore, #tpu.memory_space<semaphore_mem>>
          %dma_start3A_572 = arith.constant 0 : i32
          %dma_start3A_573 = arith.constant 0 : i32
          %dma_start3A_574 = tpu.memref_slice %arg6[%select_n3A_554, %dma_start3A_572, %dma_start3A_573] : memref<2x8x128xi32, #tpu.memory_space<vmem>> -> memref<1x8x128xi32, #tpu.memory_space<vmem>>
          %dma_start3A_575 = tpu.memref_squeeze %dma_start3A_574 : memref<1x8x128xi32, #tpu.memory_space<vmem>> -> memref<8x128xi32, #tpu.memory_space<vmem>>
          %dma_start3A_576 = arith.constant 0 : i32
          %dma_start3A_577 = tpu.memref_slice %arg3[%add3A_538, %dma_start3A_576] : memref<2560x128xi32, #tpu.memory_space<hbm>> -> memref<8x128xi32, #tpu.memory_space<hbm>>
          %dma_start3A_578 = arith.constant 0 : i32
          %dma_start3A_579 = arith.constant 0 : i32
          %dma_start3A_580 = tpu.memref_slice %arg6[%select_n3A_554, %dma_start3A_578, %dma_start3A_579] : memref<2x8x128xi32, #tpu.memory_space<vmem>> -> memref<1x8x128xi32, #tpu.memory_space<vmem>>
          %dma_start3A_581 = tpu.memref_squeeze %dma_start3A_580 : memref<1x8x128xi32, #tpu.memory_space<vmem>> -> memref<8x128xi32, #tpu.memory_space<vmem>>
          %dma_start3A_582 = arith.constant 0 : i32
          %dma_start3A_583 = tpu.memref_slice %arg3[%add3A_538, %dma_start3A_582] : memref<2560x128xi32, #tpu.memory_space<hbm>> -> memref<8x128xi32, #tpu.memory_space<hbm>>
          tpu.enqueue_dma source(%dma_start3A_583 : memref<8x128xi32, #tpu.memory_space<hbm>>) target(%dma_start3A_581 : memref<8x128xi32, #tpu.memory_space<vmem>>) target_semaphore(%run_scoped3A_571 : memref<!tpu.dma_semaphore, #tpu.memory_space<semaphore_mem>>)
          %dma_wait3A_584 = arith.constant 0 : i32
          %dma_wait3A_585 = arith.constant 0 : i32
          %dma_wait3A_586 = tpu.memref_slice %arg6[%select_n3A_554, %dma_wait3A_584, %dma_wait3A_585] : memref<2x8x128xi32, #tpu.memory_space<vmem>> -> memref<1x8x128xi32, #tpu.memory_space<vmem>>
          %dma_wait3A_587 = tpu.memref_squeeze %dma_wait3A_586 : memref<1x8x128xi32, #tpu.memory_space<vmem>> -> memref<8x128xi32, #tpu.memory_space<vmem>>
          %dma_wait3A_588 = arith.constant 0 : i32
          %dma_wait3A_589 = tpu.memref_slice %arg3[%add3A_538, %dma_wait3A_588] : memref<2560x128xi32, #tpu.memory_space<hbm>> -> memref<8x128xi32, #tpu.memory_space<hbm>>
          %dma_wait3A_590 = arith.constant 0 : i32
          %dma_wait3A_591 = arith.constant 0 : i32
          %dma_wait3A_592 = tpu.memref_slice %arg6[%select_n3A_554, %dma_wait3A_590, %dma_wait3A_591] : memref<2x8x128xi32, #tpu.memory_space<vmem>> -> memref<1x8x128xi32, #tpu.memory_space<vmem>>
          %dma_wait3A_593 = tpu.memref_squeeze %dma_wait3A_592 : memref<1x8x128xi32, #tpu.memory_space<vmem>> -> memref<8x128xi32, #tpu.memory_space<vmem>>
          %dma_wait3A_594 = arith.constant 0 : i32
          %dma_wait3A_595 = tpu.memref_slice %arg3[%add3A_538, %dma_wait3A_594] : memref<2560x128xi32, #tpu.memory_space<hbm>> -> memref<8x128xi32, #tpu.memory_space<hbm>>
          tpu.wait_dma2 semaphore(%run_scoped3A_571 : memref<!tpu.dma_semaphore, #tpu.memory_space<semaphore_mem>>) src(%dma_wait3A_595 : memref<8x128xi32, #tpu.memory_space<hbm>>) dst(%dma_wait3A_593 : memref<8x128xi32, #tpu.memory_space<vmem>>)
          tpu.yield
        }) : () -> ()
        %jit3A_555 = arith.constant 2 : i32
        %eq3A_556 = arith.constant 0 : i32
        %eq3A_557 = arith.cmpi eq, %jit3A_555, %eq3A_556 : i32
        %jit3A_558 = arith.constant 1 : i32
        %select_n3A_559 = arith.select %eq3A_557, %jit3A_558, %jit3A_555 : i32
        %rem3A_560 = arith.remsi %add3A_535, %select_n3A_559 : i32
        %ne3A_561 = arith.constant 0 : i32
        %ne3A_562 = arith.cmpi ne, %rem3A_560, %ne3A_561 : i32
        %lt3A_563 = arith.constant 0 : i32
        %lt3A_564 = arith.cmpi slt, %rem3A_560, %lt3A_563 : i32
        %lt3A_565 = arith.constant 0 : i32
        %lt3A_566 = arith.cmpi slt, %select_n3A_559, %lt3A_565 : i32
        %ne3A_567 = arith.xori %lt3A_564, %lt3A_566 : i1
        %and3A_568 = arith.andi %ne3A_567, %ne3A_562 : i1
        %add3A_569 = arith.addi %rem3A_560, %select_n3A_559 : i32
        %select_n3A_570 = arith.select %and3A_568, %add3A_569, %rem3A_560 : i32
        "tpu.region"() ({
          %run_scoped3A_571 = tpu.sem_alloc : memref<!tpu.dma_semaphore, #tpu.memory_space<semaphore_mem>>
          %dma_start3A_572 = arith.constant 0 : i32
          %dma_start3A_573 = arith.constant 0 : i32
          %dma_start3A_574 = tpu.memref_slice %arg7[%select_n3A_570, %dma_start3A_572, %dma_start3A_573] : memref<2x8x128xi32, #tpu.memory_space<vmem>> -> memref<1x8x128xi32, #tpu.memory_space<vmem>>
          %dma_start3A_575 = tpu.memref_squeeze %dma_start3A_574 : memref<1x8x128xi32, #tpu.memory_space<vmem>> -> memref<8x128xi32, #tpu.memory_space<vmem>>
          %dma_start3A_576 = arith.constant 0 : i32
          %dma_start3A_577 = tpu.memref_slice %arg4[%add3A_538, %dma_start3A_576] : memref<2560x128xi32, #tpu.memory_space<hbm>> -> memref<8x128xi32, #tpu.memory_space<hbm>>
          %dma_start3A_578 = arith.constant 0 : i32
          %dma_start3A_579 = arith.constant 0 : i32
          %dma_start3A_580 = tpu.memref_slice %arg7[%select_n3A_570, %dma_start3A_578, %dma_start3A_579] : memref<2x8x128xi32, #tpu.memory_space<vmem>> -> memref<1x8x128xi32, #tpu.memory_space<vmem>>
          %dma_start3A_581 = tpu.memref_squeeze %dma_start3A_580 : memref<1x8x128xi32, #tpu.memory_space<vmem>> -> memref<8x128xi32, #tpu.memory_space<vmem>>
          %dma_start3A_582 = arith.constant 0 : i32
          %dma_start3A_583 = tpu.memref_slice %arg4[%add3A_538, %dma_start3A_582] : memref<2560x128xi32, #tpu.memory_space<hbm>> -> memref<8x128xi32, #tpu.memory_space<hbm>>
          tpu.enqueue_dma source(%dma_start3A_583 : memref<8x128xi32, #tpu.memory_space<hbm>>) target(%dma_start3A_581 : memref<8x128xi32, #tpu.memory_space<vmem>>) target_semaphore(%run_scoped3A_571 : memref<!tpu.dma_semaphore, #tpu.memory_space<semaphore_mem>>)
          %dma_wait3A_584 = arith.constant 0 : i32
          %dma_wait3A_585 = arith.constant 0 : i32
          %dma_wait3A_586 = tpu.memref_slice %arg7[%select_n3A_570, %dma_wait3A_584, %dma_wait3A_585] : memref<2x8x128xi32, #tpu.memory_space<vmem>> -> memref<1x8x128xi32, #tpu.memory_space<vmem>>
          %dma_wait3A_587 = tpu.memref_squeeze %dma_wait3A_586 : memref<1x8x128xi32, #tpu.memory_space<vmem>> -> memref<8x128xi32, #tpu.memory_space<vmem>>
          %dma_wait3A_588 = arith.constant 0 : i32
          %dma_wait3A_589 = tpu.memref_slice %arg4[%add3A_538, %dma_wait3A_588] : memref<2560x128xi32, #tpu.memory_space<hbm>> -> memref<8x128xi32, #tpu.memory_space<hbm>>
          %dma_wait3A_590 = arith.constant 0 : i32
          %dma_wait3A_591 = arith.constant 0 : i32
          %dma_wait3A_592 = tpu.memref_slice %arg7[%select_n3A_570, %dma_wait3A_590, %dma_wait3A_591] : memref<2x8x128xi32, #tpu.memory_space<vmem>> -> memref<1x8x128xi32, #tpu.memory_space<vmem>>
          %dma_wait3A_593 = tpu.memref_squeeze %dma_wait3A_592 : memref<1x8x128xi32, #tpu.memory_space<vmem>> -> memref<8x128xi32, #tpu.memory_space<vmem>>
          %dma_wait3A_594 = arith.constant 0 : i32
          %dma_wait3A_595 = tpu.memref_slice %arg4[%add3A_538, %dma_wait3A_594] : memref<2560x128xi32, #tpu.memory_space<hbm>> -> memref<8x128xi32, #tpu.memory_space<hbm>>
          tpu.wait_dma2 semaphore(%run_scoped3A_571 : memref<!tpu.dma_semaphore, #tpu.memory_space<semaphore_mem>>) src(%dma_wait3A_595 : memref<8x128xi32, #tpu.memory_space<hbm>>) dst(%dma_wait3A_593 : memref<8x128xi32, #tpu.memory_space<vmem>>)
          tpu.yield
        }) : () -> ()
      } else {
      }
      %jit3A_52 = arith.constant 2 : i32
      %eq3A_53 = arith.constant 0 : i32
      %eq3A_54 = arith.cmpi eq, %jit3A_52, %eq3A_53 : i32
      %jit3A_55 = arith.constant 1 : i32
      %select_n3A_56 = arith.select %eq3A_54, %jit3A_55, %jit3A_52 : i32
      %rem3A = arith.remsi %while3A_45, %select_n3A_56 : i32
      %ne3A = arith.constant 0 : i32
      %ne3A_57 = arith.cmpi ne, %rem3A, %ne3A : i32
      %lt3A_58 = arith.constant 0 : i32
      %lt3A_59 = arith.cmpi slt, %rem3A, %lt3A_58 : i32
      %lt3A_60 = arith.constant 0 : i32
      %lt3A_61 = arith.cmpi slt, %select_n3A_56, %lt3A_60 : i32
      %ne3A_62 = arith.xori %lt3A_59, %lt3A_61 : i1
      %and3A = arith.andi %ne3A_62, %ne3A_57 : i1
      %add3A_63 = arith.addi %rem3A, %select_n3A_56 : i32
      %select_n3A_64 = arith.select %and3A, %add3A_63, %rem3A : i32
      %dma_start3A = arith.constant 1 : i32
      %dma_start3A_65 = arith.constant 0 : i32
      %dma_start3A_66 = tpu.memref_slice %arg6[%select_n3A_64, %dma_start3A, %dma_start3A_65] : memref<2x8x128xi32, #tpu.memory_space<vmem>> -> memref<1x1x128xi32, #tpu.memory_space<vmem>>
      %dma_start3A_67 = tpu.memref_squeeze %dma_start3A_66 : memref<1x1x128xi32, #tpu.memory_space<vmem>> -> memref<128xi32, #tpu.memory_space<vmem>>
      %dma_start3A_68 = arith.constant 0 : i32
      %dma_start3A_69 = arith.constant 0 : i32
      %dma_start3A_70 = tpu.memref_slice %arg2[%dma_start3A_68, %dma_start3A_69] : memref<10000x128xf32, #tpu.memory_space<hbm>> -> memref<10000x128xf32, #tpu.memory_space<hbm>>
      tpu.enqueue_indirect_dma source(%dma_start3A_70 : memref<10000x128xf32, #tpu.memory_space<hbm>>) target(%arg9 : memref<128x128xf32, #tpu.memory_space<vmem>>) offsets(%dma_start3A_67 : memref<128xi32, #tpu.memory_space<vmem>>) semaphore(%arg12 : memref<!tpu.dma_semaphore, #tpu.memory_space<semaphore_mem>>)
      %jit3A_71 = arith.constant 2 : i32
      %eq3A_72 = arith.constant 0 : i32
      %eq3A_73 = arith.cmpi eq, %jit3A_71, %eq3A_72 : i32
      %jit3A_74 = arith.constant 1 : i32
      %select_n3A_75 = arith.select %eq3A_73, %jit3A_74, %jit3A_71 : i32
      %rem3A_76 = arith.remsi %while3A_45, %select_n3A_75 : i32
      %ne3A_77 = arith.constant 0 : i32
      %ne3A_78 = arith.cmpi ne, %rem3A_76, %ne3A_77 : i32
      %lt3A_79 = arith.constant 0 : i32
      %lt3A_80 = arith.cmpi slt, %rem3A_76, %lt3A_79 : i32
      %lt3A_81 = arith.constant 0 : i32
      %lt3A_82 = arith.cmpi slt, %select_n3A_75, %lt3A_81 : i32
      %ne3A_83 = arith.xori %lt3A_80, %lt3A_82 : i1
      %and3A_84 = arith.andi %ne3A_83, %ne3A_78 : i1
      %add3A_85 = arith.addi %rem3A_76, %select_n3A_75 : i32
      %select_n3A_86 = arith.select %and3A_84, %add3A_85, %rem3A_76 : i32
      %dma_wait3A = arith.constant 0 : i32
      %dma_wait3A_87 = arith.constant 0 : i32
      %dma_wait3A_88 = tpu.memref_slice %arg6[%select_n3A_86, %dma_wait3A, %dma_wait3A_87] : memref<2x8x128xi32, #tpu.memory_space<vmem>> -> memref<1x1x128xi32, #tpu.memory_space<vmem>>
      %dma_wait3A_89 = tpu.memref_squeeze %dma_wait3A_88 : memref<1x1x128xi32, #tpu.memory_space<vmem>> -> memref<128xi32, #tpu.memory_space<vmem>>
      %dma_wait3A_90 = arith.constant 0 : i32
      %dma_wait3A_91 = arith.constant 0 : i32
      %dma_wait3A_92 = tpu.memref_slice %arg2[%dma_wait3A_90, %dma_wait3A_91] : memref<10000x128xf32, #tpu.memory_space<hbm>> -> memref<10000x128xf32, #tpu.memory_space<hbm>>
      tpu.wait_indirect_dma semaphore(%arg11 : memref<!tpu.dma_semaphore, #tpu.memory_space<semaphore_mem>>) src(%dma_wait3A_92 : memref<10000x128xf32, #tpu.memory_space<hbm>>) dst(%arg8 : memref<128x128xf32, #tpu.memory_space<vmem>>)
      %jit3A_93 = arith.constant 2 : i32
      %eq3A_94 = arith.constant 0 : i32
      %eq3A_95 = arith.cmpi eq, %jit3A_93, %eq3A_94 : i32
      %jit3A_96 = arith.constant 1 : i32
      %select_n3A_97 = arith.select %eq3A_95, %jit3A_96, %jit3A_93 : i32
      %rem3A_98 = arith.remsi %while3A_45, %select_n3A_97 : i32
      %ne3A_99 = arith.constant 0 : i32
      %ne3A_100 = arith.cmpi ne, %rem3A_98, %ne3A_99 : i32
      %lt3A_101 = arith.constant 0 : i32
      %lt3A_102 = arith.cmpi slt, %rem3A_98, %lt3A_101 : i32
      %lt3A_103 = arith.constant 0 : i32
      %lt3A_104 = arith.cmpi slt, %select_n3A_97, %lt3A_103 : i32
      %ne3A_105 = arith.xori %lt3A_102, %lt3A_104 : i1
      %and3A_106 = arith.andi %ne3A_105, %ne3A_100 : i1
      %add3A_107 = arith.addi %rem3A_98, %select_n3A_97 : i32
      %select_n3A_108 = arith.select %and3A_106, %add3A_107, %rem3A_98 : i32
      %run_scoped3A = arith.constant 0 : i32
      "tpu.region"() ({
        %run_scoped3A_534 = tpu.sem_alloc : memref<!tpu.dma_semaphore, #tpu.memory_space<semaphore_mem>>
        %dma_start3A_535 = arith.constant 0 : i32
        %dma_start3A_536 = tpu.memref_slice %arg7[%select_n3A_108, %run_scoped3A, %dma_start3A_535] : memref<2x8x128xi32, #tpu.memory_space<vmem>> -> memref<1x1x128xi32, #tpu.memory_space<vmem>>
        %dma_start3A_537 = tpu.memref_squeeze %dma_start3A_536 : memref<1x1x128xi32, #tpu.memory_space<vmem>> -> memref<128xi32, #tpu.memory_space<vmem>>
        %dma_start3A_538 = arith.constant 0 : i32
        %dma_start3A_539 = arith.constant 0 : i32
        %dma_start3A_540 = tpu.memref_slice %arg10[%dma_start3A_538, %dma_start3A_539] : memref<10240x128xf32, #tpu.memory_space<vmem_shared>> -> memref<10240x128xf32, #tpu.memory_space<vmem_shared>>
        tpu.enqueue_indirect_dma source(%arg8 : memref<128x128xf32, #tpu.memory_space<vmem>>) target(%dma_start3A_540 : memref<10240x128xf32, #tpu.memory_space<vmem_shared>>) offsets(%dma_start3A_537 : memref<128xi32, #tpu.memory_space<vmem>>) semaphore(%run_scoped3A_534 : memref<!tpu.dma_semaphore, #tpu.memory_space<semaphore_mem>>) {add = true}
        %dma_wait3A_541 = arith.constant 0 : i32
        %dma_wait3A_542 = tpu.memref_slice %arg7[%select_n3A_108, %run_scoped3A, %dma_wait3A_541] : memref<2x8x128xi32, #tpu.memory_space<vmem>> -> memref<1x1x128xi32, #tpu.memory_space<vmem>>
        %dma_wait3A_543 = tpu.memref_squeeze %dma_wait3A_542 : memref<1x1x128xi32, #tpu.memory_space<vmem>> -> memref<128xi32, #tpu.memory_space<vmem>>
        %dma_wait3A_544 = arith.constant 0 : i32
        %dma_wait3A_545 = arith.constant 0 : i32
        %dma_wait3A_546 = tpu.memref_slice %arg10[%dma_wait3A_544, %dma_wait3A_545] : memref<10240x128xf32, #tpu.memory_space<vmem_shared>> -> memref<10240x128xf32, #tpu.memory_space<vmem_shared>>
        tpu.wait_indirect_dma semaphore(%run_scoped3A_534 : memref<!tpu.dma_semaphore, #tpu.memory_space<semaphore_mem>>) src(%arg8 : memref<128x128xf32, #tpu.memory_space<vmem>>) dst(%dma_wait3A_546 : memref<10240x128xf32, #tpu.memory_space<vmem_shared>>)
        tpu.yield
      }) : () -> ()
      %jit3A_109 = arith.constant 2 : i32
      %eq3A_110 = arith.constant 0 : i32
      %eq3A_111 = arith.cmpi eq, %jit3A_109, %eq3A_110 : i32
      %jit3A_112 = arith.constant 1 : i32
      %select_n3A_113 = arith.select %eq3A_111, %jit3A_112, %jit3A_109 : i32
      %rem3A_114 = arith.remsi %while3A_45, %select_n3A_113 : i32
      %ne3A_115 = arith.constant 0 : i32
      %ne3A_116 = arith.cmpi ne, %rem3A_114, %ne3A_115 : i32
      %lt3A_117 = arith.constant 0 : i32
      %lt3A_118 = arith.cmpi slt, %rem3A_114, %lt3A_117 : i32
      %lt3A_119 = arith.constant 0 : i32
      %lt3A_120 = arith.cmpi slt, %select_n3A_113, %lt3A_119 : i32
      %ne3A_121 = arith.xori %lt3A_118, %lt3A_120 : i1
      %and3A_122 = arith.andi %ne3A_121, %ne3A_116 : i1
      %add3A_123 = arith.addi %rem3A_114, %select_n3A_113 : i32
      %select_n3A_124 = arith.select %and3A_122, %add3A_123, %rem3A_114 : i32
      %dma_start3A_125 = arith.constant 2 : i32
      %dma_start3A_126 = arith.constant 0 : i32
      %dma_start3A_127 = tpu.memref_slice %arg6[%select_n3A_124, %dma_start3A_125, %dma_start3A_126] : memref<2x8x128xi32, #tpu.memory_space<vmem>> -> memref<1x1x128xi32, #tpu.memory_space<vmem>>
      %dma_start3A_128 = tpu.memref_squeeze %dma_start3A_127 : memref<1x1x128xi32, #tpu.memory_space<vmem>> -> memref<128xi32, #tpu.memory_space<vmem>>
      %dma_start3A_129 = arith.constant 0 : i32
      %dma_start3A_130 = arith.constant 0 : i32
      %dma_start3A_131 = tpu.memref_slice %arg2[%dma_start3A_129, %dma_start3A_130] : memref<10000x128xf32, #tpu.memory_space<hbm>> -> memref<10000x128xf32, #tpu.memory_space<hbm>>
      tpu.enqueue_indirect_dma source(%dma_start3A_131 : memref<10000x128xf32, #tpu.memory_space<hbm>>) target(%arg8 : memref<128x128xf32, #tpu.memory_space<vmem>>) offsets(%dma_start3A_128 : memref<128xi32, #tpu.memory_space<vmem>>) semaphore(%arg11 : memref<!tpu.dma_semaphore, #tpu.memory_space<semaphore_mem>>)
      %jit3A_132 = arith.constant 2 : i32
      %eq3A_133 = arith.constant 0 : i32
      %eq3A_134 = arith.cmpi eq, %jit3A_132, %eq3A_133 : i32
      %jit3A_135 = arith.constant 1 : i32
      %select_n3A_136 = arith.select %eq3A_134, %jit3A_135, %jit3A_132 : i32
      %rem3A_137 = arith.remsi %while3A_45, %select_n3A_136 : i32
      %ne3A_138 = arith.constant 0 : i32
      %ne3A_139 = arith.cmpi ne, %rem3A_137, %ne3A_138 : i32
      %lt3A_140 = arith.constant 0 : i32
      %lt3A_141 = arith.cmpi slt, %rem3A_137, %lt3A_140 : i32
      %lt3A_142 = arith.constant 0 : i32
      %lt3A_143 = arith.cmpi slt, %select_n3A_136, %lt3A_142 : i32
      %ne3A_144 = arith.xori %lt3A_141, %lt3A_143 : i1
      %and3A_145 = arith.andi %ne3A_144, %ne3A_139 : i1
      %add3A_146 = arith.addi %rem3A_137, %select_n3A_136 : i32
      %select_n3A_147 = arith.select %and3A_145, %add3A_146, %rem3A_137 : i32
      %dma_wait3A_148 = arith.constant 1 : i32
      %dma_wait3A_149 = arith.constant 0 : i32
      %dma_wait3A_150 = tpu.memref_slice %arg6[%select_n3A_147, %dma_wait3A_148, %dma_wait3A_149] : memref<2x8x128xi32, #tpu.memory_space<vmem>> -> memref<1x1x128xi32, #tpu.memory_space<vmem>>
      %dma_wait3A_151 = tpu.memref_squeeze %dma_wait3A_150 : memref<1x1x128xi32, #tpu.memory_space<vmem>> -> memref<128xi32, #tpu.memory_space<vmem>>
      %dma_wait3A_152 = arith.constant 0 : i32
      %dma_wait3A_153 = arith.constant 0 : i32
      %dma_wait3A_154 = tpu.memref_slice %arg2[%dma_wait3A_152, %dma_wait3A_153] : memref<10000x128xf32, #tpu.memory_space<hbm>> -> memref<10000x128xf32, #tpu.memory_space<hbm>>
      tpu.wait_indirect_dma semaphore(%arg12 : memref<!tpu.dma_semaphore, #tpu.memory_space<semaphore_mem>>) src(%dma_wait3A_154 : memref<10000x128xf32, #tpu.memory_space<hbm>>) dst(%arg9 : memref<128x128xf32, #tpu.memory_space<vmem>>)
      %jit3A_155 = arith.constant 2 : i32
      %eq3A_156 = arith.constant 0 : i32
      %eq3A_157 = arith.cmpi eq, %jit3A_155, %eq3A_156 : i32
      %jit3A_158 = arith.constant 1 : i32
      %select_n3A_159 = arith.select %eq3A_157, %jit3A_158, %jit3A_155 : i32
      %rem3A_160 = arith.remsi %while3A_45, %select_n3A_159 : i32
      %ne3A_161 = arith.constant 0 : i32
      %ne3A_162 = arith.cmpi ne, %rem3A_160, %ne3A_161 : i32
      %lt3A_163 = arith.constant 0 : i32
      %lt3A_164 = arith.cmpi slt, %rem3A_160, %lt3A_163 : i32
      %lt3A_165 = arith.constant 0 : i32
      %lt3A_166 = arith.cmpi slt, %select_n3A_159, %lt3A_165 : i32
      %ne3A_167 = arith.xori %lt3A_164, %lt3A_166 : i1
      %and3A_168 = arith.andi %ne3A_167, %ne3A_162 : i1
      %add3A_169 = arith.addi %rem3A_160, %select_n3A_159 : i32
      %select_n3A_170 = arith.select %and3A_168, %add3A_169, %rem3A_160 : i32
      %run_scoped3A_171 = arith.constant 1 : i32
      "tpu.region"() ({
        %run_scoped3A_534 = tpu.sem_alloc : memref<!tpu.dma_semaphore, #tpu.memory_space<semaphore_mem>>
        %dma_start3A_535 = arith.constant 0 : i32
        %dma_start3A_536 = tpu.memref_slice %arg7[%select_n3A_170, %run_scoped3A_171, %dma_start3A_535] : memref<2x8x128xi32, #tpu.memory_space<vmem>> -> memref<1x1x128xi32, #tpu.memory_space<vmem>>
        %dma_start3A_537 = tpu.memref_squeeze %dma_start3A_536 : memref<1x1x128xi32, #tpu.memory_space<vmem>> -> memref<128xi32, #tpu.memory_space<vmem>>
        %dma_start3A_538 = arith.constant 0 : i32
        %dma_start3A_539 = arith.constant 0 : i32
        %dma_start3A_540 = tpu.memref_slice %arg10[%dma_start3A_538, %dma_start3A_539] : memref<10240x128xf32, #tpu.memory_space<vmem_shared>> -> memref<10240x128xf32, #tpu.memory_space<vmem_shared>>
        tpu.enqueue_indirect_dma source(%arg9 : memref<128x128xf32, #tpu.memory_space<vmem>>) target(%dma_start3A_540 : memref<10240x128xf32, #tpu.memory_space<vmem_shared>>) offsets(%dma_start3A_537 : memref<128xi32, #tpu.memory_space<vmem>>) semaphore(%run_scoped3A_534 : memref<!tpu.dma_semaphore, #tpu.memory_space<semaphore_mem>>) {add = true}
        %dma_wait3A_541 = arith.constant 0 : i32
        %dma_wait3A_542 = tpu.memref_slice %arg7[%select_n3A_170, %run_scoped3A_171, %dma_wait3A_541] : memref<2x8x128xi32, #tpu.memory_space<vmem>> -> memref<1x1x128xi32, #tpu.memory_space<vmem>>
        %dma_wait3A_543 = tpu.memref_squeeze %dma_wait3A_542 : memref<1x1x128xi32, #tpu.memory_space<vmem>> -> memref<128xi32, #tpu.memory_space<vmem>>
        %dma_wait3A_544 = arith.constant 0 : i32
        %dma_wait3A_545 = arith.constant 0 : i32
        %dma_wait3A_546 = tpu.memref_slice %arg10[%dma_wait3A_544, %dma_wait3A_545] : memref<10240x128xf32, #tpu.memory_space<vmem_shared>> -> memref<10240x128xf32, #tpu.memory_space<vmem_shared>>
        tpu.wait_indirect_dma semaphore(%run_scoped3A_534 : memref<!tpu.dma_semaphore, #tpu.memory_space<semaphore_mem>>) src(%arg9 : memref<128x128xf32, #tpu.memory_space<vmem>>) dst(%dma_wait3A_546 : memref<10240x128xf32, #tpu.memory_space<vmem_shared>>)
        tpu.yield
      }) : () -> ()
      %jit3A_172 = arith.constant 2 : i32
      %eq3A_173 = arith.constant 0 : i32
      %eq3A_174 = arith.cmpi eq, %jit3A_172, %eq3A_173 : i32
      %jit3A_175 = arith.constant 1 : i32
      %select_n3A_176 = arith.select %eq3A_174, %jit3A_175, %jit3A_172 : i32
      %rem3A_177 = arith.remsi %while3A_45, %select_n3A_176 : i32
      %ne3A_178 = arith.constant 0 : i32
      %ne3A_179 = arith.cmpi ne, %rem3A_177, %ne3A_178 : i32
      %lt3A_180 = arith.constant 0 : i32
      %lt3A_181 = arith.cmpi slt, %rem3A_177, %lt3A_180 : i32
      %lt3A_182 = arith.constant 0 : i32
      %lt3A_183 = arith.cmpi slt, %select_n3A_176, %lt3A_182 : i32
      %ne3A_184 = arith.xori %lt3A_181, %lt3A_183 : i1
      %and3A_185 = arith.andi %ne3A_184, %ne3A_179 : i1
      %add3A_186 = arith.addi %rem3A_177, %select_n3A_176 : i32
      %select_n3A_187 = arith.select %and3A_185, %add3A_186, %rem3A_177 : i32
      %dma_start3A_188 = arith.constant 3 : i32
      %dma_start3A_189 = arith.constant 0 : i32
      %dma_start3A_190 = tpu.memref_slice %arg6[%select_n3A_187, %dma_start3A_188, %dma_start3A_189] : memref<2x8x128xi32, #tpu.memory_space<vmem>> -> memref<1x1x128xi32, #tpu.memory_space<vmem>>
      %dma_start3A_191 = tpu.memref_squeeze %dma_start3A_190 : memref<1x1x128xi32, #tpu.memory_space<vmem>> -> memref<128xi32, #tpu.memory_space<vmem>>
      %dma_start3A_192 = arith.constant 0 : i32
      %dma_start3A_193 = arith.constant 0 : i32
      %dma_start3A_194 = tpu.memref_slice %arg2[%dma_start3A_192, %dma_start3A_193] : memref<10000x128xf32, #tpu.memory_space<hbm>> -> memref<10000x128xf32, #tpu.memory_space<hbm>>
      tpu.enqueue_indirect_dma source(%dma_start3A_194 : memref<10000x128xf32, #tpu.memory_space<hbm>>) target(%arg9 : memref<128x128xf32, #tpu.memory_space<vmem>>) offsets(%dma_start3A_191 : memref<128xi32, #tpu.memory_space<vmem>>) semaphore(%arg12 : memref<!tpu.dma_semaphore, #tpu.memory_space<semaphore_mem>>)
      %jit3A_195 = arith.constant 2 : i32
      %eq3A_196 = arith.constant 0 : i32
      %eq3A_197 = arith.cmpi eq, %jit3A_195, %eq3A_196 : i32
      %jit3A_198 = arith.constant 1 : i32
      %select_n3A_199 = arith.select %eq3A_197, %jit3A_198, %jit3A_195 : i32
      %rem3A_200 = arith.remsi %while3A_45, %select_n3A_199 : i32
      %ne3A_201 = arith.constant 0 : i32
      %ne3A_202 = arith.cmpi ne, %rem3A_200, %ne3A_201 : i32
      %lt3A_203 = arith.constant 0 : i32
      %lt3A_204 = arith.cmpi slt, %rem3A_200, %lt3A_203 : i32
      %lt3A_205 = arith.constant 0 : i32
      %lt3A_206 = arith.cmpi slt, %select_n3A_199, %lt3A_205 : i32
      %ne3A_207 = arith.xori %lt3A_204, %lt3A_206 : i1
      %and3A_208 = arith.andi %ne3A_207, %ne3A_202 : i1
      %add3A_209 = arith.addi %rem3A_200, %select_n3A_199 : i32
      %select_n3A_210 = arith.select %and3A_208, %add3A_209, %rem3A_200 : i32
      %dma_wait3A_211 = arith.constant 2 : i32
      %dma_wait3A_212 = arith.constant 0 : i32
      %dma_wait3A_213 = tpu.memref_slice %arg6[%select_n3A_210, %dma_wait3A_211, %dma_wait3A_212] : memref<2x8x128xi32, #tpu.memory_space<vmem>> -> memref<1x1x128xi32, #tpu.memory_space<vmem>>
      %dma_wait3A_214 = tpu.memref_squeeze %dma_wait3A_213 : memref<1x1x128xi32, #tpu.memory_space<vmem>> -> memref<128xi32, #tpu.memory_space<vmem>>
      %dma_wait3A_215 = arith.constant 0 : i32
      %dma_wait3A_216 = arith.constant 0 : i32
      %dma_wait3A_217 = tpu.memref_slice %arg2[%dma_wait3A_215, %dma_wait3A_216] : memref<10000x128xf32, #tpu.memory_space<hbm>> -> memref<10000x128xf32, #tpu.memory_space<hbm>>
      tpu.wait_indirect_dma semaphore(%arg11 : memref<!tpu.dma_semaphore, #tpu.memory_space<semaphore_mem>>) src(%dma_wait3A_217 : memref<10000x128xf32, #tpu.memory_space<hbm>>) dst(%arg8 : memref<128x128xf32, #tpu.memory_space<vmem>>)
      %jit3A_218 = arith.constant 2 : i32
      %eq3A_219 = arith.constant 0 : i32
      %eq3A_220 = arith.cmpi eq, %jit3A_218, %eq3A_219 : i32
      %jit3A_221 = arith.constant 1 : i32
      %select_n3A_222 = arith.select %eq3A_220, %jit3A_221, %jit3A_218 : i32
      %rem3A_223 = arith.remsi %while3A_45, %select_n3A_222 : i32
      %ne3A_224 = arith.constant 0 : i32
      %ne3A_225 = arith.cmpi ne, %rem3A_223, %ne3A_224 : i32
      %lt3A_226 = arith.constant 0 : i32
      %lt3A_227 = arith.cmpi slt, %rem3A_223, %lt3A_226 : i32
      %lt3A_228 = arith.constant 0 : i32
      %lt3A_229 = arith.cmpi slt, %select_n3A_222, %lt3A_228 : i32
      %ne3A_230 = arith.xori %lt3A_227, %lt3A_229 : i1
      %and3A_231 = arith.andi %ne3A_230, %ne3A_225 : i1
      %add3A_232 = arith.addi %rem3A_223, %select_n3A_222 : i32
      %select_n3A_233 = arith.select %and3A_231, %add3A_232, %rem3A_223 : i32
      %run_scoped3A_234 = arith.constant 2 : i32
      "tpu.region"() ({
        %run_scoped3A_534 = tpu.sem_alloc : memref<!tpu.dma_semaphore, #tpu.memory_space<semaphore_mem>>
        %dma_start3A_535 = arith.constant 0 : i32
        %dma_start3A_536 = tpu.memref_slice %arg7[%select_n3A_233, %run_scoped3A_234, %dma_start3A_535] : memref<2x8x128xi32, #tpu.memory_space<vmem>> -> memref<1x1x128xi32, #tpu.memory_space<vmem>>
        %dma_start3A_537 = tpu.memref_squeeze %dma_start3A_536 : memref<1x1x128xi32, #tpu.memory_space<vmem>> -> memref<128xi32, #tpu.memory_space<vmem>>
        %dma_start3A_538 = arith.constant 0 : i32
        %dma_start3A_539 = arith.constant 0 : i32
        %dma_start3A_540 = tpu.memref_slice %arg10[%dma_start3A_538, %dma_start3A_539] : memref<10240x128xf32, #tpu.memory_space<vmem_shared>> -> memref<10240x128xf32, #tpu.memory_space<vmem_shared>>
        tpu.enqueue_indirect_dma source(%arg8 : memref<128x128xf32, #tpu.memory_space<vmem>>) target(%dma_start3A_540 : memref<10240x128xf32, #tpu.memory_space<vmem_shared>>) offsets(%dma_start3A_537 : memref<128xi32, #tpu.memory_space<vmem>>) semaphore(%run_scoped3A_534 : memref<!tpu.dma_semaphore, #tpu.memory_space<semaphore_mem>>) {add = true}
        %dma_wait3A_541 = arith.constant 0 : i32
        %dma_wait3A_542 = tpu.memref_slice %arg7[%select_n3A_233, %run_scoped3A_234, %dma_wait3A_541] : memref<2x8x128xi32, #tpu.memory_space<vmem>> -> memref<1x1x128xi32, #tpu.memory_space<vmem>>
        %dma_wait3A_543 = tpu.memref_squeeze %dma_wait3A_542 : memref<1x1x128xi32, #tpu.memory_space<vmem>> -> memref<128xi32, #tpu.memory_space<vmem>>
        %dma_wait3A_544 = arith.constant 0 : i32
        %dma_wait3A_545 = arith.constant 0 : i32
        %dma_wait3A_546 = tpu.memref_slice %arg10[%dma_wait3A_544, %dma_wait3A_545] : memref<10240x128xf32, #tpu.memory_space<vmem_shared>> -> memref<10240x128xf32, #tpu.memory_space<vmem_shared>>
        tpu.wait_indirect_dma semaphore(%run_scoped3A_534 : memref<!tpu.dma_semaphore, #tpu.memory_space<semaphore_mem>>) src(%arg8 : memref<128x128xf32, #tpu.memory_space<vmem>>) dst(%dma_wait3A_546 : memref<10240x128xf32, #tpu.memory_space<vmem_shared>>)
        tpu.yield
      }) : () -> ()
      %jit3A_235 = arith.constant 2 : i32
      %eq3A_236 = arith.constant 0 : i32
      %eq3A_237 = arith.cmpi eq, %jit3A_235, %eq3A_236 : i32
      %jit3A_238 = arith.constant 1 : i32
      %select_n3A_239 = arith.select %eq3A_237, %jit3A_238, %jit3A_235 : i32
      %rem3A_240 = arith.remsi %while3A_45, %select_n3A_239 : i32
      %ne3A_241 = arith.constant 0 : i32
      %ne3A_242 = arith.cmpi ne, %rem3A_240, %ne3A_241 : i32
      %lt3A_243 = arith.constant 0 : i32
      %lt3A_244 = arith.cmpi slt, %rem3A_240, %lt3A_243 : i32
      %lt3A_245 = arith.constant 0 : i32
      %lt3A_246 = arith.cmpi slt, %select_n3A_239, %lt3A_245 : i32
      %ne3A_247 = arith.xori %lt3A_244, %lt3A_246 : i1
      %and3A_248 = arith.andi %ne3A_247, %ne3A_242 : i1
      %add3A_249 = arith.addi %rem3A_240, %select_n3A_239 : i32
      %select_n3A_250 = arith.select %and3A_248, %add3A_249, %rem3A_240 : i32
      %dma_start3A_251 = arith.constant 4 : i32
      %dma_start3A_252 = arith.constant 0 : i32
      %dma_start3A_253 = tpu.memref_slice %arg6[%select_n3A_250, %dma_start3A_251, %dma_start3A_252] : memref<2x8x128xi32, #tpu.memory_space<vmem>> -> memref<1x1x128xi32, #tpu.memory_space<vmem>>
      %dma_start3A_254 = tpu.memref_squeeze %dma_start3A_253 : memref<1x1x128xi32, #tpu.memory_space<vmem>> -> memref<128xi32, #tpu.memory_space<vmem>>
      %dma_start3A_255 = arith.constant 0 : i32
      %dma_start3A_256 = arith.constant 0 : i32
      %dma_start3A_257 = tpu.memref_slice %arg2[%dma_start3A_255, %dma_start3A_256] : memref<10000x128xf32, #tpu.memory_space<hbm>> -> memref<10000x128xf32, #tpu.memory_space<hbm>>
      tpu.enqueue_indirect_dma source(%dma_start3A_257 : memref<10000x128xf32, #tpu.memory_space<hbm>>) target(%arg8 : memref<128x128xf32, #tpu.memory_space<vmem>>) offsets(%dma_start3A_254 : memref<128xi32, #tpu.memory_space<vmem>>) semaphore(%arg11 : memref<!tpu.dma_semaphore, #tpu.memory_space<semaphore_mem>>)
      %jit3A_258 = arith.constant 2 : i32
      %eq3A_259 = arith.constant 0 : i32
      %eq3A_260 = arith.cmpi eq, %jit3A_258, %eq3A_259 : i32
      %jit3A_261 = arith.constant 1 : i32
      %select_n3A_262 = arith.select %eq3A_260, %jit3A_261, %jit3A_258 : i32
      %rem3A_263 = arith.remsi %while3A_45, %select_n3A_262 : i32
      %ne3A_264 = arith.constant 0 : i32
      %ne3A_265 = arith.cmpi ne, %rem3A_263, %ne3A_264 : i32
      %lt3A_266 = arith.constant 0 : i32
      %lt3A_267 = arith.cmpi slt, %rem3A_263, %lt3A_266 : i32
      %lt3A_268 = arith.constant 0 : i32
      %lt3A_269 = arith.cmpi slt, %select_n3A_262, %lt3A_268 : i32
      %ne3A_270 = arith.xori %lt3A_267, %lt3A_269 : i1
      %and3A_271 = arith.andi %ne3A_270, %ne3A_265 : i1
      %add3A_272 = arith.addi %rem3A_263, %select_n3A_262 : i32
      %select_n3A_273 = arith.select %and3A_271, %add3A_272, %rem3A_263 : i32
      %dma_wait3A_274 = arith.constant 3 : i32
      %dma_wait3A_275 = arith.constant 0 : i32
      %dma_wait3A_276 = tpu.memref_slice %arg6[%select_n3A_273, %dma_wait3A_274, %dma_wait3A_275] : memref<2x8x128xi32, #tpu.memory_space<vmem>> -> memref<1x1x128xi32, #tpu.memory_space<vmem>>
      %dma_wait3A_277 = tpu.memref_squeeze %dma_wait3A_276 : memref<1x1x128xi32, #tpu.memory_space<vmem>> -> memref<128xi32, #tpu.memory_space<vmem>>
      %dma_wait3A_278 = arith.constant 0 : i32
      %dma_wait3A_279 = arith.constant 0 : i32
      %dma_wait3A_280 = tpu.memref_slice %arg2[%dma_wait3A_278, %dma_wait3A_279] : memref<10000x128xf32, #tpu.memory_space<hbm>> -> memref<10000x128xf32, #tpu.memory_space<hbm>>
      tpu.wait_indirect_dma semaphore(%arg12 : memref<!tpu.dma_semaphore, #tpu.memory_space<semaphore_mem>>) src(%dma_wait3A_280 : memref<10000x128xf32, #tpu.memory_space<hbm>>) dst(%arg9 : memref<128x128xf32, #tpu.memory_space<vmem>>)
      %jit3A_281 = arith.constant 2 : i32
      %eq3A_282 = arith.constant 0 : i32
      %eq3A_283 = arith.cmpi eq, %jit3A_281, %eq3A_282 : i32
      %jit3A_284 = arith.constant 1 : i32
      %select_n3A_285 = arith.select %eq3A_283, %jit3A_284, %jit3A_281 : i32
      %rem3A_286 = arith.remsi %while3A_45, %select_n3A_285 : i32
      %ne3A_287 = arith.constant 0 : i32
      %ne3A_288 = arith.cmpi ne, %rem3A_286, %ne3A_287 : i32
      %lt3A_289 = arith.constant 0 : i32
      %lt3A_290 = arith.cmpi slt, %rem3A_286, %lt3A_289 : i32
      %lt3A_291 = arith.constant 0 : i32
      %lt3A_292 = arith.cmpi slt, %select_n3A_285, %lt3A_291 : i32
      %ne3A_293 = arith.xori %lt3A_290, %lt3A_292 : i1
      %and3A_294 = arith.andi %ne3A_293, %ne3A_288 : i1
      %add3A_295 = arith.addi %rem3A_286, %select_n3A_285 : i32
      %select_n3A_296 = arith.select %and3A_294, %add3A_295, %rem3A_286 : i32
      %run_scoped3A_297 = arith.constant 3 : i32
      "tpu.region"() ({
        %run_scoped3A_534 = tpu.sem_alloc : memref<!tpu.dma_semaphore, #tpu.memory_space<semaphore_mem>>
        %dma_start3A_535 = arith.constant 0 : i32
        %dma_start3A_536 = tpu.memref_slice %arg7[%select_n3A_296, %run_scoped3A_297, %dma_start3A_535] : memref<2x8x128xi32, #tpu.memory_space<vmem>> -> memref<1x1x128xi32, #tpu.memory_space<vmem>>
        %dma_start3A_537 = tpu.memref_squeeze %dma_start3A_536 : memref<1x1x128xi32, #tpu.memory_space<vmem>> -> memref<128xi32, #tpu.memory_space<vmem>>
        %dma_start3A_538 = arith.constant 0 : i32
        %dma_start3A_539 = arith.constant 0 : i32
        %dma_start3A_540 = tpu.memref_slice %arg10[%dma_start3A_538, %dma_start3A_539] : memref<10240x128xf32, #tpu.memory_space<vmem_shared>> -> memref<10240x128xf32, #tpu.memory_space<vmem_shared>>
        tpu.enqueue_indirect_dma source(%arg9 : memref<128x128xf32, #tpu.memory_space<vmem>>) target(%dma_start3A_540 : memref<10240x128xf32, #tpu.memory_space<vmem_shared>>) offsets(%dma_start3A_537 : memref<128xi32, #tpu.memory_space<vmem>>) semaphore(%run_scoped3A_534 : memref<!tpu.dma_semaphore, #tpu.memory_space<semaphore_mem>>) {add = true}
        %dma_wait3A_541 = arith.constant 0 : i32
        %dma_wait3A_542 = tpu.memref_slice %arg7[%select_n3A_296, %run_scoped3A_297, %dma_wait3A_541] : memref<2x8x128xi32, #tpu.memory_space<vmem>> -> memref<1x1x128xi32, #tpu.memory_space<vmem>>
        %dma_wait3A_543 = tpu.memref_squeeze %dma_wait3A_542 : memref<1x1x128xi32, #tpu.memory_space<vmem>> -> memref<128xi32, #tpu.memory_space<vmem>>
        %dma_wait3A_544 = arith.constant 0 : i32
        %dma_wait3A_545 = arith.constant 0 : i32
        %dma_wait3A_546 = tpu.memref_slice %arg10[%dma_wait3A_544, %dma_wait3A_545] : memref<10240x128xf32, #tpu.memory_space<vmem_shared>> -> memref<10240x128xf32, #tpu.memory_space<vmem_shared>>
        tpu.wait_indirect_dma semaphore(%run_scoped3A_534 : memref<!tpu.dma_semaphore, #tpu.memory_space<semaphore_mem>>) src(%arg9 : memref<128x128xf32, #tpu.memory_space<vmem>>) dst(%dma_wait3A_546 : memref<10240x128xf32, #tpu.memory_space<vmem_shared>>)
        tpu.yield
      }) : () -> ()
      %jit3A_298 = arith.constant 2 : i32
      %eq3A_299 = arith.constant 0 : i32
      %eq3A_300 = arith.cmpi eq, %jit3A_298, %eq3A_299 : i32
      %jit3A_301 = arith.constant 1 : i32
      %select_n3A_302 = arith.select %eq3A_300, %jit3A_301, %jit3A_298 : i32
      %rem3A_303 = arith.remsi %while3A_45, %select_n3A_302 : i32
      %ne3A_304 = arith.constant 0 : i32
      %ne3A_305 = arith.cmpi ne, %rem3A_303, %ne3A_304 : i32
      %lt3A_306 = arith.constant 0 : i32
      %lt3A_307 = arith.cmpi slt, %rem3A_303, %lt3A_306 : i32
      %lt3A_308 = arith.constant 0 : i32
      %lt3A_309 = arith.cmpi slt, %select_n3A_302, %lt3A_308 : i32
      %ne3A_310 = arith.xori %lt3A_307, %lt3A_309 : i1
      %and3A_311 = arith.andi %ne3A_310, %ne3A_305 : i1
      %add3A_312 = arith.addi %rem3A_303, %select_n3A_302 : i32
      %select_n3A_313 = arith.select %and3A_311, %add3A_312, %rem3A_303 : i32
      %dma_start3A_314 = arith.constant 5 : i32
      %dma_start3A_315 = arith.constant 0 : i32
      %dma_start3A_316 = tpu.memref_slice %arg6[%select_n3A_313, %dma_start3A_314, %dma_start3A_315] : memref<2x8x128xi32, #tpu.memory_space<vmem>> -> memref<1x1x128xi32, #tpu.memory_space<vmem>>
      %dma_start3A_317 = tpu.memref_squeeze %dma_start3A_316 : memref<1x1x128xi32, #tpu.memory_space<vmem>> -> memref<128xi32, #tpu.memory_space<vmem>>
      %dma_start3A_318 = arith.constant 0 : i32
      %dma_start3A_319 = arith.constant 0 : i32
      %dma_start3A_320 = tpu.memref_slice %arg2[%dma_start3A_318, %dma_start3A_319] : memref<10000x128xf32, #tpu.memory_space<hbm>> -> memref<10000x128xf32, #tpu.memory_space<hbm>>
      tpu.enqueue_indirect_dma source(%dma_start3A_320 : memref<10000x128xf32, #tpu.memory_space<hbm>>) target(%arg9 : memref<128x128xf32, #tpu.memory_space<vmem>>) offsets(%dma_start3A_317 : memref<128xi32, #tpu.memory_space<vmem>>) semaphore(%arg12 : memref<!tpu.dma_semaphore, #tpu.memory_space<semaphore_mem>>)
      %jit3A_321 = arith.constant 2 : i32
      %eq3A_322 = arith.constant 0 : i32
      %eq3A_323 = arith.cmpi eq, %jit3A_321, %eq3A_322 : i32
      %jit3A_324 = arith.constant 1 : i32
      %select_n3A_325 = arith.select %eq3A_323, %jit3A_324, %jit3A_321 : i32
      %rem3A_326 = arith.remsi %while3A_45, %select_n3A_325 : i32
      %ne3A_327 = arith.constant 0 : i32
      %ne3A_328 = arith.cmpi ne, %rem3A_326, %ne3A_327 : i32
      %lt3A_329 = arith.constant 0 : i32
      %lt3A_330 = arith.cmpi slt, %rem3A_326, %lt3A_329 : i32
      %lt3A_331 = arith.constant 0 : i32
      %lt3A_332 = arith.cmpi slt, %select_n3A_325, %lt3A_331 : i32
      %ne3A_333 = arith.xori %lt3A_330, %lt3A_332 : i1
      %and3A_334 = arith.andi %ne3A_333, %ne3A_328 : i1
      %add3A_335 = arith.addi %rem3A_326, %select_n3A_325 : i32
      %select_n3A_336 = arith.select %and3A_334, %add3A_335, %rem3A_326 : i32
      %dma_wait3A_337 = arith.constant 4 : i32
      %dma_wait3A_338 = arith.constant 0 : i32
      %dma_wait3A_339 = tpu.memref_slice %arg6[%select_n3A_336, %dma_wait3A_337, %dma_wait3A_338] : memref<2x8x128xi32, #tpu.memory_space<vmem>> -> memref<1x1x128xi32, #tpu.memory_space<vmem>>
      %dma_wait3A_340 = tpu.memref_squeeze %dma_wait3A_339 : memref<1x1x128xi32, #tpu.memory_space<vmem>> -> memref<128xi32, #tpu.memory_space<vmem>>
      %dma_wait3A_341 = arith.constant 0 : i32
      %dma_wait3A_342 = arith.constant 0 : i32
      %dma_wait3A_343 = tpu.memref_slice %arg2[%dma_wait3A_341, %dma_wait3A_342] : memref<10000x128xf32, #tpu.memory_space<hbm>> -> memref<10000x128xf32, #tpu.memory_space<hbm>>
      tpu.wait_indirect_dma semaphore(%arg11 : memref<!tpu.dma_semaphore, #tpu.memory_space<semaphore_mem>>) src(%dma_wait3A_343 : memref<10000x128xf32, #tpu.memory_space<hbm>>) dst(%arg8 : memref<128x128xf32, #tpu.memory_space<vmem>>)
      %jit3A_344 = arith.constant 2 : i32
      %eq3A_345 = arith.constant 0 : i32
      %eq3A_346 = arith.cmpi eq, %jit3A_344, %eq3A_345 : i32
      %jit3A_347 = arith.constant 1 : i32
      %select_n3A_348 = arith.select %eq3A_346, %jit3A_347, %jit3A_344 : i32
      %rem3A_349 = arith.remsi %while3A_45, %select_n3A_348 : i32
      %ne3A_350 = arith.constant 0 : i32
      %ne3A_351 = arith.cmpi ne, %rem3A_349, %ne3A_350 : i32
      %lt3A_352 = arith.constant 0 : i32
      %lt3A_353 = arith.cmpi slt, %rem3A_349, %lt3A_352 : i32
      %lt3A_354 = arith.constant 0 : i32
      %lt3A_355 = arith.cmpi slt, %select_n3A_348, %lt3A_354 : i32
      %ne3A_356 = arith.xori %lt3A_353, %lt3A_355 : i1
      %and3A_357 = arith.andi %ne3A_356, %ne3A_351 : i1
      %add3A_358 = arith.addi %rem3A_349, %select_n3A_348 : i32
      %select_n3A_359 = arith.select %and3A_357, %add3A_358, %rem3A_349 : i32
      %run_scoped3A_360 = arith.constant 4 : i32
      "tpu.region"() ({
        %run_scoped3A_534 = tpu.sem_alloc : memref<!tpu.dma_semaphore, #tpu.memory_space<semaphore_mem>>
        %dma_start3A_535 = arith.constant 0 : i32
        %dma_start3A_536 = tpu.memref_slice %arg7[%select_n3A_359, %run_scoped3A_360, %dma_start3A_535] : memref<2x8x128xi32, #tpu.memory_space<vmem>> -> memref<1x1x128xi32, #tpu.memory_space<vmem>>
        %dma_start3A_537 = tpu.memref_squeeze %dma_start3A_536 : memref<1x1x128xi32, #tpu.memory_space<vmem>> -> memref<128xi32, #tpu.memory_space<vmem>>
        %dma_start3A_538 = arith.constant 0 : i32
        %dma_start3A_539 = arith.constant 0 : i32
        %dma_start3A_540 = tpu.memref_slice %arg10[%dma_start3A_538, %dma_start3A_539] : memref<10240x128xf32, #tpu.memory_space<vmem_shared>> -> memref<10240x128xf32, #tpu.memory_space<vmem_shared>>
        tpu.enqueue_indirect_dma source(%arg8 : memref<128x128xf32, #tpu.memory_space<vmem>>) target(%dma_start3A_540 : memref<10240x128xf32, #tpu.memory_space<vmem_shared>>) offsets(%dma_start3A_537 : memref<128xi32, #tpu.memory_space<vmem>>) semaphore(%run_scoped3A_534 : memref<!tpu.dma_semaphore, #tpu.memory_space<semaphore_mem>>) {add = true}
        %dma_wait3A_541 = arith.constant 0 : i32
        %dma_wait3A_542 = tpu.memref_slice %arg7[%select_n3A_359, %run_scoped3A_360, %dma_wait3A_541] : memref<2x8x128xi32, #tpu.memory_space<vmem>> -> memref<1x1x128xi32, #tpu.memory_space<vmem>>
        %dma_wait3A_543 = tpu.memref_squeeze %dma_wait3A_542 : memref<1x1x128xi32, #tpu.memory_space<vmem>> -> memref<128xi32, #tpu.memory_space<vmem>>
        %dma_wait3A_544 = arith.constant 0 : i32
        %dma_wait3A_545 = arith.constant 0 : i32
        %dma_wait3A_546 = tpu.memref_slice %arg10[%dma_wait3A_544, %dma_wait3A_545] : memref<10240x128xf32, #tpu.memory_space<vmem_shared>> -> memref<10240x128xf32, #tpu.memory_space<vmem_shared>>
        tpu.wait_indirect_dma semaphore(%run_scoped3A_534 : memref<!tpu.dma_semaphore, #tpu.memory_space<semaphore_mem>>) src(%arg8 : memref<128x128xf32, #tpu.memory_space<vmem>>) dst(%dma_wait3A_546 : memref<10240x128xf32, #tpu.memory_space<vmem_shared>>)
        tpu.yield
      }) : () -> ()
      %jit3A_361 = arith.constant 2 : i32
      %eq3A_362 = arith.constant 0 : i32
      %eq3A_363 = arith.cmpi eq, %jit3A_361, %eq3A_362 : i32
      %jit3A_364 = arith.constant 1 : i32
      %select_n3A_365 = arith.select %eq3A_363, %jit3A_364, %jit3A_361 : i32
      %rem3A_366 = arith.remsi %while3A_45, %select_n3A_365 : i32
      %ne3A_367 = arith.constant 0 : i32
      %ne3A_368 = arith.cmpi ne, %rem3A_366, %ne3A_367 : i32
      %lt3A_369 = arith.constant 0 : i32
      %lt3A_370 = arith.cmpi slt, %rem3A_366, %lt3A_369 : i32
      %lt3A_371 = arith.constant 0 : i32
      %lt3A_372 = arith.cmpi slt, %select_n3A_365, %lt3A_371 : i32
      %ne3A_373 = arith.xori %lt3A_370, %lt3A_372 : i1
      %and3A_374 = arith.andi %ne3A_373, %ne3A_368 : i1
      %add3A_375 = arith.addi %rem3A_366, %select_n3A_365 : i32
      %select_n3A_376 = arith.select %and3A_374, %add3A_375, %rem3A_366 : i32
      %dma_start3A_377 = arith.constant 6 : i32
      %dma_start3A_378 = arith.constant 0 : i32
      %dma_start3A_379 = tpu.memref_slice %arg6[%select_n3A_376, %dma_start3A_377, %dma_start3A_378] : memref<2x8x128xi32, #tpu.memory_space<vmem>> -> memref<1x1x128xi32, #tpu.memory_space<vmem>>
      %dma_start3A_380 = tpu.memref_squeeze %dma_start3A_379 : memref<1x1x128xi32, #tpu.memory_space<vmem>> -> memref<128xi32, #tpu.memory_space<vmem>>
      %dma_start3A_381 = arith.constant 0 : i32
      %dma_start3A_382 = arith.constant 0 : i32
      %dma_start3A_383 = tpu.memref_slice %arg2[%dma_start3A_381, %dma_start3A_382] : memref<10000x128xf32, #tpu.memory_space<hbm>> -> memref<10000x128xf32, #tpu.memory_space<hbm>>
      tpu.enqueue_indirect_dma source(%dma_start3A_383 : memref<10000x128xf32, #tpu.memory_space<hbm>>) target(%arg8 : memref<128x128xf32, #tpu.memory_space<vmem>>) offsets(%dma_start3A_380 : memref<128xi32, #tpu.memory_space<vmem>>) semaphore(%arg11 : memref<!tpu.dma_semaphore, #tpu.memory_space<semaphore_mem>>)
      %jit3A_384 = arith.constant 2 : i32
      %eq3A_385 = arith.constant 0 : i32
      %eq3A_386 = arith.cmpi eq, %jit3A_384, %eq3A_385 : i32
      %jit3A_387 = arith.constant 1 : i32
      %select_n3A_388 = arith.select %eq3A_386, %jit3A_387, %jit3A_384 : i32
      %rem3A_389 = arith.remsi %while3A_45, %select_n3A_388 : i32
      %ne3A_390 = arith.constant 0 : i32
      %ne3A_391 = arith.cmpi ne, %rem3A_389, %ne3A_390 : i32
      %lt3A_392 = arith.constant 0 : i32
      %lt3A_393 = arith.cmpi slt, %rem3A_389, %lt3A_392 : i32
      %lt3A_394 = arith.constant 0 : i32
      %lt3A_395 = arith.cmpi slt, %select_n3A_388, %lt3A_394 : i32
      %ne3A_396 = arith.xori %lt3A_393, %lt3A_395 : i1
      %and3A_397 = arith.andi %ne3A_396, %ne3A_391 : i1
      %add3A_398 = arith.addi %rem3A_389, %select_n3A_388 : i32
      %select_n3A_399 = arith.select %and3A_397, %add3A_398, %rem3A_389 : i32
      %dma_wait3A_400 = arith.constant 5 : i32
      %dma_wait3A_401 = arith.constant 0 : i32
      %dma_wait3A_402 = tpu.memref_slice %arg6[%select_n3A_399, %dma_wait3A_400, %dma_wait3A_401] : memref<2x8x128xi32, #tpu.memory_space<vmem>> -> memref<1x1x128xi32, #tpu.memory_space<vmem>>
      %dma_wait3A_403 = tpu.memref_squeeze %dma_wait3A_402 : memref<1x1x128xi32, #tpu.memory_space<vmem>> -> memref<128xi32, #tpu.memory_space<vmem>>
      %dma_wait3A_404 = arith.constant 0 : i32
      %dma_wait3A_405 = arith.constant 0 : i32
      %dma_wait3A_406 = tpu.memref_slice %arg2[%dma_wait3A_404, %dma_wait3A_405] : memref<10000x128xf32, #tpu.memory_space<hbm>> -> memref<10000x128xf32, #tpu.memory_space<hbm>>
      tpu.wait_indirect_dma semaphore(%arg12 : memref<!tpu.dma_semaphore, #tpu.memory_space<semaphore_mem>>) src(%dma_wait3A_406 : memref<10000x128xf32, #tpu.memory_space<hbm>>) dst(%arg9 : memref<128x128xf32, #tpu.memory_space<vmem>>)
      %jit3A_407 = arith.constant 2 : i32
      %eq3A_408 = arith.constant 0 : i32
      %eq3A_409 = arith.cmpi eq, %jit3A_407, %eq3A_408 : i32
      %jit3A_410 = arith.constant 1 : i32
      %select_n3A_411 = arith.select %eq3A_409, %jit3A_410, %jit3A_407 : i32
      %rem3A_412 = arith.remsi %while3A_45, %select_n3A_411 : i32
      %ne3A_413 = arith.constant 0 : i32
      %ne3A_414 = arith.cmpi ne, %rem3A_412, %ne3A_413 : i32
      %lt3A_415 = arith.constant 0 : i32
      %lt3A_416 = arith.cmpi slt, %rem3A_412, %lt3A_415 : i32
      %lt3A_417 = arith.constant 0 : i32
      %lt3A_418 = arith.cmpi slt, %select_n3A_411, %lt3A_417 : i32
      %ne3A_419 = arith.xori %lt3A_416, %lt3A_418 : i1
      %and3A_420 = arith.andi %ne3A_419, %ne3A_414 : i1
      %add3A_421 = arith.addi %rem3A_412, %select_n3A_411 : i32
      %select_n3A_422 = arith.select %and3A_420, %add3A_421, %rem3A_412 : i32
      %run_scoped3A_423 = arith.constant 5 : i32
      "tpu.region"() ({
        %run_scoped3A_534 = tpu.sem_alloc : memref<!tpu.dma_semaphore, #tpu.memory_space<semaphore_mem>>
        %dma_start3A_535 = arith.constant 0 : i32
        %dma_start3A_536 = tpu.memref_slice %arg7[%select_n3A_422, %run_scoped3A_423, %dma_start3A_535] : memref<2x8x128xi32, #tpu.memory_space<vmem>> -> memref<1x1x128xi32, #tpu.memory_space<vmem>>
        %dma_start3A_537 = tpu.memref_squeeze %dma_start3A_536 : memref<1x1x128xi32, #tpu.memory_space<vmem>> -> memref<128xi32, #tpu.memory_space<vmem>>
        %dma_start3A_538 = arith.constant 0 : i32
        %dma_start3A_539 = arith.constant 0 : i32
        %dma_start3A_540 = tpu.memref_slice %arg10[%dma_start3A_538, %dma_start3A_539] : memref<10240x128xf32, #tpu.memory_space<vmem_shared>> -> memref<10240x128xf32, #tpu.memory_space<vmem_shared>>
        tpu.enqueue_indirect_dma source(%arg9 : memref<128x128xf32, #tpu.memory_space<vmem>>) target(%dma_start3A_540 : memref<10240x128xf32, #tpu.memory_space<vmem_shared>>) offsets(%dma_start3A_537 : memref<128xi32, #tpu.memory_space<vmem>>) semaphore(%run_scoped3A_534 : memref<!tpu.dma_semaphore, #tpu.memory_space<semaphore_mem>>) {add = true}
        %dma_wait3A_541 = arith.constant 0 : i32
        %dma_wait3A_542 = tpu.memref_slice %arg7[%select_n3A_422, %run_scoped3A_423, %dma_wait3A_541] : memref<2x8x128xi32, #tpu.memory_space<vmem>> -> memref<1x1x128xi32, #tpu.memory_space<vmem>>
        %dma_wait3A_543 = tpu.memref_squeeze %dma_wait3A_542 : memref<1x1x128xi32, #tpu.memory_space<vmem>> -> memref<128xi32, #tpu.memory_space<vmem>>
        %dma_wait3A_544 = arith.constant 0 : i32
        %dma_wait3A_545 = arith.constant 0 : i32
        %dma_wait3A_546 = tpu.memref_slice %arg10[%dma_wait3A_544, %dma_wait3A_545] : memref<10240x128xf32, #tpu.memory_space<vmem_shared>> -> memref<10240x128xf32, #tpu.memory_space<vmem_shared>>
        tpu.wait_indirect_dma semaphore(%run_scoped3A_534 : memref<!tpu.dma_semaphore, #tpu.memory_space<semaphore_mem>>) src(%arg9 : memref<128x128xf32, #tpu.memory_space<vmem>>) dst(%dma_wait3A_546 : memref<10240x128xf32, #tpu.memory_space<vmem_shared>>)
        tpu.yield
      }) : () -> ()
      %jit3A_424 = arith.constant 2 : i32
      %eq3A_425 = arith.constant 0 : i32
      %eq3A_426 = arith.cmpi eq, %jit3A_424, %eq3A_425 : i32
      %jit3A_427 = arith.constant 1 : i32
      %select_n3A_428 = arith.select %eq3A_426, %jit3A_427, %jit3A_424 : i32
      %rem3A_429 = arith.remsi %while3A_45, %select_n3A_428 : i32
      %ne3A_430 = arith.constant 0 : i32
      %ne3A_431 = arith.cmpi ne, %rem3A_429, %ne3A_430 : i32
      %lt3A_432 = arith.constant 0 : i32
      %lt3A_433 = arith.cmpi slt, %rem3A_429, %lt3A_432 : i32
      %lt3A_434 = arith.constant 0 : i32
      %lt3A_435 = arith.cmpi slt, %select_n3A_428, %lt3A_434 : i32
      %ne3A_436 = arith.xori %lt3A_433, %lt3A_435 : i1
      %and3A_437 = arith.andi %ne3A_436, %ne3A_431 : i1
      %add3A_438 = arith.addi %rem3A_429, %select_n3A_428 : i32
      %select_n3A_439 = arith.select %and3A_437, %add3A_438, %rem3A_429 : i32
      %dma_start3A_440 = arith.constant 7 : i32
      %dma_start3A_441 = arith.constant 0 : i32
      %dma_start3A_442 = tpu.memref_slice %arg6[%select_n3A_439, %dma_start3A_440, %dma_start3A_441] : memref<2x8x128xi32, #tpu.memory_space<vmem>> -> memref<1x1x128xi32, #tpu.memory_space<vmem>>
      %dma_start3A_443 = tpu.memref_squeeze %dma_start3A_442 : memref<1x1x128xi32, #tpu.memory_space<vmem>> -> memref<128xi32, #tpu.memory_space<vmem>>
      %dma_start3A_444 = arith.constant 0 : i32
      %dma_start3A_445 = arith.constant 0 : i32
      %dma_start3A_446 = tpu.memref_slice %arg2[%dma_start3A_444, %dma_start3A_445] : memref<10000x128xf32, #tpu.memory_space<hbm>> -> memref<10000x128xf32, #tpu.memory_space<hbm>>
      tpu.enqueue_indirect_dma source(%dma_start3A_446 : memref<10000x128xf32, #tpu.memory_space<hbm>>) target(%arg9 : memref<128x128xf32, #tpu.memory_space<vmem>>) offsets(%dma_start3A_443 : memref<128xi32, #tpu.memory_space<vmem>>) semaphore(%arg12 : memref<!tpu.dma_semaphore, #tpu.memory_space<semaphore_mem>>)
      %jit3A_447 = arith.constant 2 : i32
      %eq3A_448 = arith.constant 0 : i32
      %eq3A_449 = arith.cmpi eq, %jit3A_447, %eq3A_448 : i32
      %jit3A_450 = arith.constant 1 : i32
      %select_n3A_451 = arith.select %eq3A_449, %jit3A_450, %jit3A_447 : i32
      %rem3A_452 = arith.remsi %while3A_45, %select_n3A_451 : i32
      %ne3A_453 = arith.constant 0 : i32
      %ne3A_454 = arith.cmpi ne, %rem3A_452, %ne3A_453 : i32
      %lt3A_455 = arith.constant 0 : i32
      %lt3A_456 = arith.cmpi slt, %rem3A_452, %lt3A_455 : i32
      %lt3A_457 = arith.constant 0 : i32
      %lt3A_458 = arith.cmpi slt, %select_n3A_451, %lt3A_457 : i32
      %ne3A_459 = arith.xori %lt3A_456, %lt3A_458 : i1
      %and3A_460 = arith.andi %ne3A_459, %ne3A_454 : i1
      %add3A_461 = arith.addi %rem3A_452, %select_n3A_451 : i32
      %select_n3A_462 = arith.select %and3A_460, %add3A_461, %rem3A_452 : i32
      %dma_wait3A_463 = arith.constant 6 : i32
      %dma_wait3A_464 = arith.constant 0 : i32
      %dma_wait3A_465 = tpu.memref_slice %arg6[%select_n3A_462, %dma_wait3A_463, %dma_wait3A_464] : memref<2x8x128xi32, #tpu.memory_space<vmem>> -> memref<1x1x128xi32, #tpu.memory_space<vmem>>
      %dma_wait3A_466 = tpu.memref_squeeze %dma_wait3A_465 : memref<1x1x128xi32, #tpu.memory_space<vmem>> -> memref<128xi32, #tpu.memory_space<vmem>>
      %dma_wait3A_467 = arith.constant 0 : i32
      %dma_wait3A_468 = arith.constant 0 : i32
      %dma_wait3A_469 = tpu.memref_slice %arg2[%dma_wait3A_467, %dma_wait3A_468] : memref<10000x128xf32, #tpu.memory_space<hbm>> -> memref<10000x128xf32, #tpu.memory_space<hbm>>
      tpu.wait_indirect_dma semaphore(%arg11 : memref<!tpu.dma_semaphore, #tpu.memory_space<semaphore_mem>>) src(%dma_wait3A_469 : memref<10000x128xf32, #tpu.memory_space<hbm>>) dst(%arg8 : memref<128x128xf32, #tpu.memory_space<vmem>>)
      %jit3A_470 = arith.constant 2 : i32
      %eq3A_471 = arith.constant 0 : i32
      %eq3A_472 = arith.cmpi eq, %jit3A_470, %eq3A_471 : i32
      %jit3A_473 = arith.constant 1 : i32
      %select_n3A_474 = arith.select %eq3A_472, %jit3A_473, %jit3A_470 : i32
      %rem3A_475 = arith.remsi %while3A_45, %select_n3A_474 : i32
      %ne3A_476 = arith.constant 0 : i32
      %ne3A_477 = arith.cmpi ne, %rem3A_475, %ne3A_476 : i32
      %lt3A_478 = arith.constant 0 : i32
      %lt3A_479 = arith.cmpi slt, %rem3A_475, %lt3A_478 : i32
      %lt3A_480 = arith.constant 0 : i32
      %lt3A_481 = arith.cmpi slt, %select_n3A_474, %lt3A_480 : i32
      %ne3A_482 = arith.xori %lt3A_479, %lt3A_481 : i1
      %and3A_483 = arith.andi %ne3A_482, %ne3A_477 : i1
      %add3A_484 = arith.addi %rem3A_475, %select_n3A_474 : i32
      %select_n3A_485 = arith.select %and3A_483, %add3A_484, %rem3A_475 : i32
      %run_scoped3A_486 = arith.constant 6 : i32
      "tpu.region"() ({
        %run_scoped3A_534 = tpu.sem_alloc : memref<!tpu.dma_semaphore, #tpu.memory_space<semaphore_mem>>
        %dma_start3A_535 = arith.constant 0 : i32
        %dma_start3A_536 = tpu.memref_slice %arg7[%select_n3A_485, %run_scoped3A_486, %dma_start3A_535] : memref<2x8x128xi32, #tpu.memory_space<vmem>> -> memref<1x1x128xi32, #tpu.memory_space<vmem>>
        %dma_start3A_537 = tpu.memref_squeeze %dma_start3A_536 : memref<1x1x128xi32, #tpu.memory_space<vmem>> -> memref<128xi32, #tpu.memory_space<vmem>>
        %dma_start3A_538 = arith.constant 0 : i32
        %dma_start3A_539 = arith.constant 0 : i32
        %dma_start3A_540 = tpu.memref_slice %arg10[%dma_start3A_538, %dma_start3A_539] : memref<10240x128xf32, #tpu.memory_space<vmem_shared>> -> memref<10240x128xf32, #tpu.memory_space<vmem_shared>>
        tpu.enqueue_indirect_dma source(%arg8 : memref<128x128xf32, #tpu.memory_space<vmem>>) target(%dma_start3A_540 : memref<10240x128xf32, #tpu.memory_space<vmem_shared>>) offsets(%dma_start3A_537 : memref<128xi32, #tpu.memory_space<vmem>>) semaphore(%run_scoped3A_534 : memref<!tpu.dma_semaphore, #tpu.memory_space<semaphore_mem>>) {add = true}
        %dma_wait3A_541 = arith.constant 0 : i32
        %dma_wait3A_542 = tpu.memref_slice %arg7[%select_n3A_485, %run_scoped3A_486, %dma_wait3A_541] : memref<2x8x128xi32, #tpu.memory_space<vmem>> -> memref<1x1x128xi32, #tpu.memory_space<vmem>>
        %dma_wait3A_543 = tpu.memref_squeeze %dma_wait3A_542 : memref<1x1x128xi32, #tpu.memory_space<vmem>> -> memref<128xi32, #tpu.memory_space<vmem>>
        %dma_wait3A_544 = arith.constant 0 : i32
        %dma_wait3A_545 = arith.constant 0 : i32
        %dma_wait3A_546 = tpu.memref_slice %arg10[%dma_wait3A_544, %dma_wait3A_545] : memref<10240x128xf32, #tpu.memory_space<vmem_shared>> -> memref<10240x128xf32, #tpu.memory_space<vmem_shared>>
        tpu.wait_indirect_dma semaphore(%run_scoped3A_534 : memref<!tpu.dma_semaphore, #tpu.memory_space<semaphore_mem>>) src(%arg8 : memref<128x128xf32, #tpu.memory_space<vmem>>) dst(%dma_wait3A_546 : memref<10240x128xf32, #tpu.memory_space<vmem_shared>>)
        tpu.yield
      }) : () -> ()
      %add3A_487 = arith.constant 1 : i32
      %add3A_488 = arith.addi %while3A_45, %add3A_487 : i32
      %lt3A_489 = arith.cmpi slt, %add3A_488, %select_n3A : i32
      %convert_element_type3A_490 = arith.extui %lt3A_489 : i1 to i32
      %cond3A_491 = arith.constant 0 : i32
      %cond3A_492 = arith.cmpi ne, %convert_element_type3A_490, %cond3A_491 : i32
      scf.if %cond3A_492 {
        %add3A_534 = arith.constant 1 : i32
        %add3A_535 = arith.addi %while3A_45, %add3A_534 : i32
        %jit3A_536 = arith.constant 2 : i32
        %eq3A_537 = arith.constant 0 : i32
        %eq3A_538 = arith.cmpi eq, %jit3A_536, %eq3A_537 : i32
        %jit3A_539 = arith.constant 1 : i32
        %select_n3A_540 = arith.select %eq3A_538, %jit3A_539, %jit3A_536 : i32
        %rem3A_541 = arith.remsi %add3A_535, %select_n3A_540 : i32
        %ne3A_542 = arith.constant 0 : i32
        %ne3A_543 = arith.cmpi ne, %rem3A_541, %ne3A_542 : i32
        %lt3A_544 = arith.constant 0 : i32
        %lt3A_545 = arith.cmpi slt, %rem3A_541, %lt3A_544 : i32
        %lt3A_546 = arith.constant 0 : i32
        %lt3A_547 = arith.cmpi slt, %select_n3A_540, %lt3A_546 : i32
        %ne3A_548 = arith.xori %lt3A_545, %lt3A_547 : i1
        %and3A_549 = arith.andi %ne3A_548, %ne3A_543 : i1
        %add3A_550 = arith.addi %rem3A_541, %select_n3A_540 : i32
        %select_n3A_551 = arith.select %and3A_549, %add3A_550, %rem3A_541 : i32
        %dma_start3A_552 = arith.constant 0 : i32
        %dma_start3A_553 = arith.constant 0 : i32
        %dma_start3A_554 = tpu.memref_slice %arg6[%select_n3A_551, %dma_start3A_552, %dma_start3A_553] : memref<2x8x128xi32, #tpu.memory_space<vmem>> -> memref<1x1x128xi32, #tpu.memory_space<vmem>>
        %dma_start3A_555 = tpu.memref_squeeze %dma_start3A_554 : memref<1x1x128xi32, #tpu.memory_space<vmem>> -> memref<128xi32, #tpu.memory_space<vmem>>
        %dma_start3A_556 = arith.constant 0 : i32
        %dma_start3A_557 = arith.constant 0 : i32
        %dma_start3A_558 = tpu.memref_slice %arg2[%dma_start3A_556, %dma_start3A_557] : memref<10000x128xf32, #tpu.memory_space<hbm>> -> memref<10000x128xf32, #tpu.memory_space<hbm>>
        tpu.enqueue_indirect_dma source(%dma_start3A_558 : memref<10000x128xf32, #tpu.memory_space<hbm>>) target(%arg8 : memref<128x128xf32, #tpu.memory_space<vmem>>) offsets(%dma_start3A_555 : memref<128xi32, #tpu.memory_space<vmem>>) semaphore(%arg11 : memref<!tpu.dma_semaphore, #tpu.memory_space<semaphore_mem>>)
      } else {
      }
      %jit3A_493 = arith.constant 2 : i32
      %eq3A_494 = arith.constant 0 : i32
      %eq3A_495 = arith.cmpi eq, %jit3A_493, %eq3A_494 : i32
      %jit3A_496 = arith.constant 1 : i32
      %select_n3A_497 = arith.select %eq3A_495, %jit3A_496, %jit3A_493 : i32
      %rem3A_498 = arith.remsi %while3A_45, %select_n3A_497 : i32
      %ne3A_499 = arith.constant 0 : i32
      %ne3A_500 = arith.cmpi ne, %rem3A_498, %ne3A_499 : i32
      %lt3A_501 = arith.constant 0 : i32
      %lt3A_502 = arith.cmpi slt, %rem3A_498, %lt3A_501 : i32
      %lt3A_503 = arith.constant 0 : i32
      %lt3A_504 = arith.cmpi slt, %select_n3A_497, %lt3A_503 : i32
      %ne3A_505 = arith.xori %lt3A_502, %lt3A_504 : i1
      %and3A_506 = arith.andi %ne3A_505, %ne3A_500 : i1
      %add3A_507 = arith.addi %rem3A_498, %select_n3A_497 : i32
      %select_n3A_508 = arith.select %and3A_506, %add3A_507, %rem3A_498 : i32
      %dma_wait3A_509 = arith.constant 7 : i32
      %dma_wait3A_510 = arith.constant 0 : i32
      %dma_wait3A_511 = tpu.memref_slice %arg6[%select_n3A_508, %dma_wait3A_509, %dma_wait3A_510] : memref<2x8x128xi32, #tpu.memory_space<vmem>> -> memref<1x1x128xi32, #tpu.memory_space<vmem>>
      %dma_wait3A_512 = tpu.memref_squeeze %dma_wait3A_511 : memref<1x1x128xi32, #tpu.memory_space<vmem>> -> memref<128xi32, #tpu.memory_space<vmem>>
      %dma_wait3A_513 = arith.constant 0 : i32
      %dma_wait3A_514 = arith.constant 0 : i32
      %dma_wait3A_515 = tpu.memref_slice %arg2[%dma_wait3A_513, %dma_wait3A_514] : memref<10000x128xf32, #tpu.memory_space<hbm>> -> memref<10000x128xf32, #tpu.memory_space<hbm>>
      tpu.wait_indirect_dma semaphore(%arg12 : memref<!tpu.dma_semaphore, #tpu.memory_space<semaphore_mem>>) src(%dma_wait3A_515 : memref<10000x128xf32, #tpu.memory_space<hbm>>) dst(%arg9 : memref<128x128xf32, #tpu.memory_space<vmem>>)
      %jit3A_516 = arith.constant 2 : i32
      %eq3A_517 = arith.constant 0 : i32
      %eq3A_518 = arith.cmpi eq, %jit3A_516, %eq3A_517 : i32
      %jit3A_519 = arith.constant 1 : i32
      %select_n3A_520 = arith.select %eq3A_518, %jit3A_519, %jit3A_516 : i32
      %rem3A_521 = arith.remsi %while3A_45, %select_n3A_520 : i32
      %ne3A_522 = arith.constant 0 : i32
      %ne3A_523 = arith.cmpi ne, %rem3A_521, %ne3A_522 : i32
      %lt3A_524 = arith.constant 0 : i32
      %lt3A_525 = arith.cmpi slt, %rem3A_521, %lt3A_524 : i32
      %lt3A_526 = arith.constant 0 : i32
      %lt3A_527 = arith.cmpi slt, %select_n3A_520, %lt3A_526 : i32
      %ne3A_528 = arith.xori %lt3A_525, %lt3A_527 : i1
      %and3A_529 = arith.andi %ne3A_528, %ne3A_523 : i1
      %add3A_530 = arith.addi %rem3A_521, %select_n3A_520 : i32
      %select_n3A_531 = arith.select %and3A_529, %add3A_530, %rem3A_521 : i32
      %run_scoped3A_532 = arith.constant 7 : i32
      "tpu.region"() ({
        %run_scoped3A_534 = tpu.sem_alloc : memref<!tpu.dma_semaphore, #tpu.memory_space<semaphore_mem>>
        %dma_start3A_535 = arith.constant 0 : i32
        %dma_start3A_536 = tpu.memref_slice %arg7[%select_n3A_531, %run_scoped3A_532, %dma_start3A_535] : memref<2x8x128xi32, #tpu.memory_space<vmem>> -> memref<1x1x128xi32, #tpu.memory_space<vmem>>
        %dma_start3A_537 = tpu.memref_squeeze %dma_start3A_536 : memref<1x1x128xi32, #tpu.memory_space<vmem>> -> memref<128xi32, #tpu.memory_space<vmem>>
        %dma_start3A_538 = arith.constant 0 : i32
        %dma_start3A_539 = arith.constant 0 : i32
        %dma_start3A_540 = tpu.memref_slice %arg10[%dma_start3A_538, %dma_start3A_539] : memref<10240x128xf32, #tpu.memory_space<vmem_shared>> -> memref<10240x128xf32, #tpu.memory_space<vmem_shared>>
        tpu.enqueue_indirect_dma source(%arg9 : memref<128x128xf32, #tpu.memory_space<vmem>>) target(%dma_start3A_540 : memref<10240x128xf32, #tpu.memory_space<vmem_shared>>) offsets(%dma_start3A_537 : memref<128xi32, #tpu.memory_space<vmem>>) semaphore(%run_scoped3A_534 : memref<!tpu.dma_semaphore, #tpu.memory_space<semaphore_mem>>) {add = true}
        %dma_wait3A_541 = arith.constant 0 : i32
        %dma_wait3A_542 = tpu.memref_slice %arg7[%select_n3A_531, %run_scoped3A_532, %dma_wait3A_541] : memref<2x8x128xi32, #tpu.memory_space<vmem>> -> memref<1x1x128xi32, #tpu.memory_space<vmem>>
        %dma_wait3A_543 = tpu.memref_squeeze %dma_wait3A_542 : memref<1x1x128xi32, #tpu.memory_space<vmem>> -> memref<128xi32, #tpu.memory_space<vmem>>
        %dma_wait3A_544 = arith.constant 0 : i32
        %dma_wait3A_545 = arith.constant 0 : i32
        %dma_wait3A_546 = tpu.memref_slice %arg10[%dma_wait3A_544, %dma_wait3A_545] : memref<10240x128xf32, #tpu.memory_space<vmem_shared>> -> memref<10240x128xf32, #tpu.memory_space<vmem_shared>>
        tpu.wait_indirect_dma semaphore(%run_scoped3A_534 : memref<!tpu.dma_semaphore, #tpu.memory_space<semaphore_mem>>) src(%arg9 : memref<128x128xf32, #tpu.memory_space<vmem>>) dst(%dma_wait3A_546 : memref<10240x128xf32, #tpu.memory_space<vmem_shared>>)
        tpu.yield
      }) : () -> ()
      %while3A_533 = arith.constant 0 : i32
      scf.yield %while3A_533 : i32
    }
    %while3A_42 = arith.constant 1 : i32
    %while3A_43 = scf.for %while3A_45 = %while3A_39 to %while3A_35 step %while3A_42 iter_args(%while3A_46 = %while3A_41) -> (i32)  : i32 {
      %add3A_47 = arith.constant 1 : i32
      %add3A_48 = arith.addi %while3A_45, %add3A_47 : i32
      %lt3A = arith.cmpi slt, %add3A_48, %select_n3A : i32
      %convert_element_type3A_49 = arith.extui %lt3A : i1 to i32
      %cond3A_50 = arith.constant 0 : i32
      %cond3A_51 = arith.cmpi ne, %convert_element_type3A_49, %cond3A_50 : i32
      scf.if %cond3A_51 {
        %add3A_534 = arith.constant 1 : i32
        %add3A_535 = arith.addi %while3A_45, %add3A_534 : i32
        %mul3A_536 = arith.constant 8 : i32
        %mul3A_537 = arith.muli %add3A_535, %mul3A_536 : i32
        %add3A_538 = arith.addi %select_n3A_30, %mul3A_537 : i32
        %jit3A_539 = arith.constant 2 : i32
        %eq3A_540 = arith.constant 0 : i32
        %eq3A_541 = arith.cmpi eq, %jit3A_539, %eq3A_540 : i32
        %jit3A_542 = arith.constant 1 : i32
        %select_n3A_543 = arith.select %eq3A_541, %jit3A_542, %jit3A_539 : i32
        %rem3A_544 = arith.remsi %add3A_535, %select_n3A_543 : i32
        %ne3A_545 = arith.constant 0 : i32
        %ne3A_546 = arith.cmpi ne, %rem3A_544, %ne3A_545 : i32
        %lt3A_547 = arith.constant 0 : i32
        %lt3A_548 = arith.cmpi slt, %rem3A_544, %lt3A_547 : i32
        %lt3A_549 = arith.constant 0 : i32
        %lt3A_550 = arith.cmpi slt, %select_n3A_543, %lt3A_549 : i32
        %ne3A_551 = arith.xori %lt3A_548, %lt3A_550 : i1
        %and3A_552 = arith.andi %ne3A_551, %ne3A_546 : i1
        %add3A_553 = arith.addi %rem3A_544, %select_n3A_543 : i32
        %select_n3A_554 = arith.select %and3A_552, %add3A_553, %rem3A_544 : i32
        "tpu.region"() ({
          %run_scoped3A_571 = tpu.sem_alloc : memref<!tpu.dma_semaphore, #tpu.memory_space<semaphore_mem>>
          %dma_start3A_572 = arith.constant 0 : i32
          %dma_start3A_573 = arith.constant 0 : i32
          %dma_start3A_574 = tpu.memref_slice %arg6[%select_n3A_554, %dma_start3A_572, %dma_start3A_573] : memref<2x8x128xi32, #tpu.memory_space<vmem>> -> memref<1x8x128xi32, #tpu.memory_space<vmem>>
          %dma_start3A_575 = tpu.memref_squeeze %dma_start3A_574 : memref<1x8x128xi32, #tpu.memory_space<vmem>> -> memref<8x128xi32, #tpu.memory_space<vmem>>
          %dma_start3A_576 = arith.constant 0 : i32
          %dma_start3A_577 = tpu.memref_slice %arg3[%add3A_538, %dma_start3A_576] : memref<2560x128xi32, #tpu.memory_space<hbm>> -> memref<8x128xi32, #tpu.memory_space<hbm>>
          %dma_start3A_578 = arith.constant 0 : i32
          %dma_start3A_579 = arith.constant 0 : i32
          %dma_start3A_580 = tpu.memref_slice %arg6[%select_n3A_554, %dma_start3A_578, %dma_start3A_579] : memref<2x8x128xi32, #tpu.memory_space<vmem>> -> memref<1x8x128xi32, #tpu.memory_space<vmem>>
          %dma_start3A_581 = tpu.memref_squeeze %dma_start3A_580 : memref<1x8x128xi32, #tpu.memory_space<vmem>> -> memref<8x128xi32, #tpu.memory_space<vmem>>
          %dma_start3A_582 = arith.constant 0 : i32
          %dma_start3A_583 = tpu.memref_slice %arg3[%add3A_538, %dma_start3A_582] : memref<2560x128xi32, #tpu.memory_space<hbm>> -> memref<8x128xi32, #tpu.memory_space<hbm>>
          tpu.enqueue_dma source(%dma_start3A_583 : memref<8x128xi32, #tpu.memory_space<hbm>>) target(%dma_start3A_581 : memref<8x128xi32, #tpu.memory_space<vmem>>) target_semaphore(%run_scoped3A_571 : memref<!tpu.dma_semaphore, #tpu.memory_space<semaphore_mem>>)
          %dma_wait3A_584 = arith.constant 0 : i32
          %dma_wait3A_585 = arith.constant 0 : i32
          %dma_wait3A_586 = tpu.memref_slice %arg6[%select_n3A_554, %dma_wait3A_584, %dma_wait3A_585] : memref<2x8x128xi32, #tpu.memory_space<vmem>> -> memref<1x8x128xi32, #tpu.memory_space<vmem>>
          %dma_wait3A_587 = tpu.memref_squeeze %dma_wait3A_586 : memref<1x8x128xi32, #tpu.memory_space<vmem>> -> memref<8x128xi32, #tpu.memory_space<vmem>>
          %dma_wait3A_588 = arith.constant 0 : i32
          %dma_wait3A_589 = tpu.memref_slice %arg3[%add3A_538, %dma_wait3A_588] : memref<2560x128xi32, #tpu.memory_space<hbm>> -> memref<8x128xi32, #tpu.memory_space<hbm>>
          %dma_wait3A_590 = arith.constant 0 : i32
          %dma_wait3A_591 = arith.constant 0 : i32
          %dma_wait3A_592 = tpu.memref_slice %arg6[%select_n3A_554, %dma_wait3A_590, %dma_wait3A_591] : memref<2x8x128xi32, #tpu.memory_space<vmem>> -> memref<1x8x128xi32, #tpu.memory_space<vmem>>
          %dma_wait3A_593 = tpu.memref_squeeze %dma_wait3A_592 : memref<1x8x128xi32, #tpu.memory_space<vmem>> -> memref<8x128xi32, #tpu.memory_space<vmem>>
          %dma_wait3A_594 = arith.constant 0 : i32
          %dma_wait3A_595 = tpu.memref_slice %arg3[%add3A_538, %dma_wait3A_594] : memref<2560x128xi32, #tpu.memory_space<hbm>> -> memref<8x128xi32, #tpu.memory_space<hbm>>
          tpu.wait_dma2 semaphore(%run_scoped3A_571 : memref<!tpu.dma_semaphore, #tpu.memory_space<semaphore_mem>>) src(%dma_wait3A_595 : memref<8x128xi32, #tpu.memory_space<hbm>>) dst(%dma_wait3A_593 : memref<8x128xi32, #tpu.memory_space<vmem>>)
          tpu.yield
        }) : () -> ()
        %jit3A_555 = arith.constant 2 : i32
        %eq3A_556 = arith.constant 0 : i32
        %eq3A_557 = arith.cmpi eq, %jit3A_555, %eq3A_556 : i32
        %jit3A_558 = arith.constant 1 : i32
        %select_n3A_559 = arith.select %eq3A_557, %jit3A_558, %jit3A_555 : i32
        %rem3A_560 = arith.remsi %add3A_535, %select_n3A_559 : i32
        %ne3A_561 = arith.constant 0 : i32
        %ne3A_562 = arith.cmpi ne, %rem3A_560, %ne3A_561 : i32
        %lt3A_563 = arith.constant 0 : i32
        %lt3A_564 = arith.cmpi slt, %rem3A_560, %lt3A_563 : i32
        %lt3A_565 = arith.constant 0 : i32
        %lt3A_566 = arith.cmpi slt, %select_n3A_559, %lt3A_565 : i32
        %ne3A_567 = arith.xori %lt3A_564, %lt3A_566 : i1
        %and3A_568 = arith.andi %ne3A_567, %ne3A_562 : i1
        %add3A_569 = arith.addi %rem3A_560, %select_n3A_559 : i32
        %select_n3A_570 = arith.select %and3A_568, %add3A_569, %rem3A_560 : i32
        "tpu.region"() ({
          %run_scoped3A_571 = tpu.sem_alloc : memref<!tpu.dma_semaphore, #tpu.memory_space<semaphore_mem>>
          %dma_start3A_572 = arith.constant 0 : i32
          %dma_start3A_573 = arith.constant 0 : i32
          %dma_start3A_574 = tpu.memref_slice %arg7[%select_n3A_570, %dma_start3A_572, %dma_start3A_573] : memref<2x8x128xi32, #tpu.memory_space<vmem>> -> memref<1x8x128xi32, #tpu.memory_space<vmem>>
          %dma_start3A_575 = tpu.memref_squeeze %dma_start3A_574 : memref<1x8x128xi32, #tpu.memory_space<vmem>> -> memref<8x128xi32, #tpu.memory_space<vmem>>
          %dma_start3A_576 = arith.constant 0 : i32
          %dma_start3A_577 = tpu.memref_slice %arg4[%add3A_538, %dma_start3A_576] : memref<2560x128xi32, #tpu.memory_space<hbm>> -> memref<8x128xi32, #tpu.memory_space<hbm>>
          %dma_start3A_578 = arith.constant 0 : i32
          %dma_start3A_579 = arith.constant 0 : i32
          %dma_start3A_580 = tpu.memref_slice %arg7[%select_n3A_570, %dma_start3A_578, %dma_start3A_579] : memref<2x8x128xi32, #tpu.memory_space<vmem>> -> memref<1x8x128xi32, #tpu.memory_space<vmem>>
          %dma_start3A_581 = tpu.memref_squeeze %dma_start3A_580 : memref<1x8x128xi32, #tpu.memory_space<vmem>> -> memref<8x128xi32, #tpu.memory_space<vmem>>
          %dma_start3A_582 = arith.constant 0 : i32
          %dma_start3A_583 = tpu.memref_slice %arg4[%add3A_538, %dma_start3A_582] : memref<2560x128xi32, #tpu.memory_space<hbm>> -> memref<8x128xi32, #tpu.memory_space<hbm>>
          tpu.enqueue_dma source(%dma_start3A_583 : memref<8x128xi32, #tpu.memory_space<hbm>>) target(%dma_start3A_581 : memref<8x128xi32, #tpu.memory_space<vmem>>) target_semaphore(%run_scoped3A_571 : memref<!tpu.dma_semaphore, #tpu.memory_space<semaphore_mem>>)
          %dma_wait3A_584 = arith.constant 0 : i32
          %dma_wait3A_585 = arith.constant 0 : i32
          %dma_wait3A_586 = tpu.memref_slice %arg7[%select_n3A_570, %dma_wait3A_584, %dma_wait3A_585] : memref<2x8x128xi32, #tpu.memory_space<vmem>> -> memref<1x8x128xi32, #tpu.memory_space<vmem>>
          %dma_wait3A_587 = tpu.memref_squeeze %dma_wait3A_586 : memref<1x8x128xi32, #tpu.memory_space<vmem>> -> memref<8x128xi32, #tpu.memory_space<vmem>>
          %dma_wait3A_588 = arith.constant 0 : i32
          %dma_wait3A_589 = tpu.memref_slice %arg4[%add3A_538, %dma_wait3A_588] : memref<2560x128xi32, #tpu.memory_space<hbm>> -> memref<8x128xi32, #tpu.memory_space<hbm>>
          %dma_wait3A_590 = arith.constant 0 : i32
          %dma_wait3A_591 = arith.constant 0 : i32
          %dma_wait3A_592 = tpu.memref_slice %arg7[%select_n3A_570, %dma_wait3A_590, %dma_wait3A_591] : memref<2x8x128xi32, #tpu.memory_space<vmem>> -> memref<1x8x128xi32, #tpu.memory_space<vmem>>
          %dma_wait3A_593 = tpu.memref_squeeze %dma_wait3A_592 : memref<1x8x128xi32, #tpu.memory_space<vmem>> -> memref<8x128xi32, #tpu.memory_space<vmem>>
          %dma_wait3A_594 = arith.constant 0 : i32
          %dma_wait3A_595 = tpu.memref_slice %arg4[%add3A_538, %dma_wait3A_594] : memref<2560x128xi32, #tpu.memory_space<hbm>> -> memref<8x128xi32, #tpu.memory_space<hbm>>
          tpu.wait_dma2 semaphore(%run_scoped3A_571 : memref<!tpu.dma_semaphore, #tpu.memory_space<semaphore_mem>>) src(%dma_wait3A_595 : memref<8x128xi32, #tpu.memory_space<hbm>>) dst(%dma_wait3A_593 : memref<8x128xi32, #tpu.memory_space<vmem>>)
          tpu.yield
        }) : () -> ()
      } else {
      }
      %jit3A_52 = arith.constant 2 : i32
      %eq3A_53 = arith.constant 0 : i32
      %eq3A_54 = arith.cmpi eq, %jit3A_52, %eq3A_53 : i32
      %jit3A_55 = arith.constant 1 : i32
      %select_n3A_56 = arith.select %eq3A_54, %jit3A_55, %jit3A_52 : i32
      %rem3A = arith.remsi %while3A_45, %select_n3A_56 : i32
      %ne3A = arith.constant 0 : i32
      %ne3A_57 = arith.cmpi ne, %rem3A, %ne3A : i32
      %lt3A_58 = arith.constant 0 : i32
      %lt3A_59 = arith.cmpi slt, %rem3A, %lt3A_58 : i32
      %lt3A_60 = arith.constant 0 : i32
      %lt3A_61 = arith.cmpi slt, %select_n3A_56, %lt3A_60 : i32
      %ne3A_62 = arith.xori %lt3A_59, %lt3A_61 : i1
      %and3A = arith.andi %ne3A_62, %ne3A_57 : i1
      %add3A_63 = arith.addi %rem3A, %select_n3A_56 : i32
      %select_n3A_64 = arith.select %and3A, %add3A_63, %rem3A : i32
      %dma_start3A = arith.constant 1 : i32
      %dma_start3A_65 = arith.constant 0 : i32
      %dma_start3A_66 = tpu.memref_slice %arg6[%select_n3A_64, %dma_start3A, %dma_start3A_65] : memref<2x8x128xi32, #tpu.memory_space<vmem>> -> memref<1x1x128xi32, #tpu.memory_space<vmem>>
      %dma_start3A_67 = tpu.memref_squeeze %dma_start3A_66 : memref<1x1x128xi32, #tpu.memory_space<vmem>> -> memref<128xi32, #tpu.memory_space<vmem>>
      %dma_start3A_68 = arith.constant 0 : i32
      %dma_start3A_69 = arith.constant 0 : i32
      %dma_start3A_70 = tpu.memref_slice %arg2[%dma_start3A_68, %dma_start3A_69] : memref<10000x128xf32, #tpu.memory_space<hbm>> -> memref<10000x128xf32, #tpu.memory_space<hbm>>
      tpu.enqueue_indirect_dma source(%dma_start3A_70 : memref<10000x128xf32, #tpu.memory_space<hbm>>) target(%arg9 : memref<128x128xf32, #tpu.memory_space<vmem>>) offsets(%dma_start3A_67 : memref<128xi32, #tpu.memory_space<vmem>>) semaphore(%arg12 : memref<!tpu.dma_semaphore, #tpu.memory_space<semaphore_mem>>)
      %jit3A_71 = arith.constant 2 : i32
      %eq3A_72 = arith.constant 0 : i32
      %eq3A_73 = arith.cmpi eq, %jit3A_71, %eq3A_72 : i32
      %jit3A_74 = arith.constant 1 : i32
      %select_n3A_75 = arith.select %eq3A_73, %jit3A_74, %jit3A_71 : i32
      %rem3A_76 = arith.remsi %while3A_45, %select_n3A_75 : i32
      %ne3A_77 = arith.constant 0 : i32
      %ne3A_78 = arith.cmpi ne, %rem3A_76, %ne3A_77 : i32
      %lt3A_79 = arith.constant 0 : i32
      %lt3A_80 = arith.cmpi slt, %rem3A_76, %lt3A_79 : i32
      %lt3A_81 = arith.constant 0 : i32
      %lt3A_82 = arith.cmpi slt, %select_n3A_75, %lt3A_81 : i32
      %ne3A_83 = arith.xori %lt3A_80, %lt3A_82 : i1
      %and3A_84 = arith.andi %ne3A_83, %ne3A_78 : i1
      %add3A_85 = arith.addi %rem3A_76, %select_n3A_75 : i32
      %select_n3A_86 = arith.select %and3A_84, %add3A_85, %rem3A_76 : i32
      %dma_wait3A = arith.constant 0 : i32
      %dma_wait3A_87 = arith.constant 0 : i32
      %dma_wait3A_88 = tpu.memref_slice %arg6[%select_n3A_86, %dma_wait3A, %dma_wait3A_87] : memref<2x8x128xi32, #tpu.memory_space<vmem>> -> memref<1x1x128xi32, #tpu.memory_space<vmem>>
      %dma_wait3A_89 = tpu.memref_squeeze %dma_wait3A_88 : memref<1x1x128xi32, #tpu.memory_space<vmem>> -> memref<128xi32, #tpu.memory_space<vmem>>
      %dma_wait3A_90 = arith.constant 0 : i32
      %dma_wait3A_91 = arith.constant 0 : i32
      %dma_wait3A_92 = tpu.memref_slice %arg2[%dma_wait3A_90, %dma_wait3A_91] : memref<10000x128xf32, #tpu.memory_space<hbm>> -> memref<10000x128xf32, #tpu.memory_space<hbm>>
      tpu.wait_indirect_dma semaphore(%arg11 : memref<!tpu.dma_semaphore, #tpu.memory_space<semaphore_mem>>) src(%dma_wait3A_92 : memref<10000x128xf32, #tpu.memory_space<hbm>>) dst(%arg8 : memref<128x128xf32, #tpu.memory_space<vmem>>)
      %jit3A_93 = arith.constant 2 : i32
      %eq3A_94 = arith.constant 0 : i32
      %eq3A_95 = arith.cmpi eq, %jit3A_93, %eq3A_94 : i32
      %jit3A_96 = arith.constant 1 : i32
      %select_n3A_97 = arith.select %eq3A_95, %jit3A_96, %jit3A_93 : i32
      %rem3A_98 = arith.remsi %while3A_45, %select_n3A_97 : i32
      %ne3A_99 = arith.constant 0 : i32
      %ne3A_100 = arith.cmpi ne, %rem3A_98, %ne3A_99 : i32
      %lt3A_101 = arith.constant 0 : i32
      %lt3A_102 = arith.cmpi slt, %rem3A_98, %lt3A_101 : i32
      %lt3A_103 = arith.constant 0 : i32
      %lt3A_104 = arith.cmpi slt, %select_n3A_97, %lt3A_103 : i32
      %ne3A_105 = arith.xori %lt3A_102, %lt3A_104 : i1
      %and3A_106 = arith.andi %ne3A_105, %ne3A_100 : i1
      %add3A_107 = arith.addi %rem3A_98, %select_n3A_97 : i32
      %select_n3A_108 = arith.select %and3A_106, %add3A_107, %rem3A_98 : i32
      %run_scoped3A = arith.constant 0 : i32
      "tpu.region"() ({
        %run_scoped3A_534 = tpu.sem_alloc : memref<!tpu.dma_semaphore, #tpu.memory_space<semaphore_mem>>
        %dma_start3A_535 = arith.constant 0 : i32
        %dma_start3A_536 = tpu.memref_slice %arg7[%select_n3A_108, %run_scoped3A, %dma_start3A_535] : memref<2x8x128xi32, #tpu.memory_space<vmem>> -> memref<1x1x128xi32, #tpu.memory_space<vmem>>
        %dma_start3A_537 = tpu.memref_squeeze %dma_start3A_536 : memref<1x1x128xi32, #tpu.memory_space<vmem>> -> memref<128xi32, #tpu.memory_space<vmem>>
        %dma_start3A_538 = arith.constant 0 : i32
        %dma_start3A_539 = arith.constant 0 : i32
        %dma_start3A_540 = tpu.memref_slice %arg10[%dma_start3A_538, %dma_start3A_539] : memref<10240x128xf32, #tpu.memory_space<vmem_shared>> -> memref<10240x128xf32, #tpu.memory_space<vmem_shared>>
        tpu.enqueue_indirect_dma source(%arg8 : memref<128x128xf32, #tpu.memory_space<vmem>>) target(%dma_start3A_540 : memref<10240x128xf32, #tpu.memory_space<vmem_shared>>) offsets(%dma_start3A_537 : memref<128xi32, #tpu.memory_space<vmem>>) semaphore(%run_scoped3A_534 : memref<!tpu.dma_semaphore, #tpu.memory_space<semaphore_mem>>) {add = true}
        %dma_wait3A_541 = arith.constant 0 : i32
        %dma_wait3A_542 = tpu.memref_slice %arg7[%select_n3A_108, %run_scoped3A, %dma_wait3A_541] : memref<2x8x128xi32, #tpu.memory_space<vmem>> -> memref<1x1x128xi32, #tpu.memory_space<vmem>>
        %dma_wait3A_543 = tpu.memref_squeeze %dma_wait3A_542 : memref<1x1x128xi32, #tpu.memory_space<vmem>> -> memref<128xi32, #tpu.memory_space<vmem>>
        %dma_wait3A_544 = arith.constant 0 : i32
        %dma_wait3A_545 = arith.constant 0 : i32
        %dma_wait3A_546 = tpu.memref_slice %arg10[%dma_wait3A_544, %dma_wait3A_545] : memref<10240x128xf32, #tpu.memory_space<vmem_shared>> -> memref<10240x128xf32, #tpu.memory_space<vmem_shared>>
        tpu.wait_indirect_dma semaphore(%run_scoped3A_534 : memref<!tpu.dma_semaphore, #tpu.memory_space<semaphore_mem>>) src(%arg8 : memref<128x128xf32, #tpu.memory_space<vmem>>) dst(%dma_wait3A_546 : memref<10240x128xf32, #tpu.memory_space<vmem_shared>>)
        tpu.yield
      }) : () -> ()
      %jit3A_109 = arith.constant 2 : i32
      %eq3A_110 = arith.constant 0 : i32
      %eq3A_111 = arith.cmpi eq, %jit3A_109, %eq3A_110 : i32
      %jit3A_112 = arith.constant 1 : i32
      %select_n3A_113 = arith.select %eq3A_111, %jit3A_112, %jit3A_109 : i32
      %rem3A_114 = arith.remsi %while3A_45, %select_n3A_113 : i32
      %ne3A_115 = arith.constant 0 : i32
      %ne3A_116 = arith.cmpi ne, %rem3A_114, %ne3A_115 : i32
      %lt3A_117 = arith.constant 0 : i32
      %lt3A_118 = arith.cmpi slt, %rem3A_114, %lt3A_117 : i32
      %lt3A_119 = arith.constant 0 : i32
      %lt3A_120 = arith.cmpi slt, %select_n3A_113, %lt3A_119 : i32
      %ne3A_121 = arith.xori %lt3A_118, %lt3A_120 : i1
      %and3A_122 = arith.andi %ne3A_121, %ne3A_116 : i1
      %add3A_123 = arith.addi %rem3A_114, %select_n3A_113 : i32
      %select_n3A_124 = arith.select %and3A_122, %add3A_123, %rem3A_114 : i32
      %dma_start3A_125 = arith.constant 2 : i32
      %dma_start3A_126 = arith.constant 0 : i32
      %dma_start3A_127 = tpu.memref_slice %arg6[%select_n3A_124, %dma_start3A_125, %dma_start3A_126] : memref<2x8x128xi32, #tpu.memory_space<vmem>> -> memref<1x1x128xi32, #tpu.memory_space<vmem>>
      %dma_start3A_128 = tpu.memref_squeeze %dma_start3A_127 : memref<1x1x128xi32, #tpu.memory_space<vmem>> -> memref<128xi32, #tpu.memory_space<vmem>>
      %dma_start3A_129 = arith.constant 0 : i32
      %dma_start3A_130 = arith.constant 0 : i32
      %dma_start3A_131 = tpu.memref_slice %arg2[%dma_start3A_129, %dma_start3A_130] : memref<10000x128xf32, #tpu.memory_space<hbm>> -> memref<10000x128xf32, #tpu.memory_space<hbm>>
      tpu.enqueue_indirect_dma source(%dma_start3A_131 : memref<10000x128xf32, #tpu.memory_space<hbm>>) target(%arg8 : memref<128x128xf32, #tpu.memory_space<vmem>>) offsets(%dma_start3A_128 : memref<128xi32, #tpu.memory_space<vmem>>) semaphore(%arg11 : memref<!tpu.dma_semaphore, #tpu.memory_space<semaphore_mem>>)
      %jit3A_132 = arith.constant 2 : i32
      %eq3A_133 = arith.constant 0 : i32
      %eq3A_134 = arith.cmpi eq, %jit3A_132, %eq3A_133 : i32
      %jit3A_135 = arith.constant 1 : i32
      %select_n3A_136 = arith.select %eq3A_134, %jit3A_135, %jit3A_132 : i32
      %rem3A_137 = arith.remsi %while3A_45, %select_n3A_136 : i32
      %ne3A_138 = arith.constant 0 : i32
      %ne3A_139 = arith.cmpi ne, %rem3A_137, %ne3A_138 : i32
      %lt3A_140 = arith.constant 0 : i32
      %lt3A_141 = arith.cmpi slt, %rem3A_137, %lt3A_140 : i32
      %lt3A_142 = arith.constant 0 : i32
      %lt3A_143 = arith.cmpi slt, %select_n3A_136, %lt3A_142 : i32
      %ne3A_144 = arith.xori %lt3A_141, %lt3A_143 : i1
      %and3A_145 = arith.andi %ne3A_144, %ne3A_139 : i1
      %add3A_146 = arith.addi %rem3A_137, %select_n3A_136 : i32
      %select_n3A_147 = arith.select %and3A_145, %add3A_146, %rem3A_137 : i32
      %dma_wait3A_148 = arith.constant 1 : i32
      %dma_wait3A_149 = arith.constant 0 : i32
      %dma_wait3A_150 = tpu.memref_slice %arg6[%select_n3A_147, %dma_wait3A_148, %dma_wait3A_149] : memref<2x8x128xi32, #tpu.memory_space<vmem>> -> memref<1x1x128xi32, #tpu.memory_space<vmem>>
      %dma_wait3A_151 = tpu.memref_squeeze %dma_wait3A_150 : memref<1x1x128xi32, #tpu.memory_space<vmem>> -> memref<128xi32, #tpu.memory_space<vmem>>
      %dma_wait3A_152 = arith.constant 0 : i32
      %dma_wait3A_153 = arith.constant 0 : i32
      %dma_wait3A_154 = tpu.memref_slice %arg2[%dma_wait3A_152, %dma_wait3A_153] : memref<10000x128xf32, #tpu.memory_space<hbm>> -> memref<10000x128xf32, #tpu.memory_space<hbm>>
      tpu.wait_indirect_dma semaphore(%arg12 : memref<!tpu.dma_semaphore, #tpu.memory_space<semaphore_mem>>) src(%dma_wait3A_154 : memref<10000x128xf32, #tpu.memory_space<hbm>>) dst(%arg9 : memref<128x128xf32, #tpu.memory_space<vmem>>)
      %jit3A_155 = arith.constant 2 : i32
      %eq3A_156 = arith.constant 0 : i32
      %eq3A_157 = arith.cmpi eq, %jit3A_155, %eq3A_156 : i32
      %jit3A_158 = arith.constant 1 : i32
      %select_n3A_159 = arith.select %eq3A_157, %jit3A_158, %jit3A_155 : i32
      %rem3A_160 = arith.remsi %while3A_45, %select_n3A_159 : i32
      %ne3A_161 = arith.constant 0 : i32
      %ne3A_162 = arith.cmpi ne, %rem3A_160, %ne3A_161 : i32
      %lt3A_163 = arith.constant 0 : i32
      %lt3A_164 = arith.cmpi slt, %rem3A_160, %lt3A_163 : i32
      %lt3A_165 = arith.constant 0 : i32
      %lt3A_166 = arith.cmpi slt, %select_n3A_159, %lt3A_165 : i32
      %ne3A_167 = arith.xori %lt3A_164, %lt3A_166 : i1
      %and3A_168 = arith.andi %ne3A_167, %ne3A_162 : i1
      %add3A_169 = arith.addi %rem3A_160, %select_n3A_159 : i32
      %select_n3A_170 = arith.select %and3A_168, %add3A_169, %rem3A_160 : i32
      %run_scoped3A_171 = arith.constant 1 : i32
      "tpu.region"() ({
        %run_scoped3A_534 = tpu.sem_alloc : memref<!tpu.dma_semaphore, #tpu.memory_space<semaphore_mem>>
        %dma_start3A_535 = arith.constant 0 : i32
        %dma_start3A_536 = tpu.memref_slice %arg7[%select_n3A_170, %run_scoped3A_171, %dma_start3A_535] : memref<2x8x128xi32, #tpu.memory_space<vmem>> -> memref<1x1x128xi32, #tpu.memory_space<vmem>>
        %dma_start3A_537 = tpu.memref_squeeze %dma_start3A_536 : memref<1x1x128xi32, #tpu.memory_space<vmem>> -> memref<128xi32, #tpu.memory_space<vmem>>
        %dma_start3A_538 = arith.constant 0 : i32
        %dma_start3A_539 = arith.constant 0 : i32
        %dma_start3A_540 = tpu.memref_slice %arg10[%dma_start3A_538, %dma_start3A_539] : memref<10240x128xf32, #tpu.memory_space<vmem_shared>> -> memref<10240x128xf32, #tpu.memory_space<vmem_shared>>
        tpu.enqueue_indirect_dma source(%arg9 : memref<128x128xf32, #tpu.memory_space<vmem>>) target(%dma_start3A_540 : memref<10240x128xf32, #tpu.memory_space<vmem_shared>>) offsets(%dma_start3A_537 : memref<128xi32, #tpu.memory_space<vmem>>) semaphore(%run_scoped3A_534 : memref<!tpu.dma_semaphore, #tpu.memory_space<semaphore_mem>>) {add = true}
        %dma_wait3A_541 = arith.constant 0 : i32
        %dma_wait3A_542 = tpu.memref_slice %arg7[%select_n3A_170, %run_scoped3A_171, %dma_wait3A_541] : memref<2x8x128xi32, #tpu.memory_space<vmem>> -> memref<1x1x128xi32, #tpu.memory_space<vmem>>
        %dma_wait3A_543 = tpu.memref_squeeze %dma_wait3A_542 : memref<1x1x128xi32, #tpu.memory_space<vmem>> -> memref<128xi32, #tpu.memory_space<vmem>>
        %dma_wait3A_544 = arith.constant 0 : i32
        %dma_wait3A_545 = arith.constant 0 : i32
        %dma_wait3A_546 = tpu.memref_slice %arg10[%dma_wait3A_544, %dma_wait3A_545] : memref<10240x128xf32, #tpu.memory_space<vmem_shared>> -> memref<10240x128xf32, #tpu.memory_space<vmem_shared>>
        tpu.wait_indirect_dma semaphore(%run_scoped3A_534 : memref<!tpu.dma_semaphore, #tpu.memory_space<semaphore_mem>>) src(%arg9 : memref<128x128xf32, #tpu.memory_space<vmem>>) dst(%dma_wait3A_546 : memref<10240x128xf32, #tpu.memory_space<vmem_shared>>)
        tpu.yield
      }) : () -> ()
      %jit3A_172 = arith.constant 2 : i32
      %eq3A_173 = arith.constant 0 : i32
      %eq3A_174 = arith.cmpi eq, %jit3A_172, %eq3A_173 : i32
      %jit3A_175 = arith.constant 1 : i32
      %select_n3A_176 = arith.select %eq3A_174, %jit3A_175, %jit3A_172 : i32
      %rem3A_177 = arith.remsi %while3A_45, %select_n3A_176 : i32
      %ne3A_178 = arith.constant 0 : i32
      %ne3A_179 = arith.cmpi ne, %rem3A_177, %ne3A_178 : i32
      %lt3A_180 = arith.constant 0 : i32
      %lt3A_181 = arith.cmpi slt, %rem3A_177, %lt3A_180 : i32
      %lt3A_182 = arith.constant 0 : i32
      %lt3A_183 = arith.cmpi slt, %select_n3A_176, %lt3A_182 : i32
      %ne3A_184 = arith.xori %lt3A_181, %lt3A_183 : i1
      %and3A_185 = arith.andi %ne3A_184, %ne3A_179 : i1
      %add3A_186 = arith.addi %rem3A_177, %select_n3A_176 : i32
      %select_n3A_187 = arith.select %and3A_185, %add3A_186, %rem3A_177 : i32
      %dma_start3A_188 = arith.constant 3 : i32
      %dma_start3A_189 = arith.constant 0 : i32
      %dma_start3A_190 = tpu.memref_slice %arg6[%select_n3A_187, %dma_start3A_188, %dma_start3A_189] : memref<2x8x128xi32, #tpu.memory_space<vmem>> -> memref<1x1x128xi32, #tpu.memory_space<vmem>>
      %dma_start3A_191 = tpu.memref_squeeze %dma_start3A_190 : memref<1x1x128xi32, #tpu.memory_space<vmem>> -> memref<128xi32, #tpu.memory_space<vmem>>
      %dma_start3A_192 = arith.constant 0 : i32
      %dma_start3A_193 = arith.constant 0 : i32
      %dma_start3A_194 = tpu.memref_slice %arg2[%dma_start3A_192, %dma_start3A_193] : memref<10000x128xf32, #tpu.memory_space<hbm>> -> memref<10000x128xf32, #tpu.memory_space<hbm>>
      tpu.enqueue_indirect_dma source(%dma_start3A_194 : memref<10000x128xf32, #tpu.memory_space<hbm>>) target(%arg9 : memref<128x128xf32, #tpu.memory_space<vmem>>) offsets(%dma_start3A_191 : memref<128xi32, #tpu.memory_space<vmem>>) semaphore(%arg12 : memref<!tpu.dma_semaphore, #tpu.memory_space<semaphore_mem>>)
      %jit3A_195 = arith.constant 2 : i32
      %eq3A_196 = arith.constant 0 : i32
      %eq3A_197 = arith.cmpi eq, %jit3A_195, %eq3A_196 : i32
      %jit3A_198 = arith.constant 1 : i32
      %select_n3A_199 = arith.select %eq3A_197, %jit3A_198, %jit3A_195 : i32
      %rem3A_200 = arith.remsi %while3A_45, %select_n3A_199 : i32
      %ne3A_201 = arith.constant 0 : i32
      %ne3A_202 = arith.cmpi ne, %rem3A_200, %ne3A_201 : i32
      %lt3A_203 = arith.constant 0 : i32
      %lt3A_204 = arith.cmpi slt, %rem3A_200, %lt3A_203 : i32
      %lt3A_205 = arith.constant 0 : i32
      %lt3A_206 = arith.cmpi slt, %select_n3A_199, %lt3A_205 : i32
      %ne3A_207 = arith.xori %lt3A_204, %lt3A_206 : i1
      %and3A_208 = arith.andi %ne3A_207, %ne3A_202 : i1
      %add3A_209 = arith.addi %rem3A_200, %select_n3A_199 : i32
      %select_n3A_210 = arith.select %and3A_208, %add3A_209, %rem3A_200 : i32
      %dma_wait3A_211 = arith.constant 2 : i32
      %dma_wait3A_212 = arith.constant 0 : i32
      %dma_wait3A_213 = tpu.memref_slice %arg6[%select_n3A_210, %dma_wait3A_211, %dma_wait3A_212] : memref<2x8x128xi32, #tpu.memory_space<vmem>> -> memref<1x1x128xi32, #tpu.memory_space<vmem>>
      %dma_wait3A_214 = tpu.memref_squeeze %dma_wait3A_213 : memref<1x1x128xi32, #tpu.memory_space<vmem>> -> memref<128xi32, #tpu.memory_space<vmem>>
      %dma_wait3A_215 = arith.constant 0 : i32
      %dma_wait3A_216 = arith.constant 0 : i32
      %dma_wait3A_217 = tpu.memref_slice %arg2[%dma_wait3A_215, %dma_wait3A_216] : memref<10000x128xf32, #tpu.memory_space<hbm>> -> memref<10000x128xf32, #tpu.memory_space<hbm>>
      tpu.wait_indirect_dma semaphore(%arg11 : memref<!tpu.dma_semaphore, #tpu.memory_space<semaphore_mem>>) src(%dma_wait3A_217 : memref<10000x128xf32, #tpu.memory_space<hbm>>) dst(%arg8 : memref<128x128xf32, #tpu.memory_space<vmem>>)
      %jit3A_218 = arith.constant 2 : i32
      %eq3A_219 = arith.constant 0 : i32
      %eq3A_220 = arith.cmpi eq, %jit3A_218, %eq3A_219 : i32
      %jit3A_221 = arith.constant 1 : i32
      %select_n3A_222 = arith.select %eq3A_220, %jit3A_221, %jit3A_218 : i32
      %rem3A_223 = arith.remsi %while3A_45, %select_n3A_222 : i32
      %ne3A_224 = arith.constant 0 : i32
      %ne3A_225 = arith.cmpi ne, %rem3A_223, %ne3A_224 : i32
      %lt3A_226 = arith.constant 0 : i32
      %lt3A_227 = arith.cmpi slt, %rem3A_223, %lt3A_226 : i32
      %lt3A_228 = arith.constant 0 : i32
      %lt3A_229 = arith.cmpi slt, %select_n3A_222, %lt3A_228 : i32
      %ne3A_230 = arith.xori %lt3A_227, %lt3A_229 : i1
      %and3A_231 = arith.andi %ne3A_230, %ne3A_225 : i1
      %add3A_232 = arith.addi %rem3A_223, %select_n3A_222 : i32
      %select_n3A_233 = arith.select %and3A_231, %add3A_232, %rem3A_223 : i32
      %run_scoped3A_234 = arith.constant 2 : i32
      "tpu.region"() ({
        %run_scoped3A_534 = tpu.sem_alloc : memref<!tpu.dma_semaphore, #tpu.memory_space<semaphore_mem>>
        %dma_start3A_535 = arith.constant 0 : i32
        %dma_start3A_536 = tpu.memref_slice %arg7[%select_n3A_233, %run_scoped3A_234, %dma_start3A_535] : memref<2x8x128xi32, #tpu.memory_space<vmem>> -> memref<1x1x128xi32, #tpu.memory_space<vmem>>
        %dma_start3A_537 = tpu.memref_squeeze %dma_start3A_536 : memref<1x1x128xi32, #tpu.memory_space<vmem>> -> memref<128xi32, #tpu.memory_space<vmem>>
        %dma_start3A_538 = arith.constant 0 : i32
        %dma_start3A_539 = arith.constant 0 : i32
        %dma_start3A_540 = tpu.memref_slice %arg10[%dma_start3A_538, %dma_start3A_539] : memref<10240x128xf32, #tpu.memory_space<vmem_shared>> -> memref<10240x128xf32, #tpu.memory_space<vmem_shared>>
        tpu.enqueue_indirect_dma source(%arg8 : memref<128x128xf32, #tpu.memory_space<vmem>>) target(%dma_start3A_540 : memref<10240x128xf32, #tpu.memory_space<vmem_shared>>) offsets(%dma_start3A_537 : memref<128xi32, #tpu.memory_space<vmem>>) semaphore(%run_scoped3A_534 : memref<!tpu.dma_semaphore, #tpu.memory_space<semaphore_mem>>) {add = true}
        %dma_wait3A_541 = arith.constant 0 : i32
        %dma_wait3A_542 = tpu.memref_slice %arg7[%select_n3A_233, %run_scoped3A_234, %dma_wait3A_541] : memref<2x8x128xi32, #tpu.memory_space<vmem>> -> memref<1x1x128xi32, #tpu.memory_space<vmem>>
        %dma_wait3A_543 = tpu.memref_squeeze %dma_wait3A_542 : memref<1x1x128xi32, #tpu.memory_space<vmem>> -> memref<128xi32, #tpu.memory_space<vmem>>
        %dma_wait3A_544 = arith.constant 0 : i32
        %dma_wait3A_545 = arith.constant 0 : i32
        %dma_wait3A_546 = tpu.memref_slice %arg10[%dma_wait3A_544, %dma_wait3A_545] : memref<10240x128xf32, #tpu.memory_space<vmem_shared>> -> memref<10240x128xf32, #tpu.memory_space<vmem_shared>>
        tpu.wait_indirect_dma semaphore(%run_scoped3A_534 : memref<!tpu.dma_semaphore, #tpu.memory_space<semaphore_mem>>) src(%arg8 : memref<128x128xf32, #tpu.memory_space<vmem>>) dst(%dma_wait3A_546 : memref<10240x128xf32, #tpu.memory_space<vmem_shared>>)
        tpu.yield
      }) : () -> ()
      %jit3A_235 = arith.constant 2 : i32
      %eq3A_236 = arith.constant 0 : i32
      %eq3A_237 = arith.cmpi eq, %jit3A_235, %eq3A_236 : i32
      %jit3A_238 = arith.constant 1 : i32
      %select_n3A_239 = arith.select %eq3A_237, %jit3A_238, %jit3A_235 : i32
      %rem3A_240 = arith.remsi %while3A_45, %select_n3A_239 : i32
      %ne3A_241 = arith.constant 0 : i32
      %ne3A_242 = arith.cmpi ne, %rem3A_240, %ne3A_241 : i32
      %lt3A_243 = arith.constant 0 : i32
      %lt3A_244 = arith.cmpi slt, %rem3A_240, %lt3A_243 : i32
      %lt3A_245 = arith.constant 0 : i32
      %lt3A_246 = arith.cmpi slt, %select_n3A_239, %lt3A_245 : i32
      %ne3A_247 = arith.xori %lt3A_244, %lt3A_246 : i1
      %and3A_248 = arith.andi %ne3A_247, %ne3A_242 : i1
      %add3A_249 = arith.addi %rem3A_240, %select_n3A_239 : i32
      %select_n3A_250 = arith.select %and3A_248, %add3A_249, %rem3A_240 : i32
      %dma_start3A_251 = arith.constant 4 : i32
      %dma_start3A_252 = arith.constant 0 : i32
      %dma_start3A_253 = tpu.memref_slice %arg6[%select_n3A_250, %dma_start3A_251, %dma_start3A_252] : memref<2x8x128xi32, #tpu.memory_space<vmem>> -> memref<1x1x128xi32, #tpu.memory_space<vmem>>
      %dma_start3A_254 = tpu.memref_squeeze %dma_start3A_253 : memref<1x1x128xi32, #tpu.memory_space<vmem>> -> memref<128xi32, #tpu.memory_space<vmem>>
      %dma_start3A_255 = arith.constant 0 : i32
      %dma_start3A_256 = arith.constant 0 : i32
      %dma_start3A_257 = tpu.memref_slice %arg2[%dma_start3A_255, %dma_start3A_256] : memref<10000x128xf32, #tpu.memory_space<hbm>> -> memref<10000x128xf32, #tpu.memory_space<hbm>>
      tpu.enqueue_indirect_dma source(%dma_start3A_257 : memref<10000x128xf32, #tpu.memory_space<hbm>>) target(%arg8 : memref<128x128xf32, #tpu.memory_space<vmem>>) offsets(%dma_start3A_254 : memref<128xi32, #tpu.memory_space<vmem>>) semaphore(%arg11 : memref<!tpu.dma_semaphore, #tpu.memory_space<semaphore_mem>>)
      %jit3A_258 = arith.constant 2 : i32
      %eq3A_259 = arith.constant 0 : i32
      %eq3A_260 = arith.cmpi eq, %jit3A_258, %eq3A_259 : i32
      %jit3A_261 = arith.constant 1 : i32
      %select_n3A_262 = arith.select %eq3A_260, %jit3A_261, %jit3A_258 : i32
      %rem3A_263 = arith.remsi %while3A_45, %select_n3A_262 : i32
      %ne3A_264 = arith.constant 0 : i32
      %ne3A_265 = arith.cmpi ne, %rem3A_263, %ne3A_264 : i32
      %lt3A_266 = arith.constant 0 : i32
      %lt3A_267 = arith.cmpi slt, %rem3A_263, %lt3A_266 : i32
      %lt3A_268 = arith.constant 0 : i32
      %lt3A_269 = arith.cmpi slt, %select_n3A_262, %lt3A_268 : i32
      %ne3A_270 = arith.xori %lt3A_267, %lt3A_269 : i1
      %and3A_271 = arith.andi %ne3A_270, %ne3A_265 : i1
      %add3A_272 = arith.addi %rem3A_263, %select_n3A_262 : i32
      %select_n3A_273 = arith.select %and3A_271, %add3A_272, %rem3A_263 : i32
      %dma_wait3A_274 = arith.constant 3 : i32
      %dma_wait3A_275 = arith.constant 0 : i32
      %dma_wait3A_276 = tpu.memref_slice %arg6[%select_n3A_273, %dma_wait3A_274, %dma_wait3A_275] : memref<2x8x128xi32, #tpu.memory_space<vmem>> -> memref<1x1x128xi32, #tpu.memory_space<vmem>>
      %dma_wait3A_277 = tpu.memref_squeeze %dma_wait3A_276 : memref<1x1x128xi32, #tpu.memory_space<vmem>> -> memref<128xi32, #tpu.memory_space<vmem>>
      %dma_wait3A_278 = arith.constant 0 : i32
      %dma_wait3A_279 = arith.constant 0 : i32
      %dma_wait3A_280 = tpu.memref_slice %arg2[%dma_wait3A_278, %dma_wait3A_279] : memref<10000x128xf32, #tpu.memory_space<hbm>> -> memref<10000x128xf32, #tpu.memory_space<hbm>>
      tpu.wait_indirect_dma semaphore(%arg12 : memref<!tpu.dma_semaphore, #tpu.memory_space<semaphore_mem>>) src(%dma_wait3A_280 : memref<10000x128xf32, #tpu.memory_space<hbm>>) dst(%arg9 : memref<128x128xf32, #tpu.memory_space<vmem>>)
      %jit3A_281 = arith.constant 2 : i32
      %eq3A_282 = arith.constant 0 : i32
      %eq3A_283 = arith.cmpi eq, %jit3A_281, %eq3A_282 : i32
      %jit3A_284 = arith.constant 1 : i32
      %select_n3A_285 = arith.select %eq3A_283, %jit3A_284, %jit3A_281 : i32
      %rem3A_286 = arith.remsi %while3A_45, %select_n3A_285 : i32
      %ne3A_287 = arith.constant 0 : i32
      %ne3A_288 = arith.cmpi ne, %rem3A_286, %ne3A_287 : i32
      %lt3A_289 = arith.constant 0 : i32
      %lt3A_290 = arith.cmpi slt, %rem3A_286, %lt3A_289 : i32
      %lt3A_291 = arith.constant 0 : i32
      %lt3A_292 = arith.cmpi slt, %select_n3A_285, %lt3A_291 : i32
      %ne3A_293 = arith.xori %lt3A_290, %lt3A_292 : i1
      %and3A_294 = arith.andi %ne3A_293, %ne3A_288 : i1
      %add3A_295 = arith.addi %rem3A_286, %select_n3A_285 : i32
      %select_n3A_296 = arith.select %and3A_294, %add3A_295, %rem3A_286 : i32
      %run_scoped3A_297 = arith.constant 3 : i32
      "tpu.region"() ({
        %run_scoped3A_534 = tpu.sem_alloc : memref<!tpu.dma_semaphore, #tpu.memory_space<semaphore_mem>>
        %dma_start3A_535 = arith.constant 0 : i32
        %dma_start3A_536 = tpu.memref_slice %arg7[%select_n3A_296, %run_scoped3A_297, %dma_start3A_535] : memref<2x8x128xi32, #tpu.memory_space<vmem>> -> memref<1x1x128xi32, #tpu.memory_space<vmem>>
        %dma_start3A_537 = tpu.memref_squeeze %dma_start3A_536 : memref<1x1x128xi32, #tpu.memory_space<vmem>> -> memref<128xi32, #tpu.memory_space<vmem>>
        %dma_start3A_538 = arith.constant 0 : i32
        %dma_start3A_539 = arith.constant 0 : i32
        %dma_start3A_540 = tpu.memref_slice %arg10[%dma_start3A_538, %dma_start3A_539] : memref<10240x128xf32, #tpu.memory_space<vmem_shared>> -> memref<10240x128xf32, #tpu.memory_space<vmem_shared>>
        tpu.enqueue_indirect_dma source(%arg9 : memref<128x128xf32, #tpu.memory_space<vmem>>) target(%dma_start3A_540 : memref<10240x128xf32, #tpu.memory_space<vmem_shared>>) offsets(%dma_start3A_537 : memref<128xi32, #tpu.memory_space<vmem>>) semaphore(%run_scoped3A_534 : memref<!tpu.dma_semaphore, #tpu.memory_space<semaphore_mem>>) {add = true}
        %dma_wait3A_541 = arith.constant 0 : i32
        %dma_wait3A_542 = tpu.memref_slice %arg7[%select_n3A_296, %run_scoped3A_297, %dma_wait3A_541] : memref<2x8x128xi32, #tpu.memory_space<vmem>> -> memref<1x1x128xi32, #tpu.memory_space<vmem>>
        %dma_wait3A_543 = tpu.memref_squeeze %dma_wait3A_542 : memref<1x1x128xi32, #tpu.memory_space<vmem>> -> memref<128xi32, #tpu.memory_space<vmem>>
        %dma_wait3A_544 = arith.constant 0 : i32
        %dma_wait3A_545 = arith.constant 0 : i32
        %dma_wait3A_546 = tpu.memref_slice %arg10[%dma_wait3A_544, %dma_wait3A_545] : memref<10240x128xf32, #tpu.memory_space<vmem_shared>> -> memref<10240x128xf32, #tpu.memory_space<vmem_shared>>
        tpu.wait_indirect_dma semaphore(%run_scoped3A_534 : memref<!tpu.dma_semaphore, #tpu.memory_space<semaphore_mem>>) src(%arg9 : memref<128x128xf32, #tpu.memory_space<vmem>>) dst(%dma_wait3A_546 : memref<10240x128xf32, #tpu.memory_space<vmem_shared>>)
        tpu.yield
      }) : () -> ()
      %jit3A_298 = arith.constant 2 : i32
      %eq3A_299 = arith.constant 0 : i32
      %eq3A_300 = arith.cmpi eq, %jit3A_298, %eq3A_299 : i32
      %jit3A_301 = arith.constant 1 : i32
      %select_n3A_302 = arith.select %eq3A_300, %jit3A_301, %jit3A_298 : i32
      %rem3A_303 = arith.remsi %while3A_45, %select_n3A_302 : i32
      %ne3A_304 = arith.constant 0 : i32
      %ne3A_305 = arith.cmpi ne, %rem3A_303, %ne3A_304 : i32
      %lt3A_306 = arith.constant 0 : i32
      %lt3A_307 = arith.cmpi slt, %rem3A_303, %lt3A_306 : i32
      %lt3A_308 = arith.constant 0 : i32
      %lt3A_309 = arith.cmpi slt, %select_n3A_302, %lt3A_308 : i32
      %ne3A_310 = arith.xori %lt3A_307, %lt3A_309 : i1
      %and3A_311 = arith.andi %ne3A_310, %ne3A_305 : i1
      %add3A_312 = arith.addi %rem3A_303, %select_n3A_302 : i32
      %select_n3A_313 = arith.select %and3A_311, %add3A_312, %rem3A_303 : i32
      %dma_start3A_314 = arith.constant 5 : i32
      %dma_start3A_315 = arith.constant 0 : i32
      %dma_start3A_316 = tpu.memref_slice %arg6[%select_n3A_313, %dma_start3A_314, %dma_start3A_315] : memref<2x8x128xi32, #tpu.memory_space<vmem>> -> memref<1x1x128xi32, #tpu.memory_space<vmem>>
      %dma_start3A_317 = tpu.memref_squeeze %dma_start3A_316 : memref<1x1x128xi32, #tpu.memory_space<vmem>> -> memref<128xi32, #tpu.memory_space<vmem>>
      %dma_start3A_318 = arith.constant 0 : i32
      %dma_start3A_319 = arith.constant 0 : i32
      %dma_start3A_320 = tpu.memref_slice %arg2[%dma_start3A_318, %dma_start3A_319] : memref<10000x128xf32, #tpu.memory_space<hbm>> -> memref<10000x128xf32, #tpu.memory_space<hbm>>
      tpu.enqueue_indirect_dma source(%dma_start3A_320 : memref<10000x128xf32, #tpu.memory_space<hbm>>) target(%arg9 : memref<128x128xf32, #tpu.memory_space<vmem>>) offsets(%dma_start3A_317 : memref<128xi32, #tpu.memory_space<vmem>>) semaphore(%arg12 : memref<!tpu.dma_semaphore, #tpu.memory_space<semaphore_mem>>)
      %jit3A_321 = arith.constant 2 : i32
      %eq3A_322 = arith.constant 0 : i32
      %eq3A_323 = arith.cmpi eq, %jit3A_321, %eq3A_322 : i32
      %jit3A_324 = arith.constant 1 : i32
      %select_n3A_325 = arith.select %eq3A_323, %jit3A_324, %jit3A_321 : i32
      %rem3A_326 = arith.remsi %while3A_45, %select_n3A_325 : i32
      %ne3A_327 = arith.constant 0 : i32
      %ne3A_328 = arith.cmpi ne, %rem3A_326, %ne3A_327 : i32
      %lt3A_329 = arith.constant 0 : i32
      %lt3A_330 = arith.cmpi slt, %rem3A_326, %lt3A_329 : i32
      %lt3A_331 = arith.constant 0 : i32
      %lt3A_332 = arith.cmpi slt, %select_n3A_325, %lt3A_331 : i32
      %ne3A_333 = arith.xori %lt3A_330, %lt3A_332 : i1
      %and3A_334 = arith.andi %ne3A_333, %ne3A_328 : i1
      %add3A_335 = arith.addi %rem3A_326, %select_n3A_325 : i32
      %select_n3A_336 = arith.select %and3A_334, %add3A_335, %rem3A_326 : i32
      %dma_wait3A_337 = arith.constant 4 : i32
      %dma_wait3A_338 = arith.constant 0 : i32
      %dma_wait3A_339 = tpu.memref_slice %arg6[%select_n3A_336, %dma_wait3A_337, %dma_wait3A_338] : memref<2x8x128xi32, #tpu.memory_space<vmem>> -> memref<1x1x128xi32, #tpu.memory_space<vmem>>
      %dma_wait3A_340 = tpu.memref_squeeze %dma_wait3A_339 : memref<1x1x128xi32, #tpu.memory_space<vmem>> -> memref<128xi32, #tpu.memory_space<vmem>>
      %dma_wait3A_341 = arith.constant 0 : i32
      %dma_wait3A_342 = arith.constant 0 : i32
      %dma_wait3A_343 = tpu.memref_slice %arg2[%dma_wait3A_341, %dma_wait3A_342] : memref<10000x128xf32, #tpu.memory_space<hbm>> -> memref<10000x128xf32, #tpu.memory_space<hbm>>
      tpu.wait_indirect_dma semaphore(%arg11 : memref<!tpu.dma_semaphore, #tpu.memory_space<semaphore_mem>>) src(%dma_wait3A_343 : memref<10000x128xf32, #tpu.memory_space<hbm>>) dst(%arg8 : memref<128x128xf32, #tpu.memory_space<vmem>>)
      %jit3A_344 = arith.constant 2 : i32
      %eq3A_345 = arith.constant 0 : i32
      %eq3A_346 = arith.cmpi eq, %jit3A_344, %eq3A_345 : i32
      %jit3A_347 = arith.constant 1 : i32
      %select_n3A_348 = arith.select %eq3A_346, %jit3A_347, %jit3A_344 : i32
      %rem3A_349 = arith.remsi %while3A_45, %select_n3A_348 : i32
      %ne3A_350 = arith.constant 0 : i32
      %ne3A_351 = arith.cmpi ne, %rem3A_349, %ne3A_350 : i32
      %lt3A_352 = arith.constant 0 : i32
      %lt3A_353 = arith.cmpi slt, %rem3A_349, %lt3A_352 : i32
      %lt3A_354 = arith.constant 0 : i32
      %lt3A_355 = arith.cmpi slt, %select_n3A_348, %lt3A_354 : i32
      %ne3A_356 = arith.xori %lt3A_353, %lt3A_355 : i1
      %and3A_357 = arith.andi %ne3A_356, %ne3A_351 : i1
      %add3A_358 = arith.addi %rem3A_349, %select_n3A_348 : i32
      %select_n3A_359 = arith.select %and3A_357, %add3A_358, %rem3A_349 : i32
      %run_scoped3A_360 = arith.constant 4 : i32
      "tpu.region"() ({
        %run_scoped3A_534 = tpu.sem_alloc : memref<!tpu.dma_semaphore, #tpu.memory_space<semaphore_mem>>
        %dma_start3A_535 = arith.constant 0 : i32
        %dma_start3A_536 = tpu.memref_slice %arg7[%select_n3A_359, %run_scoped3A_360, %dma_start3A_535] : memref<2x8x128xi32, #tpu.memory_space<vmem>> -> memref<1x1x128xi32, #tpu.memory_space<vmem>>
        %dma_start3A_537 = tpu.memref_squeeze %dma_start3A_536 : memref<1x1x128xi32, #tpu.memory_space<vmem>> -> memref<128xi32, #tpu.memory_space<vmem>>
        %dma_start3A_538 = arith.constant 0 : i32
        %dma_start3A_539 = arith.constant 0 : i32
        %dma_start3A_540 = tpu.memref_slice %arg10[%dma_start3A_538, %dma_start3A_539] : memref<10240x128xf32, #tpu.memory_space<vmem_shared>> -> memref<10240x128xf32, #tpu.memory_space<vmem_shared>>
        tpu.enqueue_indirect_dma source(%arg8 : memref<128x128xf32, #tpu.memory_space<vmem>>) target(%dma_start3A_540 : memref<10240x128xf32, #tpu.memory_space<vmem_shared>>) offsets(%dma_start3A_537 : memref<128xi32, #tpu.memory_space<vmem>>) semaphore(%run_scoped3A_534 : memref<!tpu.dma_semaphore, #tpu.memory_space<semaphore_mem>>) {add = true}
        %dma_wait3A_541 = arith.constant 0 : i32
        %dma_wait3A_542 = tpu.memref_slice %arg7[%select_n3A_359, %run_scoped3A_360, %dma_wait3A_541] : memref<2x8x128xi32, #tpu.memory_space<vmem>> -> memref<1x1x128xi32, #tpu.memory_space<vmem>>
        %dma_wait3A_543 = tpu.memref_squeeze %dma_wait3A_542 : memref<1x1x128xi32, #tpu.memory_space<vmem>> -> memref<128xi32, #tpu.memory_space<vmem>>
        %dma_wait3A_544 = arith.constant 0 : i32
        %dma_wait3A_545 = arith.constant 0 : i32
        %dma_wait3A_546 = tpu.memref_slice %arg10[%dma_wait3A_544, %dma_wait3A_545] : memref<10240x128xf32, #tpu.memory_space<vmem_shared>> -> memref<10240x128xf32, #tpu.memory_space<vmem_shared>>
        tpu.wait_indirect_dma semaphore(%run_scoped3A_534 : memref<!tpu.dma_semaphore, #tpu.memory_space<semaphore_mem>>) src(%arg8 : memref<128x128xf32, #tpu.memory_space<vmem>>) dst(%dma_wait3A_546 : memref<10240x128xf32, #tpu.memory_space<vmem_shared>>)
        tpu.yield
      }) : () -> ()
      %jit3A_361 = arith.constant 2 : i32
      %eq3A_362 = arith.constant 0 : i32
      %eq3A_363 = arith.cmpi eq, %jit3A_361, %eq3A_362 : i32
      %jit3A_364 = arith.constant 1 : i32
      %select_n3A_365 = arith.select %eq3A_363, %jit3A_364, %jit3A_361 : i32
      %rem3A_366 = arith.remsi %while3A_45, %select_n3A_365 : i32
      %ne3A_367 = arith.constant 0 : i32
      %ne3A_368 = arith.cmpi ne, %rem3A_366, %ne3A_367 : i32
      %lt3A_369 = arith.constant 0 : i32
      %lt3A_370 = arith.cmpi slt, %rem3A_366, %lt3A_369 : i32
      %lt3A_371 = arith.constant 0 : i32
      %lt3A_372 = arith.cmpi slt, %select_n3A_365, %lt3A_371 : i32
      %ne3A_373 = arith.xori %lt3A_370, %lt3A_372 : i1
      %and3A_374 = arith.andi %ne3A_373, %ne3A_368 : i1
      %add3A_375 = arith.addi %rem3A_366, %select_n3A_365 : i32
      %select_n3A_376 = arith.select %and3A_374, %add3A_375, %rem3A_366 : i32
      %dma_start3A_377 = arith.constant 6 : i32
      %dma_start3A_378 = arith.constant 0 : i32
      %dma_start3A_379 = tpu.memref_slice %arg6[%select_n3A_376, %dma_start3A_377, %dma_start3A_378] : memref<2x8x128xi32, #tpu.memory_space<vmem>> -> memref<1x1x128xi32, #tpu.memory_space<vmem>>
      %dma_start3A_380 = tpu.memref_squeeze %dma_start3A_379 : memref<1x1x128xi32, #tpu.memory_space<vmem>> -> memref<128xi32, #tpu.memory_space<vmem>>
      %dma_start3A_381 = arith.constant 0 : i32
      %dma_start3A_382 = arith.constant 0 : i32
      %dma_start3A_383 = tpu.memref_slice %arg2[%dma_start3A_381, %dma_start3A_382] : memref<10000x128xf32, #tpu.memory_space<hbm>> -> memref<10000x128xf32, #tpu.memory_space<hbm>>
      tpu.enqueue_indirect_dma source(%dma_start3A_383 : memref<10000x128xf32, #tpu.memory_space<hbm>>) target(%arg8 : memref<128x128xf32, #tpu.memory_space<vmem>>) offsets(%dma_start3A_380 : memref<128xi32, #tpu.memory_space<vmem>>) semaphore(%arg11 : memref<!tpu.dma_semaphore, #tpu.memory_space<semaphore_mem>>)
      %jit3A_384 = arith.constant 2 : i32
      %eq3A_385 = arith.constant 0 : i32
      %eq3A_386 = arith.cmpi eq, %jit3A_384, %eq3A_385 : i32
      %jit3A_387 = arith.constant 1 : i32
      %select_n3A_388 = arith.select %eq3A_386, %jit3A_387, %jit3A_384 : i32
      %rem3A_389 = arith.remsi %while3A_45, %select_n3A_388 : i32
      %ne3A_390 = arith.constant 0 : i32
      %ne3A_391 = arith.cmpi ne, %rem3A_389, %ne3A_390 : i32
      %lt3A_392 = arith.constant 0 : i32
      %lt3A_393 = arith.cmpi slt, %rem3A_389, %lt3A_392 : i32
      %lt3A_394 = arith.constant 0 : i32
      %lt3A_395 = arith.cmpi slt, %select_n3A_388, %lt3A_394 : i32
      %ne3A_396 = arith.xori %lt3A_393, %lt3A_395 : i1
      %and3A_397 = arith.andi %ne3A_396, %ne3A_391 : i1
      %add3A_398 = arith.addi %rem3A_389, %select_n3A_388 : i32
      %select_n3A_399 = arith.select %and3A_397, %add3A_398, %rem3A_389 : i32
      %dma_wait3A_400 = arith.constant 5 : i32
      %dma_wait3A_401 = arith.constant 0 : i32
      %dma_wait3A_402 = tpu.memref_slice %arg6[%select_n3A_399, %dma_wait3A_400, %dma_wait3A_401] : memref<2x8x128xi32, #tpu.memory_space<vmem>> -> memref<1x1x128xi32, #tpu.memory_space<vmem>>
      %dma_wait3A_403 = tpu.memref_squeeze %dma_wait3A_402 : memref<1x1x128xi32, #tpu.memory_space<vmem>> -> memref<128xi32, #tpu.memory_space<vmem>>
      %dma_wait3A_404 = arith.constant 0 : i32
      %dma_wait3A_405 = arith.constant 0 : i32
      %dma_wait3A_406 = tpu.memref_slice %arg2[%dma_wait3A_404, %dma_wait3A_405] : memref<10000x128xf32, #tpu.memory_space<hbm>> -> memref<10000x128xf32, #tpu.memory_space<hbm>>
      tpu.wait_indirect_dma semaphore(%arg12 : memref<!tpu.dma_semaphore, #tpu.memory_space<semaphore_mem>>) src(%dma_wait3A_406 : memref<10000x128xf32, #tpu.memory_space<hbm>>) dst(%arg9 : memref<128x128xf32, #tpu.memory_space<vmem>>)
      %jit3A_407 = arith.constant 2 : i32
      %eq3A_408 = arith.constant 0 : i32
      %eq3A_409 = arith.cmpi eq, %jit3A_407, %eq3A_408 : i32
      %jit3A_410 = arith.constant 1 : i32
      %select_n3A_411 = arith.select %eq3A_409, %jit3A_410, %jit3A_407 : i32
      %rem3A_412 = arith.remsi %while3A_45, %select_n3A_411 : i32
      %ne3A_413 = arith.constant 0 : i32
      %ne3A_414 = arith.cmpi ne, %rem3A_412, %ne3A_413 : i32
      %lt3A_415 = arith.constant 0 : i32
      %lt3A_416 = arith.cmpi slt, %rem3A_412, %lt3A_415 : i32
      %lt3A_417 = arith.constant 0 : i32
      %lt3A_418 = arith.cmpi slt, %select_n3A_411, %lt3A_417 : i32
      %ne3A_419 = arith.xori %lt3A_416, %lt3A_418 : i1
      %and3A_420 = arith.andi %ne3A_419, %ne3A_414 : i1
      %add3A_421 = arith.addi %rem3A_412, %select_n3A_411 : i32
      %select_n3A_422 = arith.select %and3A_420, %add3A_421, %rem3A_412 : i32
      %run_scoped3A_423 = arith.constant 5 : i32
      "tpu.region"() ({
        %run_scoped3A_534 = tpu.sem_alloc : memref<!tpu.dma_semaphore, #tpu.memory_space<semaphore_mem>>
        %dma_start3A_535 = arith.constant 0 : i32
        %dma_start3A_536 = tpu.memref_slice %arg7[%select_n3A_422, %run_scoped3A_423, %dma_start3A_535] : memref<2x8x128xi32, #tpu.memory_space<vmem>> -> memref<1x1x128xi32, #tpu.memory_space<vmem>>
        %dma_start3A_537 = tpu.memref_squeeze %dma_start3A_536 : memref<1x1x128xi32, #tpu.memory_space<vmem>> -> memref<128xi32, #tpu.memory_space<vmem>>
        %dma_start3A_538 = arith.constant 0 : i32
        %dma_start3A_539 = arith.constant 0 : i32
        %dma_start3A_540 = tpu.memref_slice %arg10[%dma_start3A_538, %dma_start3A_539] : memref<10240x128xf32, #tpu.memory_space<vmem_shared>> -> memref<10240x128xf32, #tpu.memory_space<vmem_shared>>
        tpu.enqueue_indirect_dma source(%arg9 : memref<128x128xf32, #tpu.memory_space<vmem>>) target(%dma_start3A_540 : memref<10240x128xf32, #tpu.memory_space<vmem_shared>>) offsets(%dma_start3A_537 : memref<128xi32, #tpu.memory_space<vmem>>) semaphore(%run_scoped3A_534 : memref<!tpu.dma_semaphore, #tpu.memory_space<semaphore_mem>>) {add = true}
        %dma_wait3A_541 = arith.constant 0 : i32
        %dma_wait3A_542 = tpu.memref_slice %arg7[%select_n3A_422, %run_scoped3A_423, %dma_wait3A_541] : memref<2x8x128xi32, #tpu.memory_space<vmem>> -> memref<1x1x128xi32, #tpu.memory_space<vmem>>
        %dma_wait3A_543 = tpu.memref_squeeze %dma_wait3A_542 : memref<1x1x128xi32, #tpu.memory_space<vmem>> -> memref<128xi32, #tpu.memory_space<vmem>>
        %dma_wait3A_544 = arith.constant 0 : i32
        %dma_wait3A_545 = arith.constant 0 : i32
        %dma_wait3A_546 = tpu.memref_slice %arg10[%dma_wait3A_544, %dma_wait3A_545] : memref<10240x128xf32, #tpu.memory_space<vmem_shared>> -> memref<10240x128xf32, #tpu.memory_space<vmem_shared>>
        tpu.wait_indirect_dma semaphore(%run_scoped3A_534 : memref<!tpu.dma_semaphore, #tpu.memory_space<semaphore_mem>>) src(%arg9 : memref<128x128xf32, #tpu.memory_space<vmem>>) dst(%dma_wait3A_546 : memref<10240x128xf32, #tpu.memory_space<vmem_shared>>)
        tpu.yield
      }) : () -> ()
      %jit3A_424 = arith.constant 2 : i32
      %eq3A_425 = arith.constant 0 : i32
      %eq3A_426 = arith.cmpi eq, %jit3A_424, %eq3A_425 : i32
      %jit3A_427 = arith.constant 1 : i32
      %select_n3A_428 = arith.select %eq3A_426, %jit3A_427, %jit3A_424 : i32
      %rem3A_429 = arith.remsi %while3A_45, %select_n3A_428 : i32
      %ne3A_430 = arith.constant 0 : i32
      %ne3A_431 = arith.cmpi ne, %rem3A_429, %ne3A_430 : i32
      %lt3A_432 = arith.constant 0 : i32
      %lt3A_433 = arith.cmpi slt, %rem3A_429, %lt3A_432 : i32
      %lt3A_434 = arith.constant 0 : i32
      %lt3A_435 = arith.cmpi slt, %select_n3A_428, %lt3A_434 : i32
      %ne3A_436 = arith.xori %lt3A_433, %lt3A_435 : i1
      %and3A_437 = arith.andi %ne3A_436, %ne3A_431 : i1
      %add3A_438 = arith.addi %rem3A_429, %select_n3A_428 : i32
      %select_n3A_439 = arith.select %and3A_437, %add3A_438, %rem3A_429 : i32
      %dma_start3A_440 = arith.constant 7 : i32
      %dma_start3A_441 = arith.constant 0 : i32
      %dma_start3A_442 = tpu.memref_slice %arg6[%select_n3A_439, %dma_start3A_440, %dma_start3A_441] : memref<2x8x128xi32, #tpu.memory_space<vmem>> -> memref<1x1x128xi32, #tpu.memory_space<vmem>>
      %dma_start3A_443 = tpu.memref_squeeze %dma_start3A_442 : memref<1x1x128xi32, #tpu.memory_space<vmem>> -> memref<128xi32, #tpu.memory_space<vmem>>
      %dma_start3A_444 = arith.constant 0 : i32
      %dma_start3A_445 = arith.constant 0 : i32
      %dma_start3A_446 = tpu.memref_slice %arg2[%dma_start3A_444, %dma_start3A_445] : memref<10000x128xf32, #tpu.memory_space<hbm>> -> memref<10000x128xf32, #tpu.memory_space<hbm>>
      tpu.enqueue_indirect_dma source(%dma_start3A_446 : memref<10000x128xf32, #tpu.memory_space<hbm>>) target(%arg9 : memref<128x128xf32, #tpu.memory_space<vmem>>) offsets(%dma_start3A_443 : memref<128xi32, #tpu.memory_space<vmem>>) semaphore(%arg12 : memref<!tpu.dma_semaphore, #tpu.memory_space<semaphore_mem>>)
      %jit3A_447 = arith.constant 2 : i32
      %eq3A_448 = arith.constant 0 : i32
      %eq3A_449 = arith.cmpi eq, %jit3A_447, %eq3A_448 : i32
      %jit3A_450 = arith.constant 1 : i32
      %select_n3A_451 = arith.select %eq3A_449, %jit3A_450, %jit3A_447 : i32
      %rem3A_452 = arith.remsi %while3A_45, %select_n3A_451 : i32
      %ne3A_453 = arith.constant 0 : i32
      %ne3A_454 = arith.cmpi ne, %rem3A_452, %ne3A_453 : i32
      %lt3A_455 = arith.constant 0 : i32
      %lt3A_456 = arith.cmpi slt, %rem3A_452, %lt3A_455 : i32
      %lt3A_457 = arith.constant 0 : i32
      %lt3A_458 = arith.cmpi slt, %select_n3A_451, %lt3A_457 : i32
      %ne3A_459 = arith.xori %lt3A_456, %lt3A_458 : i1
      %and3A_460 = arith.andi %ne3A_459, %ne3A_454 : i1
      %add3A_461 = arith.addi %rem3A_452, %select_n3A_451 : i32
      %select_n3A_462 = arith.select %and3A_460, %add3A_461, %rem3A_452 : i32
      %dma_wait3A_463 = arith.constant 6 : i32
      %dma_wait3A_464 = arith.constant 0 : i32
      %dma_wait3A_465 = tpu.memref_slice %arg6[%select_n3A_462, %dma_wait3A_463, %dma_wait3A_464] : memref<2x8x128xi32, #tpu.memory_space<vmem>> -> memref<1x1x128xi32, #tpu.memory_space<vmem>>
      %dma_wait3A_466 = tpu.memref_squeeze %dma_wait3A_465 : memref<1x1x128xi32, #tpu.memory_space<vmem>> -> memref<128xi32, #tpu.memory_space<vmem>>
      %dma_wait3A_467 = arith.constant 0 : i32
      %dma_wait3A_468 = arith.constant 0 : i32
      %dma_wait3A_469 = tpu.memref_slice %arg2[%dma_wait3A_467, %dma_wait3A_468] : memref<10000x128xf32, #tpu.memory_space<hbm>> -> memref<10000x128xf32, #tpu.memory_space<hbm>>
      tpu.wait_indirect_dma semaphore(%arg11 : memref<!tpu.dma_semaphore, #tpu.memory_space<semaphore_mem>>) src(%dma_wait3A_469 : memref<10000x128xf32, #tpu.memory_space<hbm>>) dst(%arg8 : memref<128x128xf32, #tpu.memory_space<vmem>>)
      %jit3A_470 = arith.constant 2 : i32
      %eq3A_471 = arith.constant 0 : i32
      %eq3A_472 = arith.cmpi eq, %jit3A_470, %eq3A_471 : i32
      %jit3A_473 = arith.constant 1 : i32
      %select_n3A_474 = arith.select %eq3A_472, %jit3A_473, %jit3A_470 : i32
      %rem3A_475 = arith.remsi %while3A_45, %select_n3A_474 : i32
      %ne3A_476 = arith.constant 0 : i32
      %ne3A_477 = arith.cmpi ne, %rem3A_475, %ne3A_476 : i32
      %lt3A_478 = arith.constant 0 : i32
      %lt3A_479 = arith.cmpi slt, %rem3A_475, %lt3A_478 : i32
      %lt3A_480 = arith.constant 0 : i32
      %lt3A_481 = arith.cmpi slt, %select_n3A_474, %lt3A_480 : i32
      %ne3A_482 = arith.xori %lt3A_479, %lt3A_481 : i1
      %and3A_483 = arith.andi %ne3A_482, %ne3A_477 : i1
      %add3A_484 = arith.addi %rem3A_475, %select_n3A_474 : i32
      %select_n3A_485 = arith.select %and3A_483, %add3A_484, %rem3A_475 : i32
      %run_scoped3A_486 = arith.constant 6 : i32
      "tpu.region"() ({
        %run_scoped3A_534 = tpu.sem_alloc : memref<!tpu.dma_semaphore, #tpu.memory_space<semaphore_mem>>
        %dma_start3A_535 = arith.constant 0 : i32
        %dma_start3A_536 = tpu.memref_slice %arg7[%select_n3A_485, %run_scoped3A_486, %dma_start3A_535] : memref<2x8x128xi32, #tpu.memory_space<vmem>> -> memref<1x1x128xi32, #tpu.memory_space<vmem>>
        %dma_start3A_537 = tpu.memref_squeeze %dma_start3A_536 : memref<1x1x128xi32, #tpu.memory_space<vmem>> -> memref<128xi32, #tpu.memory_space<vmem>>
        %dma_start3A_538 = arith.constant 0 : i32
        %dma_start3A_539 = arith.constant 0 : i32
        %dma_start3A_540 = tpu.memref_slice %arg10[%dma_start3A_538, %dma_start3A_539] : memref<10240x128xf32, #tpu.memory_space<vmem_shared>> -> memref<10240x128xf32, #tpu.memory_space<vmem_shared>>
        tpu.enqueue_indirect_dma source(%arg8 : memref<128x128xf32, #tpu.memory_space<vmem>>) target(%dma_start3A_540 : memref<10240x128xf32, #tpu.memory_space<vmem_shared>>) offsets(%dma_start3A_537 : memref<128xi32, #tpu.memory_space<vmem>>) semaphore(%run_scoped3A_534 : memref<!tpu.dma_semaphore, #tpu.memory_space<semaphore_mem>>) {add = true}
        %dma_wait3A_541 = arith.constant 0 : i32
        %dma_wait3A_542 = tpu.memref_slice %arg7[%select_n3A_485, %run_scoped3A_486, %dma_wait3A_541] : memref<2x8x128xi32, #tpu.memory_space<vmem>> -> memref<1x1x128xi32, #tpu.memory_space<vmem>>
        %dma_wait3A_543 = tpu.memref_squeeze %dma_wait3A_542 : memref<1x1x128xi32, #tpu.memory_space<vmem>> -> memref<128xi32, #tpu.memory_space<vmem>>
        %dma_wait3A_544 = arith.constant 0 : i32
        %dma_wait3A_545 = arith.constant 0 : i32
        %dma_wait3A_546 = tpu.memref_slice %arg10[%dma_wait3A_544, %dma_wait3A_545] : memref<10240x128xf32, #tpu.memory_space<vmem_shared>> -> memref<10240x128xf32, #tpu.memory_space<vmem_shared>>
        tpu.wait_indirect_dma semaphore(%run_scoped3A_534 : memref<!tpu.dma_semaphore, #tpu.memory_space<semaphore_mem>>) src(%arg8 : memref<128x128xf32, #tpu.memory_space<vmem>>) dst(%dma_wait3A_546 : memref<10240x128xf32, #tpu.memory_space<vmem_shared>>)
        tpu.yield
      }) : () -> ()
      %add3A_487 = arith.constant 1 : i32
      %add3A_488 = arith.addi %while3A_45, %add3A_487 : i32
      %lt3A_489 = arith.cmpi slt, %add3A_488, %select_n3A : i32
      %convert_element_type3A_490 = arith.extui %lt3A_489 : i1 to i32
      %cond3A_491 = arith.constant 0 : i32
      %cond3A_492 = arith.cmpi ne, %convert_element_type3A_490, %cond3A_491 : i32
      scf.if %cond3A_492 {
        %add3A_534 = arith.constant 1 : i32
        %add3A_535 = arith.addi %while3A_45, %add3A_534 : i32
        %jit3A_536 = arith.constant 2 : i32
        %eq3A_537 = arith.constant 0 : i32
        %eq3A_538 = arith.cmpi eq, %jit3A_536, %eq3A_537 : i32
        %jit3A_539 = arith.constant 1 : i32
        %select_n3A_540 = arith.select %eq3A_538, %jit3A_539, %jit3A_536 : i32
        %rem3A_541 = arith.remsi %add3A_535, %select_n3A_540 : i32
        %ne3A_542 = arith.constant 0 : i32
        %ne3A_543 = arith.cmpi ne, %rem3A_541, %ne3A_542 : i32
        %lt3A_544 = arith.constant 0 : i32
        %lt3A_545 = arith.cmpi slt, %rem3A_541, %lt3A_544 : i32
        %lt3A_546 = arith.constant 0 : i32
        %lt3A_547 = arith.cmpi slt, %select_n3A_540, %lt3A_546 : i32
        %ne3A_548 = arith.xori %lt3A_545, %lt3A_547 : i1
        %and3A_549 = arith.andi %ne3A_548, %ne3A_543 : i1
        %add3A_550 = arith.addi %rem3A_541, %select_n3A_540 : i32
        %select_n3A_551 = arith.select %and3A_549, %add3A_550, %rem3A_541 : i32
        %dma_start3A_552 = arith.constant 0 : i32
        %dma_start3A_553 = arith.constant 0 : i32
        %dma_start3A_554 = tpu.memref_slice %arg6[%select_n3A_551, %dma_start3A_552, %dma_start3A_553] : memref<2x8x128xi32, #tpu.memory_space<vmem>> -> memref<1x1x128xi32, #tpu.memory_space<vmem>>
        %dma_start3A_555 = tpu.memref_squeeze %dma_start3A_554 : memref<1x1x128xi32, #tpu.memory_space<vmem>> -> memref<128xi32, #tpu.memory_space<vmem>>
        %dma_start3A_556 = arith.constant 0 : i32
        %dma_start3A_557 = arith.constant 0 : i32
        %dma_start3A_558 = tpu.memref_slice %arg2[%dma_start3A_556, %dma_start3A_557] : memref<10000x128xf32, #tpu.memory_space<hbm>> -> memref<10000x128xf32, #tpu.memory_space<hbm>>
        tpu.enqueue_indirect_dma source(%dma_start3A_558 : memref<10000x128xf32, #tpu.memory_space<hbm>>) target(%arg8 : memref<128x128xf32, #tpu.memory_space<vmem>>) offsets(%dma_start3A_555 : memref<128xi32, #tpu.memory_space<vmem>>) semaphore(%arg11 : memref<!tpu.dma_semaphore, #tpu.memory_space<semaphore_mem>>)
      } else {
      }
      %jit3A_493 = arith.constant 2 : i32
      %eq3A_494 = arith.constant 0 : i32
      %eq3A_495 = arith.cmpi eq, %jit3A_493, %eq3A_494 : i32
      %jit3A_496 = arith.constant 1 : i32
      %select_n3A_497 = arith.select %eq3A_495, %jit3A_496, %jit3A_493 : i32
      %rem3A_498 = arith.remsi %while3A_45, %select_n3A_497 : i32
      %ne3A_499 = arith.constant 0 : i32
      %ne3A_500 = arith.cmpi ne, %rem3A_498, %ne3A_499 : i32
      %lt3A_501 = arith.constant 0 : i32
      %lt3A_502 = arith.cmpi slt, %rem3A_498, %lt3A_501 : i32
      %lt3A_503 = arith.constant 0 : i32
      %lt3A_504 = arith.cmpi slt, %select_n3A_497, %lt3A_503 : i32
      %ne3A_505 = arith.xori %lt3A_502, %lt3A_504 : i1
      %and3A_506 = arith.andi %ne3A_505, %ne3A_500 : i1
      %add3A_507 = arith.addi %rem3A_498, %select_n3A_497 : i32
      %select_n3A_508 = arith.select %and3A_506, %add3A_507, %rem3A_498 : i32
      %dma_wait3A_509 = arith.constant 7 : i32
      %dma_wait3A_510 = arith.constant 0 : i32
      %dma_wait3A_511 = tpu.memref_slice %arg6[%select_n3A_508, %dma_wait3A_509, %dma_wait3A_510] : memref<2x8x128xi32, #tpu.memory_space<vmem>> -> memref<1x1x128xi32, #tpu.memory_space<vmem>>
      %dma_wait3A_512 = tpu.memref_squeeze %dma_wait3A_511 : memref<1x1x128xi32, #tpu.memory_space<vmem>> -> memref<128xi32, #tpu.memory_space<vmem>>
      %dma_wait3A_513 = arith.constant 0 : i32
      %dma_wait3A_514 = arith.constant 0 : i32
      %dma_wait3A_515 = tpu.memref_slice %arg2[%dma_wait3A_513, %dma_wait3A_514] : memref<10000x128xf32, #tpu.memory_space<hbm>> -> memref<10000x128xf32, #tpu.memory_space<hbm>>
      tpu.wait_indirect_dma semaphore(%arg12 : memref<!tpu.dma_semaphore, #tpu.memory_space<semaphore_mem>>) src(%dma_wait3A_515 : memref<10000x128xf32, #tpu.memory_space<hbm>>) dst(%arg9 : memref<128x128xf32, #tpu.memory_space<vmem>>)
      %jit3A_516 = arith.constant 2 : i32
      %eq3A_517 = arith.constant 0 : i32
      %eq3A_518 = arith.cmpi eq, %jit3A_516, %eq3A_517 : i32
      %jit3A_519 = arith.constant 1 : i32
      %select_n3A_520 = arith.select %eq3A_518, %jit3A_519, %jit3A_516 : i32
      %rem3A_521 = arith.remsi %while3A_45, %select_n3A_520 : i32
      %ne3A_522 = arith.constant 0 : i32
      %ne3A_523 = arith.cmpi ne, %rem3A_521, %ne3A_522 : i32
      %lt3A_524 = arith.constant 0 : i32
      %lt3A_525 = arith.cmpi slt, %rem3A_521, %lt3A_524 : i32
      %lt3A_526 = arith.constant 0 : i32
      %lt3A_527 = arith.cmpi slt, %select_n3A_520, %lt3A_526 : i32
      %ne3A_528 = arith.xori %lt3A_525, %lt3A_527 : i1
      %and3A_529 = arith.andi %ne3A_528, %ne3A_523 : i1
      %add3A_530 = arith.addi %rem3A_521, %select_n3A_520 : i32
      %select_n3A_531 = arith.select %and3A_529, %add3A_530, %rem3A_521 : i32
      %run_scoped3A_532 = arith.constant 7 : i32
      "tpu.region"() ({
        %run_scoped3A_534 = tpu.sem_alloc : memref<!tpu.dma_semaphore, #tpu.memory_space<semaphore_mem>>
        %dma_start3A_535 = arith.constant 0 : i32
        %dma_start3A_536 = tpu.memref_slice %arg7[%select_n3A_531, %run_scoped3A_532, %dma_start3A_535] : memref<2x8x128xi32, #tpu.memory_space<vmem>> -> memref<1x1x128xi32, #tpu.memory_space<vmem>>
        %dma_start3A_537 = tpu.memref_squeeze %dma_start3A_536 : memref<1x1x128xi32, #tpu.memory_space<vmem>> -> memref<128xi32, #tpu.memory_space<vmem>>
        %dma_start3A_538 = arith.constant 0 : i32
        %dma_start3A_539 = arith.constant 0 : i32
        %dma_start3A_540 = tpu.memref_slice %arg10[%dma_start3A_538, %dma_start3A_539] : memref<10240x128xf32, #tpu.memory_space<vmem_shared>> -> memref<10240x128xf32, #tpu.memory_space<vmem_shared>>
        tpu.enqueue_indirect_dma source(%arg9 : memref<128x128xf32, #tpu.memory_space<vmem>>) target(%dma_start3A_540 : memref<10240x128xf32, #tpu.memory_space<vmem_shared>>) offsets(%dma_start3A_537 : memref<128xi32, #tpu.memory_space<vmem>>) semaphore(%run_scoped3A_534 : memref<!tpu.dma_semaphore, #tpu.memory_space<semaphore_mem>>) {add = true}
        %dma_wait3A_541 = arith.constant 0 : i32
        %dma_wait3A_542 = tpu.memref_slice %arg7[%select_n3A_531, %run_scoped3A_532, %dma_wait3A_541] : memref<2x8x128xi32, #tpu.memory_space<vmem>> -> memref<1x1x128xi32, #tpu.memory_space<vmem>>
        %dma_wait3A_543 = tpu.memref_squeeze %dma_wait3A_542 : memref<1x1x128xi32, #tpu.memory_space<vmem>> -> memref<128xi32, #tpu.memory_space<vmem>>
        %dma_wait3A_544 = arith.constant 0 : i32
        %dma_wait3A_545 = arith.constant 0 : i32
        %dma_wait3A_546 = tpu.memref_slice %arg10[%dma_wait3A_544, %dma_wait3A_545] : memref<10240x128xf32, #tpu.memory_space<vmem_shared>> -> memref<10240x128xf32, #tpu.memory_space<vmem_shared>>
        tpu.wait_indirect_dma semaphore(%run_scoped3A_534 : memref<!tpu.dma_semaphore, #tpu.memory_space<semaphore_mem>>) src(%arg9 : memref<128x128xf32, #tpu.memory_space<vmem>>) dst(%dma_wait3A_546 : memref<10240x128xf32, #tpu.memory_space<vmem_shared>>)
        tpu.yield
      }) : () -> ()
      %while3A_533 = arith.constant 0 : i32
      scf.yield %while3A_533 : i32
    }
    %barrier3A_44 = arith.constant 0 : index
    tpu.barrier barrier_id(%barrier3A_44)
    "tpu.region"() ({
      %run_scoped3A = tpu.sem_alloc : memref<!tpu.dma_semaphore, #tpu.memory_space<semaphore_mem>>
      %dma_start3A = arith.constant 0 : i32
      %dma_start3A_45 = tpu.memref_slice %arg5[%arg0, %mul3A_2, %dma_start3A] : memref<2x10240x128xf32, #tpu.memory_space<hbm>> -> memref<1x640x128xf32, #tpu.memory_space<hbm>>
      %dma_start3A_46 = tpu.memref_squeeze %dma_start3A_45 : memref<1x640x128xf32, #tpu.memory_space<hbm>> -> memref<640x128xf32, #tpu.memory_space<hbm>>
      %dma_start3A_47 = arith.constant 0 : i32
      %dma_start3A_48 = tpu.memref_slice %arg10[%mul3A_2, %dma_start3A_47] : memref<10240x128xf32, #tpu.memory_space<vmem_shared>> -> memref<640x128xf32, #tpu.memory_space<vmem_shared>>
      tpu.enqueue_dma source(%dma_start3A_48 : memref<640x128xf32, #tpu.memory_space<vmem_shared>>) target(%dma_start3A_46 : memref<640x128xf32, #tpu.memory_space<hbm>>) target_semaphore(%run_scoped3A : memref<!tpu.dma_semaphore, #tpu.memory_space<semaphore_mem>>)
      %dma_wait3A = arith.constant 0 : i32
      %dma_wait3A_49 = tpu.memref_slice %arg5[%arg0, %mul3A_2, %dma_wait3A] : memref<2x10240x128xf32, #tpu.memory_space<hbm>> -> memref<1x640x128xf32, #tpu.memory_space<hbm>>
      %dma_wait3A_50 = tpu.memref_squeeze %dma_wait3A_49 : memref<1x640x128xf32, #tpu.memory_space<hbm>> -> memref<640x128xf32, #tpu.memory_space<hbm>>
      %dma_wait3A_51 = arith.constant 0 : i32
      %dma_wait3A_52 = tpu.memref_slice %arg10[%mul3A_2, %dma_wait3A_51] : memref<10240x128xf32, #tpu.memory_space<vmem_shared>> -> memref<640x128xf32, #tpu.memory_space<vmem_shared>>
      tpu.wait_dma2 semaphore(%run_scoped3A : memref<!tpu.dma_semaphore, #tpu.memory_space<semaphore_mem>>) src(%dma_wait3A_52 : memref<640x128xf32, #tpu.memory_space<vmem_shared>>) dst(%dma_wait3A_50 : memref<640x128xf32, #tpu.memory_space<hbm>>)
      tpu.yield
    }) : () -> ()
    return
  }
}

#map = affine_map<(d0, d1) -> (0, 0)>
#map1 = affine_map<(d0, d1) -> (0, 0, 0)>
module attributes {stable_mosaic.version = 14 : i64} {
  func.func @body(%arg0: i32, %arg1: i32, %arg2: memref<10000x128xf32, #tpu.memory_space<hbm>>, %arg3: memref<2560x128xi32, #tpu.memory_space<hbm>>, %arg4: memref<2560x128xi32, #tpu.memory_space<hbm>>, %arg5: memref<2x10240x128xf32, #tpu.memory_space<hbm>>, %arg6: memref<2x8x128xi32, #tpu.memory_space<vmem>>, %arg7: memref<2x8x128xi32, #tpu.memory_space<vmem>>, %arg8: memref<128x128xf32, #tpu.memory_space<vmem>>, %arg9: memref<128x128xf32, #tpu.memory_space<vmem>>, %arg10: memref<10240x128xf32, #tpu.memory_space<vmem_shared>>, %arg11: memref<!tpu.dma_semaphore, #tpu.memory_space<semaphore_mem>>, %arg12: memref<!tpu.dma_semaphore, #tpu.memory_space<semaphore_mem>>) attributes {dimension_semantics = [#tpu.dimension_semantics<core_parallel>, #tpu.dimension_semantics<subcore_parallel>], iteration_bounds = array<i64: 2, 16>, scalar_prefetch = 0 : i64, scratch_operands = 7 : i64, tpu.core_type = #tpu.core_type<sc_vector_subcore>, window_params = [{transform_indices = #map}, {transform_indices = #map}, {transform_indices = #map}, {transform_indices = #map1}]} {
    %mul3A = arith.constant 2 : i32
    %mul3A_0 = arith.muli %arg1, %mul3A : i32
    %add3A = arith.addi %mul3A_0, %arg0 : i32
    %mul3A_1 = arith.constant 640 : i32
    %mul3A_2 = arith.muli %arg1, %mul3A_1 : i32
    %broadcast_in_dim3A = arith.constant 0.000000e+00 : f32
    %broadcast_in_dim3A_3 = vector.broadcast %broadcast_in_dim3A : f32 to vector<16xf32>
    %scan3A = arith.constant 0 : i32
    %scan3A_4 = arith.constant 0 : i32
    %scan3A_5 = arith.constant 128 : i32
    %scan3A_6 = arith.addi %scan3A_4, %scan3A_5 : i32
    %scan3A_7 = arith.constant 1 : i32
    %scan3A_8 = scf.for %scan3A_45 = %scan3A_4 to %scan3A_6 step %scan3A_7 iter_args(%scan3A_46 = %scan3A) -> (i32)  : i32 {
      %scan3A_47 = arith.constant 0 : i32
      %scan3A_48 = arith.constant 0 : i32
      %scan3A_49 = arith.constant 8 : i32
      %scan3A_50 = arith.addi %scan3A_48, %scan3A_49 : i32
      %scan3A_51 = arith.constant 1 : i32
      %scan3A_52 = scf.for %scan3A_54 = %scan3A_48 to %scan3A_50 step %scan3A_51 iter_args(%scan3A_55 = %scan3A_47) -> (i32)  : i32 {
        %mul3A_56 = arith.constant 16 : i32
        %mul3A_57 = arith.muli %scan3A_54, %mul3A_56 : i32
        %swap3A = arith.index_cast %scan3A_45 : i32 to index
        %swap3A_58 = arith.index_cast %mul3A_57 : i32 to index
        %swap3A_59 = tpu.vector_load %arg8[%swap3A, %swap3A_58] {strides = array<i32>} : memref<128x128xf32, #tpu.memory_space<vmem>>, vector<1x16xf32>,
        %swap3A_60 = vector.shape_cast %swap3A_59 : vector<1x16xf32> to vector<16xf32>
        %swap3A_61 = vector.shape_cast %broadcast_in_dim3A_3 : vector<16xf32> to vector<1x16xf32>
        tpu.vector_store %arg8[%swap3A, %swap3A_58], %swap3A_61 {strides = array<i32>} : memref<128x128xf32, #tpu.memory_space<vmem>>, vector<1x16xf32>,
        %scan3A_62 = arith.constant 0 : i32
        scf.yield %scan3A_62 : i32
      }
      %scan3A_53 = arith.constant 8 : i32
      scf.yield %scan3A_52 : i32
    }
    %scan3A_9 = arith.constant 128 : i32
    %add3A_10 = arith.constant 0 : i32
    %add3A_11 = arith.addi %mul3A_2, %add3A_10 : i32
    "tpu.region"() ({
      %run_scoped3A = tpu.sem_alloc : memref<!tpu.dma_semaphore, #tpu.memory_space<semaphore_mem>>
      %dma_start3A = arith.constant 0 : i32
      %dma_start3A_45 = tpu.memref_slice %arg10[%add3A_11, %dma_start3A] : memref<10240x128xf32, #tpu.memory_space<vmem_shared>> -> memref<128x128xf32, #tpu.memory_space<vmem_shared>>
      %dma_start3A_46 = arith.constant 0 : i32
      %dma_start3A_47 = tpu.memref_slice %arg10[%add3A_11, %dma_start3A_46] : memref<10240x128xf32, #tpu.memory_space<vmem_shared>> -> memref<128x128xf32, #tpu.memory_space<vmem_shared>>
      tpu.enqueue_dma source(%arg8 : memref<128x128xf32, #tpu.memory_space<vmem>>) target(%dma_start3A_47 : memref<128x128xf32, #tpu.memory_space<vmem_shared>>) target_semaphore(%run_scoped3A : memref<!tpu.dma_semaphore, #tpu.memory_space<semaphore_mem>>)
      %dma_wait3A = arith.constant 0 : i32
      %dma_wait3A_48 = tpu.memref_slice %arg10[%add3A_11, %dma_wait3A] : memref<10240x128xf32, #tpu.memory_space<vmem_shared>> -> memref<128x128xf32, #tpu.memory_space<vmem_shared>>
      %dma_wait3A_49 = arith.constant 0 : i32
      %dma_wait3A_50 = tpu.memref_slice %arg10[%add3A_11, %dma_wait3A_49] : memref<10240x128xf32, #tpu.memory_space<vmem_shared>> -> memref<128x128xf32, #tpu.memory_space<vmem_shared>>
      tpu.wait_dma2 semaphore(%run_scoped3A : memref<!tpu.dma_semaphore, #tpu.memory_space<semaphore_mem>>) src(%arg8 : memref<128x128xf32, #tpu.memory_space<vmem>>) dst(%dma_wait3A_50 : memref<128x128xf32, #tpu.memory_space<vmem_shared>>)
      tpu.yield
    }) : () -> ()
    %add3A_12 = arith.constant 128 : i32
    %add3A_13 = arith.addi %mul3A_2, %add3A_12 : i32
    "tpu.region"() ({
      %run_scoped3A = tpu.sem_alloc : memref<!tpu.dma_semaphore, #tpu.memory_space<semaphore_mem>>
      %dma_start3A = arith.constant 0 : i32
      %dma_start3A_45 = tpu.memref_slice %arg10[%add3A_13, %dma_start3A] : memref<10240x128xf32, #tpu.memory_space<vmem_shared>> -> memref<128x128xf32, #tpu.memory_space<vmem_shared>>
      %dma_start3A_46 = arith.constant 0 : i32
      %dma_start3A_47 = tpu.memref_slice %arg10[%add3A_13, %dma_start3A_46] : memref<10240x128xf32, #tpu.memory_space<vmem_shared>> -> memref<128x128xf32, #tpu.memory_space<vmem_shared>>
      tpu.enqueue_dma source(%arg8 : memref<128x128xf32, #tpu.memory_space<vmem>>) target(%dma_start3A_47 : memref<128x128xf32, #tpu.memory_space<vmem_shared>>) target_semaphore(%run_scoped3A : memref<!tpu.dma_semaphore, #tpu.memory_space<semaphore_mem>>)
      %dma_wait3A = arith.constant 0 : i32
      %dma_wait3A_48 = tpu.memref_slice %arg10[%add3A_13, %dma_wait3A] : memref<10240x128xf32, #tpu.memory_space<vmem_shared>> -> memref<128x128xf32, #tpu.memory_space<vmem_shared>>
      %dma_wait3A_49 = arith.constant 0 : i32
      %dma_wait3A_50 = tpu.memref_slice %arg10[%add3A_13, %dma_wait3A_49] : memref<10240x128xf32, #tpu.memory_space<vmem_shared>> -> memref<128x128xf32, #tpu.memory_space<vmem_shared>>
      tpu.wait_dma2 semaphore(%run_scoped3A : memref<!tpu.dma_semaphore, #tpu.memory_space<semaphore_mem>>) src(%arg8 : memref<128x128xf32, #tpu.memory_space<vmem>>) dst(%dma_wait3A_50 : memref<128x128xf32, #tpu.memory_space<vmem_shared>>)
      tpu.yield
    }) : () -> ()
    %add3A_14 = arith.constant 256 : i32
    %add3A_15 = arith.addi %mul3A_2, %add3A_14 : i32
    "tpu.region"() ({
      %run_scoped3A = tpu.sem_alloc : memref<!tpu.dma_semaphore, #tpu.memory_space<semaphore_mem>>
      %dma_start3A = arith.constant 0 : i32
      %dma_start3A_45 = tpu.memref_slice %arg10[%add3A_15, %dma_start3A] : memref<10240x128xf32, #tpu.memory_space<vmem_shared>> -> memref<128x128xf32, #tpu.memory_space<vmem_shared>>
      %dma_start3A_46 = arith.constant 0 : i32
      %dma_start3A_47 = tpu.memref_slice %arg10[%add3A_15, %dma_start3A_46] : memref<10240x128xf32, #tpu.memory_space<vmem_shared>> -> memref<128x128xf32, #tpu.memory_space<vmem_shared>>
      tpu.enqueue_dma source(%arg8 : memref<128x128xf32, #tpu.memory_space<vmem>>) target(%dma_start3A_47 : memref<128x128xf32, #tpu.memory_space<vmem_shared>>) target_semaphore(%run_scoped3A : memref<!tpu.dma_semaphore, #tpu.memory_space<semaphore_mem>>)
      %dma_wait3A = arith.constant 0 : i32
      %dma_wait3A_48 = tpu.memref_slice %arg10[%add3A_15, %dma_wait3A] : memref<10240x128xf32, #tpu.memory_space<vmem_shared>> -> memref<128x128xf32, #tpu.memory_space<vmem_shared>>
      %dma_wait3A_49 = arith.constant 0 : i32
      %dma_wait3A_50 = tpu.memref_slice %arg10[%add3A_15, %dma_wait3A_49] : memref<10240x128xf32, #tpu.memory_space<vmem_shared>> -> memref<128x128xf32, #tpu.memory_space<vmem_shared>>
      tpu.wait_dma2 semaphore(%run_scoped3A : memref<!tpu.dma_semaphore, #tpu.memory_space<semaphore_mem>>) src(%arg8 : memref<128x128xf32, #tpu.memory_space<vmem>>) dst(%dma_wait3A_50 : memref<128x128xf32, #tpu.memory_space<vmem_shared>>)
      tpu.yield
    }) : () -> ()
    %add3A_16 = arith.constant 384 : i32
    %add3A_17 = arith.addi %mul3A_2, %add3A_16 : i32
    "tpu.region"() ({
      %run_scoped3A = tpu.sem_alloc : memref<!tpu.dma_semaphore, #tpu.memory_space<semaphore_mem>>
      %dma_start3A = arith.constant 0 : i32
      %dma_start3A_45 = tpu.memref_slice %arg10[%add3A_17, %dma_start3A] : memref<10240x128xf32, #tpu.memory_space<vmem_shared>> -> memref<128x128xf32, #tpu.memory_space<vmem_shared>>
      %dma_start3A_46 = arith.constant 0 : i32
      %dma_start3A_47 = tpu.memref_slice %arg10[%add3A_17, %dma_start3A_46] : memref<10240x128xf32, #tpu.memory_space<vmem_shared>> -> memref<128x128xf32, #tpu.memory_space<vmem_shared>>
      tpu.enqueue_dma source(%arg8 : memref<128x128xf32, #tpu.memory_space<vmem>>) target(%dma_start3A_47 : memref<128x128xf32, #tpu.memory_space<vmem_shared>>) target_semaphore(%run_scoped3A : memref<!tpu.dma_semaphore, #tpu.memory_space<semaphore_mem>>)
      %dma_wait3A = arith.constant 0 : i32
      %dma_wait3A_48 = tpu.memref_slice %arg10[%add3A_17, %dma_wait3A] : memref<10240x128xf32, #tpu.memory_space<vmem_shared>> -> memref<128x128xf32, #tpu.memory_space<vmem_shared>>
      %dma_wait3A_49 = arith.constant 0 : i32
      %dma_wait3A_50 = tpu.memref_slice %arg10[%add3A_17, %dma_wait3A_49] : memref<10240x128xf32, #tpu.memory_space<vmem_shared>> -> memref<128x128xf32, #tpu.memory_space<vmem_shared>>
      tpu.wait_dma2 semaphore(%run_scoped3A : memref<!tpu.dma_semaphore, #tpu.memory_space<semaphore_mem>>) src(%arg8 : memref<128x128xf32, #tpu.memory_space<vmem>>) dst(%dma_wait3A_50 : memref<128x128xf32, #tpu.memory_space<vmem_shared>>)
      tpu.yield
    }) : () -> ()
    %add3A_18 = arith.constant 512 : i32
    %add3A_19 = arith.addi %mul3A_2, %add3A_18 : i32
    "tpu.region"() ({
      %run_scoped3A = tpu.sem_alloc : memref<!tpu.dma_semaphore, #tpu.memory_space<semaphore_mem>>
      %dma_start3A = arith.constant 0 : i32
      %dma_start3A_45 = tpu.memref_slice %arg10[%add3A_19, %dma_start3A] : memref<10240x128xf32, #tpu.memory_space<vmem_shared>> -> memref<128x128xf32, #tpu.memory_space<vmem_shared>>
      %dma_start3A_46 = arith.constant 0 : i32
      %dma_start3A_47 = tpu.memref_slice %arg10[%add3A_19, %dma_start3A_46] : memref<10240x128xf32, #tpu.memory_space<vmem_shared>> -> memref<128x128xf32, #tpu.memory_space<vmem_shared>>
      tpu.enqueue_dma source(%arg8 : memref<128x128xf32, #tpu.memory_space<vmem>>) target(%dma_start3A_47 : memref<128x128xf32, #tpu.memory_space<vmem_shared>>) target_semaphore(%run_scoped3A : memref<!tpu.dma_semaphore, #tpu.memory_space<semaphore_mem>>)
      %dma_wait3A = arith.constant 0 : i32
      %dma_wait3A_48 = tpu.memref_slice %arg10[%add3A_19, %dma_wait3A] : memref<10240x128xf32, #tpu.memory_space<vmem_shared>> -> memref<128x128xf32, #tpu.memory_space<vmem_shared>>
      %dma_wait3A_49 = arith.constant 0 : i32
      %dma_wait3A_50 = tpu.memref_slice %arg10[%add3A_19, %dma_wait3A_49] : memref<10240x128xf32, #tpu.memory_space<vmem_shared>> -> memref<128x128xf32, #tpu.memory_space<vmem_shared>>
      tpu.wait_dma2 semaphore(%run_scoped3A : memref<!tpu.dma_semaphore, #tpu.memory_space<semaphore_mem>>) src(%arg8 : memref<128x128xf32, #tpu.memory_space<vmem>>) dst(%dma_wait3A_50 : memref<128x128xf32, #tpu.memory_space<vmem_shared>>)
      tpu.yield
    }) : () -> ()
    %barrier3A = arith.constant 0 : index
    tpu.barrier barrier_id(%barrier3A)
    %eq3A = arith.constant 0 : i32
    %eq3A_20 = arith.cmpi eq, %arg0, %eq3A : i32
    %jit3A = arith.constant 19 : i32
    %jit3A_21 = arith.constant 1 : i32
    %select_n3A = arith.select %eq3A_20, %jit3A, %jit3A_21 : i32
    %eq3A_22 = arith.constant 0 : i32
    %eq3A_23 = arith.cmpi eq, %arg0, %eq3A_22 : i32
    %mul3A_24 = arith.constant 152 : i32
    %mul3A_25 = arith.muli %arg1, %mul3A_24 : i32
    %mul3A_26 = arith.constant 8 : i32
    %mul3A_27 = arith.muli %arg1, %mul3A_26 : i32
    %add3A_28 = arith.constant 2432 : i32
    %add3A_29 = arith.addi %add3A_28, %mul3A_27 : i32
    %select_n3A_30 = arith.select %eq3A_23, %mul3A_25, %add3A_29 : i32
    %gt3A = arith.constant 0 : i32
    %gt3A_31 = arith.cmpi sgt, %select_n3A, %gt3A : i32
    %convert_element_type3A = arith.extui %gt3A_31 : i1 to i32
    %cond3A = arith.constant 0 : i32
    %cond3A_32 = arith.cmpi ne, %convert_element_type3A, %cond3A : i32
    scf.if %cond3A_32 {
      %add3A_45 = arith.constant 0 : i32
      %add3A_46 = arith.addi %select_n3A_30, %add3A_45 : i32
      %run_scoped3A = arith.constant 0 : i32
      "tpu.region"() ({
        %run_scoped3A_55 = tpu.sem_alloc : memref<!tpu.dma_semaphore, #tpu.memory_space<semaphore_mem>>
        %dma_start3A_56 = arith.constant 0 : i32
        %dma_start3A_57 = arith.constant 0 : i32
        %dma_start3A_58 = tpu.memref_slice %arg6[%run_scoped3A, %dma_start3A_56, %dma_start3A_57] : memref<2x8x128xi32, #tpu.memory_space<vmem>> -> memref<1x8x128xi32, #tpu.memory_space<vmem>>
        %dma_start3A_59 = tpu.memref_squeeze %dma_start3A_58 : memref<1x8x128xi32, #tpu.memory_space<vmem>> -> memref<8x128xi32, #tpu.memory_space<vmem>>
        %dma_start3A_60 = arith.constant 0 : i32
        %dma_start3A_61 = tpu.memref_slice %arg3[%add3A_46, %dma_start3A_60] : memref<2560x128xi32, #tpu.memory_space<hbm>> -> memref<8x128xi32, #tpu.memory_space<hbm>>
        %dma_start3A_62 = arith.constant 0 : i32
        %dma_start3A_63 = arith.constant 0 : i32
        %dma_start3A_64 = tpu.memref_slice %arg6[%run_scoped3A, %dma_start3A_62, %dma_start3A_63] : memref<2x8x128xi32, #tpu.memory_space<vmem>> -> memref<1x8x128xi32, #tpu.memory_space<vmem>>
        %dma_start3A_65 = tpu.memref_squeeze %dma_start3A_64 : memref<1x8x128xi32, #tpu.memory_space<vmem>> -> memref<8x128xi32, #tpu.memory_space<vmem>>
        %dma_start3A_66 = arith.constant 0 : i32
        %dma_start3A_67 = tpu.memref_slice %arg3[%add3A_46, %dma_start3A_66] : memref<2560x128xi32, #tpu.memory_space<hbm>> -> memref<8x128xi32, #tpu.memory_space<hbm>>
        tpu.enqueue_dma source(%dma_start3A_67 : memref<8x128xi32, #tpu.memory_space<hbm>>) target(%dma_start3A_65 : memref<8x128xi32, #tpu.memory_space<vmem>>) target_semaphore(%run_scoped3A_55 : memref<!tpu.dma_semaphore, #tpu.memory_space<semaphore_mem>>)
        %dma_wait3A = arith.constant 0 : i32
        %dma_wait3A_68 = arith.constant 0 : i32
        %dma_wait3A_69 = tpu.memref_slice %arg6[%run_scoped3A, %dma_wait3A, %dma_wait3A_68] : memref<2x8x128xi32, #tpu.memory_space<vmem>> -> memref<1x8x128xi32, #tpu.memory_space<vmem>>
        %dma_wait3A_70 = tpu.memref_squeeze %dma_wait3A_69 : memref<1x8x128xi32, #tpu.memory_space<vmem>> -> memref<8x128xi32, #tpu.memory_space<vmem>>
        %dma_wait3A_71 = arith.constant 0 : i32
        %dma_wait3A_72 = tpu.memref_slice %arg3[%add3A_46, %dma_wait3A_71] : memref<2560x128xi32, #tpu.memory_space<hbm>> -> memref<8x128xi32, #tpu.memory_space<hbm>>
        %dma_wait3A_73 = arith.constant 0 : i32
        %dma_wait3A_74 = arith.constant 0 : i32
        %dma_wait3A_75 = tpu.memref_slice %arg6[%run_scoped3A, %dma_wait3A_73, %dma_wait3A_74] : memref<2x8x128xi32, #tpu.memory_space<vmem>> -> memref<1x8x128xi32, #tpu.memory_space<vmem>>
        %dma_wait3A_76 = tpu.memref_squeeze %dma_wait3A_75 : memref<1x8x128xi32, #tpu.memory_space<vmem>> -> memref<8x128xi32, #tpu.memory_space<vmem>>
        %dma_wait3A_77 = arith.constant 0 : i32
        %dma_wait3A_78 = tpu.memref_slice %arg3[%add3A_46, %dma_wait3A_77] : memref<2560x128xi32, #tpu.memory_space<hbm>> -> memref<8x128xi32, #tpu.memory_space<hbm>>
        tpu.wait_dma2 semaphore(%run_scoped3A_55 : memref<!tpu.dma_semaphore, #tpu.memory_space<semaphore_mem>>) src(%dma_wait3A_78 : memref<8x128xi32, #tpu.memory_space<hbm>>) dst(%dma_wait3A_76 : memref<8x128xi32, #tpu.memory_space<vmem>>)
        tpu.yield
      }) : () -> ()
      %run_scoped3A_47 = arith.constant 0 : i32
      "tpu.region"() ({
        %run_scoped3A_55 = tpu.sem_alloc : memref<!tpu.dma_semaphore, #tpu.memory_space<semaphore_mem>>
        %dma_start3A_56 = arith.constant 0 : i32
        %dma_start3A_57 = arith.constant 0 : i32
        %dma_start3A_58 = tpu.memref_slice %arg7[%run_scoped3A_47, %dma_start3A_56, %dma_start3A_57] : memref<2x8x128xi32, #tpu.memory_space<vmem>> -> memref<1x8x128xi32, #tpu.memory_space<vmem>>
        %dma_start3A_59 = tpu.memref_squeeze %dma_start3A_58 : memref<1x8x128xi32, #tpu.memory_space<vmem>> -> memref<8x128xi32, #tpu.memory_space<vmem>>
        %dma_start3A_60 = arith.constant 0 : i32
        %dma_start3A_61 = tpu.memref_slice %arg4[%add3A_46, %dma_start3A_60] : memref<2560x128xi32, #tpu.memory_space<hbm>> -> memref<8x128xi32, #tpu.memory_space<hbm>>
        %dma_start3A_62 = arith.constant 0 : i32
        %dma_start3A_63 = arith.constant 0 : i32
        %dma_start3A_64 = tpu.memref_slice %arg7[%run_scoped3A_47, %dma_start3A_62, %dma_start3A_63] : memref<2x8x128xi32, #tpu.memory_space<vmem>> -> memref<1x8x128xi32, #tpu.memory_space<vmem>>
        %dma_start3A_65 = tpu.memref_squeeze %dma_start3A_64 : memref<1x8x128xi32, #tpu.memory_space<vmem>> -> memref<8x128xi32, #tpu.memory_space<vmem>>
        %dma_start3A_66 = arith.constant 0 : i32
        %dma_start3A_67 = tpu.memref_slice %arg4[%add3A_46, %dma_start3A_66] : memref<2560x128xi32, #tpu.memory_space<hbm>> -> memref<8x128xi32, #tpu.memory_space<hbm>>
        tpu.enqueue_dma source(%dma_start3A_67 : memref<8x128xi32, #tpu.memory_space<hbm>>) target(%dma_start3A_65 : memref<8x128xi32, #tpu.memory_space<vmem>>) target_semaphore(%run_scoped3A_55 : memref<!tpu.dma_semaphore, #tpu.memory_space<semaphore_mem>>)
        %dma_wait3A = arith.constant 0 : i32
        %dma_wait3A_68 = arith.constant 0 : i32
        %dma_wait3A_69 = tpu.memref_slice %arg7[%run_scoped3A_47, %dma_wait3A, %dma_wait3A_68] : memref<2x8x128xi32, #tpu.memory_space<vmem>> -> memref<1x8x128xi32, #tpu.memory_space<vmem>>
        %dma_wait3A_70 = tpu.memref_squeeze %dma_wait3A_69 : memref<1x8x128xi32, #tpu.memory_space<vmem>> -> memref<8x128xi32, #tpu.memory_space<vmem>>
        %dma_wait3A_71 = arith.constant 0 : i32
        %dma_wait3A_72 = tpu.memref_slice %arg4[%add3A_46, %dma_wait3A_71] : memref<2560x128xi32, #tpu.memory_space<hbm>> -> memref<8x128xi32, #tpu.memory_space<hbm>>
        %dma_wait3A_73 = arith.constant 0 : i32
        %dma_wait3A_74 = arith.constant 0 : i32
        %dma_wait3A_75 = tpu.memref_slice %arg7[%run_scoped3A_47, %dma_wait3A_73, %dma_wait3A_74] : memref<2x8x128xi32, #tpu.memory_space<vmem>> -> memref<1x8x128xi32, #tpu.memory_space<vmem>>
        %dma_wait3A_76 = tpu.memref_squeeze %dma_wait3A_75 : memref<1x8x128xi32, #tpu.memory_space<vmem>> -> memref<8x128xi32, #tpu.memory_space<vmem>>
        %dma_wait3A_77 = arith.constant 0 : i32
        %dma_wait3A_78 = tpu.memref_slice %arg4[%add3A_46, %dma_wait3A_77] : memref<2560x128xi32, #tpu.memory_space<hbm>> -> memref<8x128xi32, #tpu.memory_space<hbm>>
        tpu.wait_dma2 semaphore(%run_scoped3A_55 : memref<!tpu.dma_semaphore, #tpu.memory_space<semaphore_mem>>) src(%dma_wait3A_78 : memref<8x128xi32, #tpu.memory_space<hbm>>) dst(%dma_wait3A_76 : memref<8x128xi32, #tpu.memory_space<vmem>>)
        tpu.yield
      }) : () -> ()
      %dma_start3A = arith.constant 0 : i32
      %dma_start3A_48 = arith.constant 0 : i32
      %dma_start3A_49 = arith.constant 0 : i32
      %dma_start3A_50 = tpu.memref_slice %arg6[%dma_start3A, %dma_start3A_48, %dma_start3A_49] : memref<2x8x128xi32, #tpu.memory_space<vmem>> -> memref<1x1x128xi32, #tpu.memory_space<vmem>>
      %dma_start3A_51 = tpu.memref_squeeze %dma_start3A_50 : memref<1x1x128xi32, #tpu.memory_space<vmem>> -> memref<128xi32, #tpu.memory_space<vmem>>
      %dma_start3A_52 = arith.constant 0 : i32
      %dma_start3A_53 = arith.constant 0 : i32
      %dma_start3A_54 = tpu.memref_slice %arg2[%dma_start3A_52, %dma_start3A_53] : memref<10000x128xf32, #tpu.memory_space<hbm>> -> memref<10000x128xf32, #tpu.memory_space<hbm>>
      tpu.enqueue_indirect_dma source(%dma_start3A_54 : memref<10000x128xf32, #tpu.memory_space<hbm>>) target(%arg8 : memref<128x128xf32, #tpu.memory_space<vmem>>) offsets(%dma_start3A_51 : memref<128xi32, #tpu.memory_space<vmem>>) semaphore(%arg11 : memref<!tpu.dma_semaphore, #tpu.memory_space<semaphore_mem>>)
    } else {
    }
    %while3A = arith.constant 0 : i32
    %while3A_33 = arith.constant 0 : i32
    %while3A_34 = arith.subi %select_n3A, %while3A : i32
    %while3A_35 = arith.addi %while3A, %while3A_34 : i32
    %while3A_36 = arith.constant 1 : i32
    %while3A_37 = arith.divsi %while3A_34, %while3A_36 : i32
    %while3A_38 = arith.muli %while3A_37, %while3A_36 : i32
    %while3A_39 = arith.addi %while3A, %while3A_38 : i32
    %while3A_40 = arith.constant 1 : i32
    %while3A_41 = scf.for %while3A_45 = %while3A to %while3A_39 step %while3A_40 iter_args(%while3A_46 = %while3A_33) -> (i32)  : i32 {
      %add3A_47 = arith.constant 1 : i32
      %add3A_48 = arith.addi %while3A_45, %add3A_47 : i32
      %lt3A = arith.cmpi slt, %add3A_48, %select_n3A : i32
      %convert_element_type3A_49 = arith.extui %lt3A : i1 to i32
      %cond3A_50 = arith.constant 0 : i32
      %cond3A_51 = arith.cmpi ne, %convert_element_type3A_49, %cond3A_50 : i32
      scf.if %cond3A_51 {
        %add3A_534 = arith.constant 1 : i32
        %add3A_535 = arith.addi %while3A_45, %add3A_534 : i32
        %mul3A_536 = arith.constant 8 : i32
        %mul3A_537 = arith.muli %add3A_535, %mul3A_536 : i32
        %add3A_538 = arith.addi %select_n3A_30, %mul3A_537 : i32
        %jit3A_539 = arith.constant 2 : i32
        %eq3A_540 = arith.constant 0 : i32
        %eq3A_541 = arith.cmpi eq, %jit3A_539, %eq3A_540 : i32
        %jit3A_542 = arith.constant 1 : i32
        %select_n3A_543 = arith.select %eq3A_541, %jit3A_542, %jit3A_539 : i32
        %rem3A_544 = arith.remsi %add3A_535, %select_n3A_543 : i32
        %ne3A_545 = arith.constant 0 : i32
        %ne3A_546 = arith.cmpi ne, %rem3A_544, %ne3A_545 : i32
        %lt3A_547 = arith.constant 0 : i32
        %lt3A_548 = arith.cmpi slt, %rem3A_544, %lt3A_547 : i32
        %lt3A_549 = arith.constant 0 : i32
        %lt3A_550 = arith.cmpi slt, %select_n3A_543, %lt3A_549 : i32
        %ne3A_551 = arith.xori %lt3A_548, %lt3A_550 : i1
        %and3A_552 = arith.andi %ne3A_551, %ne3A_546 : i1
        %add3A_553 = arith.addi %rem3A_544, %select_n3A_543 : i32
        %select_n3A_554 = arith.select %and3A_552, %add3A_553, %rem3A_544 : i32
        "tpu.region"() ({
          %run_scoped3A_571 = tpu.sem_alloc : memref<!tpu.dma_semaphore, #tpu.memory_space<semaphore_mem>>
          %dma_start3A_572 = arith.constant 0 : i32
          %dma_start3A_573 = arith.constant 0 : i32
          %dma_start3A_574 = tpu.memref_slice %arg6[%select_n3A_554, %dma_start3A_572, %dma_start3A_573] : memref<2x8x128xi32, #tpu.memory_space<vmem>> -> memref<1x8x128xi32, #tpu.memory_space<vmem>>
          %dma_start3A_575 = tpu.memref_squeeze %dma_start3A_574 : memref<1x8x128xi32, #tpu.memory_space<vmem>> -> memref<8x128xi32, #tpu.memory_space<vmem>>
          %dma_start3A_576 = arith.constant 0 : i32
          %dma_start3A_577 = tpu.memref_slice %arg3[%add3A_538, %dma_start3A_576] : memref<2560x128xi32, #tpu.memory_space<hbm>> -> memref<8x128xi32, #tpu.memory_space<hbm>>
          %dma_start3A_578 = arith.constant 0 : i32
          %dma_start3A_579 = arith.constant 0 : i32
          %dma_start3A_580 = tpu.memref_slice %arg6[%select_n3A_554, %dma_start3A_578, %dma_start3A_579] : memref<2x8x128xi32, #tpu.memory_space<vmem>> -> memref<1x8x128xi32, #tpu.memory_space<vmem>>
          %dma_start3A_581 = tpu.memref_squeeze %dma_start3A_580 : memref<1x8x128xi32, #tpu.memory_space<vmem>> -> memref<8x128xi32, #tpu.memory_space<vmem>>
          %dma_start3A_582 = arith.constant 0 : i32
          %dma_start3A_583 = tpu.memref_slice %arg3[%add3A_538, %dma_start3A_582] : memref<2560x128xi32, #tpu.memory_space<hbm>> -> memref<8x128xi32, #tpu.memory_space<hbm>>
          tpu.enqueue_dma source(%dma_start3A_583 : memref<8x128xi32, #tpu.memory_space<hbm>>) target(%dma_start3A_581 : memref<8x128xi32, #tpu.memory_space<vmem>>) target_semaphore(%run_scoped3A_571 : memref<!tpu.dma_semaphore, #tpu.memory_space<semaphore_mem>>)
          %dma_wait3A_584 = arith.constant 0 : i32
          %dma_wait3A_585 = arith.constant 0 : i32
          %dma_wait3A_586 = tpu.memref_slice %arg6[%select_n3A_554, %dma_wait3A_584, %dma_wait3A_585] : memref<2x8x128xi32, #tpu.memory_space<vmem>> -> memref<1x8x128xi32, #tpu.memory_space<vmem>>
          %dma_wait3A_587 = tpu.memref_squeeze %dma_wait3A_586 : memref<1x8x128xi32, #tpu.memory_space<vmem>> -> memref<8x128xi32, #tpu.memory_space<vmem>>
          %dma_wait3A_588 = arith.constant 0 : i32
          %dma_wait3A_589 = tpu.memref_slice %arg3[%add3A_538, %dma_wait3A_588] : memref<2560x128xi32, #tpu.memory_space<hbm>> -> memref<8x128xi32, #tpu.memory_space<hbm>>
          %dma_wait3A_590 = arith.constant 0 : i32
          %dma_wait3A_591 = arith.constant 0 : i32
          %dma_wait3A_592 = tpu.memref_slice %arg6[%select_n3A_554, %dma_wait3A_590, %dma_wait3A_591] : memref<2x8x128xi32, #tpu.memory_space<vmem>> -> memref<1x8x128xi32, #tpu.memory_space<vmem>>
          %dma_wait3A_593 = tpu.memref_squeeze %dma_wait3A_592 : memref<1x8x128xi32, #tpu.memory_space<vmem>> -> memref<8x128xi32, #tpu.memory_space<vmem>>
          %dma_wait3A_594 = arith.constant 0 : i32
          %dma_wait3A_595 = tpu.memref_slice %arg3[%add3A_538, %dma_wait3A_594] : memref<2560x128xi32, #tpu.memory_space<hbm>> -> memref<8x128xi32, #tpu.memory_space<hbm>>
          tpu.wait_dma2 semaphore(%run_scoped3A_571 : memref<!tpu.dma_semaphore, #tpu.memory_space<semaphore_mem>>) src(%dma_wait3A_595 : memref<8x128xi32, #tpu.memory_space<hbm>>) dst(%dma_wait3A_593 : memref<8x128xi32, #tpu.memory_space<vmem>>)
          tpu.yield
        }) : () -> ()
        %jit3A_555 = arith.constant 2 : i32
        %eq3A_556 = arith.constant 0 : i32
        %eq3A_557 = arith.cmpi eq, %jit3A_555, %eq3A_556 : i32
        %jit3A_558 = arith.constant 1 : i32
        %select_n3A_559 = arith.select %eq3A_557, %jit3A_558, %jit3A_555 : i32
        %rem3A_560 = arith.remsi %add3A_535, %select_n3A_559 : i32
        %ne3A_561 = arith.constant 0 : i32
        %ne3A_562 = arith.cmpi ne, %rem3A_560, %ne3A_561 : i32
        %lt3A_563 = arith.constant 0 : i32
        %lt3A_564 = arith.cmpi slt, %rem3A_560, %lt3A_563 : i32
        %lt3A_565 = arith.constant 0 : i32
        %lt3A_566 = arith.cmpi slt, %select_n3A_559, %lt3A_565 : i32
        %ne3A_567 = arith.xori %lt3A_564, %lt3A_566 : i1
        %and3A_568 = arith.andi %ne3A_567, %ne3A_562 : i1
        %add3A_569 = arith.addi %rem3A_560, %select_n3A_559 : i32
        %select_n3A_570 = arith.select %and3A_568, %add3A_569, %rem3A_560 : i32
        "tpu.region"() ({
          %run_scoped3A_571 = tpu.sem_alloc : memref<!tpu.dma_semaphore, #tpu.memory_space<semaphore_mem>>
          %dma_start3A_572 = arith.constant 0 : i32
          %dma_start3A_573 = arith.constant 0 : i32
          %dma_start3A_574 = tpu.memref_slice %arg7[%select_n3A_570, %dma_start3A_572, %dma_start3A_573] : memref<2x8x128xi32, #tpu.memory_space<vmem>> -> memref<1x8x128xi32, #tpu.memory_space<vmem>>
          %dma_start3A_575 = tpu.memref_squeeze %dma_start3A_574 : memref<1x8x128xi32, #tpu.memory_space<vmem>> -> memref<8x128xi32, #tpu.memory_space<vmem>>
          %dma_start3A_576 = arith.constant 0 : i32
          %dma_start3A_577 = tpu.memref_slice %arg4[%add3A_538, %dma_start3A_576] : memref<2560x128xi32, #tpu.memory_space<hbm>> -> memref<8x128xi32, #tpu.memory_space<hbm>>
          %dma_start3A_578 = arith.constant 0 : i32
          %dma_start3A_579 = arith.constant 0 : i32
          %dma_start3A_580 = tpu.memref_slice %arg7[%select_n3A_570, %dma_start3A_578, %dma_start3A_579] : memref<2x8x128xi32, #tpu.memory_space<vmem>> -> memref<1x8x128xi32, #tpu.memory_space<vmem>>
          %dma_start3A_581 = tpu.memref_squeeze %dma_start3A_580 : memref<1x8x128xi32, #tpu.memory_space<vmem>> -> memref<8x128xi32, #tpu.memory_space<vmem>>
          %dma_start3A_582 = arith.constant 0 : i32
          %dma_start3A_583 = tpu.memref_slice %arg4[%add3A_538, %dma_start3A_582] : memref<2560x128xi32, #tpu.memory_space<hbm>> -> memref<8x128xi32, #tpu.memory_space<hbm>>
          tpu.enqueue_dma source(%dma_start3A_583 : memref<8x128xi32, #tpu.memory_space<hbm>>) target(%dma_start3A_581 : memref<8x128xi32, #tpu.memory_space<vmem>>) target_semaphore(%run_scoped3A_571 : memref<!tpu.dma_semaphore, #tpu.memory_space<semaphore_mem>>)
          %dma_wait3A_584 = arith.constant 0 : i32
          %dma_wait3A_585 = arith.constant 0 : i32
          %dma_wait3A_586 = tpu.memref_slice %arg7[%select_n3A_570, %dma_wait3A_584, %dma_wait3A_585] : memref<2x8x128xi32, #tpu.memory_space<vmem>> -> memref<1x8x128xi32, #tpu.memory_space<vmem>>
          %dma_wait3A_587 = tpu.memref_squeeze %dma_wait3A_586 : memref<1x8x128xi32, #tpu.memory_space<vmem>> -> memref<8x128xi32, #tpu.memory_space<vmem>>
          %dma_wait3A_588 = arith.constant 0 : i32
          %dma_wait3A_589 = tpu.memref_slice %arg4[%add3A_538, %dma_wait3A_588] : memref<2560x128xi32, #tpu.memory_space<hbm>> -> memref<8x128xi32, #tpu.memory_space<hbm>>
          %dma_wait3A_590 = arith.constant 0 : i32
          %dma_wait3A_591 = arith.constant 0 : i32
          %dma_wait3A_592 = tpu.memref_slice %arg7[%select_n3A_570, %dma_wait3A_590, %dma_wait3A_591] : memref<2x8x128xi32, #tpu.memory_space<vmem>> -> memref<1x8x128xi32, #tpu.memory_space<vmem>>
          %dma_wait3A_593 = tpu.memref_squeeze %dma_wait3A_592 : memref<1x8x128xi32, #tpu.memory_space<vmem>> -> memref<8x128xi32, #tpu.memory_space<vmem>>
          %dma_wait3A_594 = arith.constant 0 : i32
          %dma_wait3A_595 = tpu.memref_slice %arg4[%add3A_538, %dma_wait3A_594] : memref<2560x128xi32, #tpu.memory_space<hbm>> -> memref<8x128xi32, #tpu.memory_space<hbm>>
          tpu.wait_dma2 semaphore(%run_scoped3A_571 : memref<!tpu.dma_semaphore, #tpu.memory_space<semaphore_mem>>) src(%dma_wait3A_595 : memref<8x128xi32, #tpu.memory_space<hbm>>) dst(%dma_wait3A_593 : memref<8x128xi32, #tpu.memory_space<vmem>>)
          tpu.yield
        }) : () -> ()
      } else {
      }
      %jit3A_52 = arith.constant 2 : i32
      %eq3A_53 = arith.constant 0 : i32
      %eq3A_54 = arith.cmpi eq, %jit3A_52, %eq3A_53 : i32
      %jit3A_55 = arith.constant 1 : i32
      %select_n3A_56 = arith.select %eq3A_54, %jit3A_55, %jit3A_52 : i32
      %rem3A = arith.remsi %while3A_45, %select_n3A_56 : i32
      %ne3A = arith.constant 0 : i32
      %ne3A_57 = arith.cmpi ne, %rem3A, %ne3A : i32
      %lt3A_58 = arith.constant 0 : i32
      %lt3A_59 = arith.cmpi slt, %rem3A, %lt3A_58 : i32
      %lt3A_60 = arith.constant 0 : i32
      %lt3A_61 = arith.cmpi slt, %select_n3A_56, %lt3A_60 : i32
      %ne3A_62 = arith.xori %lt3A_59, %lt3A_61 : i1
      %and3A = arith.andi %ne3A_62, %ne3A_57 : i1
      %add3A_63 = arith.addi %rem3A, %select_n3A_56 : i32
      %select_n3A_64 = arith.select %and3A, %add3A_63, %rem3A : i32
      %dma_start3A = arith.constant 1 : i32
      %dma_start3A_65 = arith.constant 0 : i32
      %dma_start3A_66 = tpu.memref_slice %arg6[%select_n3A_64, %dma_start3A, %dma_start3A_65] : memref<2x8x128xi32, #tpu.memory_space<vmem>> -> memref<1x1x128xi32, #tpu.memory_space<vmem>>
      %dma_start3A_67 = tpu.memref_squeeze %dma_start3A_66 : memref<1x1x128xi32, #tpu.memory_space<vmem>> -> memref<128xi32, #tpu.memory_space<vmem>>
      %dma_start3A_68 = arith.constant 0 : i32
      %dma_start3A_69 = arith.constant 0 : i32
      %dma_start3A_70 = tpu.memref_slice %arg2[%dma_start3A_68, %dma_start3A_69] : memref<10000x128xf32, #tpu.memory_space<hbm>> -> memref<10000x128xf32, #tpu.memory_space<hbm>>
      tpu.enqueue_indirect_dma source(%dma_start3A_70 : memref<10000x128xf32, #tpu.memory_space<hbm>>) target(%arg9 : memref<128x128xf32, #tpu.memory_space<vmem>>) offsets(%dma_start3A_67 : memref<128xi32, #tpu.memory_space<vmem>>) semaphore(%arg12 : memref<!tpu.dma_semaphore, #tpu.memory_space<semaphore_mem>>)
      %jit3A_71 = arith.constant 2 : i32
      %eq3A_72 = arith.constant 0 : i32
      %eq3A_73 = arith.cmpi eq, %jit3A_71, %eq3A_72 : i32
      %jit3A_74 = arith.constant 1 : i32
      %select_n3A_75 = arith.select %eq3A_73, %jit3A_74, %jit3A_71 : i32
      %rem3A_76 = arith.remsi %while3A_45, %select_n3A_75 : i32
      %ne3A_77 = arith.constant 0 : i32
      %ne3A_78 = arith.cmpi ne, %rem3A_76, %ne3A_77 : i32
      %lt3A_79 = arith.constant 0 : i32
      %lt3A_80 = arith.cmpi slt, %rem3A_76, %lt3A_79 : i32
      %lt3A_81 = arith.constant 0 : i32
      %lt3A_82 = arith.cmpi slt, %select_n3A_75, %lt3A_81 : i32
      %ne3A_83 = arith.xori %lt3A_80, %lt3A_82 : i1
      %and3A_84 = arith.andi %ne3A_83, %ne3A_78 : i1
      %add3A_85 = arith.addi %rem3A_76, %select_n3A_75 : i32
      %select_n3A_86 = arith.select %and3A_84, %add3A_85, %rem3A_76 : i32
      %dma_wait3A = arith.constant 0 : i32
      %dma_wait3A_87 = arith.constant 0 : i32
      %dma_wait3A_88 = tpu.memref_slice %arg6[%select_n3A_86, %dma_wait3A, %dma_wait3A_87] : memref<2x8x128xi32, #tpu.memory_space<vmem>> -> memref<1x1x128xi32, #tpu.memory_space<vmem>>
      %dma_wait3A_89 = tpu.memref_squeeze %dma_wait3A_88 : memref<1x1x128xi32, #tpu.memory_space<vmem>> -> memref<128xi32, #tpu.memory_space<vmem>>
      %dma_wait3A_90 = arith.constant 0 : i32
      %dma_wait3A_91 = arith.constant 0 : i32
      %dma_wait3A_92 = tpu.memref_slice %arg2[%dma_wait3A_90, %dma_wait3A_91] : memref<10000x128xf32, #tpu.memory_space<hbm>> -> memref<10000x128xf32, #tpu.memory_space<hbm>>
      tpu.wait_indirect_dma semaphore(%arg11 : memref<!tpu.dma_semaphore, #tpu.memory_space<semaphore_mem>>) src(%dma_wait3A_92 : memref<10000x128xf32, #tpu.memory_space<hbm>>) dst(%arg8 : memref<128x128xf32, #tpu.memory_space<vmem>>)
      %jit3A_93 = arith.constant 2 : i32
      %eq3A_94 = arith.constant 0 : i32
      %eq3A_95 = arith.cmpi eq, %jit3A_93, %eq3A_94 : i32
      %jit3A_96 = arith.constant 1 : i32
      %select_n3A_97 = arith.select %eq3A_95, %jit3A_96, %jit3A_93 : i32
      %rem3A_98 = arith.remsi %while3A_45, %select_n3A_97 : i32
      %ne3A_99 = arith.constant 0 : i32
      %ne3A_100 = arith.cmpi ne, %rem3A_98, %ne3A_99 : i32
      %lt3A_101 = arith.constant 0 : i32
      %lt3A_102 = arith.cmpi slt, %rem3A_98, %lt3A_101 : i32
      %lt3A_103 = arith.constant 0 : i32
      %lt3A_104 = arith.cmpi slt, %select_n3A_97, %lt3A_103 : i32
      %ne3A_105 = arith.xori %lt3A_102, %lt3A_104 : i1
      %and3A_106 = arith.andi %ne3A_105, %ne3A_100 : i1
      %add3A_107 = arith.addi %rem3A_98, %select_n3A_97 : i32
      %select_n3A_108 = arith.select %and3A_106, %add3A_107, %rem3A_98 : i32
      %run_scoped3A = arith.constant 0 : i32
      "tpu.region"() ({
        %run_scoped3A_534 = tpu.sem_alloc : memref<!tpu.dma_semaphore, #tpu.memory_space<semaphore_mem>>
        %dma_start3A_535 = arith.constant 0 : i32
        %dma_start3A_536 = tpu.memref_slice %arg7[%select_n3A_108, %run_scoped3A, %dma_start3A_535] : memref<2x8x128xi32, #tpu.memory_space<vmem>> -> memref<1x1x128xi32, #tpu.memory_space<vmem>>
        %dma_start3A_537 = tpu.memref_squeeze %dma_start3A_536 : memref<1x1x128xi32, #tpu.memory_space<vmem>> -> memref<128xi32, #tpu.memory_space<vmem>>
        %dma_start3A_538 = arith.constant 0 : i32
        %dma_start3A_539 = arith.constant 0 : i32
        %dma_start3A_540 = tpu.memref_slice %arg10[%dma_start3A_538, %dma_start3A_539] : memref<10240x128xf32, #tpu.memory_space<vmem_shared>> -> memref<10240x128xf32, #tpu.memory_space<vmem_shared>>
        tpu.enqueue_indirect_dma source(%arg8 : memref<128x128xf32, #tpu.memory_space<vmem>>) target(%dma_start3A_540 : memref<10240x128xf32, #tpu.memory_space<vmem_shared>>) offsets(%dma_start3A_537 : memref<128xi32, #tpu.memory_space<vmem>>) semaphore(%run_scoped3A_534 : memref<!tpu.dma_semaphore, #tpu.memory_space<semaphore_mem>>) {add = true}
        %dma_wait3A_541 = arith.constant 0 : i32
        %dma_wait3A_542 = tpu.memref_slice %arg7[%select_n3A_108, %run_scoped3A, %dma_wait3A_541] : memref<2x8x128xi32, #tpu.memory_space<vmem>> -> memref<1x1x128xi32, #tpu.memory_space<vmem>>
        %dma_wait3A_543 = tpu.memref_squeeze %dma_wait3A_542 : memref<1x1x128xi32, #tpu.memory_space<vmem>> -> memref<128xi32, #tpu.memory_space<vmem>>
        %dma_wait3A_544 = arith.constant 0 : i32
        %dma_wait3A_545 = arith.constant 0 : i32
        %dma_wait3A_546 = tpu.memref_slice %arg10[%dma_wait3A_544, %dma_wait3A_545] : memref<10240x128xf32, #tpu.memory_space<vmem_shared>> -> memref<10240x128xf32, #tpu.memory_space<vmem_shared>>
        tpu.wait_indirect_dma semaphore(%run_scoped3A_534 : memref<!tpu.dma_semaphore, #tpu.memory_space<semaphore_mem>>) src(%arg8 : memref<128x128xf32, #tpu.memory_space<vmem>>) dst(%dma_wait3A_546 : memref<10240x128xf32, #tpu.memory_space<vmem_shared>>)
        tpu.yield
      }) : () -> ()
      %jit3A_109 = arith.constant 2 : i32
      %eq3A_110 = arith.constant 0 : i32
      %eq3A_111 = arith.cmpi eq, %jit3A_109, %eq3A_110 : i32
      %jit3A_112 = arith.constant 1 : i32
      %select_n3A_113 = arith.select %eq3A_111, %jit3A_112, %jit3A_109 : i32
      %rem3A_114 = arith.remsi %while3A_45, %select_n3A_113 : i32
      %ne3A_115 = arith.constant 0 : i32
      %ne3A_116 = arith.cmpi ne, %rem3A_114, %ne3A_115 : i32
      %lt3A_117 = arith.constant 0 : i32
      %lt3A_118 = arith.cmpi slt, %rem3A_114, %lt3A_117 : i32
      %lt3A_119 = arith.constant 0 : i32
      %lt3A_120 = arith.cmpi slt, %select_n3A_113, %lt3A_119 : i32
      %ne3A_121 = arith.xori %lt3A_118, %lt3A_120 : i1
      %and3A_122 = arith.andi %ne3A_121, %ne3A_116 : i1
      %add3A_123 = arith.addi %rem3A_114, %select_n3A_113 : i32
      %select_n3A_124 = arith.select %and3A_122, %add3A_123, %rem3A_114 : i32
      %dma_start3A_125 = arith.constant 2 : i32
      %dma_start3A_126 = arith.constant 0 : i32
      %dma_start3A_127 = tpu.memref_slice %arg6[%select_n3A_124, %dma_start3A_125, %dma_start3A_126] : memref<2x8x128xi32, #tpu.memory_space<vmem>> -> memref<1x1x128xi32, #tpu.memory_space<vmem>>
      %dma_start3A_128 = tpu.memref_squeeze %dma_start3A_127 : memref<1x1x128xi32, #tpu.memory_space<vmem>> -> memref<128xi32, #tpu.memory_space<vmem>>
      %dma_start3A_129 = arith.constant 0 : i32
      %dma_start3A_130 = arith.constant 0 : i32
      %dma_start3A_131 = tpu.memref_slice %arg2[%dma_start3A_129, %dma_start3A_130] : memref<10000x128xf32, #tpu.memory_space<hbm>> -> memref<10000x128xf32, #tpu.memory_space<hbm>>
      tpu.enqueue_indirect_dma source(%dma_start3A_131 : memref<10000x128xf32, #tpu.memory_space<hbm>>) target(%arg8 : memref<128x128xf32, #tpu.memory_space<vmem>>) offsets(%dma_start3A_128 : memref<128xi32, #tpu.memory_space<vmem>>) semaphore(%arg11 : memref<!tpu.dma_semaphore, #tpu.memory_space<semaphore_mem>>)
      %jit3A_132 = arith.constant 2 : i32
      %eq3A_133 = arith.constant 0 : i32
      %eq3A_134 = arith.cmpi eq, %jit3A_132, %eq3A_133 : i32
      %jit3A_135 = arith.constant 1 : i32
      %select_n3A_136 = arith.select %eq3A_134, %jit3A_135, %jit3A_132 : i32
      %rem3A_137 = arith.remsi %while3A_45, %select_n3A_136 : i32
      %ne3A_138 = arith.constant 0 : i32
      %ne3A_139 = arith.cmpi ne, %rem3A_137, %ne3A_138 : i32
      %lt3A_140 = arith.constant 0 : i32
      %lt3A_141 = arith.cmpi slt, %rem3A_137, %lt3A_140 : i32
      %lt3A_142 = arith.constant 0 : i32
      %lt3A_143 = arith.cmpi slt, %select_n3A_136, %lt3A_142 : i32
      %ne3A_144 = arith.xori %lt3A_141, %lt3A_143 : i1
      %and3A_145 = arith.andi %ne3A_144, %ne3A_139 : i1
      %add3A_146 = arith.addi %rem3A_137, %select_n3A_136 : i32
      %select_n3A_147 = arith.select %and3A_145, %add3A_146, %rem3A_137 : i32
      %dma_wait3A_148 = arith.constant 1 : i32
      %dma_wait3A_149 = arith.constant 0 : i32
      %dma_wait3A_150 = tpu.memref_slice %arg6[%select_n3A_147, %dma_wait3A_148, %dma_wait3A_149] : memref<2x8x128xi32, #tpu.memory_space<vmem>> -> memref<1x1x128xi32, #tpu.memory_space<vmem>>
      %dma_wait3A_151 = tpu.memref_squeeze %dma_wait3A_150 : memref<1x1x128xi32, #tpu.memory_space<vmem>> -> memref<128xi32, #tpu.memory_space<vmem>>
      %dma_wait3A_152 = arith.constant 0 : i32
      %dma_wait3A_153 = arith.constant 0 : i32
      %dma_wait3A_154 = tpu.memref_slice %arg2[%dma_wait3A_152, %dma_wait3A_153] : memref<10000x128xf32, #tpu.memory_space<hbm>> -> memref<10000x128xf32, #tpu.memory_space<hbm>>
      tpu.wait_indirect_dma semaphore(%arg12 : memref<!tpu.dma_semaphore, #tpu.memory_space<semaphore_mem>>) src(%dma_wait3A_154 : memref<10000x128xf32, #tpu.memory_space<hbm>>) dst(%arg9 : memref<128x128xf32, #tpu.memory_space<vmem>>)
      %jit3A_155 = arith.constant 2 : i32
      %eq3A_156 = arith.constant 0 : i32
      %eq3A_157 = arith.cmpi eq, %jit3A_155, %eq3A_156 : i32
      %jit3A_158 = arith.constant 1 : i32
      %select_n3A_159 = arith.select %eq3A_157, %jit3A_158, %jit3A_155 : i32
      %rem3A_160 = arith.remsi %while3A_45, %select_n3A_159 : i32
      %ne3A_161 = arith.constant 0 : i32
      %ne3A_162 = arith.cmpi ne, %rem3A_160, %ne3A_161 : i32
      %lt3A_163 = arith.constant 0 : i32
      %lt3A_164 = arith.cmpi slt, %rem3A_160, %lt3A_163 : i32
      %lt3A_165 = arith.constant 0 : i32
      %lt3A_166 = arith.cmpi slt, %select_n3A_159, %lt3A_165 : i32
      %ne3A_167 = arith.xori %lt3A_164, %lt3A_166 : i1
      %and3A_168 = arith.andi %ne3A_167, %ne3A_162 : i1
      %add3A_169 = arith.addi %rem3A_160, %select_n3A_159 : i32
      %select_n3A_170 = arith.select %and3A_168, %add3A_169, %rem3A_160 : i32
      %run_scoped3A_171 = arith.constant 1 : i32
      "tpu.region"() ({
        %run_scoped3A_534 = tpu.sem_alloc : memref<!tpu.dma_semaphore, #tpu.memory_space<semaphore_mem>>
        %dma_start3A_535 = arith.constant 0 : i32
        %dma_start3A_536 = tpu.memref_slice %arg7[%select_n3A_170, %run_scoped3A_171, %dma_start3A_535] : memref<2x8x128xi32, #tpu.memory_space<vmem>> -> memref<1x1x128xi32, #tpu.memory_space<vmem>>
        %dma_start3A_537 = tpu.memref_squeeze %dma_start3A_536 : memref<1x1x128xi32, #tpu.memory_space<vmem>> -> memref<128xi32, #tpu.memory_space<vmem>>
        %dma_start3A_538 = arith.constant 0 : i32
        %dma_start3A_539 = arith.constant 0 : i32
        %dma_start3A_540 = tpu.memref_slice %arg10[%dma_start3A_538, %dma_start3A_539] : memref<10240x128xf32, #tpu.memory_space<vmem_shared>> -> memref<10240x128xf32, #tpu.memory_space<vmem_shared>>
        tpu.enqueue_indirect_dma source(%arg9 : memref<128x128xf32, #tpu.memory_space<vmem>>) target(%dma_start3A_540 : memref<10240x128xf32, #tpu.memory_space<vmem_shared>>) offsets(%dma_start3A_537 : memref<128xi32, #tpu.memory_space<vmem>>) semaphore(%run_scoped3A_534 : memref<!tpu.dma_semaphore, #tpu.memory_space<semaphore_mem>>) {add = true}
        %dma_wait3A_541 = arith.constant 0 : i32
        %dma_wait3A_542 = tpu.memref_slice %arg7[%select_n3A_170, %run_scoped3A_171, %dma_wait3A_541] : memref<2x8x128xi32, #tpu.memory_space<vmem>> -> memref<1x1x128xi32, #tpu.memory_space<vmem>>
        %dma_wait3A_543 = tpu.memref_squeeze %dma_wait3A_542 : memref<1x1x128xi32, #tpu.memory_space<vmem>> -> memref<128xi32, #tpu.memory_space<vmem>>
        %dma_wait3A_544 = arith.constant 0 : i32
        %dma_wait3A_545 = arith.constant 0 : i32
        %dma_wait3A_546 = tpu.memref_slice %arg10[%dma_wait3A_544, %dma_wait3A_545] : memref<10240x128xf32, #tpu.memory_space<vmem_shared>> -> memref<10240x128xf32, #tpu.memory_space<vmem_shared>>
        tpu.wait_indirect_dma semaphore(%run_scoped3A_534 : memref<!tpu.dma_semaphore, #tpu.memory_space<semaphore_mem>>) src(%arg9 : memref<128x128xf32, #tpu.memory_space<vmem>>) dst(%dma_wait3A_546 : memref<10240x128xf32, #tpu.memory_space<vmem_shared>>)
        tpu.yield
      }) : () -> ()
      %jit3A_172 = arith.constant 2 : i32
      %eq3A_173 = arith.constant 0 : i32
      %eq3A_174 = arith.cmpi eq, %jit3A_172, %eq3A_173 : i32
      %jit3A_175 = arith.constant 1 : i32
      %select_n3A_176 = arith.select %eq3A_174, %jit3A_175, %jit3A_172 : i32
      %rem3A_177 = arith.remsi %while3A_45, %select_n3A_176 : i32
      %ne3A_178 = arith.constant 0 : i32
      %ne3A_179 = arith.cmpi ne, %rem3A_177, %ne3A_178 : i32
      %lt3A_180 = arith.constant 0 : i32
      %lt3A_181 = arith.cmpi slt, %rem3A_177, %lt3A_180 : i32
      %lt3A_182 = arith.constant 0 : i32
      %lt3A_183 = arith.cmpi slt, %select_n3A_176, %lt3A_182 : i32
      %ne3A_184 = arith.xori %lt3A_181, %lt3A_183 : i1
      %and3A_185 = arith.andi %ne3A_184, %ne3A_179 : i1
      %add3A_186 = arith.addi %rem3A_177, %select_n3A_176 : i32
      %select_n3A_187 = arith.select %and3A_185, %add3A_186, %rem3A_177 : i32
      %dma_start3A_188 = arith.constant 3 : i32
      %dma_start3A_189 = arith.constant 0 : i32
      %dma_start3A_190 = tpu.memref_slice %arg6[%select_n3A_187, %dma_start3A_188, %dma_start3A_189] : memref<2x8x128xi32, #tpu.memory_space<vmem>> -> memref<1x1x128xi32, #tpu.memory_space<vmem>>
      %dma_start3A_191 = tpu.memref_squeeze %dma_start3A_190 : memref<1x1x128xi32, #tpu.memory_space<vmem>> -> memref<128xi32, #tpu.memory_space<vmem>>
      %dma_start3A_192 = arith.constant 0 : i32
      %dma_start3A_193 = arith.constant 0 : i32
      %dma_start3A_194 = tpu.memref_slice %arg2[%dma_start3A_192, %dma_start3A_193] : memref<10000x128xf32, #tpu.memory_space<hbm>> -> memref<10000x128xf32, #tpu.memory_space<hbm>>
      tpu.enqueue_indirect_dma source(%dma_start3A_194 : memref<10000x128xf32, #tpu.memory_space<hbm>>) target(%arg9 : memref<128x128xf32, #tpu.memory_space<vmem>>) offsets(%dma_start3A_191 : memref<128xi32, #tpu.memory_space<vmem>>) semaphore(%arg12 : memref<!tpu.dma_semaphore, #tpu.memory_space<semaphore_mem>>)
      %jit3A_195 = arith.constant 2 : i32
      %eq3A_196 = arith.constant 0 : i32
      %eq3A_197 = arith.cmpi eq, %jit3A_195, %eq3A_196 : i32
      %jit3A_198 = arith.constant 1 : i32
      %select_n3A_199 = arith.select %eq3A_197, %jit3A_198, %jit3A_195 : i32
      %rem3A_200 = arith.remsi %while3A_45, %select_n3A_199 : i32
      %ne3A_201 = arith.constant 0 : i32
      %ne3A_202 = arith.cmpi ne, %rem3A_200, %ne3A_201 : i32
      %lt3A_203 = arith.constant 0 : i32
      %lt3A_204 = arith.cmpi slt, %rem3A_200, %lt3A_203 : i32
      %lt3A_205 = arith.constant 0 : i32
      %lt3A_206 = arith.cmpi slt, %select_n3A_199, %lt3A_205 : i32
      %ne3A_207 = arith.xori %lt3A_204, %lt3A_206 : i1
      %and3A_208 = arith.andi %ne3A_207, %ne3A_202 : i1
      %add3A_209 = arith.addi %rem3A_200, %select_n3A_199 : i32
      %select_n3A_210 = arith.select %and3A_208, %add3A_209, %rem3A_200 : i32
      %dma_wait3A_211 = arith.constant 2 : i32
      %dma_wait3A_212 = arith.constant 0 : i32
      %dma_wait3A_213 = tpu.memref_slice %arg6[%select_n3A_210, %dma_wait3A_211, %dma_wait3A_212] : memref<2x8x128xi32, #tpu.memory_space<vmem>> -> memref<1x1x128xi32, #tpu.memory_space<vmem>>
      %dma_wait3A_214 = tpu.memref_squeeze %dma_wait3A_213 : memref<1x1x128xi32, #tpu.memory_space<vmem>> -> memref<128xi32, #tpu.memory_space<vmem>>
      %dma_wait3A_215 = arith.constant 0 : i32
      %dma_wait3A_216 = arith.constant 0 : i32
      %dma_wait3A_217 = tpu.memref_slice %arg2[%dma_wait3A_215, %dma_wait3A_216] : memref<10000x128xf32, #tpu.memory_space<hbm>> -> memref<10000x128xf32, #tpu.memory_space<hbm>>
      tpu.wait_indirect_dma semaphore(%arg11 : memref<!tpu.dma_semaphore, #tpu.memory_space<semaphore_mem>>) src(%dma_wait3A_217 : memref<10000x128xf32, #tpu.memory_space<hbm>>) dst(%arg8 : memref<128x128xf32, #tpu.memory_space<vmem>>)
      %jit3A_218 = arith.constant 2 : i32
      %eq3A_219 = arith.constant 0 : i32
      %eq3A_220 = arith.cmpi eq, %jit3A_218, %eq3A_219 : i32
      %jit3A_221 = arith.constant 1 : i32
      %select_n3A_222 = arith.select %eq3A_220, %jit3A_221, %jit3A_218 : i32
      %rem3A_223 = arith.remsi %while3A_45, %select_n3A_222 : i32
      %ne3A_224 = arith.constant 0 : i32
      %ne3A_225 = arith.cmpi ne, %rem3A_223, %ne3A_224 : i32
      %lt3A_226 = arith.constant 0 : i32
      %lt3A_227 = arith.cmpi slt, %rem3A_223, %lt3A_226 : i32
      %lt3A_228 = arith.constant 0 : i32
      %lt3A_229 = arith.cmpi slt, %select_n3A_222, %lt3A_228 : i32
      %ne3A_230 = arith.xori %lt3A_227, %lt3A_229 : i1
      %and3A_231 = arith.andi %ne3A_230, %ne3A_225 : i1
      %add3A_232 = arith.addi %rem3A_223, %select_n3A_222 : i32
      %select_n3A_233 = arith.select %and3A_231, %add3A_232, %rem3A_223 : i32
      %run_scoped3A_234 = arith.constant 2 : i32
      "tpu.region"() ({
        %run_scoped3A_534 = tpu.sem_alloc : memref<!tpu.dma_semaphore, #tpu.memory_space<semaphore_mem>>
        %dma_start3A_535 = arith.constant 0 : i32
        %dma_start3A_536 = tpu.memref_slice %arg7[%select_n3A_233, %run_scoped3A_234, %dma_start3A_535] : memref<2x8x128xi32, #tpu.memory_space<vmem>> -> memref<1x1x128xi32, #tpu.memory_space<vmem>>
        %dma_start3A_537 = tpu.memref_squeeze %dma_start3A_536 : memref<1x1x128xi32, #tpu.memory_space<vmem>> -> memref<128xi32, #tpu.memory_space<vmem>>
        %dma_start3A_538 = arith.constant 0 : i32
        %dma_start3A_539 = arith.constant 0 : i32
        %dma_start3A_540 = tpu.memref_slice %arg10[%dma_start3A_538, %dma_start3A_539] : memref<10240x128xf32, #tpu.memory_space<vmem_shared>> -> memref<10240x128xf32, #tpu.memory_space<vmem_shared>>
        tpu.enqueue_indirect_dma source(%arg8 : memref<128x128xf32, #tpu.memory_space<vmem>>) target(%dma_start3A_540 : memref<10240x128xf32, #tpu.memory_space<vmem_shared>>) offsets(%dma_start3A_537 : memref<128xi32, #tpu.memory_space<vmem>>) semaphore(%run_scoped3A_534 : memref<!tpu.dma_semaphore, #tpu.memory_space<semaphore_mem>>) {add = true}
        %dma_wait3A_541 = arith.constant 0 : i32
        %dma_wait3A_542 = tpu.memref_slice %arg7[%select_n3A_233, %run_scoped3A_234, %dma_wait3A_541] : memref<2x8x128xi32, #tpu.memory_space<vmem>> -> memref<1x1x128xi32, #tpu.memory_space<vmem>>
        %dma_wait3A_543 = tpu.memref_squeeze %dma_wait3A_542 : memref<1x1x128xi32, #tpu.memory_space<vmem>> -> memref<128xi32, #tpu.memory_space<vmem>>
        %dma_wait3A_544 = arith.constant 0 : i32
        %dma_wait3A_545 = arith.constant 0 : i32
        %dma_wait3A_546 = tpu.memref_slice %arg10[%dma_wait3A_544, %dma_wait3A_545] : memref<10240x128xf32, #tpu.memory_space<vmem_shared>> -> memref<10240x128xf32, #tpu.memory_space<vmem_shared>>
        tpu.wait_indirect_dma semaphore(%run_scoped3A_534 : memref<!tpu.dma_semaphore, #tpu.memory_space<semaphore_mem>>) src(%arg8 : memref<128x128xf32, #tpu.memory_space<vmem>>) dst(%dma_wait3A_546 : memref<10240x128xf32, #tpu.memory_space<vmem_shared>>)
        tpu.yield
      }) : () -> ()
      %jit3A_235 = arith.constant 2 : i32
      %eq3A_236 = arith.constant 0 : i32
      %eq3A_237 = arith.cmpi eq, %jit3A_235, %eq3A_236 : i32
      %jit3A_238 = arith.constant 1 : i32
      %select_n3A_239 = arith.select %eq3A_237, %jit3A_238, %jit3A_235 : i32
      %rem3A_240 = arith.remsi %while3A_45, %select_n3A_239 : i32
      %ne3A_241 = arith.constant 0 : i32
      %ne3A_242 = arith.cmpi ne, %rem3A_240, %ne3A_241 : i32
      %lt3A_243 = arith.constant 0 : i32
      %lt3A_244 = arith.cmpi slt, %rem3A_240, %lt3A_243 : i32
      %lt3A_245 = arith.constant 0 : i32
      %lt3A_246 = arith.cmpi slt, %select_n3A_239, %lt3A_245 : i32
      %ne3A_247 = arith.xori %lt3A_244, %lt3A_246 : i1
      %and3A_248 = arith.andi %ne3A_247, %ne3A_242 : i1
      %add3A_249 = arith.addi %rem3A_240, %select_n3A_239 : i32
      %select_n3A_250 = arith.select %and3A_248, %add3A_249, %rem3A_240 : i32
      %dma_start3A_251 = arith.constant 4 : i32
      %dma_start3A_252 = arith.constant 0 : i32
      %dma_start3A_253 = tpu.memref_slice %arg6[%select_n3A_250, %dma_start3A_251, %dma_start3A_252] : memref<2x8x128xi32, #tpu.memory_space<vmem>> -> memref<1x1x128xi32, #tpu.memory_space<vmem>>
      %dma_start3A_254 = tpu.memref_squeeze %dma_start3A_253 : memref<1x1x128xi32, #tpu.memory_space<vmem>> -> memref<128xi32, #tpu.memory_space<vmem>>
      %dma_start3A_255 = arith.constant 0 : i32
      %dma_start3A_256 = arith.constant 0 : i32
      %dma_start3A_257 = tpu.memref_slice %arg2[%dma_start3A_255, %dma_start3A_256] : memref<10000x128xf32, #tpu.memory_space<hbm>> -> memref<10000x128xf32, #tpu.memory_space<hbm>>
      tpu.enqueue_indirect_dma source(%dma_start3A_257 : memref<10000x128xf32, #tpu.memory_space<hbm>>) target(%arg8 : memref<128x128xf32, #tpu.memory_space<vmem>>) offsets(%dma_start3A_254 : memref<128xi32, #tpu.memory_space<vmem>>) semaphore(%arg11 : memref<!tpu.dma_semaphore, #tpu.memory_space<semaphore_mem>>)
      %jit3A_258 = arith.constant 2 : i32
      %eq3A_259 = arith.constant 0 : i32
      %eq3A_260 = arith.cmpi eq, %jit3A_258, %eq3A_259 : i32
      %jit3A_261 = arith.constant 1 : i32
      %select_n3A_262 = arith.select %eq3A_260, %jit3A_261, %jit3A_258 : i32
      %rem3A_263 = arith.remsi %while3A_45, %select_n3A_262 : i32
      %ne3A_264 = arith.constant 0 : i32
      %ne3A_265 = arith.cmpi ne, %rem3A_263, %ne3A_264 : i32
      %lt3A_266 = arith.constant 0 : i32
      %lt3A_267 = arith.cmpi slt, %rem3A_263, %lt3A_266 : i32
      %lt3A_268 = arith.constant 0 : i32
      %lt3A_269 = arith.cmpi slt, %select_n3A_262, %lt3A_268 : i32
      %ne3A_270 = arith.xori %lt3A_267, %lt3A_269 : i1
      %and3A_271 = arith.andi %ne3A_270, %ne3A_265 : i1
      %add3A_272 = arith.addi %rem3A_263, %select_n3A_262 : i32
      %select_n3A_273 = arith.select %and3A_271, %add3A_272, %rem3A_263 : i32
      %dma_wait3A_274 = arith.constant 3 : i32
      %dma_wait3A_275 = arith.constant 0 : i32
      %dma_wait3A_276 = tpu.memref_slice %arg6[%select_n3A_273, %dma_wait3A_274, %dma_wait3A_275] : memref<2x8x128xi32, #tpu.memory_space<vmem>> -> memref<1x1x128xi32, #tpu.memory_space<vmem>>
      %dma_wait3A_277 = tpu.memref_squeeze %dma_wait3A_276 : memref<1x1x128xi32, #tpu.memory_space<vmem>> -> memref<128xi32, #tpu.memory_space<vmem>>
      %dma_wait3A_278 = arith.constant 0 : i32
      %dma_wait3A_279 = arith.constant 0 : i32
      %dma_wait3A_280 = tpu.memref_slice %arg2[%dma_wait3A_278, %dma_wait3A_279] : memref<10000x128xf32, #tpu.memory_space<hbm>> -> memref<10000x128xf32, #tpu.memory_space<hbm>>
      tpu.wait_indirect_dma semaphore(%arg12 : memref<!tpu.dma_semaphore, #tpu.memory_space<semaphore_mem>>) src(%dma_wait3A_280 : memref<10000x128xf32, #tpu.memory_space<hbm>>) dst(%arg9 : memref<128x128xf32, #tpu.memory_space<vmem>>)
      %jit3A_281 = arith.constant 2 : i32
      %eq3A_282 = arith.constant 0 : i32
      %eq3A_283 = arith.cmpi eq, %jit3A_281, %eq3A_282 : i32
      %jit3A_284 = arith.constant 1 : i32
      %select_n3A_285 = arith.select %eq3A_283, %jit3A_284, %jit3A_281 : i32
      %rem3A_286 = arith.remsi %while3A_45, %select_n3A_285 : i32
      %ne3A_287 = arith.constant 0 : i32
      %ne3A_288 = arith.cmpi ne, %rem3A_286, %ne3A_287 : i32
      %lt3A_289 = arith.constant 0 : i32
      %lt3A_290 = arith.cmpi slt, %rem3A_286, %lt3A_289 : i32
      %lt3A_291 = arith.constant 0 : i32
      %lt3A_292 = arith.cmpi slt, %select_n3A_285, %lt3A_291 : i32
      %ne3A_293 = arith.xori %lt3A_290, %lt3A_292 : i1
      %and3A_294 = arith.andi %ne3A_293, %ne3A_288 : i1
      %add3A_295 = arith.addi %rem3A_286, %select_n3A_285 : i32
      %select_n3A_296 = arith.select %and3A_294, %add3A_295, %rem3A_286 : i32
      %run_scoped3A_297 = arith.constant 3 : i32
      "tpu.region"() ({
        %run_scoped3A_534 = tpu.sem_alloc : memref<!tpu.dma_semaphore, #tpu.memory_space<semaphore_mem>>
        %dma_start3A_535 = arith.constant 0 : i32
        %dma_start3A_536 = tpu.memref_slice %arg7[%select_n3A_296, %run_scoped3A_297, %dma_start3A_535] : memref<2x8x128xi32, #tpu.memory_space<vmem>> -> memref<1x1x128xi32, #tpu.memory_space<vmem>>
        %dma_start3A_537 = tpu.memref_squeeze %dma_start3A_536 : memref<1x1x128xi32, #tpu.memory_space<vmem>> -> memref<128xi32, #tpu.memory_space<vmem>>
        %dma_start3A_538 = arith.constant 0 : i32
        %dma_start3A_539 = arith.constant 0 : i32
        %dma_start3A_540 = tpu.memref_slice %arg10[%dma_start3A_538, %dma_start3A_539] : memref<10240x128xf32, #tpu.memory_space<vmem_shared>> -> memref<10240x128xf32, #tpu.memory_space<vmem_shared>>
        tpu.enqueue_indirect_dma source(%arg9 : memref<128x128xf32, #tpu.memory_space<vmem>>) target(%dma_start3A_540 : memref<10240x128xf32, #tpu.memory_space<vmem_shared>>) offsets(%dma_start3A_537 : memref<128xi32, #tpu.memory_space<vmem>>) semaphore(%run_scoped3A_534 : memref<!tpu.dma_semaphore, #tpu.memory_space<semaphore_mem>>) {add = true}
        %dma_wait3A_541 = arith.constant 0 : i32
        %dma_wait3A_542 = tpu.memref_slice %arg7[%select_n3A_296, %run_scoped3A_297, %dma_wait3A_541] : memref<2x8x128xi32, #tpu.memory_space<vmem>> -> memref<1x1x128xi32, #tpu.memory_space<vmem>>
        %dma_wait3A_543 = tpu.memref_squeeze %dma_wait3A_542 : memref<1x1x128xi32, #tpu.memory_space<vmem>> -> memref<128xi32, #tpu.memory_space<vmem>>
        %dma_wait3A_544 = arith.constant 0 : i32
        %dma_wait3A_545 = arith.constant 0 : i32
        %dma_wait3A_546 = tpu.memref_slice %arg10[%dma_wait3A_544, %dma_wait3A_545] : memref<10240x128xf32, #tpu.memory_space<vmem_shared>> -> memref<10240x128xf32, #tpu.memory_space<vmem_shared>>
        tpu.wait_indirect_dma semaphore(%run_scoped3A_534 : memref<!tpu.dma_semaphore, #tpu.memory_space<semaphore_mem>>) src(%arg9 : memref<128x128xf32, #tpu.memory_space<vmem>>) dst(%dma_wait3A_546 : memref<10240x128xf32, #tpu.memory_space<vmem_shared>>)
        tpu.yield
      }) : () -> ()
      %jit3A_298 = arith.constant 2 : i32
      %eq3A_299 = arith.constant 0 : i32
      %eq3A_300 = arith.cmpi eq, %jit3A_298, %eq3A_299 : i32
      %jit3A_301 = arith.constant 1 : i32
      %select_n3A_302 = arith.select %eq3A_300, %jit3A_301, %jit3A_298 : i32
      %rem3A_303 = arith.remsi %while3A_45, %select_n3A_302 : i32
      %ne3A_304 = arith.constant 0 : i32
      %ne3A_305 = arith.cmpi ne, %rem3A_303, %ne3A_304 : i32
      %lt3A_306 = arith.constant 0 : i32
      %lt3A_307 = arith.cmpi slt, %rem3A_303, %lt3A_306 : i32
      %lt3A_308 = arith.constant 0 : i32
      %lt3A_309 = arith.cmpi slt, %select_n3A_302, %lt3A_308 : i32
      %ne3A_310 = arith.xori %lt3A_307, %lt3A_309 : i1
      %and3A_311 = arith.andi %ne3A_310, %ne3A_305 : i1
      %add3A_312 = arith.addi %rem3A_303, %select_n3A_302 : i32
      %select_n3A_313 = arith.select %and3A_311, %add3A_312, %rem3A_303 : i32
      %dma_start3A_314 = arith.constant 5 : i32
      %dma_start3A_315 = arith.constant 0 : i32
      %dma_start3A_316 = tpu.memref_slice %arg6[%select_n3A_313, %dma_start3A_314, %dma_start3A_315] : memref<2x8x128xi32, #tpu.memory_space<vmem>> -> memref<1x1x128xi32, #tpu.memory_space<vmem>>
      %dma_start3A_317 = tpu.memref_squeeze %dma_start3A_316 : memref<1x1x128xi32, #tpu.memory_space<vmem>> -> memref<128xi32, #tpu.memory_space<vmem>>
      %dma_start3A_318 = arith.constant 0 : i32
      %dma_start3A_319 = arith.constant 0 : i32
      %dma_start3A_320 = tpu.memref_slice %arg2[%dma_start3A_318, %dma_start3A_319] : memref<10000x128xf32, #tpu.memory_space<hbm>> -> memref<10000x128xf32, #tpu.memory_space<hbm>>
      tpu.enqueue_indirect_dma source(%dma_start3A_320 : memref<10000x128xf32, #tpu.memory_space<hbm>>) target(%arg9 : memref<128x128xf32, #tpu.memory_space<vmem>>) offsets(%dma_start3A_317 : memref<128xi32, #tpu.memory_space<vmem>>) semaphore(%arg12 : memref<!tpu.dma_semaphore, #tpu.memory_space<semaphore_mem>>)
      %jit3A_321 = arith.constant 2 : i32
      %eq3A_322 = arith.constant 0 : i32
      %eq3A_323 = arith.cmpi eq, %jit3A_321, %eq3A_322 : i32
      %jit3A_324 = arith.constant 1 : i32
      %select_n3A_325 = arith.select %eq3A_323, %jit3A_324, %jit3A_321 : i32
      %rem3A_326 = arith.remsi %while3A_45, %select_n3A_325 : i32
      %ne3A_327 = arith.constant 0 : i32
      %ne3A_328 = arith.cmpi ne, %rem3A_326, %ne3A_327 : i32
      %lt3A_329 = arith.constant 0 : i32
      %lt3A_330 = arith.cmpi slt, %rem3A_326, %lt3A_329 : i32
      %lt3A_331 = arith.constant 0 : i32
      %lt3A_332 = arith.cmpi slt, %select_n3A_325, %lt3A_331 : i32
      %ne3A_333 = arith.xori %lt3A_330, %lt3A_332 : i1
      %and3A_334 = arith.andi %ne3A_333, %ne3A_328 : i1
      %add3A_335 = arith.addi %rem3A_326, %select_n3A_325 : i32
      %select_n3A_336 = arith.select %and3A_334, %add3A_335, %rem3A_326 : i32
      %dma_wait3A_337 = arith.constant 4 : i32
      %dma_wait3A_338 = arith.constant 0 : i32
      %dma_wait3A_339 = tpu.memref_slice %arg6[%select_n3A_336, %dma_wait3A_337, %dma_wait3A_338] : memref<2x8x128xi32, #tpu.memory_space<vmem>> -> memref<1x1x128xi32, #tpu.memory_space<vmem>>
      %dma_wait3A_340 = tpu.memref_squeeze %dma_wait3A_339 : memref<1x1x128xi32, #tpu.memory_space<vmem>> -> memref<128xi32, #tpu.memory_space<vmem>>
      %dma_wait3A_341 = arith.constant 0 : i32
      %dma_wait3A_342 = arith.constant 0 : i32
      %dma_wait3A_343 = tpu.memref_slice %arg2[%dma_wait3A_341, %dma_wait3A_342] : memref<10000x128xf32, #tpu.memory_space<hbm>> -> memref<10000x128xf32, #tpu.memory_space<hbm>>
      tpu.wait_indirect_dma semaphore(%arg11 : memref<!tpu.dma_semaphore, #tpu.memory_space<semaphore_mem>>) src(%dma_wait3A_343 : memref<10000x128xf32, #tpu.memory_space<hbm>>) dst(%arg8 : memref<128x128xf32, #tpu.memory_space<vmem>>)
      %jit3A_344 = arith.constant 2 : i32
      %eq3A_345 = arith.constant 0 : i32
      %eq3A_346 = arith.cmpi eq, %jit3A_344, %eq3A_345 : i32
      %jit3A_347 = arith.constant 1 : i32
      %select_n3A_348 = arith.select %eq3A_346, %jit3A_347, %jit3A_344 : i32
      %rem3A_349 = arith.remsi %while3A_45, %select_n3A_348 : i32
      %ne3A_350 = arith.constant 0 : i32
      %ne3A_351 = arith.cmpi ne, %rem3A_349, %ne3A_350 : i32
      %lt3A_352 = arith.constant 0 : i32
      %lt3A_353 = arith.cmpi slt, %rem3A_349, %lt3A_352 : i32
      %lt3A_354 = arith.constant 0 : i32
      %lt3A_355 = arith.cmpi slt, %select_n3A_348, %lt3A_354 : i32
      %ne3A_356 = arith.xori %lt3A_353, %lt3A_355 : i1
      %and3A_357 = arith.andi %ne3A_356, %ne3A_351 : i1
      %add3A_358 = arith.addi %rem3A_349, %select_n3A_348 : i32
      %select_n3A_359 = arith.select %and3A_357, %add3A_358, %rem3A_349 : i32
      %run_scoped3A_360 = arith.constant 4 : i32
      "tpu.region"() ({
        %run_scoped3A_534 = tpu.sem_alloc : memref<!tpu.dma_semaphore, #tpu.memory_space<semaphore_mem>>
        %dma_start3A_535 = arith.constant 0 : i32
        %dma_start3A_536 = tpu.memref_slice %arg7[%select_n3A_359, %run_scoped3A_360, %dma_start3A_535] : memref<2x8x128xi32, #tpu.memory_space<vmem>> -> memref<1x1x128xi32, #tpu.memory_space<vmem>>
        %dma_start3A_537 = tpu.memref_squeeze %dma_start3A_536 : memref<1x1x128xi32, #tpu.memory_space<vmem>> -> memref<128xi32, #tpu.memory_space<vmem>>
        %dma_start3A_538 = arith.constant 0 : i32
        %dma_start3A_539 = arith.constant 0 : i32
        %dma_start3A_540 = tpu.memref_slice %arg10[%dma_start3A_538, %dma_start3A_539] : memref<10240x128xf32, #tpu.memory_space<vmem_shared>> -> memref<10240x128xf32, #tpu.memory_space<vmem_shared>>
        tpu.enqueue_indirect_dma source(%arg8 : memref<128x128xf32, #tpu.memory_space<vmem>>) target(%dma_start3A_540 : memref<10240x128xf32, #tpu.memory_space<vmem_shared>>) offsets(%dma_start3A_537 : memref<128xi32, #tpu.memory_space<vmem>>) semaphore(%run_scoped3A_534 : memref<!tpu.dma_semaphore, #tpu.memory_space<semaphore_mem>>) {add = true}
        %dma_wait3A_541 = arith.constant 0 : i32
        %dma_wait3A_542 = tpu.memref_slice %arg7[%select_n3A_359, %run_scoped3A_360, %dma_wait3A_541] : memref<2x8x128xi32, #tpu.memory_space<vmem>> -> memref<1x1x128xi32, #tpu.memory_space<vmem>>
        %dma_wait3A_543 = tpu.memref_squeeze %dma_wait3A_542 : memref<1x1x128xi32, #tpu.memory_space<vmem>> -> memref<128xi32, #tpu.memory_space<vmem>>
        %dma_wait3A_544 = arith.constant 0 : i32
        %dma_wait3A_545 = arith.constant 0 : i32
        %dma_wait3A_546 = tpu.memref_slice %arg10[%dma_wait3A_544, %dma_wait3A_545] : memref<10240x128xf32, #tpu.memory_space<vmem_shared>> -> memref<10240x128xf32, #tpu.memory_space<vmem_shared>>
        tpu.wait_indirect_dma semaphore(%run_scoped3A_534 : memref<!tpu.dma_semaphore, #tpu.memory_space<semaphore_mem>>) src(%arg8 : memref<128x128xf32, #tpu.memory_space<vmem>>) dst(%dma_wait3A_546 : memref<10240x128xf32, #tpu.memory_space<vmem_shared>>)
        tpu.yield
      }) : () -> ()
      %jit3A_361 = arith.constant 2 : i32
      %eq3A_362 = arith.constant 0 : i32
      %eq3A_363 = arith.cmpi eq, %jit3A_361, %eq3A_362 : i32
      %jit3A_364 = arith.constant 1 : i32
      %select_n3A_365 = arith.select %eq3A_363, %jit3A_364, %jit3A_361 : i32
      %rem3A_366 = arith.remsi %while3A_45, %select_n3A_365 : i32
      %ne3A_367 = arith.constant 0 : i32
      %ne3A_368 = arith.cmpi ne, %rem3A_366, %ne3A_367 : i32
      %lt3A_369 = arith.constant 0 : i32
      %lt3A_370 = arith.cmpi slt, %rem3A_366, %lt3A_369 : i32
      %lt3A_371 = arith.constant 0 : i32
      %lt3A_372 = arith.cmpi slt, %select_n3A_365, %lt3A_371 : i32
      %ne3A_373 = arith.xori %lt3A_370, %lt3A_372 : i1
      %and3A_374 = arith.andi %ne3A_373, %ne3A_368 : i1
      %add3A_375 = arith.addi %rem3A_366, %select_n3A_365 : i32
      %select_n3A_376 = arith.select %and3A_374, %add3A_375, %rem3A_366 : i32
      %dma_start3A_377 = arith.constant 6 : i32
      %dma_start3A_378 = arith.constant 0 : i32
      %dma_start3A_379 = tpu.memref_slice %arg6[%select_n3A_376, %dma_start3A_377, %dma_start3A_378] : memref<2x8x128xi32, #tpu.memory_space<vmem>> -> memref<1x1x128xi32, #tpu.memory_space<vmem>>
      %dma_start3A_380 = tpu.memref_squeeze %dma_start3A_379 : memref<1x1x128xi32, #tpu.memory_space<vmem>> -> memref<128xi32, #tpu.memory_space<vmem>>
      %dma_start3A_381 = arith.constant 0 : i32
      %dma_start3A_382 = arith.constant 0 : i32
      %dma_start3A_383 = tpu.memref_slice %arg2[%dma_start3A_381, %dma_start3A_382] : memref<10000x128xf32, #tpu.memory_space<hbm>> -> memref<10000x128xf32, #tpu.memory_space<hbm>>
      tpu.enqueue_indirect_dma source(%dma_start3A_383 : memref<10000x128xf32, #tpu.memory_space<hbm>>) target(%arg8 : memref<128x128xf32, #tpu.memory_space<vmem>>) offsets(%dma_start3A_380 : memref<128xi32, #tpu.memory_space<vmem>>) semaphore(%arg11 : memref<!tpu.dma_semaphore, #tpu.memory_space<semaphore_mem>>)
      %jit3A_384 = arith.constant 2 : i32
      %eq3A_385 = arith.constant 0 : i32
      %eq3A_386 = arith.cmpi eq, %jit3A_384, %eq3A_385 : i32
      %jit3A_387 = arith.constant 1 : i32
      %select_n3A_388 = arith.select %eq3A_386, %jit3A_387, %jit3A_384 : i32
      %rem3A_389 = arith.remsi %while3A_45, %select_n3A_388 : i32
      %ne3A_390 = arith.constant 0 : i32
      %ne3A_391 = arith.cmpi ne, %rem3A_389, %ne3A_390 : i32
      %lt3A_392 = arith.constant 0 : i32
      %lt3A_393 = arith.cmpi slt, %rem3A_389, %lt3A_392 : i32
      %lt3A_394 = arith.constant 0 : i32
      %lt3A_395 = arith.cmpi slt, %select_n3A_388, %lt3A_394 : i32
      %ne3A_396 = arith.xori %lt3A_393, %lt3A_395 : i1
      %and3A_397 = arith.andi %ne3A_396, %ne3A_391 : i1
      %add3A_398 = arith.addi %rem3A_389, %select_n3A_388 : i32
      %select_n3A_399 = arith.select %and3A_397, %add3A_398, %rem3A_389 : i32
      %dma_wait3A_400 = arith.constant 5 : i32
      %dma_wait3A_401 = arith.constant 0 : i32
      %dma_wait3A_402 = tpu.memref_slice %arg6[%select_n3A_399, %dma_wait3A_400, %dma_wait3A_401] : memref<2x8x128xi32, #tpu.memory_space<vmem>> -> memref<1x1x128xi32, #tpu.memory_space<vmem>>
      %dma_wait3A_403 = tpu.memref_squeeze %dma_wait3A_402 : memref<1x1x128xi32, #tpu.memory_space<vmem>> -> memref<128xi32, #tpu.memory_space<vmem>>
      %dma_wait3A_404 = arith.constant 0 : i32
      %dma_wait3A_405 = arith.constant 0 : i32
      %dma_wait3A_406 = tpu.memref_slice %arg2[%dma_wait3A_404, %dma_wait3A_405] : memref<10000x128xf32, #tpu.memory_space<hbm>> -> memref<10000x128xf32, #tpu.memory_space<hbm>>
      tpu.wait_indirect_dma semaphore(%arg12 : memref<!tpu.dma_semaphore, #tpu.memory_space<semaphore_mem>>) src(%dma_wait3A_406 : memref<10000x128xf32, #tpu.memory_space<hbm>>) dst(%arg9 : memref<128x128xf32, #tpu.memory_space<vmem>>)
      %jit3A_407 = arith.constant 2 : i32
      %eq3A_408 = arith.constant 0 : i32
      %eq3A_409 = arith.cmpi eq, %jit3A_407, %eq3A_408 : i32
      %jit3A_410 = arith.constant 1 : i32
      %select_n3A_411 = arith.select %eq3A_409, %jit3A_410, %jit3A_407 : i32
      %rem3A_412 = arith.remsi %while3A_45, %select_n3A_411 : i32
      %ne3A_413 = arith.constant 0 : i32
      %ne3A_414 = arith.cmpi ne, %rem3A_412, %ne3A_413 : i32
      %lt3A_415 = arith.constant 0 : i32
      %lt3A_416 = arith.cmpi slt, %rem3A_412, %lt3A_415 : i32
      %lt3A_417 = arith.constant 0 : i32
      %lt3A_418 = arith.cmpi slt, %select_n3A_411, %lt3A_417 : i32
      %ne3A_419 = arith.xori %lt3A_416, %lt3A_418 : i1
      %and3A_420 = arith.andi %ne3A_419, %ne3A_414 : i1
      %add3A_421 = arith.addi %rem3A_412, %select_n3A_411 : i32
      %select_n3A_422 = arith.select %and3A_420, %add3A_421, %rem3A_412 : i32
      %run_scoped3A_423 = arith.constant 5 : i32
      "tpu.region"() ({
        %run_scoped3A_534 = tpu.sem_alloc : memref<!tpu.dma_semaphore, #tpu.memory_space<semaphore_mem>>
        %dma_start3A_535 = arith.constant 0 : i32
        %dma_start3A_536 = tpu.memref_slice %arg7[%select_n3A_422, %run_scoped3A_423, %dma_start3A_535] : memref<2x8x128xi32, #tpu.memory_space<vmem>> -> memref<1x1x128xi32, #tpu.memory_space<vmem>>
        %dma_start3A_537 = tpu.memref_squeeze %dma_start3A_536 : memref<1x1x128xi32, #tpu.memory_space<vmem>> -> memref<128xi32, #tpu.memory_space<vmem>>
        %dma_start3A_538 = arith.constant 0 : i32
        %dma_start3A_539 = arith.constant 0 : i32
        %dma_start3A_540 = tpu.memref_slice %arg10[%dma_start3A_538, %dma_start3A_539] : memref<10240x128xf32, #tpu.memory_space<vmem_shared>> -> memref<10240x128xf32, #tpu.memory_space<vmem_shared>>
        tpu.enqueue_indirect_dma source(%arg9 : memref<128x128xf32, #tpu.memory_space<vmem>>) target(%dma_start3A_540 : memref<10240x128xf32, #tpu.memory_space<vmem_shared>>) offsets(%dma_start3A_537 : memref<128xi32, #tpu.memory_space<vmem>>) semaphore(%run_scoped3A_534 : memref<!tpu.dma_semaphore, #tpu.memory_space<semaphore_mem>>) {add = true}
        %dma_wait3A_541 = arith.constant 0 : i32
        %dma_wait3A_542 = tpu.memref_slice %arg7[%select_n3A_422, %run_scoped3A_423, %dma_wait3A_541] : memref<2x8x128xi32, #tpu.memory_space<vmem>> -> memref<1x1x128xi32, #tpu.memory_space<vmem>>
        %dma_wait3A_543 = tpu.memref_squeeze %dma_wait3A_542 : memref<1x1x128xi32, #tpu.memory_space<vmem>> -> memref<128xi32, #tpu.memory_space<vmem>>
        %dma_wait3A_544 = arith.constant 0 : i32
        %dma_wait3A_545 = arith.constant 0 : i32
        %dma_wait3A_546 = tpu.memref_slice %arg10[%dma_wait3A_544, %dma_wait3A_545] : memref<10240x128xf32, #tpu.memory_space<vmem_shared>> -> memref<10240x128xf32, #tpu.memory_space<vmem_shared>>
        tpu.wait_indirect_dma semaphore(%run_scoped3A_534 : memref<!tpu.dma_semaphore, #tpu.memory_space<semaphore_mem>>) src(%arg9 : memref<128x128xf32, #tpu.memory_space<vmem>>) dst(%dma_wait3A_546 : memref<10240x128xf32, #tpu.memory_space<vmem_shared>>)
        tpu.yield
      }) : () -> ()
      %jit3A_424 = arith.constant 2 : i32
      %eq3A_425 = arith.constant 0 : i32
      %eq3A_426 = arith.cmpi eq, %jit3A_424, %eq3A_425 : i32
      %jit3A_427 = arith.constant 1 : i32
      %select_n3A_428 = arith.select %eq3A_426, %jit3A_427, %jit3A_424 : i32
      %rem3A_429 = arith.remsi %while3A_45, %select_n3A_428 : i32
      %ne3A_430 = arith.constant 0 : i32
      %ne3A_431 = arith.cmpi ne, %rem3A_429, %ne3A_430 : i32
      %lt3A_432 = arith.constant 0 : i32
      %lt3A_433 = arith.cmpi slt, %rem3A_429, %lt3A_432 : i32
      %lt3A_434 = arith.constant 0 : i32
      %lt3A_435 = arith.cmpi slt, %select_n3A_428, %lt3A_434 : i32
      %ne3A_436 = arith.xori %lt3A_433, %lt3A_435 : i1
      %and3A_437 = arith.andi %ne3A_436, %ne3A_431 : i1
      %add3A_438 = arith.addi %rem3A_429, %select_n3A_428 : i32
      %select_n3A_439 = arith.select %and3A_437, %add3A_438, %rem3A_429 : i32
      %dma_start3A_440 = arith.constant 7 : i32
      %dma_start3A_441 = arith.constant 0 : i32
      %dma_start3A_442 = tpu.memref_slice %arg6[%select_n3A_439, %dma_start3A_440, %dma_start3A_441] : memref<2x8x128xi32, #tpu.memory_space<vmem>> -> memref<1x1x128xi32, #tpu.memory_space<vmem>>
      %dma_start3A_443 = tpu.memref_squeeze %dma_start3A_442 : memref<1x1x128xi32, #tpu.memory_space<vmem>> -> memref<128xi32, #tpu.memory_space<vmem>>
      %dma_start3A_444 = arith.constant 0 : i32
      %dma_start3A_445 = arith.constant 0 : i32
      %dma_start3A_446 = tpu.memref_slice %arg2[%dma_start3A_444, %dma_start3A_445] : memref<10000x128xf32, #tpu.memory_space<hbm>> -> memref<10000x128xf32, #tpu.memory_space<hbm>>
      tpu.enqueue_indirect_dma source(%dma_start3A_446 : memref<10000x128xf32, #tpu.memory_space<hbm>>) target(%arg9 : memref<128x128xf32, #tpu.memory_space<vmem>>) offsets(%dma_start3A_443 : memref<128xi32, #tpu.memory_space<vmem>>) semaphore(%arg12 : memref<!tpu.dma_semaphore, #tpu.memory_space<semaphore_mem>>)
      %jit3A_447 = arith.constant 2 : i32
      %eq3A_448 = arith.constant 0 : i32
      %eq3A_449 = arith.cmpi eq, %jit3A_447, %eq3A_448 : i32
      %jit3A_450 = arith.constant 1 : i32
      %select_n3A_451 = arith.select %eq3A_449, %jit3A_450, %jit3A_447 : i32
      %rem3A_452 = arith.remsi %while3A_45, %select_n3A_451 : i32
      %ne3A_453 = arith.constant 0 : i32
      %ne3A_454 = arith.cmpi ne, %rem3A_452, %ne3A_453 : i32
      %lt3A_455 = arith.constant 0 : i32
      %lt3A_456 = arith.cmpi slt, %rem3A_452, %lt3A_455 : i32
      %lt3A_457 = arith.constant 0 : i32
      %lt3A_458 = arith.cmpi slt, %select_n3A_451, %lt3A_457 : i32
      %ne3A_459 = arith.xori %lt3A_456, %lt3A_458 : i1
      %and3A_460 = arith.andi %ne3A_459, %ne3A_454 : i1
      %add3A_461 = arith.addi %rem3A_452, %select_n3A_451 : i32
      %select_n3A_462 = arith.select %and3A_460, %add3A_461, %rem3A_452 : i32
      %dma_wait3A_463 = arith.constant 6 : i32
      %dma_wait3A_464 = arith.constant 0 : i32
      %dma_wait3A_465 = tpu.memref_slice %arg6[%select_n3A_462, %dma_wait3A_463, %dma_wait3A_464] : memref<2x8x128xi32, #tpu.memory_space<vmem>> -> memref<1x1x128xi32, #tpu.memory_space<vmem>>
      %dma_wait3A_466 = tpu.memref_squeeze %dma_wait3A_465 : memref<1x1x128xi32, #tpu.memory_space<vmem>> -> memref<128xi32, #tpu.memory_space<vmem>>
      %dma_wait3A_467 = arith.constant 0 : i32
      %dma_wait3A_468 = arith.constant 0 : i32
      %dma_wait3A_469 = tpu.memref_slice %arg2[%dma_wait3A_467, %dma_wait3A_468] : memref<10000x128xf32, #tpu.memory_space<hbm>> -> memref<10000x128xf32, #tpu.memory_space<hbm>>
      tpu.wait_indirect_dma semaphore(%arg11 : memref<!tpu.dma_semaphore, #tpu.memory_space<semaphore_mem>>) src(%dma_wait3A_469 : memref<10000x128xf32, #tpu.memory_space<hbm>>) dst(%arg8 : memref<128x128xf32, #tpu.memory_space<vmem>>)
      %jit3A_470 = arith.constant 2 : i32
      %eq3A_471 = arith.constant 0 : i32
      %eq3A_472 = arith.cmpi eq, %jit3A_470, %eq3A_471 : i32
      %jit3A_473 = arith.constant 1 : i32
      %select_n3A_474 = arith.select %eq3A_472, %jit3A_473, %jit3A_470 : i32
      %rem3A_475 = arith.remsi %while3A_45, %select_n3A_474 : i32
      %ne3A_476 = arith.constant 0 : i32
      %ne3A_477 = arith.cmpi ne, %rem3A_475, %ne3A_476 : i32
      %lt3A_478 = arith.constant 0 : i32
      %lt3A_479 = arith.cmpi slt, %rem3A_475, %lt3A_478 : i32
      %lt3A_480 = arith.constant 0 : i32
      %lt3A_481 = arith.cmpi slt, %select_n3A_474, %lt3A_480 : i32
      %ne3A_482 = arith.xori %lt3A_479, %lt3A_481 : i1
      %and3A_483 = arith.andi %ne3A_482, %ne3A_477 : i1
      %add3A_484 = arith.addi %rem3A_475, %select_n3A_474 : i32
      %select_n3A_485 = arith.select %and3A_483, %add3A_484, %rem3A_475 : i32
      %run_scoped3A_486 = arith.constant 6 : i32
      "tpu.region"() ({
        %run_scoped3A_534 = tpu.sem_alloc : memref<!tpu.dma_semaphore, #tpu.memory_space<semaphore_mem>>
        %dma_start3A_535 = arith.constant 0 : i32
        %dma_start3A_536 = tpu.memref_slice %arg7[%select_n3A_485, %run_scoped3A_486, %dma_start3A_535] : memref<2x8x128xi32, #tpu.memory_space<vmem>> -> memref<1x1x128xi32, #tpu.memory_space<vmem>>
        %dma_start3A_537 = tpu.memref_squeeze %dma_start3A_536 : memref<1x1x128xi32, #tpu.memory_space<vmem>> -> memref<128xi32, #tpu.memory_space<vmem>>
        %dma_start3A_538 = arith.constant 0 : i32
        %dma_start3A_539 = arith.constant 0 : i32
        %dma_start3A_540 = tpu.memref_slice %arg10[%dma_start3A_538, %dma_start3A_539] : memref<10240x128xf32, #tpu.memory_space<vmem_shared>> -> memref<10240x128xf32, #tpu.memory_space<vmem_shared>>
        tpu.enqueue_indirect_dma source(%arg8 : memref<128x128xf32, #tpu.memory_space<vmem>>) target(%dma_start3A_540 : memref<10240x128xf32, #tpu.memory_space<vmem_shared>>) offsets(%dma_start3A_537 : memref<128xi32, #tpu.memory_space<vmem>>) semaphore(%run_scoped3A_534 : memref<!tpu.dma_semaphore, #tpu.memory_space<semaphore_mem>>) {add = true}
        %dma_wait3A_541 = arith.constant 0 : i32
        %dma_wait3A_542 = tpu.memref_slice %arg7[%select_n3A_485, %run_scoped3A_486, %dma_wait3A_541] : memref<2x8x128xi32, #tpu.memory_space<vmem>> -> memref<1x1x128xi32, #tpu.memory_space<vmem>>
        %dma_wait3A_543 = tpu.memref_squeeze %dma_wait3A_542 : memref<1x1x128xi32, #tpu.memory_space<vmem>> -> memref<128xi32, #tpu.memory_space<vmem>>
        %dma_wait3A_544 = arith.constant 0 : i32
        %dma_wait3A_545 = arith.constant 0 : i32
        %dma_wait3A_546 = tpu.memref_slice %arg10[%dma_wait3A_544, %dma_wait3A_545] : memref<10240x128xf32, #tpu.memory_space<vmem_shared>> -> memref<10240x128xf32, #tpu.memory_space<vmem_shared>>
        tpu.wait_indirect_dma semaphore(%run_scoped3A_534 : memref<!tpu.dma_semaphore, #tpu.memory_space<semaphore_mem>>) src(%arg8 : memref<128x128xf32, #tpu.memory_space<vmem>>) dst(%dma_wait3A_546 : memref<10240x128xf32, #tpu.memory_space<vmem_shared>>)
        tpu.yield
      }) : () -> ()
      %add3A_487 = arith.constant 1 : i32
      %add3A_488 = arith.addi %while3A_45, %add3A_487 : i32
      %lt3A_489 = arith.cmpi slt, %add3A_488, %select_n3A : i32
      %convert_element_type3A_490 = arith.extui %lt3A_489 : i1 to i32
      %cond3A_491 = arith.constant 0 : i32
      %cond3A_492 = arith.cmpi ne, %convert_element_type3A_490, %cond3A_491 : i32
      scf.if %cond3A_492 {
        %add3A_534 = arith.constant 1 : i32
        %add3A_535 = arith.addi %while3A_45, %add3A_534 : i32
        %jit3A_536 = arith.constant 2 : i32
        %eq3A_537 = arith.constant 0 : i32
        %eq3A_538 = arith.cmpi eq, %jit3A_536, %eq3A_537 : i32
        %jit3A_539 = arith.constant 1 : i32
        %select_n3A_540 = arith.select %eq3A_538, %jit3A_539, %jit3A_536 : i32
        %rem3A_541 = arith.remsi %add3A_535, %select_n3A_540 : i32
        %ne3A_542 = arith.constant 0 : i32
        %ne3A_543 = arith.cmpi ne, %rem3A_541, %ne3A_542 : i32
        %lt3A_544 = arith.constant 0 : i32
        %lt3A_545 = arith.cmpi slt, %rem3A_541, %lt3A_544 : i32
        %lt3A_546 = arith.constant 0 : i32
        %lt3A_547 = arith.cmpi slt, %select_n3A_540, %lt3A_546 : i32
        %ne3A_548 = arith.xori %lt3A_545, %lt3A_547 : i1
        %and3A_549 = arith.andi %ne3A_548, %ne3A_543 : i1
        %add3A_550 = arith.addi %rem3A_541, %select_n3A_540 : i32
        %select_n3A_551 = arith.select %and3A_549, %add3A_550, %rem3A_541 : i32
        %dma_start3A_552 = arith.constant 0 : i32
        %dma_start3A_553 = arith.constant 0 : i32
        %dma_start3A_554 = tpu.memref_slice %arg6[%select_n3A_551, %dma_start3A_552, %dma_start3A_553] : memref<2x8x128xi32, #tpu.memory_space<vmem>> -> memref<1x1x128xi32, #tpu.memory_space<vmem>>
        %dma_start3A_555 = tpu.memref_squeeze %dma_start3A_554 : memref<1x1x128xi32, #tpu.memory_space<vmem>> -> memref<128xi32, #tpu.memory_space<vmem>>
        %dma_start3A_556 = arith.constant 0 : i32
        %dma_start3A_557 = arith.constant 0 : i32
        %dma_start3A_558 = tpu.memref_slice %arg2[%dma_start3A_556, %dma_start3A_557] : memref<10000x128xf32, #tpu.memory_space<hbm>> -> memref<10000x128xf32, #tpu.memory_space<hbm>>
        tpu.enqueue_indirect_dma source(%dma_start3A_558 : memref<10000x128xf32, #tpu.memory_space<hbm>>) target(%arg8 : memref<128x128xf32, #tpu.memory_space<vmem>>) offsets(%dma_start3A_555 : memref<128xi32, #tpu.memory_space<vmem>>) semaphore(%arg11 : memref<!tpu.dma_semaphore, #tpu.memory_space<semaphore_mem>>)
      } else {
      }
      %jit3A_493 = arith.constant 2 : i32
      %eq3A_494 = arith.constant 0 : i32
      %eq3A_495 = arith.cmpi eq, %jit3A_493, %eq3A_494 : i32
      %jit3A_496 = arith.constant 1 : i32
      %select_n3A_497 = arith.select %eq3A_495, %jit3A_496, %jit3A_493 : i32
      %rem3A_498 = arith.remsi %while3A_45, %select_n3A_497 : i32
      %ne3A_499 = arith.constant 0 : i32
      %ne3A_500 = arith.cmpi ne, %rem3A_498, %ne3A_499 : i32
      %lt3A_501 = arith.constant 0 : i32
      %lt3A_502 = arith.cmpi slt, %rem3A_498, %lt3A_501 : i32
      %lt3A_503 = arith.constant 0 : i32
      %lt3A_504 = arith.cmpi slt, %select_n3A_497, %lt3A_503 : i32
      %ne3A_505 = arith.xori %lt3A_502, %lt3A_504 : i1
      %and3A_506 = arith.andi %ne3A_505, %ne3A_500 : i1
      %add3A_507 = arith.addi %rem3A_498, %select_n3A_497 : i32
      %select_n3A_508 = arith.select %and3A_506, %add3A_507, %rem3A_498 : i32
      %dma_wait3A_509 = arith.constant 7 : i32
      %dma_wait3A_510 = arith.constant 0 : i32
      %dma_wait3A_511 = tpu.memref_slice %arg6[%select_n3A_508, %dma_wait3A_509, %dma_wait3A_510] : memref<2x8x128xi32, #tpu.memory_space<vmem>> -> memref<1x1x128xi32, #tpu.memory_space<vmem>>
      %dma_wait3A_512 = tpu.memref_squeeze %dma_wait3A_511 : memref<1x1x128xi32, #tpu.memory_space<vmem>> -> memref<128xi32, #tpu.memory_space<vmem>>
      %dma_wait3A_513 = arith.constant 0 : i32
      %dma_wait3A_514 = arith.constant 0 : i32
      %dma_wait3A_515 = tpu.memref_slice %arg2[%dma_wait3A_513, %dma_wait3A_514] : memref<10000x128xf32, #tpu.memory_space<hbm>> -> memref<10000x128xf32, #tpu.memory_space<hbm>>
      tpu.wait_indirect_dma semaphore(%arg12 : memref<!tpu.dma_semaphore, #tpu.memory_space<semaphore_mem>>) src(%dma_wait3A_515 : memref<10000x128xf32, #tpu.memory_space<hbm>>) dst(%arg9 : memref<128x128xf32, #tpu.memory_space<vmem>>)
      %jit3A_516 = arith.constant 2 : i32
      %eq3A_517 = arith.constant 0 : i32
      %eq3A_518 = arith.cmpi eq, %jit3A_516, %eq3A_517 : i32
      %jit3A_519 = arith.constant 1 : i32
      %select_n3A_520 = arith.select %eq3A_518, %jit3A_519, %jit3A_516 : i32
      %rem3A_521 = arith.remsi %while3A_45, %select_n3A_520 : i32
      %ne3A_522 = arith.constant 0 : i32
      %ne3A_523 = arith.cmpi ne, %rem3A_521, %ne3A_522 : i32
      %lt3A_524 = arith.constant 0 : i32
      %lt3A_525 = arith.cmpi slt, %rem3A_521, %lt3A_524 : i32
      %lt3A_526 = arith.constant 0 : i32
      %lt3A_527 = arith.cmpi slt, %select_n3A_520, %lt3A_526 : i32
      %ne3A_528 = arith.xori %lt3A_525, %lt3A_527 : i1
      %and3A_529 = arith.andi %ne3A_528, %ne3A_523 : i1
      %add3A_530 = arith.addi %rem3A_521, %select_n3A_520 : i32
      %select_n3A_531 = arith.select %and3A_529, %add3A_530, %rem3A_521 : i32
      %run_scoped3A_532 = arith.constant 7 : i32
      "tpu.region"() ({
        %run_scoped3A_534 = tpu.sem_alloc : memref<!tpu.dma_semaphore, #tpu.memory_space<semaphore_mem>>
        %dma_start3A_535 = arith.constant 0 : i32
        %dma_start3A_536 = tpu.memref_slice %arg7[%select_n3A_531, %run_scoped3A_532, %dma_start3A_535] : memref<2x8x128xi32, #tpu.memory_space<vmem>> -> memref<1x1x128xi32, #tpu.memory_space<vmem>>
        %dma_start3A_537 = tpu.memref_squeeze %dma_start3A_536 : memref<1x1x128xi32, #tpu.memory_space<vmem>> -> memref<128xi32, #tpu.memory_space<vmem>>
        %dma_start3A_538 = arith.constant 0 : i32
        %dma_start3A_539 = arith.constant 0 : i32
        %dma_start3A_540 = tpu.memref_slice %arg10[%dma_start3A_538, %dma_start3A_539] : memref<10240x128xf32, #tpu.memory_space<vmem_shared>> -> memref<10240x128xf32, #tpu.memory_space<vmem_shared>>
        tpu.enqueue_indirect_dma source(%arg9 : memref<128x128xf32, #tpu.memory_space<vmem>>) target(%dma_start3A_540 : memref<10240x128xf32, #tpu.memory_space<vmem_shared>>) offsets(%dma_start3A_537 : memref<128xi32, #tpu.memory_space<vmem>>) semaphore(%run_scoped3A_534 : memref<!tpu.dma_semaphore, #tpu.memory_space<semaphore_mem>>) {add = true}
        %dma_wait3A_541 = arith.constant 0 : i32
        %dma_wait3A_542 = tpu.memref_slice %arg7[%select_n3A_531, %run_scoped3A_532, %dma_wait3A_541] : memref<2x8x128xi32, #tpu.memory_space<vmem>> -> memref<1x1x128xi32, #tpu.memory_space<vmem>>
        %dma_wait3A_543 = tpu.memref_squeeze %dma_wait3A_542 : memref<1x1x128xi32, #tpu.memory_space<vmem>> -> memref<128xi32, #tpu.memory_space<vmem>>
        %dma_wait3A_544 = arith.constant 0 : i32
        %dma_wait3A_545 = arith.constant 0 : i32
        %dma_wait3A_546 = tpu.memref_slice %arg10[%dma_wait3A_544, %dma_wait3A_545] : memref<10240x128xf32, #tpu.memory_space<vmem_shared>> -> memref<10240x128xf32, #tpu.memory_space<vmem_shared>>
        tpu.wait_indirect_dma semaphore(%run_scoped3A_534 : memref<!tpu.dma_semaphore, #tpu.memory_space<semaphore_mem>>) src(%arg9 : memref<128x128xf32, #tpu.memory_space<vmem>>) dst(%dma_wait3A_546 : memref<10240x128xf32, #tpu.memory_space<vmem_shared>>)
        tpu.yield
      }) : () -> ()
      %while3A_533 = arith.constant 0 : i32
      scf.yield %while3A_533 : i32
    }
    %while3A_42 = arith.constant 1 : i32
    %while3A_43 = scf.for %while3A_45 = %while3A_39 to %while3A_35 step %while3A_42 iter_args(%while3A_46 = %while3A_41) -> (i32)  : i32 {
      %add3A_47 = arith.constant 1 : i32
      %add3A_48 = arith.addi %while3A_45, %add3A_47 : i32
      %lt3A = arith.cmpi slt, %add3A_48, %select_n3A : i32
      %convert_element_type3A_49 = arith.extui %lt3A : i1 to i32
      %cond3A_50 = arith.constant 0 : i32
      %cond3A_51 = arith.cmpi ne, %convert_element_type3A_49, %cond3A_50 : i32
      scf.if %cond3A_51 {
        %add3A_534 = arith.constant 1 : i32
        %add3A_535 = arith.addi %while3A_45, %add3A_534 : i32
        %mul3A_536 = arith.constant 8 : i32
        %mul3A_537 = arith.muli %add3A_535, %mul3A_536 : i32
        %add3A_538 = arith.addi %select_n3A_30, %mul3A_537 : i32
        %jit3A_539 = arith.constant 2 : i32
        %eq3A_540 = arith.constant 0 : i32
        %eq3A_541 = arith.cmpi eq, %jit3A_539, %eq3A_540 : i32
        %jit3A_542 = arith.constant 1 : i32
        %select_n3A_543 = arith.select %eq3A_541, %jit3A_542, %jit3A_539 : i32
        %rem3A_544 = arith.remsi %add3A_535, %select_n3A_543 : i32
        %ne3A_545 = arith.constant 0 : i32
        %ne3A_546 = arith.cmpi ne, %rem3A_544, %ne3A_545 : i32
        %lt3A_547 = arith.constant 0 : i32
        %lt3A_548 = arith.cmpi slt, %rem3A_544, %lt3A_547 : i32
        %lt3A_549 = arith.constant 0 : i32
        %lt3A_550 = arith.cmpi slt, %select_n3A_543, %lt3A_549 : i32
        %ne3A_551 = arith.xori %lt3A_548, %lt3A_550 : i1
        %and3A_552 = arith.andi %ne3A_551, %ne3A_546 : i1
        %add3A_553 = arith.addi %rem3A_544, %select_n3A_543 : i32
        %select_n3A_554 = arith.select %and3A_552, %add3A_553, %rem3A_544 : i32
        "tpu.region"() ({
          %run_scoped3A_571 = tpu.sem_alloc : memref<!tpu.dma_semaphore, #tpu.memory_space<semaphore_mem>>
          %dma_start3A_572 = arith.constant 0 : i32
          %dma_start3A_573 = arith.constant 0 : i32
          %dma_start3A_574 = tpu.memref_slice %arg6[%select_n3A_554, %dma_start3A_572, %dma_start3A_573] : memref<2x8x128xi32, #tpu.memory_space<vmem>> -> memref<1x8x128xi32, #tpu.memory_space<vmem>>
          %dma_start3A_575 = tpu.memref_squeeze %dma_start3A_574 : memref<1x8x128xi32, #tpu.memory_space<vmem>> -> memref<8x128xi32, #tpu.memory_space<vmem>>
          %dma_start3A_576 = arith.constant 0 : i32
          %dma_start3A_577 = tpu.memref_slice %arg3[%add3A_538, %dma_start3A_576] : memref<2560x128xi32, #tpu.memory_space<hbm>> -> memref<8x128xi32, #tpu.memory_space<hbm>>
          %dma_start3A_578 = arith.constant 0 : i32
          %dma_start3A_579 = arith.constant 0 : i32
          %dma_start3A_580 = tpu.memref_slice %arg6[%select_n3A_554, %dma_start3A_578, %dma_start3A_579] : memref<2x8x128xi32, #tpu.memory_space<vmem>> -> memref<1x8x128xi32, #tpu.memory_space<vmem>>
          %dma_start3A_581 = tpu.memref_squeeze %dma_start3A_580 : memref<1x8x128xi32, #tpu.memory_space<vmem>> -> memref<8x128xi32, #tpu.memory_space<vmem>>
          %dma_start3A_582 = arith.constant 0 : i32
          %dma_start3A_583 = tpu.memref_slice %arg3[%add3A_538, %dma_start3A_582] : memref<2560x128xi32, #tpu.memory_space<hbm>> -> memref<8x128xi32, #tpu.memory_space<hbm>>
          tpu.enqueue_dma source(%dma_start3A_583 : memref<8x128xi32, #tpu.memory_space<hbm>>) target(%dma_start3A_581 : memref<8x128xi32, #tpu.memory_space<vmem>>) target_semaphore(%run_scoped3A_571 : memref<!tpu.dma_semaphore, #tpu.memory_space<semaphore_mem>>)
          %dma_wait3A_584 = arith.constant 0 : i32
          %dma_wait3A_585 = arith.constant 0 : i32
          %dma_wait3A_586 = tpu.memref_slice %arg6[%select_n3A_554, %dma_wait3A_584, %dma_wait3A_585] : memref<2x8x128xi32, #tpu.memory_space<vmem>> -> memref<1x8x128xi32, #tpu.memory_space<vmem>>
          %dma_wait3A_587 = tpu.memref_squeeze %dma_wait3A_586 : memref<1x8x128xi32, #tpu.memory_space<vmem>> -> memref<8x128xi32, #tpu.memory_space<vmem>>
          %dma_wait3A_588 = arith.constant 0 : i32
          %dma_wait3A_589 = tpu.memref_slice %arg3[%add3A_538, %dma_wait3A_588] : memref<2560x128xi32, #tpu.memory_space<hbm>> -> memref<8x128xi32, #tpu.memory_space<hbm>>
          %dma_wait3A_590 = arith.constant 0 : i32
          %dma_wait3A_591 = arith.constant 0 : i32
          %dma_wait3A_592 = tpu.memref_slice %arg6[%select_n3A_554, %dma_wait3A_590, %dma_wait3A_591] : memref<2x8x128xi32, #tpu.memory_space<vmem>> -> memref<1x8x128xi32, #tpu.memory_space<vmem>>
          %dma_wait3A_593 = tpu.memref_squeeze %dma_wait3A_592 : memref<1x8x128xi32, #tpu.memory_space<vmem>> -> memref<8x128xi32, #tpu.memory_space<vmem>>
          %dma_wait3A_594 = arith.constant 0 : i32
          %dma_wait3A_595 = tpu.memref_slice %arg3[%add3A_538, %dma_wait3A_594] : memref<2560x128xi32, #tpu.memory_space<hbm>> -> memref<8x128xi32, #tpu.memory_space<hbm>>
          tpu.wait_dma2 semaphore(%run_scoped3A_571 : memref<!tpu.dma_semaphore, #tpu.memory_space<semaphore_mem>>) src(%dma_wait3A_595 : memref<8x128xi32, #tpu.memory_space<hbm>>) dst(%dma_wait3A_593 : memref<8x128xi32, #tpu.memory_space<vmem>>)
          tpu.yield
        }) : () -> ()
        %jit3A_555 = arith.constant 2 : i32
        %eq3A_556 = arith.constant 0 : i32
        %eq3A_557 = arith.cmpi eq, %jit3A_555, %eq3A_556 : i32
        %jit3A_558 = arith.constant 1 : i32
        %select_n3A_559 = arith.select %eq3A_557, %jit3A_558, %jit3A_555 : i32
        %rem3A_560 = arith.remsi %add3A_535, %select_n3A_559 : i32
        %ne3A_561 = arith.constant 0 : i32
        %ne3A_562 = arith.cmpi ne, %rem3A_560, %ne3A_561 : i32
        %lt3A_563 = arith.constant 0 : i32
        %lt3A_564 = arith.cmpi slt, %rem3A_560, %lt3A_563 : i32
        %lt3A_565 = arith.constant 0 : i32
        %lt3A_566 = arith.cmpi slt, %select_n3A_559, %lt3A_565 : i32
        %ne3A_567 = arith.xori %lt3A_564, %lt3A_566 : i1
        %and3A_568 = arith.andi %ne3A_567, %ne3A_562 : i1
        %add3A_569 = arith.addi %rem3A_560, %select_n3A_559 : i32
        %select_n3A_570 = arith.select %and3A_568, %add3A_569, %rem3A_560 : i32
        "tpu.region"() ({
          %run_scoped3A_571 = tpu.sem_alloc : memref<!tpu.dma_semaphore, #tpu.memory_space<semaphore_mem>>
          %dma_start3A_572 = arith.constant 0 : i32
          %dma_start3A_573 = arith.constant 0 : i32
          %dma_start3A_574 = tpu.memref_slice %arg7[%select_n3A_570, %dma_start3A_572, %dma_start3A_573] : memref<2x8x128xi32, #tpu.memory_space<vmem>> -> memref<1x8x128xi32, #tpu.memory_space<vmem>>
          %dma_start3A_575 = tpu.memref_squeeze %dma_start3A_574 : memref<1x8x128xi32, #tpu.memory_space<vmem>> -> memref<8x128xi32, #tpu.memory_space<vmem>>
          %dma_start3A_576 = arith.constant 0 : i32
          %dma_start3A_577 = tpu.memref_slice %arg4[%add3A_538, %dma_start3A_576] : memref<2560x128xi32, #tpu.memory_space<hbm>> -> memref<8x128xi32, #tpu.memory_space<hbm>>
          %dma_start3A_578 = arith.constant 0 : i32
          %dma_start3A_579 = arith.constant 0 : i32
          %dma_start3A_580 = tpu.memref_slice %arg7[%select_n3A_570, %dma_start3A_578, %dma_start3A_579] : memref<2x8x128xi32, #tpu.memory_space<vmem>> -> memref<1x8x128xi32, #tpu.memory_space<vmem>>
          %dma_start3A_581 = tpu.memref_squeeze %dma_start3A_580 : memref<1x8x128xi32, #tpu.memory_space<vmem>> -> memref<8x128xi32, #tpu.memory_space<vmem>>
          %dma_start3A_582 = arith.constant 0 : i32
          %dma_start3A_583 = tpu.memref_slice %arg4[%add3A_538, %dma_start3A_582] : memref<2560x128xi32, #tpu.memory_space<hbm>> -> memref<8x128xi32, #tpu.memory_space<hbm>>
          tpu.enqueue_dma source(%dma_start3A_583 : memref<8x128xi32, #tpu.memory_space<hbm>>) target(%dma_start3A_581 : memref<8x128xi32, #tpu.memory_space<vmem>>) target_semaphore(%run_scoped3A_571 : memref<!tpu.dma_semaphore, #tpu.memory_space<semaphore_mem>>)
          %dma_wait3A_584 = arith.constant 0 : i32
          %dma_wait3A_585 = arith.constant 0 : i32
          %dma_wait3A_586 = tpu.memref_slice %arg7[%select_n3A_570, %dma_wait3A_584, %dma_wait3A_585] : memref<2x8x128xi32, #tpu.memory_space<vmem>> -> memref<1x8x128xi32, #tpu.memory_space<vmem>>
          %dma_wait3A_587 = tpu.memref_squeeze %dma_wait3A_586 : memref<1x8x128xi32, #tpu.memory_space<vmem>> -> memref<8x128xi32, #tpu.memory_space<vmem>>
          %dma_wait3A_588 = arith.constant 0 : i32
          %dma_wait3A_589 = tpu.memref_slice %arg4[%add3A_538, %dma_wait3A_588] : memref<2560x128xi32, #tpu.memory_space<hbm>> -> memref<8x128xi32, #tpu.memory_space<hbm>>
          %dma_wait3A_590 = arith.constant 0 : i32
          %dma_wait3A_591 = arith.constant 0 : i32
          %dma_wait3A_592 = tpu.memref_slice %arg7[%select_n3A_570, %dma_wait3A_590, %dma_wait3A_591] : memref<2x8x128xi32, #tpu.memory_space<vmem>> -> memref<1x8x128xi32, #tpu.memory_space<vmem>>
          %dma_wait3A_593 = tpu.memref_squeeze %dma_wait3A_592 : memref<1x8x128xi32, #tpu.memory_space<vmem>> -> memref<8x128xi32, #tpu.memory_space<vmem>>
          %dma_wait3A_594 = arith.constant 0 : i32
          %dma_wait3A_595 = tpu.memref_slice %arg4[%add3A_538, %dma_wait3A_594] : memref<2560x128xi32, #tpu.memory_space<hbm>> -> memref<8x128xi32, #tpu.memory_space<hbm>>
          tpu.wait_dma2 semaphore(%run_scoped3A_571 : memref<!tpu.dma_semaphore, #tpu.memory_space<semaphore_mem>>) src(%dma_wait3A_595 : memref<8x128xi32, #tpu.memory_space<hbm>>) dst(%dma_wait3A_593 : memref<8x128xi32, #tpu.memory_space<vmem>>)
          tpu.yield
        }) : () -> ()
      } else {
      }
      %jit3A_52 = arith.constant 2 : i32
      %eq3A_53 = arith.constant 0 : i32
      %eq3A_54 = arith.cmpi eq, %jit3A_52, %eq3A_53 : i32
      %jit3A_55 = arith.constant 1 : i32
      %select_n3A_56 = arith.select %eq3A_54, %jit3A_55, %jit3A_52 : i32
      %rem3A = arith.remsi %while3A_45, %select_n3A_56 : i32
      %ne3A = arith.constant 0 : i32
      %ne3A_57 = arith.cmpi ne, %rem3A, %ne3A : i32
      %lt3A_58 = arith.constant 0 : i32
      %lt3A_59 = arith.cmpi slt, %rem3A, %lt3A_58 : i32
      %lt3A_60 = arith.constant 0 : i32
      %lt3A_61 = arith.cmpi slt, %select_n3A_56, %lt3A_60 : i32
      %ne3A_62 = arith.xori %lt3A_59, %lt3A_61 : i1
      %and3A = arith.andi %ne3A_62, %ne3A_57 : i1
      %add3A_63 = arith.addi %rem3A, %select_n3A_56 : i32
      %select_n3A_64 = arith.select %and3A, %add3A_63, %rem3A : i32
      %dma_start3A = arith.constant 1 : i32
      %dma_start3A_65 = arith.constant 0 : i32
      %dma_start3A_66 = tpu.memref_slice %arg6[%select_n3A_64, %dma_start3A, %dma_start3A_65] : memref<2x8x128xi32, #tpu.memory_space<vmem>> -> memref<1x1x128xi32, #tpu.memory_space<vmem>>
      %dma_start3A_67 = tpu.memref_squeeze %dma_start3A_66 : memref<1x1x128xi32, #tpu.memory_space<vmem>> -> memref<128xi32, #tpu.memory_space<vmem>>
      %dma_start3A_68 = arith.constant 0 : i32
      %dma_start3A_69 = arith.constant 0 : i32
      %dma_start3A_70 = tpu.memref_slice %arg2[%dma_start3A_68, %dma_start3A_69] : memref<10000x128xf32, #tpu.memory_space<hbm>> -> memref<10000x128xf32, #tpu.memory_space<hbm>>
      tpu.enqueue_indirect_dma source(%dma_start3A_70 : memref<10000x128xf32, #tpu.memory_space<hbm>>) target(%arg9 : memref<128x128xf32, #tpu.memory_space<vmem>>) offsets(%dma_start3A_67 : memref<128xi32, #tpu.memory_space<vmem>>) semaphore(%arg12 : memref<!tpu.dma_semaphore, #tpu.memory_space<semaphore_mem>>)
      %jit3A_71 = arith.constant 2 : i32
      %eq3A_72 = arith.constant 0 : i32
      %eq3A_73 = arith.cmpi eq, %jit3A_71, %eq3A_72 : i32
      %jit3A_74 = arith.constant 1 : i32
      %select_n3A_75 = arith.select %eq3A_73, %jit3A_74, %jit3A_71 : i32
      %rem3A_76 = arith.remsi %while3A_45, %select_n3A_75 : i32
      %ne3A_77 = arith.constant 0 : i32
      %ne3A_78 = arith.cmpi ne, %rem3A_76, %ne3A_77 : i32
      %lt3A_79 = arith.constant 0 : i32
      %lt3A_80 = arith.cmpi slt, %rem3A_76, %lt3A_79 : i32
      %lt3A_81 = arith.constant 0 : i32
      %lt3A_82 = arith.cmpi slt, %select_n3A_75, %lt3A_81 : i32
      %ne3A_83 = arith.xori %lt3A_80, %lt3A_82 : i1
      %and3A_84 = arith.andi %ne3A_83, %ne3A_78 : i1
      %add3A_85 = arith.addi %rem3A_76, %select_n3A_75 : i32
      %select_n3A_86 = arith.select %and3A_84, %add3A_85, %rem3A_76 : i32
      %dma_wait3A = arith.constant 0 : i32
      %dma_wait3A_87 = arith.constant 0 : i32
      %dma_wait3A_88 = tpu.memref_slice %arg6[%select_n3A_86, %dma_wait3A, %dma_wait3A_87] : memref<2x8x128xi32, #tpu.memory_space<vmem>> -> memref<1x1x128xi32, #tpu.memory_space<vmem>>
      %dma_wait3A_89 = tpu.memref_squeeze %dma_wait3A_88 : memref<1x1x128xi32, #tpu.memory_space<vmem>> -> memref<128xi32, #tpu.memory_space<vmem>>
      %dma_wait3A_90 = arith.constant 0 : i32
      %dma_wait3A_91 = arith.constant 0 : i32
      %dma_wait3A_92 = tpu.memref_slice %arg2[%dma_wait3A_90, %dma_wait3A_91] : memref<10000x128xf32, #tpu.memory_space<hbm>> -> memref<10000x128xf32, #tpu.memory_space<hbm>>
      tpu.wait_indirect_dma semaphore(%arg11 : memref<!tpu.dma_semaphore, #tpu.memory_space<semaphore_mem>>) src(%dma_wait3A_92 : memref<10000x128xf32, #tpu.memory_space<hbm>>) dst(%arg8 : memref<128x128xf32, #tpu.memory_space<vmem>>)
      %jit3A_93 = arith.constant 2 : i32
      %eq3A_94 = arith.constant 0 : i32
      %eq3A_95 = arith.cmpi eq, %jit3A_93, %eq3A_94 : i32
      %jit3A_96 = arith.constant 1 : i32
      %select_n3A_97 = arith.select %eq3A_95, %jit3A_96, %jit3A_93 : i32
      %rem3A_98 = arith.remsi %while3A_45, %select_n3A_97 : i32
      %ne3A_99 = arith.constant 0 : i32
      %ne3A_100 = arith.cmpi ne, %rem3A_98, %ne3A_99 : i32
      %lt3A_101 = arith.constant 0 : i32
      %lt3A_102 = arith.cmpi slt, %rem3A_98, %lt3A_101 : i32
      %lt3A_103 = arith.constant 0 : i32
      %lt3A_104 = arith.cmpi slt, %select_n3A_97, %lt3A_103 : i32
      %ne3A_105 = arith.xori %lt3A_102, %lt3A_104 : i1
      %and3A_106 = arith.andi %ne3A_105, %ne3A_100 : i1
      %add3A_107 = arith.addi %rem3A_98, %select_n3A_97 : i32
      %select_n3A_108 = arith.select %and3A_106, %add3A_107, %rem3A_98 : i32
      %run_scoped3A = arith.constant 0 : i32
      "tpu.region"() ({
        %run_scoped3A_534 = tpu.sem_alloc : memref<!tpu.dma_semaphore, #tpu.memory_space<semaphore_mem>>
        %dma_start3A_535 = arith.constant 0 : i32
        %dma_start3A_536 = tpu.memref_slice %arg7[%select_n3A_108, %run_scoped3A, %dma_start3A_535] : memref<2x8x128xi32, #tpu.memory_space<vmem>> -> memref<1x1x128xi32, #tpu.memory_space<vmem>>
        %dma_start3A_537 = tpu.memref_squeeze %dma_start3A_536 : memref<1x1x128xi32, #tpu.memory_space<vmem>> -> memref<128xi32, #tpu.memory_space<vmem>>
        %dma_start3A_538 = arith.constant 0 : i32
        %dma_start3A_539 = arith.constant 0 : i32
        %dma_start3A_540 = tpu.memref_slice %arg10[%dma_start3A_538, %dma_start3A_539] : memref<10240x128xf32, #tpu.memory_space<vmem_shared>> -> memref<10240x128xf32, #tpu.memory_space<vmem_shared>>
        tpu.enqueue_indirect_dma source(%arg8 : memref<128x128xf32, #tpu.memory_space<vmem>>) target(%dma_start3A_540 : memref<10240x128xf32, #tpu.memory_space<vmem_shared>>) offsets(%dma_start3A_537 : memref<128xi32, #tpu.memory_space<vmem>>) semaphore(%run_scoped3A_534 : memref<!tpu.dma_semaphore, #tpu.memory_space<semaphore_mem>>) {add = true}
        %dma_wait3A_541 = arith.constant 0 : i32
        %dma_wait3A_542 = tpu.memref_slice %arg7[%select_n3A_108, %run_scoped3A, %dma_wait3A_541] : memref<2x8x128xi32, #tpu.memory_space<vmem>> -> memref<1x1x128xi32, #tpu.memory_space<vmem>>
        %dma_wait3A_543 = tpu.memref_squeeze %dma_wait3A_542 : memref<1x1x128xi32, #tpu.memory_space<vmem>> -> memref<128xi32, #tpu.memory_space<vmem>>
        %dma_wait3A_544 = arith.constant 0 : i32
        %dma_wait3A_545 = arith.constant 0 : i32
        %dma_wait3A_546 = tpu.memref_slice %arg10[%dma_wait3A_544, %dma_wait3A_545] : memref<10240x128xf32, #tpu.memory_space<vmem_shared>> -> memref<10240x128xf32, #tpu.memory_space<vmem_shared>>
        tpu.wait_indirect_dma semaphore(%run_scoped3A_534 : memref<!tpu.dma_semaphore, #tpu.memory_space<semaphore_mem>>) src(%arg8 : memref<128x128xf32, #tpu.memory_space<vmem>>) dst(%dma_wait3A_546 : memref<10240x128xf32, #tpu.memory_space<vmem_shared>>)
        tpu.yield
      }) : () -> ()
      %jit3A_109 = arith.constant 2 : i32
      %eq3A_110 = arith.constant 0 : i32
      %eq3A_111 = arith.cmpi eq, %jit3A_109, %eq3A_110 : i32
      %jit3A_112 = arith.constant 1 : i32
      %select_n3A_113 = arith.select %eq3A_111, %jit3A_112, %jit3A_109 : i32
      %rem3A_114 = arith.remsi %while3A_45, %select_n3A_113 : i32
      %ne3A_115 = arith.constant 0 : i32
      %ne3A_116 = arith.cmpi ne, %rem3A_114, %ne3A_115 : i32
      %lt3A_117 = arith.constant 0 : i32
      %lt3A_118 = arith.cmpi slt, %rem3A_114, %lt3A_117 : i32
      %lt3A_119 = arith.constant 0 : i32
      %lt3A_120 = arith.cmpi slt, %select_n3A_113, %lt3A_119 : i32
      %ne3A_121 = arith.xori %lt3A_118, %lt3A_120 : i1
      %and3A_122 = arith.andi %ne3A_121, %ne3A_116 : i1
      %add3A_123 = arith.addi %rem3A_114, %select_n3A_113 : i32
      %select_n3A_124 = arith.select %and3A_122, %add3A_123, %rem3A_114 : i32
      %dma_start3A_125 = arith.constant 2 : i32
      %dma_start3A_126 = arith.constant 0 : i32
      %dma_start3A_127 = tpu.memref_slice %arg6[%select_n3A_124, %dma_start3A_125, %dma_start3A_126] : memref<2x8x128xi32, #tpu.memory_space<vmem>> -> memref<1x1x128xi32, #tpu.memory_space<vmem>>
      %dma_start3A_128 = tpu.memref_squeeze %dma_start3A_127 : memref<1x1x128xi32, #tpu.memory_space<vmem>> -> memref<128xi32, #tpu.memory_space<vmem>>
      %dma_start3A_129 = arith.constant 0 : i32
      %dma_start3A_130 = arith.constant 0 : i32
      %dma_start3A_131 = tpu.memref_slice %arg2[%dma_start3A_129, %dma_start3A_130] : memref<10000x128xf32, #tpu.memory_space<hbm>> -> memref<10000x128xf32, #tpu.memory_space<hbm>>
      tpu.enqueue_indirect_dma source(%dma_start3A_131 : memref<10000x128xf32, #tpu.memory_space<hbm>>) target(%arg8 : memref<128x128xf32, #tpu.memory_space<vmem>>) offsets(%dma_start3A_128 : memref<128xi32, #tpu.memory_space<vmem>>) semaphore(%arg11 : memref<!tpu.dma_semaphore, #tpu.memory_space<semaphore_mem>>)
      %jit3A_132 = arith.constant 2 : i32
      %eq3A_133 = arith.constant 0 : i32
      %eq3A_134 = arith.cmpi eq, %jit3A_132, %eq3A_133 : i32
      %jit3A_135 = arith.constant 1 : i32
      %select_n3A_136 = arith.select %eq3A_134, %jit3A_135, %jit3A_132 : i32
      %rem3A_137 = arith.remsi %while3A_45, %select_n3A_136 : i32
      %ne3A_138 = arith.constant 0 : i32
      %ne3A_139 = arith.cmpi ne, %rem3A_137, %ne3A_138 : i32
      %lt3A_140 = arith.constant 0 : i32
      %lt3A_141 = arith.cmpi slt, %rem3A_137, %lt3A_140 : i32
      %lt3A_142 = arith.constant 0 : i32
      %lt3A_143 = arith.cmpi slt, %select_n3A_136, %lt3A_142 : i32
      %ne3A_144 = arith.xori %lt3A_141, %lt3A_143 : i1
      %and3A_145 = arith.andi %ne3A_144, %ne3A_139 : i1
      %add3A_146 = arith.addi %rem3A_137, %select_n3A_136 : i32
      %select_n3A_147 = arith.select %and3A_145, %add3A_146, %rem3A_137 : i32
      %dma_wait3A_148 = arith.constant 1 : i32
      %dma_wait3A_149 = arith.constant 0 : i32
      %dma_wait3A_150 = tpu.memref_slice %arg6[%select_n3A_147, %dma_wait3A_148, %dma_wait3A_149] : memref<2x8x128xi32, #tpu.memory_space<vmem>> -> memref<1x1x128xi32, #tpu.memory_space<vmem>>
      %dma_wait3A_151 = tpu.memref_squeeze %dma_wait3A_150 : memref<1x1x128xi32, #tpu.memory_space<vmem>> -> memref<128xi32, #tpu.memory_space<vmem>>
      %dma_wait3A_152 = arith.constant 0 : i32
      %dma_wait3A_153 = arith.constant 0 : i32
      %dma_wait3A_154 = tpu.memref_slice %arg2[%dma_wait3A_152, %dma_wait3A_153] : memref<10000x128xf32, #tpu.memory_space<hbm>> -> memref<10000x128xf32, #tpu.memory_space<hbm>>
      tpu.wait_indirect_dma semaphore(%arg12 : memref<!tpu.dma_semaphore, #tpu.memory_space<semaphore_mem>>) src(%dma_wait3A_154 : memref<10000x128xf32, #tpu.memory_space<hbm>>) dst(%arg9 : memref<128x128xf32, #tpu.memory_space<vmem>>)
      %jit3A_155 = arith.constant 2 : i32
      %eq3A_156 = arith.constant 0 : i32
      %eq3A_157 = arith.cmpi eq, %jit3A_155, %eq3A_156 : i32
      %jit3A_158 = arith.constant 1 : i32
      %select_n3A_159 = arith.select %eq3A_157, %jit3A_158, %jit3A_155 : i32
      %rem3A_160 = arith.remsi %while3A_45, %select_n3A_159 : i32
      %ne3A_161 = arith.constant 0 : i32
      %ne3A_162 = arith.cmpi ne, %rem3A_160, %ne3A_161 : i32
      %lt3A_163 = arith.constant 0 : i32
      %lt3A_164 = arith.cmpi slt, %rem3A_160, %lt3A_163 : i32
      %lt3A_165 = arith.constant 0 : i32
      %lt3A_166 = arith.cmpi slt, %select_n3A_159, %lt3A_165 : i32
      %ne3A_167 = arith.xori %lt3A_164, %lt3A_166 : i1
      %and3A_168 = arith.andi %ne3A_167, %ne3A_162 : i1
      %add3A_169 = arith.addi %rem3A_160, %select_n3A_159 : i32
      %select_n3A_170 = arith.select %and3A_168, %add3A_169, %rem3A_160 : i32
      %run_scoped3A_171 = arith.constant 1 : i32
      "tpu.region"() ({
        %run_scoped3A_534 = tpu.sem_alloc : memref<!tpu.dma_semaphore, #tpu.memory_space<semaphore_mem>>
        %dma_start3A_535 = arith.constant 0 : i32
        %dma_start3A_536 = tpu.memref_slice %arg7[%select_n3A_170, %run_scoped3A_171, %dma_start3A_535] : memref<2x8x128xi32, #tpu.memory_space<vmem>> -> memref<1x1x128xi32, #tpu.memory_space<vmem>>
        %dma_start3A_537 = tpu.memref_squeeze %dma_start3A_536 : memref<1x1x128xi32, #tpu.memory_space<vmem>> -> memref<128xi32, #tpu.memory_space<vmem>>
        %dma_start3A_538 = arith.constant 0 : i32
        %dma_start3A_539 = arith.constant 0 : i32
        %dma_start3A_540 = tpu.memref_slice %arg10[%dma_start3A_538, %dma_start3A_539] : memref<10240x128xf32, #tpu.memory_space<vmem_shared>> -> memref<10240x128xf32, #tpu.memory_space<vmem_shared>>
        tpu.enqueue_indirect_dma source(%arg9 : memref<128x128xf32, #tpu.memory_space<vmem>>) target(%dma_start3A_540 : memref<10240x128xf32, #tpu.memory_space<vmem_shared>>) offsets(%dma_start3A_537 : memref<128xi32, #tpu.memory_space<vmem>>) semaphore(%run_scoped3A_534 : memref<!tpu.dma_semaphore, #tpu.memory_space<semaphore_mem>>) {add = true}
        %dma_wait3A_541 = arith.constant 0 : i32
        %dma_wait3A_542 = tpu.memref_slice %arg7[%select_n3A_170, %run_scoped3A_171, %dma_wait3A_541] : memref<2x8x128xi32, #tpu.memory_space<vmem>> -> memref<1x1x128xi32, #tpu.memory_space<vmem>>
        %dma_wait3A_543 = tpu.memref_squeeze %dma_wait3A_542 : memref<1x1x128xi32, #tpu.memory_space<vmem>> -> memref<128xi32, #tpu.memory_space<vmem>>
        %dma_wait3A_544 = arith.constant 0 : i32
        %dma_wait3A_545 = arith.constant 0 : i32
        %dma_wait3A_546 = tpu.memref_slice %arg10[%dma_wait3A_544, %dma_wait3A_545] : memref<10240x128xf32, #tpu.memory_space<vmem_shared>> -> memref<10240x128xf32, #tpu.memory_space<vmem_shared>>
        tpu.wait_indirect_dma semaphore(%run_scoped3A_534 : memref<!tpu.dma_semaphore, #tpu.memory_space<semaphore_mem>>) src(%arg9 : memref<128x128xf32, #tpu.memory_space<vmem>>) dst(%dma_wait3A_546 : memref<10240x128xf32, #tpu.memory_space<vmem_shared>>)
        tpu.yield
      }) : () -> ()
      %jit3A_172 = arith.constant 2 : i32
      %eq3A_173 = arith.constant 0 : i32
      %eq3A_174 = arith.cmpi eq, %jit3A_172, %eq3A_173 : i32
      %jit3A_175 = arith.constant 1 : i32
      %select_n3A_176 = arith.select %eq3A_174, %jit3A_175, %jit3A_172 : i32
      %rem3A_177 = arith.remsi %while3A_45, %select_n3A_176 : i32
      %ne3A_178 = arith.constant 0 : i32
      %ne3A_179 = arith.cmpi ne, %rem3A_177, %ne3A_178 : i32
      %lt3A_180 = arith.constant 0 : i32
      %lt3A_181 = arith.cmpi slt, %rem3A_177, %lt3A_180 : i32
      %lt3A_182 = arith.constant 0 : i32
      %lt3A_183 = arith.cmpi slt, %select_n3A_176, %lt3A_182 : i32
      %ne3A_184 = arith.xori %lt3A_181, %lt3A_183 : i1
      %and3A_185 = arith.andi %ne3A_184, %ne3A_179 : i1
      %add3A_186 = arith.addi %rem3A_177, %select_n3A_176 : i32
      %select_n3A_187 = arith.select %and3A_185, %add3A_186, %rem3A_177 : i32
      %dma_start3A_188 = arith.constant 3 : i32
      %dma_start3A_189 = arith.constant 0 : i32
      %dma_start3A_190 = tpu.memref_slice %arg6[%select_n3A_187, %dma_start3A_188, %dma_start3A_189] : memref<2x8x128xi32, #tpu.memory_space<vmem>> -> memref<1x1x128xi32, #tpu.memory_space<vmem>>
      %dma_start3A_191 = tpu.memref_squeeze %dma_start3A_190 : memref<1x1x128xi32, #tpu.memory_space<vmem>> -> memref<128xi32, #tpu.memory_space<vmem>>
      %dma_start3A_192 = arith.constant 0 : i32
      %dma_start3A_193 = arith.constant 0 : i32
      %dma_start3A_194 = tpu.memref_slice %arg2[%dma_start3A_192, %dma_start3A_193] : memref<10000x128xf32, #tpu.memory_space<hbm>> -> memref<10000x128xf32, #tpu.memory_space<hbm>>
      tpu.enqueue_indirect_dma source(%dma_start3A_194 : memref<10000x128xf32, #tpu.memory_space<hbm>>) target(%arg9 : memref<128x128xf32, #tpu.memory_space<vmem>>) offsets(%dma_start3A_191 : memref<128xi32, #tpu.memory_space<vmem>>) semaphore(%arg12 : memref<!tpu.dma_semaphore, #tpu.memory_space<semaphore_mem>>)
      %jit3A_195 = arith.constant 2 : i32
      %eq3A_196 = arith.constant 0 : i32
      %eq3A_197 = arith.cmpi eq, %jit3A_195, %eq3A_196 : i32
      %jit3A_198 = arith.constant 1 : i32
      %select_n3A_199 = arith.select %eq3A_197, %jit3A_198, %jit3A_195 : i32
      %rem3A_200 = arith.remsi %while3A_45, %select_n3A_199 : i32
      %ne3A_201 = arith.constant 0 : i32
      %ne3A_202 = arith.cmpi ne, %rem3A_200, %ne3A_201 : i32
      %lt3A_203 = arith.constant 0 : i32
      %lt3A_204 = arith.cmpi slt, %rem3A_200, %lt3A_203 : i32
      %lt3A_205 = arith.constant 0 : i32
      %lt3A_206 = arith.cmpi slt, %select_n3A_199, %lt3A_205 : i32
      %ne3A_207 = arith.xori %lt3A_204, %lt3A_206 : i1
      %and3A_208 = arith.andi %ne3A_207, %ne3A_202 : i1
      %add3A_209 = arith.addi %rem3A_200, %select_n3A_199 : i32
      %select_n3A_210 = arith.select %and3A_208, %add3A_209, %rem3A_200 : i32
      %dma_wait3A_211 = arith.constant 2 : i32
      %dma_wait3A_212 = arith.constant 0 : i32
      %dma_wait3A_213 = tpu.memref_slice %arg6[%select_n3A_210, %dma_wait3A_211, %dma_wait3A_212] : memref<2x8x128xi32, #tpu.memory_space<vmem>> -> memref<1x1x128xi32, #tpu.memory_space<vmem>>
      %dma_wait3A_214 = tpu.memref_squeeze %dma_wait3A_213 : memref<1x1x128xi32, #tpu.memory_space<vmem>> -> memref<128xi32, #tpu.memory_space<vmem>>
      %dma_wait3A_215 = arith.constant 0 : i32
      %dma_wait3A_216 = arith.constant 0 : i32
      %dma_wait3A_217 = tpu.memref_slice %arg2[%dma_wait3A_215, %dma_wait3A_216] : memref<10000x128xf32, #tpu.memory_space<hbm>> -> memref<10000x128xf32, #tpu.memory_space<hbm>>
      tpu.wait_indirect_dma semaphore(%arg11 : memref<!tpu.dma_semaphore, #tpu.memory_space<semaphore_mem>>) src(%dma_wait3A_217 : memref<10000x128xf32, #tpu.memory_space<hbm>>) dst(%arg8 : memref<128x128xf32, #tpu.memory_space<vmem>>)
      %jit3A_218 = arith.constant 2 : i32
      %eq3A_219 = arith.constant 0 : i32
      %eq3A_220 = arith.cmpi eq, %jit3A_218, %eq3A_219 : i32
      %jit3A_221 = arith.constant 1 : i32
      %select_n3A_222 = arith.select %eq3A_220, %jit3A_221, %jit3A_218 : i32
      %rem3A_223 = arith.remsi %while3A_45, %select_n3A_222 : i32
      %ne3A_224 = arith.constant 0 : i32
      %ne3A_225 = arith.cmpi ne, %rem3A_223, %ne3A_224 : i32
      %lt3A_226 = arith.constant 0 : i32
      %lt3A_227 = arith.cmpi slt, %rem3A_223, %lt3A_226 : i32
      %lt3A_228 = arith.constant 0 : i32
      %lt3A_229 = arith.cmpi slt, %select_n3A_222, %lt3A_228 : i32
      %ne3A_230 = arith.xori %lt3A_227, %lt3A_229 : i1
      %and3A_231 = arith.andi %ne3A_230, %ne3A_225 : i1
      %add3A_232 = arith.addi %rem3A_223, %select_n3A_222 : i32
      %select_n3A_233 = arith.select %and3A_231, %add3A_232, %rem3A_223 : i32
      %run_scoped3A_234 = arith.constant 2 : i32
      "tpu.region"() ({
        %run_scoped3A_534 = tpu.sem_alloc : memref<!tpu.dma_semaphore, #tpu.memory_space<semaphore_mem>>
        %dma_start3A_535 = arith.constant 0 : i32
        %dma_start3A_536 = tpu.memref_slice %arg7[%select_n3A_233, %run_scoped3A_234, %dma_start3A_535] : memref<2x8x128xi32, #tpu.memory_space<vmem>> -> memref<1x1x128xi32, #tpu.memory_space<vmem>>
        %dma_start3A_537 = tpu.memref_squeeze %dma_start3A_536 : memref<1x1x128xi32, #tpu.memory_space<vmem>> -> memref<128xi32, #tpu.memory_space<vmem>>
        %dma_start3A_538 = arith.constant 0 : i32
        %dma_start3A_539 = arith.constant 0 : i32
        %dma_start3A_540 = tpu.memref_slice %arg10[%dma_start3A_538, %dma_start3A_539] : memref<10240x128xf32, #tpu.memory_space<vmem_shared>> -> memref<10240x128xf32, #tpu.memory_space<vmem_shared>>
        tpu.enqueue_indirect_dma source(%arg8 : memref<128x128xf32, #tpu.memory_space<vmem>>) target(%dma_start3A_540 : memref<10240x128xf32, #tpu.memory_space<vmem_shared>>) offsets(%dma_start3A_537 : memref<128xi32, #tpu.memory_space<vmem>>) semaphore(%run_scoped3A_534 : memref<!tpu.dma_semaphore, #tpu.memory_space<semaphore_mem>>) {add = true}
        %dma_wait3A_541 = arith.constant 0 : i32
        %dma_wait3A_542 = tpu.memref_slice %arg7[%select_n3A_233, %run_scoped3A_234, %dma_wait3A_541] : memref<2x8x128xi32, #tpu.memory_space<vmem>> -> memref<1x1x128xi32, #tpu.memory_space<vmem>>
        %dma_wait3A_543 = tpu.memref_squeeze %dma_wait3A_542 : memref<1x1x128xi32, #tpu.memory_space<vmem>> -> memref<128xi32, #tpu.memory_space<vmem>>
        %dma_wait3A_544 = arith.constant 0 : i32
        %dma_wait3A_545 = arith.constant 0 : i32
        %dma_wait3A_546 = tpu.memref_slice %arg10[%dma_wait3A_544, %dma_wait3A_545] : memref<10240x128xf32, #tpu.memory_space<vmem_shared>> -> memref<10240x128xf32, #tpu.memory_space<vmem_shared>>
        tpu.wait_indirect_dma semaphore(%run_scoped3A_534 : memref<!tpu.dma_semaphore, #tpu.memory_space<semaphore_mem>>) src(%arg8 : memref<128x128xf32, #tpu.memory_space<vmem>>) dst(%dma_wait3A_546 : memref<10240x128xf32, #tpu.memory_space<vmem_shared>>)
        tpu.yield
      }) : () -> ()
      %jit3A_235 = arith.constant 2 : i32
      %eq3A_236 = arith.constant 0 : i32
      %eq3A_237 = arith.cmpi eq, %jit3A_235, %eq3A_236 : i32
      %jit3A_238 = arith.constant 1 : i32
      %select_n3A_239 = arith.select %eq3A_237, %jit3A_238, %jit3A_235 : i32
      %rem3A_240 = arith.remsi %while3A_45, %select_n3A_239 : i32
      %ne3A_241 = arith.constant 0 : i32
      %ne3A_242 = arith.cmpi ne, %rem3A_240, %ne3A_241 : i32
      %lt3A_243 = arith.constant 0 : i32
      %lt3A_244 = arith.cmpi slt, %rem3A_240, %lt3A_243 : i32
      %lt3A_245 = arith.constant 0 : i32
      %lt3A_246 = arith.cmpi slt, %select_n3A_239, %lt3A_245 : i32
      %ne3A_247 = arith.xori %lt3A_244, %lt3A_246 : i1
      %and3A_248 = arith.andi %ne3A_247, %ne3A_242 : i1
      %add3A_249 = arith.addi %rem3A_240, %select_n3A_239 : i32
      %select_n3A_250 = arith.select %and3A_248, %add3A_249, %rem3A_240 : i32
      %dma_start3A_251 = arith.constant 4 : i32
      %dma_start3A_252 = arith.constant 0 : i32
      %dma_start3A_253 = tpu.memref_slice %arg6[%select_n3A_250, %dma_start3A_251, %dma_start3A_252] : memref<2x8x128xi32, #tpu.memory_space<vmem>> -> memref<1x1x128xi32, #tpu.memory_space<vmem>>
      %dma_start3A_254 = tpu.memref_squeeze %dma_start3A_253 : memref<1x1x128xi32, #tpu.memory_space<vmem>> -> memref<128xi32, #tpu.memory_space<vmem>>
      %dma_start3A_255 = arith.constant 0 : i32
      %dma_start3A_256 = arith.constant 0 : i32
      %dma_start3A_257 = tpu.memref_slice %arg2[%dma_start3A_255, %dma_start3A_256] : memref<10000x128xf32, #tpu.memory_space<hbm>> -> memref<10000x128xf32, #tpu.memory_space<hbm>>
      tpu.enqueue_indirect_dma source(%dma_start3A_257 : memref<10000x128xf32, #tpu.memory_space<hbm>>) target(%arg8 : memref<128x128xf32, #tpu.memory_space<vmem>>) offsets(%dma_start3A_254 : memref<128xi32, #tpu.memory_space<vmem>>) semaphore(%arg11 : memref<!tpu.dma_semaphore, #tpu.memory_space<semaphore_mem>>)
      %jit3A_258 = arith.constant 2 : i32
      %eq3A_259 = arith.constant 0 : i32
      %eq3A_260 = arith.cmpi eq, %jit3A_258, %eq3A_259 : i32
      %jit3A_261 = arith.constant 1 : i32
      %select_n3A_262 = arith.select %eq3A_260, %jit3A_261, %jit3A_258 : i32
      %rem3A_263 = arith.remsi %while3A_45, %select_n3A_262 : i32
      %ne3A_264 = arith.constant 0 : i32
      %ne3A_265 = arith.cmpi ne, %rem3A_263, %ne3A_264 : i32
      %lt3A_266 = arith.constant 0 : i32
      %lt3A_267 = arith.cmpi slt, %rem3A_263, %lt3A_266 : i32
      %lt3A_268 = arith.constant 0 : i32
      %lt3A_269 = arith.cmpi slt, %select_n3A_262, %lt3A_268 : i32
      %ne3A_270 = arith.xori %lt3A_267, %lt3A_269 : i1
      %and3A_271 = arith.andi %ne3A_270, %ne3A_265 : i1
      %add3A_272 = arith.addi %rem3A_263, %select_n3A_262 : i32
      %select_n3A_273 = arith.select %and3A_271, %add3A_272, %rem3A_263 : i32
      %dma_wait3A_274 = arith.constant 3 : i32
      %dma_wait3A_275 = arith.constant 0 : i32
      %dma_wait3A_276 = tpu.memref_slice %arg6[%select_n3A_273, %dma_wait3A_274, %dma_wait3A_275] : memref<2x8x128xi32, #tpu.memory_space<vmem>> -> memref<1x1x128xi32, #tpu.memory_space<vmem>>
      %dma_wait3A_277 = tpu.memref_squeeze %dma_wait3A_276 : memref<1x1x128xi32, #tpu.memory_space<vmem>> -> memref<128xi32, #tpu.memory_space<vmem>>
      %dma_wait3A_278 = arith.constant 0 : i32
      %dma_wait3A_279 = arith.constant 0 : i32
      %dma_wait3A_280 = tpu.memref_slice %arg2[%dma_wait3A_278, %dma_wait3A_279] : memref<10000x128xf32, #tpu.memory_space<hbm>> -> memref<10000x128xf32, #tpu.memory_space<hbm>>
      tpu.wait_indirect_dma semaphore(%arg12 : memref<!tpu.dma_semaphore, #tpu.memory_space<semaphore_mem>>) src(%dma_wait3A_280 : memref<10000x128xf32, #tpu.memory_space<hbm>>) dst(%arg9 : memref<128x128xf32, #tpu.memory_space<vmem>>)
      %jit3A_281 = arith.constant 2 : i32
      %eq3A_282 = arith.constant 0 : i32
      %eq3A_283 = arith.cmpi eq, %jit3A_281, %eq3A_282 : i32
      %jit3A_284 = arith.constant 1 : i32
      %select_n3A_285 = arith.select %eq3A_283, %jit3A_284, %jit3A_281 : i32
      %rem3A_286 = arith.remsi %while3A_45, %select_n3A_285 : i32
      %ne3A_287 = arith.constant 0 : i32
      %ne3A_288 = arith.cmpi ne, %rem3A_286, %ne3A_287 : i32
      %lt3A_289 = arith.constant 0 : i32
      %lt3A_290 = arith.cmpi slt, %rem3A_286, %lt3A_289 : i32
      %lt3A_291 = arith.constant 0 : i32
      %lt3A_292 = arith.cmpi slt, %select_n3A_285, %lt3A_291 : i32
      %ne3A_293 = arith.xori %lt3A_290, %lt3A_292 : i1
      %and3A_294 = arith.andi %ne3A_293, %ne3A_288 : i1
      %add3A_295 = arith.addi %rem3A_286, %select_n3A_285 : i32
      %select_n3A_296 = arith.select %and3A_294, %add3A_295, %rem3A_286 : i32
      %run_scoped3A_297 = arith.constant 3 : i32
      "tpu.region"() ({
        %run_scoped3A_534 = tpu.sem_alloc : memref<!tpu.dma_semaphore, #tpu.memory_space<semaphore_mem>>
        %dma_start3A_535 = arith.constant 0 : i32
        %dma_start3A_536 = tpu.memref_slice %arg7[%select_n3A_296, %run_scoped3A_297, %dma_start3A_535] : memref<2x8x128xi32, #tpu.memory_space<vmem>> -> memref<1x1x128xi32, #tpu.memory_space<vmem>>
        %dma_start3A_537 = tpu.memref_squeeze %dma_start3A_536 : memref<1x1x128xi32, #tpu.memory_space<vmem>> -> memref<128xi32, #tpu.memory_space<vmem>>
        %dma_start3A_538 = arith.constant 0 : i32
        %dma_start3A_539 = arith.constant 0 : i32
        %dma_start3A_540 = tpu.memref_slice %arg10[%dma_start3A_538, %dma_start3A_539] : memref<10240x128xf32, #tpu.memory_space<vmem_shared>> -> memref<10240x128xf32, #tpu.memory_space<vmem_shared>>
        tpu.enqueue_indirect_dma source(%arg9 : memref<128x128xf32, #tpu.memory_space<vmem>>) target(%dma_start3A_540 : memref<10240x128xf32, #tpu.memory_space<vmem_shared>>) offsets(%dma_start3A_537 : memref<128xi32, #tpu.memory_space<vmem>>) semaphore(%run_scoped3A_534 : memref<!tpu.dma_semaphore, #tpu.memory_space<semaphore_mem>>) {add = true}
        %dma_wait3A_541 = arith.constant 0 : i32
        %dma_wait3A_542 = tpu.memref_slice %arg7[%select_n3A_296, %run_scoped3A_297, %dma_wait3A_541] : memref<2x8x128xi32, #tpu.memory_space<vmem>> -> memref<1x1x128xi32, #tpu.memory_space<vmem>>
        %dma_wait3A_543 = tpu.memref_squeeze %dma_wait3A_542 : memref<1x1x128xi32, #tpu.memory_space<vmem>> -> memref<128xi32, #tpu.memory_space<vmem>>
        %dma_wait3A_544 = arith.constant 0 : i32
        %dma_wait3A_545 = arith.constant 0 : i32
        %dma_wait3A_546 = tpu.memref_slice %arg10[%dma_wait3A_544, %dma_wait3A_545] : memref<10240x128xf32, #tpu.memory_space<vmem_shared>> -> memref<10240x128xf32, #tpu.memory_space<vmem_shared>>
        tpu.wait_indirect_dma semaphore(%run_scoped3A_534 : memref<!tpu.dma_semaphore, #tpu.memory_space<semaphore_mem>>) src(%arg9 : memref<128x128xf32, #tpu.memory_space<vmem>>) dst(%dma_wait3A_546 : memref<10240x128xf32, #tpu.memory_space<vmem_shared>>)
        tpu.yield
      }) : () -> ()
      %jit3A_298 = arith.constant 2 : i32
      %eq3A_299 = arith.constant 0 : i32
      %eq3A_300 = arith.cmpi eq, %jit3A_298, %eq3A_299 : i32
      %jit3A_301 = arith.constant 1 : i32
      %select_n3A_302 = arith.select %eq3A_300, %jit3A_301, %jit3A_298 : i32
      %rem3A_303 = arith.remsi %while3A_45, %select_n3A_302 : i32
      %ne3A_304 = arith.constant 0 : i32
      %ne3A_305 = arith.cmpi ne, %rem3A_303, %ne3A_304 : i32
      %lt3A_306 = arith.constant 0 : i32
      %lt3A_307 = arith.cmpi slt, %rem3A_303, %lt3A_306 : i32
      %lt3A_308 = arith.constant 0 : i32
      %lt3A_309 = arith.cmpi slt, %select_n3A_302, %lt3A_308 : i32
      %ne3A_310 = arith.xori %lt3A_307, %lt3A_309 : i1
      %and3A_311 = arith.andi %ne3A_310, %ne3A_305 : i1
      %add3A_312 = arith.addi %rem3A_303, %select_n3A_302 : i32
      %select_n3A_313 = arith.select %and3A_311, %add3A_312, %rem3A_303 : i32
      %dma_start3A_314 = arith.constant 5 : i32
      %dma_start3A_315 = arith.constant 0 : i32
      %dma_start3A_316 = tpu.memref_slice %arg6[%select_n3A_313, %dma_start3A_314, %dma_start3A_315] : memref<2x8x128xi32, #tpu.memory_space<vmem>> -> memref<1x1x128xi32, #tpu.memory_space<vmem>>
      %dma_start3A_317 = tpu.memref_squeeze %dma_start3A_316 : memref<1x1x128xi32, #tpu.memory_space<vmem>> -> memref<128xi32, #tpu.memory_space<vmem>>
      %dma_start3A_318 = arith.constant 0 : i32
      %dma_start3A_319 = arith.constant 0 : i32
      %dma_start3A_320 = tpu.memref_slice %arg2[%dma_start3A_318, %dma_start3A_319] : memref<10000x128xf32, #tpu.memory_space<hbm>> -> memref<10000x128xf32, #tpu.memory_space<hbm>>
      tpu.enqueue_indirect_dma source(%dma_start3A_320 : memref<10000x128xf32, #tpu.memory_space<hbm>>) target(%arg9 : memref<128x128xf32, #tpu.memory_space<vmem>>) offsets(%dma_start3A_317 : memref<128xi32, #tpu.memory_space<vmem>>) semaphore(%arg12 : memref<!tpu.dma_semaphore, #tpu.memory_space<semaphore_mem>>)
      %jit3A_321 = arith.constant 2 : i32
      %eq3A_322 = arith.constant 0 : i32
      %eq3A_323 = arith.cmpi eq, %jit3A_321, %eq3A_322 : i32
      %jit3A_324 = arith.constant 1 : i32
      %select_n3A_325 = arith.select %eq3A_323, %jit3A_324, %jit3A_321 : i32
      %rem3A_326 = arith.remsi %while3A_45, %select_n3A_325 : i32
      %ne3A_327 = arith.constant 0 : i32
      %ne3A_328 = arith.cmpi ne, %rem3A_326, %ne3A_327 : i32
      %lt3A_329 = arith.constant 0 : i32
      %lt3A_330 = arith.cmpi slt, %rem3A_326, %lt3A_329 : i32
      %lt3A_331 = arith.constant 0 : i32
      %lt3A_332 = arith.cmpi slt, %select_n3A_325, %lt3A_331 : i32
      %ne3A_333 = arith.xori %lt3A_330, %lt3A_332 : i1
      %and3A_334 = arith.andi %ne3A_333, %ne3A_328 : i1
      %add3A_335 = arith.addi %rem3A_326, %select_n3A_325 : i32
      %select_n3A_336 = arith.select %and3A_334, %add3A_335, %rem3A_326 : i32
      %dma_wait3A_337 = arith.constant 4 : i32
      %dma_wait3A_338 = arith.constant 0 : i32
      %dma_wait3A_339 = tpu.memref_slice %arg6[%select_n3A_336, %dma_wait3A_337, %dma_wait3A_338] : memref<2x8x128xi32, #tpu.memory_space<vmem>> -> memref<1x1x128xi32, #tpu.memory_space<vmem>>
      %dma_wait3A_340 = tpu.memref_squeeze %dma_wait3A_339 : memref<1x1x128xi32, #tpu.memory_space<vmem>> -> memref<128xi32, #tpu.memory_space<vmem>>
      %dma_wait3A_341 = arith.constant 0 : i32
      %dma_wait3A_342 = arith.constant 0 : i32
      %dma_wait3A_343 = tpu.memref_slice %arg2[%dma_wait3A_341, %dma_wait3A_342] : memref<10000x128xf32, #tpu.memory_space<hbm>> -> memref<10000x128xf32, #tpu.memory_space<hbm>>
      tpu.wait_indirect_dma semaphore(%arg11 : memref<!tpu.dma_semaphore, #tpu.memory_space<semaphore_mem>>) src(%dma_wait3A_343 : memref<10000x128xf32, #tpu.memory_space<hbm>>) dst(%arg8 : memref<128x128xf32, #tpu.memory_space<vmem>>)
      %jit3A_344 = arith.constant 2 : i32
      %eq3A_345 = arith.constant 0 : i32
      %eq3A_346 = arith.cmpi eq, %jit3A_344, %eq3A_345 : i32
      %jit3A_347 = arith.constant 1 : i32
      %select_n3A_348 = arith.select %eq3A_346, %jit3A_347, %jit3A_344 : i32
      %rem3A_349 = arith.remsi %while3A_45, %select_n3A_348 : i32
      %ne3A_350 = arith.constant 0 : i32
      %ne3A_351 = arith.cmpi ne, %rem3A_349, %ne3A_350 : i32
      %lt3A_352 = arith.constant 0 : i32
      %lt3A_353 = arith.cmpi slt, %rem3A_349, %lt3A_352 : i32
      %lt3A_354 = arith.constant 0 : i32
      %lt3A_355 = arith.cmpi slt, %select_n3A_348, %lt3A_354 : i32
      %ne3A_356 = arith.xori %lt3A_353, %lt3A_355 : i1
      %and3A_357 = arith.andi %ne3A_356, %ne3A_351 : i1
      %add3A_358 = arith.addi %rem3A_349, %select_n3A_348 : i32
      %select_n3A_359 = arith.select %and3A_357, %add3A_358, %rem3A_349 : i32
      %run_scoped3A_360 = arith.constant 4 : i32
      "tpu.region"() ({
        %run_scoped3A_534 = tpu.sem_alloc : memref<!tpu.dma_semaphore, #tpu.memory_space<semaphore_mem>>
        %dma_start3A_535 = arith.constant 0 : i32
        %dma_start3A_536 = tpu.memref_slice %arg7[%select_n3A_359, %run_scoped3A_360, %dma_start3A_535] : memref<2x8x128xi32, #tpu.memory_space<vmem>> -> memref<1x1x128xi32, #tpu.memory_space<vmem>>
        %dma_start3A_537 = tpu.memref_squeeze %dma_start3A_536 : memref<1x1x128xi32, #tpu.memory_space<vmem>> -> memref<128xi32, #tpu.memory_space<vmem>>
        %dma_start3A_538 = arith.constant 0 : i32
        %dma_start3A_539 = arith.constant 0 : i32
        %dma_start3A_540 = tpu.memref_slice %arg10[%dma_start3A_538, %dma_start3A_539] : memref<10240x128xf32, #tpu.memory_space<vmem_shared>> -> memref<10240x128xf32, #tpu.memory_space<vmem_shared>>
        tpu.enqueue_indirect_dma source(%arg8 : memref<128x128xf32, #tpu.memory_space<vmem>>) target(%dma_start3A_540 : memref<10240x128xf32, #tpu.memory_space<vmem_shared>>) offsets(%dma_start3A_537 : memref<128xi32, #tpu.memory_space<vmem>>) semaphore(%run_scoped3A_534 : memref<!tpu.dma_semaphore, #tpu.memory_space<semaphore_mem>>) {add = true}
        %dma_wait3A_541 = arith.constant 0 : i32
        %dma_wait3A_542 = tpu.memref_slice %arg7[%select_n3A_359, %run_scoped3A_360, %dma_wait3A_541] : memref<2x8x128xi32, #tpu.memory_space<vmem>> -> memref<1x1x128xi32, #tpu.memory_space<vmem>>
        %dma_wait3A_543 = tpu.memref_squeeze %dma_wait3A_542 : memref<1x1x128xi32, #tpu.memory_space<vmem>> -> memref<128xi32, #tpu.memory_space<vmem>>
        %dma_wait3A_544 = arith.constant 0 : i32
        %dma_wait3A_545 = arith.constant 0 : i32
        %dma_wait3A_546 = tpu.memref_slice %arg10[%dma_wait3A_544, %dma_wait3A_545] : memref<10240x128xf32, #tpu.memory_space<vmem_shared>> -> memref<10240x128xf32, #tpu.memory_space<vmem_shared>>
        tpu.wait_indirect_dma semaphore(%run_scoped3A_534 : memref<!tpu.dma_semaphore, #tpu.memory_space<semaphore_mem>>) src(%arg8 : memref<128x128xf32, #tpu.memory_space<vmem>>) dst(%dma_wait3A_546 : memref<10240x128xf32, #tpu.memory_space<vmem_shared>>)
        tpu.yield
      }) : () -> ()
      %jit3A_361 = arith.constant 2 : i32
      %eq3A_362 = arith.constant 0 : i32
      %eq3A_363 = arith.cmpi eq, %jit3A_361, %eq3A_362 : i32
      %jit3A_364 = arith.constant 1 : i32
      %select_n3A_365 = arith.select %eq3A_363, %jit3A_364, %jit3A_361 : i32
      %rem3A_366 = arith.remsi %while3A_45, %select_n3A_365 : i32
      %ne3A_367 = arith.constant 0 : i32
      %ne3A_368 = arith.cmpi ne, %rem3A_366, %ne3A_367 : i32
      %lt3A_369 = arith.constant 0 : i32
      %lt3A_370 = arith.cmpi slt, %rem3A_366, %lt3A_369 : i32
      %lt3A_371 = arith.constant 0 : i32
      %lt3A_372 = arith.cmpi slt, %select_n3A_365, %lt3A_371 : i32
      %ne3A_373 = arith.xori %lt3A_370, %lt3A_372 : i1
      %and3A_374 = arith.andi %ne3A_373, %ne3A_368 : i1
      %add3A_375 = arith.addi %rem3A_366, %select_n3A_365 : i32
      %select_n3A_376 = arith.select %and3A_374, %add3A_375, %rem3A_366 : i32
      %dma_start3A_377 = arith.constant 6 : i32
      %dma_start3A_378 = arith.constant 0 : i32
      %dma_start3A_379 = tpu.memref_slice %arg6[%select_n3A_376, %dma_start3A_377, %dma_start3A_378] : memref<2x8x128xi32, #tpu.memory_space<vmem>> -> memref<1x1x128xi32, #tpu.memory_space<vmem>>
      %dma_start3A_380 = tpu.memref_squeeze %dma_start3A_379 : memref<1x1x128xi32, #tpu.memory_space<vmem>> -> memref<128xi32, #tpu.memory_space<vmem>>
      %dma_start3A_381 = arith.constant 0 : i32
      %dma_start3A_382 = arith.constant 0 : i32
      %dma_start3A_383 = tpu.memref_slice %arg2[%dma_start3A_381, %dma_start3A_382] : memref<10000x128xf32, #tpu.memory_space<hbm>> -> memref<10000x128xf32, #tpu.memory_space<hbm>>
      tpu.enqueue_indirect_dma source(%dma_start3A_383 : memref<10000x128xf32, #tpu.memory_space<hbm>>) target(%arg8 : memref<128x128xf32, #tpu.memory_space<vmem>>) offsets(%dma_start3A_380 : memref<128xi32, #tpu.memory_space<vmem>>) semaphore(%arg11 : memref<!tpu.dma_semaphore, #tpu.memory_space<semaphore_mem>>)
      %jit3A_384 = arith.constant 2 : i32
      %eq3A_385 = arith.constant 0 : i32
      %eq3A_386 = arith.cmpi eq, %jit3A_384, %eq3A_385 : i32
      %jit3A_387 = arith.constant 1 : i32
      %select_n3A_388 = arith.select %eq3A_386, %jit3A_387, %jit3A_384 : i32
      %rem3A_389 = arith.remsi %while3A_45, %select_n3A_388 : i32
      %ne3A_390 = arith.constant 0 : i32
      %ne3A_391 = arith.cmpi ne, %rem3A_389, %ne3A_390 : i32
      %lt3A_392 = arith.constant 0 : i32
      %lt3A_393 = arith.cmpi slt, %rem3A_389, %lt3A_392 : i32
      %lt3A_394 = arith.constant 0 : i32
      %lt3A_395 = arith.cmpi slt, %select_n3A_388, %lt3A_394 : i32
      %ne3A_396 = arith.xori %lt3A_393, %lt3A_395 : i1
      %and3A_397 = arith.andi %ne3A_396, %ne3A_391 : i1
      %add3A_398 = arith.addi %rem3A_389, %select_n3A_388 : i32
      %select_n3A_399 = arith.select %and3A_397, %add3A_398, %rem3A_389 : i32
      %dma_wait3A_400 = arith.constant 5 : i32
      %dma_wait3A_401 = arith.constant 0 : i32
      %dma_wait3A_402 = tpu.memref_slice %arg6[%select_n3A_399, %dma_wait3A_400, %dma_wait3A_401] : memref<2x8x128xi32, #tpu.memory_space<vmem>> -> memref<1x1x128xi32, #tpu.memory_space<vmem>>
      %dma_wait3A_403 = tpu.memref_squeeze %dma_wait3A_402 : memref<1x1x128xi32, #tpu.memory_space<vmem>> -> memref<128xi32, #tpu.memory_space<vmem>>
      %dma_wait3A_404 = arith.constant 0 : i32
      %dma_wait3A_405 = arith.constant 0 : i32
      %dma_wait3A_406 = tpu.memref_slice %arg2[%dma_wait3A_404, %dma_wait3A_405] : memref<10000x128xf32, #tpu.memory_space<hbm>> -> memref<10000x128xf32, #tpu.memory_space<hbm>>
      tpu.wait_indirect_dma semaphore(%arg12 : memref<!tpu.dma_semaphore, #tpu.memory_space<semaphore_mem>>) src(%dma_wait3A_406 : memref<10000x128xf32, #tpu.memory_space<hbm>>) dst(%arg9 : memref<128x128xf32, #tpu.memory_space<vmem>>)
      %jit3A_407 = arith.constant 2 : i32
      %eq3A_408 = arith.constant 0 : i32
      %eq3A_409 = arith.cmpi eq, %jit3A_407, %eq3A_408 : i32
      %jit3A_410 = arith.constant 1 : i32
      %select_n3A_411 = arith.select %eq3A_409, %jit3A_410, %jit3A_407 : i32
      %rem3A_412 = arith.remsi %while3A_45, %select_n3A_411 : i32
      %ne3A_413 = arith.constant 0 : i32
      %ne3A_414 = arith.cmpi ne, %rem3A_412, %ne3A_413 : i32
      %lt3A_415 = arith.constant 0 : i32
      %lt3A_416 = arith.cmpi slt, %rem3A_412, %lt3A_415 : i32
      %lt3A_417 = arith.constant 0 : i32
      %lt3A_418 = arith.cmpi slt, %select_n3A_411, %lt3A_417 : i32
      %ne3A_419 = arith.xori %lt3A_416, %lt3A_418 : i1
      %and3A_420 = arith.andi %ne3A_419, %ne3A_414 : i1
      %add3A_421 = arith.addi %rem3A_412, %select_n3A_411 : i32
      %select_n3A_422 = arith.select %and3A_420, %add3A_421, %rem3A_412 : i32
      %run_scoped3A_423 = arith.constant 5 : i32
      "tpu.region"() ({
        %run_scoped3A_534 = tpu.sem_alloc : memref<!tpu.dma_semaphore, #tpu.memory_space<semaphore_mem>>
        %dma_start3A_535 = arith.constant 0 : i32
        %dma_start3A_536 = tpu.memref_slice %arg7[%select_n3A_422, %run_scoped3A_423, %dma_start3A_535] : memref<2x8x128xi32, #tpu.memory_space<vmem>> -> memref<1x1x128xi32, #tpu.memory_space<vmem>>
        %dma_start3A_537 = tpu.memref_squeeze %dma_start3A_536 : memref<1x1x128xi32, #tpu.memory_space<vmem>> -> memref<128xi32, #tpu.memory_space<vmem>>
        %dma_start3A_538 = arith.constant 0 : i32
        %dma_start3A_539 = arith.constant 0 : i32
        %dma_start3A_540 = tpu.memref_slice %arg10[%dma_start3A_538, %dma_start3A_539] : memref<10240x128xf32, #tpu.memory_space<vmem_shared>> -> memref<10240x128xf32, #tpu.memory_space<vmem_shared>>
        tpu.enqueue_indirect_dma source(%arg9 : memref<128x128xf32, #tpu.memory_space<vmem>>) target(%dma_start3A_540 : memref<10240x128xf32, #tpu.memory_space<vmem_shared>>) offsets(%dma_start3A_537 : memref<128xi32, #tpu.memory_space<vmem>>) semaphore(%run_scoped3A_534 : memref<!tpu.dma_semaphore, #tpu.memory_space<semaphore_mem>>) {add = true}
        %dma_wait3A_541 = arith.constant 0 : i32
        %dma_wait3A_542 = tpu.memref_slice %arg7[%select_n3A_422, %run_scoped3A_423, %dma_wait3A_541] : memref<2x8x128xi32, #tpu.memory_space<vmem>> -> memref<1x1x128xi32, #tpu.memory_space<vmem>>
        %dma_wait3A_543 = tpu.memref_squeeze %dma_wait3A_542 : memref<1x1x128xi32, #tpu.memory_space<vmem>> -> memref<128xi32, #tpu.memory_space<vmem>>
        %dma_wait3A_544 = arith.constant 0 : i32
        %dma_wait3A_545 = arith.constant 0 : i32
        %dma_wait3A_546 = tpu.memref_slice %arg10[%dma_wait3A_544, %dma_wait3A_545] : memref<10240x128xf32, #tpu.memory_space<vmem_shared>> -> memref<10240x128xf32, #tpu.memory_space<vmem_shared>>
        tpu.wait_indirect_dma semaphore(%run_scoped3A_534 : memref<!tpu.dma_semaphore, #tpu.memory_space<semaphore_mem>>) src(%arg9 : memref<128x128xf32, #tpu.memory_space<vmem>>) dst(%dma_wait3A_546 : memref<10240x128xf32, #tpu.memory_space<vmem_shared>>)
        tpu.yield
      }) : () -> ()
      %jit3A_424 = arith.constant 2 : i32
      %eq3A_425 = arith.constant 0 : i32
      %eq3A_426 = arith.cmpi eq, %jit3A_424, %eq3A_425 : i32
      %jit3A_427 = arith.constant 1 : i32
      %select_n3A_428 = arith.select %eq3A_426, %jit3A_427, %jit3A_424 : i32
      %rem3A_429 = arith.remsi %while3A_45, %select_n3A_428 : i32
      %ne3A_430 = arith.constant 0 : i32
      %ne3A_431 = arith.cmpi ne, %rem3A_429, %ne3A_430 : i32
      %lt3A_432 = arith.constant 0 : i32
      %lt3A_433 = arith.cmpi slt, %rem3A_429, %lt3A_432 : i32
      %lt3A_434 = arith.constant 0 : i32
      %lt3A_435 = arith.cmpi slt, %select_n3A_428, %lt3A_434 : i32
      %ne3A_436 = arith.xori %lt3A_433, %lt3A_435 : i1
      %and3A_437 = arith.andi %ne3A_436, %ne3A_431 : i1
      %add3A_438 = arith.addi %rem3A_429, %select_n3A_428 : i32
      %select_n3A_439 = arith.select %and3A_437, %add3A_438, %rem3A_429 : i32
      %dma_start3A_440 = arith.constant 7 : i32
      %dma_start3A_441 = arith.constant 0 : i32
      %dma_start3A_442 = tpu.memref_slice %arg6[%select_n3A_439, %dma_start3A_440, %dma_start3A_441] : memref<2x8x128xi32, #tpu.memory_space<vmem>> -> memref<1x1x128xi32, #tpu.memory_space<vmem>>
      %dma_start3A_443 = tpu.memref_squeeze %dma_start3A_442 : memref<1x1x128xi32, #tpu.memory_space<vmem>> -> memref<128xi32, #tpu.memory_space<vmem>>
      %dma_start3A_444 = arith.constant 0 : i32
      %dma_start3A_445 = arith.constant 0 : i32
      %dma_start3A_446 = tpu.memref_slice %arg2[%dma_start3A_444, %dma_start3A_445] : memref<10000x128xf32, #tpu.memory_space<hbm>> -> memref<10000x128xf32, #tpu.memory_space<hbm>>
      tpu.enqueue_indirect_dma source(%dma_start3A_446 : memref<10000x128xf32, #tpu.memory_space<hbm>>) target(%arg9 : memref<128x128xf32, #tpu.memory_space<vmem>>) offsets(%dma_start3A_443 : memref<128xi32, #tpu.memory_space<vmem>>) semaphore(%arg12 : memref<!tpu.dma_semaphore, #tpu.memory_space<semaphore_mem>>)
      %jit3A_447 = arith.constant 2 : i32
      %eq3A_448 = arith.constant 0 : i32
      %eq3A_449 = arith.cmpi eq, %jit3A_447, %eq3A_448 : i32
      %jit3A_450 = arith.constant 1 : i32
      %select_n3A_451 = arith.select %eq3A_449, %jit3A_450, %jit3A_447 : i32
      %rem3A_452 = arith.remsi %while3A_45, %select_n3A_451 : i32
      %ne3A_453 = arith.constant 0 : i32
      %ne3A_454 = arith.cmpi ne, %rem3A_452, %ne3A_453 : i32
      %lt3A_455 = arith.constant 0 : i32
      %lt3A_456 = arith.cmpi slt, %rem3A_452, %lt3A_455 : i32
      %lt3A_457 = arith.constant 0 : i32
      %lt3A_458 = arith.cmpi slt, %select_n3A_451, %lt3A_457 : i32
      %ne3A_459 = arith.xori %lt3A_456, %lt3A_458 : i1
      %and3A_460 = arith.andi %ne3A_459, %ne3A_454 : i1
      %add3A_461 = arith.addi %rem3A_452, %select_n3A_451 : i32
      %select_n3A_462 = arith.select %and3A_460, %add3A_461, %rem3A_452 : i32
      %dma_wait3A_463 = arith.constant 6 : i32
      %dma_wait3A_464 = arith.constant 0 : i32
      %dma_wait3A_465 = tpu.memref_slice %arg6[%select_n3A_462, %dma_wait3A_463, %dma_wait3A_464] : memref<2x8x128xi32, #tpu.memory_space<vmem>> -> memref<1x1x128xi32, #tpu.memory_space<vmem>>
      %dma_wait3A_466 = tpu.memref_squeeze %dma_wait3A_465 : memref<1x1x128xi32, #tpu.memory_space<vmem>> -> memref<128xi32, #tpu.memory_space<vmem>>
      %dma_wait3A_467 = arith.constant 0 : i32
      %dma_wait3A_468 = arith.constant 0 : i32
      %dma_wait3A_469 = tpu.memref_slice %arg2[%dma_wait3A_467, %dma_wait3A_468] : memref<10000x128xf32, #tpu.memory_space<hbm>> -> memref<10000x128xf32, #tpu.memory_space<hbm>>
      tpu.wait_indirect_dma semaphore(%arg11 : memref<!tpu.dma_semaphore, #tpu.memory_space<semaphore_mem>>) src(%dma_wait3A_469 : memref<10000x128xf32, #tpu.memory_space<hbm>>) dst(%arg8 : memref<128x128xf32, #tpu.memory_space<vmem>>)
      %jit3A_470 = arith.constant 2 : i32
      %eq3A_471 = arith.constant 0 : i32
      %eq3A_472 = arith.cmpi eq, %jit3A_470, %eq3A_471 : i32
      %jit3A_473 = arith.constant 1 : i32
      %select_n3A_474 = arith.select %eq3A_472, %jit3A_473, %jit3A_470 : i32
      %rem3A_475 = arith.remsi %while3A_45, %select_n3A_474 : i32
      %ne3A_476 = arith.constant 0 : i32
      %ne3A_477 = arith.cmpi ne, %rem3A_475, %ne3A_476 : i32
      %lt3A_478 = arith.constant 0 : i32
      %lt3A_479 = arith.cmpi slt, %rem3A_475, %lt3A_478 : i32
      %lt3A_480 = arith.constant 0 : i32
      %lt3A_481 = arith.cmpi slt, %select_n3A_474, %lt3A_480 : i32
      %ne3A_482 = arith.xori %lt3A_479, %lt3A_481 : i1
      %and3A_483 = arith.andi %ne3A_482, %ne3A_477 : i1
      %add3A_484 = arith.addi %rem3A_475, %select_n3A_474 : i32
      %select_n3A_485 = arith.select %and3A_483, %add3A_484, %rem3A_475 : i32
      %run_scoped3A_486 = arith.constant 6 : i32
      "tpu.region"() ({
        %run_scoped3A_534 = tpu.sem_alloc : memref<!tpu.dma_semaphore, #tpu.memory_space<semaphore_mem>>
        %dma_start3A_535 = arith.constant 0 : i32
        %dma_start3A_536 = tpu.memref_slice %arg7[%select_n3A_485, %run_scoped3A_486, %dma_start3A_535] : memref<2x8x128xi32, #tpu.memory_space<vmem>> -> memref<1x1x128xi32, #tpu.memory_space<vmem>>
        %dma_start3A_537 = tpu.memref_squeeze %dma_start3A_536 : memref<1x1x128xi32, #tpu.memory_space<vmem>> -> memref<128xi32, #tpu.memory_space<vmem>>
        %dma_start3A_538 = arith.constant 0 : i32
        %dma_start3A_539 = arith.constant 0 : i32
        %dma_start3A_540 = tpu.memref_slice %arg10[%dma_start3A_538, %dma_start3A_539] : memref<10240x128xf32, #tpu.memory_space<vmem_shared>> -> memref<10240x128xf32, #tpu.memory_space<vmem_shared>>
        tpu.enqueue_indirect_dma source(%arg8 : memref<128x128xf32, #tpu.memory_space<vmem>>) target(%dma_start3A_540 : memref<10240x128xf32, #tpu.memory_space<vmem_shared>>) offsets(%dma_start3A_537 : memref<128xi32, #tpu.memory_space<vmem>>) semaphore(%run_scoped3A_534 : memref<!tpu.dma_semaphore, #tpu.memory_space<semaphore_mem>>) {add = true}
        %dma_wait3A_541 = arith.constant 0 : i32
        %dma_wait3A_542 = tpu.memref_slice %arg7[%select_n3A_485, %run_scoped3A_486, %dma_wait3A_541] : memref<2x8x128xi32, #tpu.memory_space<vmem>> -> memref<1x1x128xi32, #tpu.memory_space<vmem>>
        %dma_wait3A_543 = tpu.memref_squeeze %dma_wait3A_542 : memref<1x1x128xi32, #tpu.memory_space<vmem>> -> memref<128xi32, #tpu.memory_space<vmem>>
        %dma_wait3A_544 = arith.constant 0 : i32
        %dma_wait3A_545 = arith.constant 0 : i32
        %dma_wait3A_546 = tpu.memref_slice %arg10[%dma_wait3A_544, %dma_wait3A_545] : memref<10240x128xf32, #tpu.memory_space<vmem_shared>> -> memref<10240x128xf32, #tpu.memory_space<vmem_shared>>
        tpu.wait_indirect_dma semaphore(%run_scoped3A_534 : memref<!tpu.dma_semaphore, #tpu.memory_space<semaphore_mem>>) src(%arg8 : memref<128x128xf32, #tpu.memory_space<vmem>>) dst(%dma_wait3A_546 : memref<10240x128xf32, #tpu.memory_space<vmem_shared>>)
        tpu.yield
      }) : () -> ()
      %add3A_487 = arith.constant 1 : i32
      %add3A_488 = arith.addi %while3A_45, %add3A_487 : i32
      %lt3A_489 = arith.cmpi slt, %add3A_488, %select_n3A : i32
      %convert_element_type3A_490 = arith.extui %lt3A_489 : i1 to i32
      %cond3A_491 = arith.constant 0 : i32
      %cond3A_492 = arith.cmpi ne, %convert_element_type3A_490, %cond3A_491 : i32
      scf.if %cond3A_492 {
        %add3A_534 = arith.constant 1 : i32
        %add3A_535 = arith.addi %while3A_45, %add3A_534 : i32
        %jit3A_536 = arith.constant 2 : i32
        %eq3A_537 = arith.constant 0 : i32
        %eq3A_538 = arith.cmpi eq, %jit3A_536, %eq3A_537 : i32
        %jit3A_539 = arith.constant 1 : i32
        %select_n3A_540 = arith.select %eq3A_538, %jit3A_539, %jit3A_536 : i32
        %rem3A_541 = arith.remsi %add3A_535, %select_n3A_540 : i32
        %ne3A_542 = arith.constant 0 : i32
        %ne3A_543 = arith.cmpi ne, %rem3A_541, %ne3A_542 : i32
        %lt3A_544 = arith.constant 0 : i32
        %lt3A_545 = arith.cmpi slt, %rem3A_541, %lt3A_544 : i32
        %lt3A_546 = arith.constant 0 : i32
        %lt3A_547 = arith.cmpi slt, %select_n3A_540, %lt3A_546 : i32
        %ne3A_548 = arith.xori %lt3A_545, %lt3A_547 : i1
        %and3A_549 = arith.andi %ne3A_548, %ne3A_543 : i1
        %add3A_550 = arith.addi %rem3A_541, %select_n3A_540 : i32
        %select_n3A_551 = arith.select %and3A_549, %add3A_550, %rem3A_541 : i32
        %dma_start3A_552 = arith.constant 0 : i32
        %dma_start3A_553 = arith.constant 0 : i32
        %dma_start3A_554 = tpu.memref_slice %arg6[%select_n3A_551, %dma_start3A_552, %dma_start3A_553] : memref<2x8x128xi32, #tpu.memory_space<vmem>> -> memref<1x1x128xi32, #tpu.memory_space<vmem>>
        %dma_start3A_555 = tpu.memref_squeeze %dma_start3A_554 : memref<1x1x128xi32, #tpu.memory_space<vmem>> -> memref<128xi32, #tpu.memory_space<vmem>>
        %dma_start3A_556 = arith.constant 0 : i32
        %dma_start3A_557 = arith.constant 0 : i32
        %dma_start3A_558 = tpu.memref_slice %arg2[%dma_start3A_556, %dma_start3A_557] : memref<10000x128xf32, #tpu.memory_space<hbm>> -> memref<10000x128xf32, #tpu.memory_space<hbm>>
        tpu.enqueue_indirect_dma source(%dma_start3A_558 : memref<10000x128xf32, #tpu.memory_space<hbm>>) target(%arg8 : memref<128x128xf32, #tpu.memory_space<vmem>>) offsets(%dma_start3A_555 : memref<128xi32, #tpu.memory_space<vmem>>) semaphore(%arg11 : memref<!tpu.dma_semaphore, #tpu.memory_space<semaphore_mem>>)
      } else {
      }
      %jit3A_493 = arith.constant 2 : i32
      %eq3A_494 = arith.constant 0 : i32
      %eq3A_495 = arith.cmpi eq, %jit3A_493, %eq3A_494 : i32
      %jit3A_496 = arith.constant 1 : i32
      %select_n3A_497 = arith.select %eq3A_495, %jit3A_496, %jit3A_493 : i32
      %rem3A_498 = arith.remsi %while3A_45, %select_n3A_497 : i32
      %ne3A_499 = arith.constant 0 : i32
      %ne3A_500 = arith.cmpi ne, %rem3A_498, %ne3A_499 : i32
      %lt3A_501 = arith.constant 0 : i32
      %lt3A_502 = arith.cmpi slt, %rem3A_498, %lt3A_501 : i32
      %lt3A_503 = arith.constant 0 : i32
      %lt3A_504 = arith.cmpi slt, %select_n3A_497, %lt3A_503 : i32
      %ne3A_505 = arith.xori %lt3A_502, %lt3A_504 : i1
      %and3A_506 = arith.andi %ne3A_505, %ne3A_500 : i1
      %add3A_507 = arith.addi %rem3A_498, %select_n3A_497 : i32
      %select_n3A_508 = arith.select %and3A_506, %add3A_507, %rem3A_498 : i32
      %dma_wait3A_509 = arith.constant 7 : i32
      %dma_wait3A_510 = arith.constant 0 : i32
      %dma_wait3A_511 = tpu.memref_slice %arg6[%select_n3A_508, %dma_wait3A_509, %dma_wait3A_510] : memref<2x8x128xi32, #tpu.memory_space<vmem>> -> memref<1x1x128xi32, #tpu.memory_space<vmem>>
      %dma_wait3A_512 = tpu.memref_squeeze %dma_wait3A_511 : memref<1x1x128xi32, #tpu.memory_space<vmem>> -> memref<128xi32, #tpu.memory_space<vmem>>
      %dma_wait3A_513 = arith.constant 0 : i32
      %dma_wait3A_514 = arith.constant 0 : i32
      %dma_wait3A_515 = tpu.memref_slice %arg2[%dma_wait3A_513, %dma_wait3A_514] : memref<10000x128xf32, #tpu.memory_space<hbm>> -> memref<10000x128xf32, #tpu.memory_space<hbm>>
      tpu.wait_indirect_dma semaphore(%arg12 : memref<!tpu.dma_semaphore, #tpu.memory_space<semaphore_mem>>) src(%dma_wait3A_515 : memref<10000x128xf32, #tpu.memory_space<hbm>>) dst(%arg9 : memref<128x128xf32, #tpu.memory_space<vmem>>)
      %jit3A_516 = arith.constant 2 : i32
      %eq3A_517 = arith.constant 0 : i32
      %eq3A_518 = arith.cmpi eq, %jit3A_516, %eq3A_517 : i32
      %jit3A_519 = arith.constant 1 : i32
      %select_n3A_520 = arith.select %eq3A_518, %jit3A_519, %jit3A_516 : i32
      %rem3A_521 = arith.remsi %while3A_45, %select_n3A_520 : i32
      %ne3A_522 = arith.constant 0 : i32
      %ne3A_523 = arith.cmpi ne, %rem3A_521, %ne3A_522 : i32
      %lt3A_524 = arith.constant 0 : i32
      %lt3A_525 = arith.cmpi slt, %rem3A_521, %lt3A_524 : i32
      %lt3A_526 = arith.constant 0 : i32
      %lt3A_527 = arith.cmpi slt, %select_n3A_520, %lt3A_526 : i32
      %ne3A_528 = arith.xori %lt3A_525, %lt3A_527 : i1
      %and3A_529 = arith.andi %ne3A_528, %ne3A_523 : i1
      %add3A_530 = arith.addi %rem3A_521, %select_n3A_520 : i32
      %select_n3A_531 = arith.select %and3A_529, %add3A_530, %rem3A_521 : i32
      %run_scoped3A_532 = arith.constant 7 : i32
      "tpu.region"() ({
        %run_scoped3A_534 = tpu.sem_alloc : memref<!tpu.dma_semaphore, #tpu.memory_space<semaphore_mem>>
        %dma_start3A_535 = arith.constant 0 : i32
        %dma_start3A_536 = tpu.memref_slice %arg7[%select_n3A_531, %run_scoped3A_532, %dma_start3A_535] : memref<2x8x128xi32, #tpu.memory_space<vmem>> -> memref<1x1x128xi32, #tpu.memory_space<vmem>>
        %dma_start3A_537 = tpu.memref_squeeze %dma_start3A_536 : memref<1x1x128xi32, #tpu.memory_space<vmem>> -> memref<128xi32, #tpu.memory_space<vmem>>
        %dma_start3A_538 = arith.constant 0 : i32
        %dma_start3A_539 = arith.constant 0 : i32
        %dma_start3A_540 = tpu.memref_slice %arg10[%dma_start3A_538, %dma_start3A_539] : memref<10240x128xf32, #tpu.memory_space<vmem_shared>> -> memref<10240x128xf32, #tpu.memory_space<vmem_shared>>
        tpu.enqueue_indirect_dma source(%arg9 : memref<128x128xf32, #tpu.memory_space<vmem>>) target(%dma_start3A_540 : memref<10240x128xf32, #tpu.memory_space<vmem_shared>>) offsets(%dma_start3A_537 : memref<128xi32, #tpu.memory_space<vmem>>) semaphore(%run_scoped3A_534 : memref<!tpu.dma_semaphore, #tpu.memory_space<semaphore_mem>>) {add = true}
        %dma_wait3A_541 = arith.constant 0 : i32
        %dma_wait3A_542 = tpu.memref_slice %arg7[%select_n3A_531, %run_scoped3A_532, %dma_wait3A_541] : memref<2x8x128xi32, #tpu.memory_space<vmem>> -> memref<1x1x128xi32, #tpu.memory_space<vmem>>
        %dma_wait3A_543 = tpu.memref_squeeze %dma_wait3A_542 : memref<1x1x128xi32, #tpu.memory_space<vmem>> -> memref<128xi32, #tpu.memory_space<vmem>>
        %dma_wait3A_544 = arith.constant 0 : i32
        %dma_wait3A_545 = arith.constant 0 : i32
        %dma_wait3A_546 = tpu.memref_slice %arg10[%dma_wait3A_544, %dma_wait3A_545] : memref<10240x128xf32, #tpu.memory_space<vmem_shared>> -> memref<10240x128xf32, #tpu.memory_space<vmem_shared>>
        tpu.wait_indirect_dma semaphore(%run_scoped3A_534 : memref<!tpu.dma_semaphore, #tpu.memory_space<semaphore_mem>>) src(%arg9 : memref<128x128xf32, #tpu.memory_space<vmem>>) dst(%dma_wait3A_546 : memref<10240x128xf32, #tpu.memory_space<vmem_shared>>)
        tpu.yield
      }) : () -> ()
      %while3A_533 = arith.constant 0 : i32
      scf.yield %while3A_533 : i32
    }
    %barrier3A_44 = arith.constant 0 : index
    tpu.barrier barrier_id(%barrier3A_44)
    "tpu.region"() ({
      %run_scoped3A = tpu.sem_alloc : memref<!tpu.dma_semaphore, #tpu.memory_space<semaphore_mem>>
      %dma_start3A = arith.constant 0 : i32
      %dma_start3A_45 = tpu.memref_slice %arg5[%arg0, %mul3A_2, %dma_start3A] : memref<2x10240x128xf32, #tpu.memory_space<hbm>> -> memref<1x640x128xf32, #tpu.memory_space<hbm>>
      %dma_start3A_46 = tpu.memref_squeeze %dma_start3A_45 : memref<1x640x128xf32, #tpu.memory_space<hbm>> -> memref<640x128xf32, #tpu.memory_space<hbm>>
      %dma_start3A_47 = arith.constant 0 : i32
      %dma_start3A_48 = tpu.memref_slice %arg10[%mul3A_2, %dma_start3A_47] : memref<10240x128xf32, #tpu.memory_space<vmem_shared>> -> memref<640x128xf32, #tpu.memory_space<vmem_shared>>
      tpu.enqueue_dma source(%dma_start3A_48 : memref<640x128xf32, #tpu.memory_space<vmem_shared>>) target(%dma_start3A_46 : memref<640x128xf32, #tpu.memory_space<hbm>>) target_semaphore(%run_scoped3A : memref<!tpu.dma_semaphore, #tpu.memory_space<semaphore_mem>>)
      %dma_wait3A = arith.constant 0 : i32
      %dma_wait3A_49 = tpu.memref_slice %arg5[%arg0, %mul3A_2, %dma_wait3A] : memref<2x10240x128xf32, #tpu.memory_space<hbm>> -> memref<1x640x128xf32, #tpu.memory_space<hbm>>
      %dma_wait3A_50 = tpu.memref_squeeze %dma_wait3A_49 : memref<1x640x128xf32, #tpu.memory_space<hbm>> -> memref<640x128xf32, #tpu.memory_space<hbm>>
      %dma_wait3A_51 = arith.constant 0 : i32
      %dma_wait3A_52 = tpu.memref_slice %arg10[%mul3A_2, %dma_wait3A_51] : memref<10240x128xf32, #tpu.memory_space<vmem_shared>> -> memref<640x128xf32, #tpu.memory_space<vmem_shared>>
      tpu.wait_dma2 semaphore(%run_scoped3A : memref<!tpu.dma_semaphore, #tpu.memory_space<semaphore_mem>>) src(%dma_wait3A_52 : memref<640x128xf32, #tpu.memory_space<vmem_shared>>) dst(%dma_wait3A_50 : memref<640x128xf32, #tpu.memory_space<hbm>>)
      tpu.yield
    }) : () -> ()
    return
  }
}

#map = affine_map<(d0, d1) -> (0, 0)>
#map1 = affine_map<(d0, d1) -> (0, 0, 0)>
module attributes {stable_mosaic.version = 14 : i64} {
  func.func @body(%arg0: i32, %arg1: i32, %arg2: memref<10000x128xf32, #tpu.memory_space<hbm>>, %arg3: memref<2560x128xi32, #tpu.memory_space<hbm>>, %arg4: memref<2560x128xi32, #tpu.memory_space<hbm>>, %arg5: memref<2x10240x128xf32, #tpu.memory_space<hbm>>, %arg6: memref<2x8x128xi32, #tpu.memory_space<vmem>>, %arg7: memref<2x8x128xi32, #tpu.memory_space<vmem>>, %arg8: memref<128x128xf32, #tpu.memory_space<vmem>>, %arg9: memref<128x128xf32, #tpu.memory_space<vmem>>, %arg10: memref<10240x128xf32, #tpu.memory_space<vmem_shared>>, %arg11: memref<!tpu.dma_semaphore, #tpu.memory_space<semaphore_mem>>, %arg12: memref<!tpu.dma_semaphore, #tpu.memory_space<semaphore_mem>>) attributes {dimension_semantics = [#tpu.dimension_semantics<core_parallel>, #tpu.dimension_semantics<subcore_parallel>], iteration_bounds = array<i64: 2, 16>, scalar_prefetch = 0 : i64, scratch_operands = 7 : i64, tpu.core_type = #tpu.core_type<sc_vector_subcore>, window_params = [{transform_indices = #map}, {transform_indices = #map}, {transform_indices = #map}, {transform_indices = #map1}]} {
    %mul3A = arith.constant 2 : i32
    %mul3A_0 = arith.muli %arg1, %mul3A : i32
    %add3A = arith.addi %mul3A_0, %arg0 : i32
    %mul3A_1 = arith.constant 640 : i32
    %mul3A_2 = arith.muli %arg1, %mul3A_1 : i32
    %broadcast_in_dim3A = arith.constant 0.000000e+00 : f32
    %broadcast_in_dim3A_3 = vector.broadcast %broadcast_in_dim3A : f32 to vector<16xf32>
    %scan3A = arith.constant 0 : i32
    %scan3A_4 = arith.constant 0 : i32
    %scan3A_5 = arith.constant 128 : i32
    %scan3A_6 = arith.addi %scan3A_4, %scan3A_5 : i32
    %scan3A_7 = arith.constant 1 : i32
    %scan3A_8 = scf.for %scan3A_37 = %scan3A_4 to %scan3A_6 step %scan3A_7 iter_args(%scan3A_38 = %scan3A) -> (i32)  : i32 {
      %scan3A_39 = arith.constant 0 : i32
      %scan3A_40 = arith.constant 0 : i32
      %scan3A_41 = arith.constant 8 : i32
      %scan3A_42 = arith.addi %scan3A_40, %scan3A_41 : i32
      %scan3A_43 = arith.constant 1 : i32
      %scan3A_44 = scf.for %scan3A_46 = %scan3A_40 to %scan3A_42 step %scan3A_43 iter_args(%scan3A_47 = %scan3A_39) -> (i32)  : i32 {
        %mul3A_48 = arith.constant 16 : i32
        %mul3A_49 = arith.muli %scan3A_46, %mul3A_48 : i32
        %swap3A = arith.index_cast %scan3A_37 : i32 to index
        %swap3A_50 = arith.index_cast %mul3A_49 : i32 to index
        %swap3A_51 = tpu.vector_load %arg8[%swap3A, %swap3A_50] {strides = array<i32>} : memref<128x128xf32, #tpu.memory_space<vmem>>, vector<1x16xf32>,
        %swap3A_52 = vector.shape_cast %swap3A_51 : vector<1x16xf32> to vector<16xf32>
        %swap3A_53 = vector.shape_cast %broadcast_in_dim3A_3 : vector<16xf32> to vector<1x16xf32>
        tpu.vector_store %arg8[%swap3A, %swap3A_50], %swap3A_53 {strides = array<i32>} : memref<128x128xf32, #tpu.memory_space<vmem>>, vector<1x16xf32>,
        %scan3A_54 = arith.constant 0 : i32
        scf.yield %scan3A_54 : i32
      }
      %scan3A_45 = arith.constant 8 : i32
      scf.yield %scan3A_44 : i32
    }
    %scan3A_9 = arith.constant 128 : i32
    %add3A_10 = arith.constant 0 : i32
    %add3A_11 = arith.addi %mul3A_2, %add3A_10 : i32
    "tpu.region"() ({
      %run_scoped3A = tpu.sem_alloc : memref<!tpu.dma_semaphore, #tpu.memory_space<semaphore_mem>>
      %dma_start3A = arith.constant 0 : i32
      %dma_start3A_37 = tpu.memref_slice %arg10[%add3A_11, %dma_start3A] : memref<10240x128xf32, #tpu.memory_space<vmem_shared>> -> memref<128x128xf32, #tpu.memory_space<vmem_shared>>
      %dma_start3A_38 = arith.constant 0 : i32
      %dma_start3A_39 = tpu.memref_slice %arg10[%add3A_11, %dma_start3A_38] : memref<10240x128xf32, #tpu.memory_space<vmem_shared>> -> memref<128x128xf32, #tpu.memory_space<vmem_shared>>
      tpu.enqueue_dma source(%arg8 : memref<128x128xf32, #tpu.memory_space<vmem>>) target(%dma_start3A_39 : memref<128x128xf32, #tpu.memory_space<vmem_shared>>) target_semaphore(%run_scoped3A : memref<!tpu.dma_semaphore, #tpu.memory_space<semaphore_mem>>)
      %dma_wait3A = arith.constant 0 : i32
      %dma_wait3A_40 = tpu.memref_slice %arg10[%add3A_11, %dma_wait3A] : memref<10240x128xf32, #tpu.memory_space<vmem_shared>> -> memref<128x128xf32, #tpu.memory_space<vmem_shared>>
      %dma_wait3A_41 = arith.constant 0 : i32
      %dma_wait3A_42 = tpu.memref_slice %arg10[%add3A_11, %dma_wait3A_41] : memref<10240x128xf32, #tpu.memory_space<vmem_shared>> -> memref<128x128xf32, #tpu.memory_space<vmem_shared>>
      tpu.wait_dma2 semaphore(%run_scoped3A : memref<!tpu.dma_semaphore, #tpu.memory_space<semaphore_mem>>) src(%arg8 : memref<128x128xf32, #tpu.memory_space<vmem>>) dst(%dma_wait3A_42 : memref<128x128xf32, #tpu.memory_space<vmem_shared>>)
      tpu.yield
    }) : () -> ()
    %add3A_12 = arith.constant 128 : i32
    %add3A_13 = arith.addi %mul3A_2, %add3A_12 : i32
    "tpu.region"() ({
      %run_scoped3A = tpu.sem_alloc : memref<!tpu.dma_semaphore, #tpu.memory_space<semaphore_mem>>
      %dma_start3A = arith.constant 0 : i32
      %dma_start3A_37 = tpu.memref_slice %arg10[%add3A_13, %dma_start3A] : memref<10240x128xf32, #tpu.memory_space<vmem_shared>> -> memref<128x128xf32, #tpu.memory_space<vmem_shared>>
      %dma_start3A_38 = arith.constant 0 : i32
      %dma_start3A_39 = tpu.memref_slice %arg10[%add3A_13, %dma_start3A_38] : memref<10240x128xf32, #tpu.memory_space<vmem_shared>> -> memref<128x128xf32, #tpu.memory_space<vmem_shared>>
      tpu.enqueue_dma source(%arg8 : memref<128x128xf32, #tpu.memory_space<vmem>>) target(%dma_start3A_39 : memref<128x128xf32, #tpu.memory_space<vmem_shared>>) target_semaphore(%run_scoped3A : memref<!tpu.dma_semaphore, #tpu.memory_space<semaphore_mem>>)
      %dma_wait3A = arith.constant 0 : i32
      %dma_wait3A_40 = tpu.memref_slice %arg10[%add3A_13, %dma_wait3A] : memref<10240x128xf32, #tpu.memory_space<vmem_shared>> -> memref<128x128xf32, #tpu.memory_space<vmem_shared>>
      %dma_wait3A_41 = arith.constant 0 : i32
      %dma_wait3A_42 = tpu.memref_slice %arg10[%add3A_13, %dma_wait3A_41] : memref<10240x128xf32, #tpu.memory_space<vmem_shared>> -> memref<128x128xf32, #tpu.memory_space<vmem_shared>>
      tpu.wait_dma2 semaphore(%run_scoped3A : memref<!tpu.dma_semaphore, #tpu.memory_space<semaphore_mem>>) src(%arg8 : memref<128x128xf32, #tpu.memory_space<vmem>>) dst(%dma_wait3A_42 : memref<128x128xf32, #tpu.memory_space<vmem_shared>>)
      tpu.yield
    }) : () -> ()
    %add3A_14 = arith.constant 256 : i32
    %add3A_15 = arith.addi %mul3A_2, %add3A_14 : i32
    "tpu.region"() ({
      %run_scoped3A = tpu.sem_alloc : memref<!tpu.dma_semaphore, #tpu.memory_space<semaphore_mem>>
      %dma_start3A = arith.constant 0 : i32
      %dma_start3A_37 = tpu.memref_slice %arg10[%add3A_15, %dma_start3A] : memref<10240x128xf32, #tpu.memory_space<vmem_shared>> -> memref<128x128xf32, #tpu.memory_space<vmem_shared>>
      %dma_start3A_38 = arith.constant 0 : i32
      %dma_start3A_39 = tpu.memref_slice %arg10[%add3A_15, %dma_start3A_38] : memref<10240x128xf32, #tpu.memory_space<vmem_shared>> -> memref<128x128xf32, #tpu.memory_space<vmem_shared>>
      tpu.enqueue_dma source(%arg8 : memref<128x128xf32, #tpu.memory_space<vmem>>) target(%dma_start3A_39 : memref<128x128xf32, #tpu.memory_space<vmem_shared>>) target_semaphore(%run_scoped3A : memref<!tpu.dma_semaphore, #tpu.memory_space<semaphore_mem>>)
      %dma_wait3A = arith.constant 0 : i32
      %dma_wait3A_40 = tpu.memref_slice %arg10[%add3A_15, %dma_wait3A] : memref<10240x128xf32, #tpu.memory_space<vmem_shared>> -> memref<128x128xf32, #tpu.memory_space<vmem_shared>>
      %dma_wait3A_41 = arith.constant 0 : i32
      %dma_wait3A_42 = tpu.memref_slice %arg10[%add3A_15, %dma_wait3A_41] : memref<10240x128xf32, #tpu.memory_space<vmem_shared>> -> memref<128x128xf32, #tpu.memory_space<vmem_shared>>
      tpu.wait_dma2 semaphore(%run_scoped3A : memref<!tpu.dma_semaphore, #tpu.memory_space<semaphore_mem>>) src(%arg8 : memref<128x128xf32, #tpu.memory_space<vmem>>) dst(%dma_wait3A_42 : memref<128x128xf32, #tpu.memory_space<vmem_shared>>)
      tpu.yield
    }) : () -> ()
    %add3A_16 = arith.constant 384 : i32
    %add3A_17 = arith.addi %mul3A_2, %add3A_16 : i32
    "tpu.region"() ({
      %run_scoped3A = tpu.sem_alloc : memref<!tpu.dma_semaphore, #tpu.memory_space<semaphore_mem>>
      %dma_start3A = arith.constant 0 : i32
      %dma_start3A_37 = tpu.memref_slice %arg10[%add3A_17, %dma_start3A] : memref<10240x128xf32, #tpu.memory_space<vmem_shared>> -> memref<128x128xf32, #tpu.memory_space<vmem_shared>>
      %dma_start3A_38 = arith.constant 0 : i32
      %dma_start3A_39 = tpu.memref_slice %arg10[%add3A_17, %dma_start3A_38] : memref<10240x128xf32, #tpu.memory_space<vmem_shared>> -> memref<128x128xf32, #tpu.memory_space<vmem_shared>>
      tpu.enqueue_dma source(%arg8 : memref<128x128xf32, #tpu.memory_space<vmem>>) target(%dma_start3A_39 : memref<128x128xf32, #tpu.memory_space<vmem_shared>>) target_semaphore(%run_scoped3A : memref<!tpu.dma_semaphore, #tpu.memory_space<semaphore_mem>>)
      %dma_wait3A = arith.constant 0 : i32
      %dma_wait3A_40 = tpu.memref_slice %arg10[%add3A_17, %dma_wait3A] : memref<10240x128xf32, #tpu.memory_space<vmem_shared>> -> memref<128x128xf32, #tpu.memory_space<vmem_shared>>
      %dma_wait3A_41 = arith.constant 0 : i32
      %dma_wait3A_42 = tpu.memref_slice %arg10[%add3A_17, %dma_wait3A_41] : memref<10240x128xf32, #tpu.memory_space<vmem_shared>> -> memref<128x128xf32, #tpu.memory_space<vmem_shared>>
      tpu.wait_dma2 semaphore(%run_scoped3A : memref<!tpu.dma_semaphore, #tpu.memory_space<semaphore_mem>>) src(%arg8 : memref<128x128xf32, #tpu.memory_space<vmem>>) dst(%dma_wait3A_42 : memref<128x128xf32, #tpu.memory_space<vmem_shared>>)
      tpu.yield
    }) : () -> ()
    %add3A_18 = arith.constant 512 : i32
    %add3A_19 = arith.addi %mul3A_2, %add3A_18 : i32
    "tpu.region"() ({
      %run_scoped3A = tpu.sem_alloc : memref<!tpu.dma_semaphore, #tpu.memory_space<semaphore_mem>>
      %dma_start3A = arith.constant 0 : i32
      %dma_start3A_37 = tpu.memref_slice %arg10[%add3A_19, %dma_start3A] : memref<10240x128xf32, #tpu.memory_space<vmem_shared>> -> memref<128x128xf32, #tpu.memory_space<vmem_shared>>
      %dma_start3A_38 = arith.constant 0 : i32
      %dma_start3A_39 = tpu.memref_slice %arg10[%add3A_19, %dma_start3A_38] : memref<10240x128xf32, #tpu.memory_space<vmem_shared>> -> memref<128x128xf32, #tpu.memory_space<vmem_shared>>
      tpu.enqueue_dma source(%arg8 : memref<128x128xf32, #tpu.memory_space<vmem>>) target(%dma_start3A_39 : memref<128x128xf32, #tpu.memory_space<vmem_shared>>) target_semaphore(%run_scoped3A : memref<!tpu.dma_semaphore, #tpu.memory_space<semaphore_mem>>)
      %dma_wait3A = arith.constant 0 : i32
      %dma_wait3A_40 = tpu.memref_slice %arg10[%add3A_19, %dma_wait3A] : memref<10240x128xf32, #tpu.memory_space<vmem_shared>> -> memref<128x128xf32, #tpu.memory_space<vmem_shared>>
      %dma_wait3A_41 = arith.constant 0 : i32
      %dma_wait3A_42 = tpu.memref_slice %arg10[%add3A_19, %dma_wait3A_41] : memref<10240x128xf32, #tpu.memory_space<vmem_shared>> -> memref<128x128xf32, #tpu.memory_space<vmem_shared>>
      tpu.wait_dma2 semaphore(%run_scoped3A : memref<!tpu.dma_semaphore, #tpu.memory_space<semaphore_mem>>) src(%arg8 : memref<128x128xf32, #tpu.memory_space<vmem>>) dst(%dma_wait3A_42 : memref<128x128xf32, #tpu.memory_space<vmem_shared>>)
      tpu.yield
    }) : () -> ()
    %broadcast_in_dim3A_20 = arith.constant 1.000000e+00 : f32
    %broadcast_in_dim3A_21 = vector.broadcast %broadcast_in_dim3A_20 : f32 to vector<16xf32>
    %scan3A_22 = arith.constant 0 : i32
    %scan3A_23 = arith.constant 0 : i32
    %scan3A_24 = arith.constant 128 : i32
    %scan3A_25 = arith.addi %scan3A_23, %scan3A_24 : i32
    %scan3A_26 = arith.constant 1 : i32
    %scan3A_27 = scf.for %scan3A_37 = %scan3A_23 to %scan3A_25 step %scan3A_26 iter_args(%scan3A_38 = %scan3A_22) -> (i32)  : i32 {
      %scan3A_39 = arith.constant 0 : i32
      %scan3A_40 = arith.constant 0 : i32
      %scan3A_41 = arith.constant 8 : i32
      %scan3A_42 = arith.addi %scan3A_40, %scan3A_41 : i32
      %scan3A_43 = arith.constant 1 : i32
      %scan3A_44 = scf.for %scan3A_46 = %scan3A_40 to %scan3A_42 step %scan3A_43 iter_args(%scan3A_47 = %scan3A_39) -> (i32)  : i32 {
        %mul3A_48 = arith.constant 16 : i32
        %mul3A_49 = arith.muli %scan3A_46, %mul3A_48 : i32
        %swap3A = arith.index_cast %scan3A_37 : i32 to index
        %swap3A_50 = arith.index_cast %mul3A_49 : i32 to index
        %swap3A_51 = tpu.vector_load %arg8[%swap3A, %swap3A_50] {strides = array<i32>} : memref<128x128xf32, #tpu.memory_space<vmem>>, vector<1x16xf32>,
        %swap3A_52 = vector.shape_cast %swap3A_51 : vector<1x16xf32> to vector<16xf32>
        %swap3A_53 = vector.shape_cast %broadcast_in_dim3A_21 : vector<16xf32> to vector<1x16xf32>
        tpu.vector_store %arg8[%swap3A, %swap3A_50], %swap3A_53 {strides = array<i32>} : memref<128x128xf32, #tpu.memory_space<vmem>>, vector<1x16xf32>,
        %scan3A_54 = arith.constant 0 : i32
        scf.yield %scan3A_54 : i32
      }
      %scan3A_45 = arith.constant 8 : i32
      scf.yield %scan3A_44 : i32
    }
    %scan3A_28 = arith.constant 128 : i32
    %barrier3A = arith.constant 0 : index
    tpu.barrier barrier_id(%barrier3A)
    %scan3A_29 = arith.constant 0 : i32
    %scan3A_30 = arith.constant 0 : i32
    %scan3A_31 = arith.constant 10 : i32
    %scan3A_32 = arith.addi %scan3A_30, %scan3A_31 : i32
    %scan3A_33 = arith.constant 1 : i32
    %scan3A_34 = scf.for %scan3A_37 = %scan3A_30 to %scan3A_32 step %scan3A_33 iter_args(%scan3A_38 = %scan3A_29) -> (i32)  : i32 {
      %mul3A_39 = arith.constant 80 : i32
      %mul3A_40 = arith.muli %add3A, %mul3A_39 : i32
      %mul3A_41 = arith.constant 8 : i32
      %mul3A_42 = arith.muli %scan3A_37, %mul3A_41 : i32
      %add3A_43 = arith.addi %mul3A_40, %mul3A_42 : i32
      %run_scoped3A = arith.constant 0 : i32
      "tpu.region"() ({
        %run_scoped3A_52 = tpu.sem_alloc : memref<!tpu.dma_semaphore, #tpu.memory_space<semaphore_mem>>
        %dma_start3A = arith.constant 0 : i32
        %dma_start3A_53 = arith.constant 0 : i32
        %dma_start3A_54 = tpu.memref_slice %arg7[%run_scoped3A, %dma_start3A, %dma_start3A_53] : memref<2x8x128xi32, #tpu.memory_space<vmem>> -> memref<1x8x128xi32, #tpu.memory_space<vmem>>
        %dma_start3A_55 = tpu.memref_squeeze %dma_start3A_54 : memref<1x8x128xi32, #tpu.memory_space<vmem>> -> memref<8x128xi32, #tpu.memory_space<vmem>>
        %dma_start3A_56 = arith.constant 0 : i32
        %dma_start3A_57 = tpu.memref_slice %arg4[%add3A_43, %dma_start3A_56] : memref<2560x128xi32, #tpu.memory_space<hbm>> -> memref<8x128xi32, #tpu.memory_space<hbm>>
        %dma_start3A_58 = arith.constant 0 : i32
        %dma_start3A_59 = arith.constant 0 : i32
        %dma_start3A_60 = tpu.memref_slice %arg7[%run_scoped3A, %dma_start3A_58, %dma_start3A_59] : memref<2x8x128xi32, #tpu.memory_space<vmem>> -> memref<1x8x128xi32, #tpu.memory_space<vmem>>
        %dma_start3A_61 = tpu.memref_squeeze %dma_start3A_60 : memref<1x8x128xi32, #tpu.memory_space<vmem>> -> memref<8x128xi32, #tpu.memory_space<vmem>>
        %dma_start3A_62 = arith.constant 0 : i32
        %dma_start3A_63 = tpu.memref_slice %arg4[%add3A_43, %dma_start3A_62] : memref<2560x128xi32, #tpu.memory_space<hbm>> -> memref<8x128xi32, #tpu.memory_space<hbm>>
        tpu.enqueue_dma source(%dma_start3A_63 : memref<8x128xi32, #tpu.memory_space<hbm>>) target(%dma_start3A_61 : memref<8x128xi32, #tpu.memory_space<vmem>>) target_semaphore(%run_scoped3A_52 : memref<!tpu.dma_semaphore, #tpu.memory_space<semaphore_mem>>)
        %dma_wait3A = arith.constant 0 : i32
        %dma_wait3A_64 = arith.constant 0 : i32
        %dma_wait3A_65 = tpu.memref_slice %arg7[%run_scoped3A, %dma_wait3A, %dma_wait3A_64] : memref<2x8x128xi32, #tpu.memory_space<vmem>> -> memref<1x8x128xi32, #tpu.memory_space<vmem>>
        %dma_wait3A_66 = tpu.memref_squeeze %dma_wait3A_65 : memref<1x8x128xi32, #tpu.memory_space<vmem>> -> memref<8x128xi32, #tpu.memory_space<vmem>>
        %dma_wait3A_67 = arith.constant 0 : i32
        %dma_wait3A_68 = tpu.memref_slice %arg4[%add3A_43, %dma_wait3A_67] : memref<2560x128xi32, #tpu.memory_space<hbm>> -> memref<8x128xi32, #tpu.memory_space<hbm>>
        %dma_wait3A_69 = arith.constant 0 : i32
        %dma_wait3A_70 = arith.constant 0 : i32
        %dma_wait3A_71 = tpu.memref_slice %arg7[%run_scoped3A, %dma_wait3A_69, %dma_wait3A_70] : memref<2x8x128xi32, #tpu.memory_space<vmem>> -> memref<1x8x128xi32, #tpu.memory_space<vmem>>
        %dma_wait3A_72 = tpu.memref_squeeze %dma_wait3A_71 : memref<1x8x128xi32, #tpu.memory_space<vmem>> -> memref<8x128xi32, #tpu.memory_space<vmem>>
        %dma_wait3A_73 = arith.constant 0 : i32
        %dma_wait3A_74 = tpu.memref_slice %arg4[%add3A_43, %dma_wait3A_73] : memref<2560x128xi32, #tpu.memory_space<hbm>> -> memref<8x128xi32, #tpu.memory_space<hbm>>
        tpu.wait_dma2 semaphore(%run_scoped3A_52 : memref<!tpu.dma_semaphore, #tpu.memory_space<semaphore_mem>>) src(%dma_wait3A_74 : memref<8x128xi32, #tpu.memory_space<hbm>>) dst(%dma_wait3A_72 : memref<8x128xi32, #tpu.memory_space<vmem>>)
        tpu.yield
      }) : () -> ()
      %scan3A_44 = arith.constant 0 : i32
      %scan3A_45 = arith.constant 0 : i32
      %scan3A_46 = arith.constant 8 : i32
      %scan3A_47 = arith.addi %scan3A_45, %scan3A_46 : i32
      %scan3A_48 = arith.constant 1 : i32
      %scan3A_49 = scf.for %scan3A_52 = %scan3A_45 to %scan3A_47 step %scan3A_48 iter_args(%scan3A_53 = %scan3A_44) -> (i32)  : i32 {
        %run_scoped3A_54 = arith.constant 0 : i32
        "tpu.region"() ({
          %run_scoped3A_56 = tpu.sem_alloc : memref<!tpu.dma_semaphore, #tpu.memory_space<semaphore_mem>>
          %dma_start3A = arith.constant 0 : i32
          %dma_start3A_57 = tpu.memref_slice %arg7[%run_scoped3A_54, %scan3A_52, %dma_start3A] : memref<2x8x128xi32, #tpu.memory_space<vmem>> -> memref<1x1x128xi32, #tpu.memory_space<vmem>>
          %dma_start3A_58 = tpu.memref_squeeze %dma_start3A_57 : memref<1x1x128xi32, #tpu.memory_space<vmem>> -> memref<128xi32, #tpu.memory_space<vmem>>
          %dma_start3A_59 = arith.constant 0 : i32
          %dma_start3A_60 = arith.constant 0 : i32
          %dma_start3A_61 = tpu.memref_slice %arg10[%dma_start3A_59, %dma_start3A_60] : memref<10240x128xf32, #tpu.memory_space<vmem_shared>> -> memref<10240x128xf32, #tpu.memory_space<vmem_shared>>
          tpu.enqueue_indirect_dma source(%arg8 : memref<128x128xf32, #tpu.memory_space<vmem>>) target(%dma_start3A_61 : memref<10240x128xf32, #tpu.memory_space<vmem_shared>>) offsets(%dma_start3A_58 : memref<128xi32, #tpu.memory_space<vmem>>) semaphore(%run_scoped3A_56 : memref<!tpu.dma_semaphore, #tpu.memory_space<semaphore_mem>>) {add = true}
          %dma_wait3A = arith.constant 0 : i32
          %dma_wait3A_62 = tpu.memref_slice %arg7[%run_scoped3A_54, %scan3A_52, %dma_wait3A] : memref<2x8x128xi32, #tpu.memory_space<vmem>> -> memref<1x1x128xi32, #tpu.memory_space<vmem>>
          %dma_wait3A_63 = tpu.memref_squeeze %dma_wait3A_62 : memref<1x1x128xi32, #tpu.memory_space<vmem>> -> memref<128xi32, #tpu.memory_space<vmem>>
          %dma_wait3A_64 = arith.constant 0 : i32
          %dma_wait3A_65 = arith.constant 0 : i32
          %dma_wait3A_66 = tpu.memref_slice %arg10[%dma_wait3A_64, %dma_wait3A_65] : memref<10240x128xf32, #tpu.memory_space<vmem_shared>> -> memref<10240x128xf32, #tpu.memory_space<vmem_shared>>
          tpu.wait_indirect_dma semaphore(%run_scoped3A_56 : memref<!tpu.dma_semaphore, #tpu.memory_space<semaphore_mem>>) src(%arg8 : memref<128x128xf32, #tpu.memory_space<vmem>>) dst(%dma_wait3A_66 : memref<10240x128xf32, #tpu.memory_space<vmem_shared>>)
          tpu.yield
        }) : () -> ()
        %scan3A_55 = arith.constant 0 : i32
        scf.yield %scan3A_55 : i32
      }
      %scan3A_50 = arith.constant 8 : i32
      %scan3A_51 = arith.constant 0 : i32
      scf.yield %scan3A_51 : i32
    }
    %scan3A_35 = arith.constant 10 : i32
    %barrier3A_36 = arith.constant 0 : index
    tpu.barrier barrier_id(%barrier3A_36)
    "tpu.region"() ({
      %run_scoped3A = tpu.sem_alloc : memref<!tpu.dma_semaphore, #tpu.memory_space<semaphore_mem>>
      %dma_start3A = arith.constant 0 : i32
      %dma_start3A_37 = tpu.memref_slice %arg5[%arg0, %mul3A_2, %dma_start3A] : memref<2x10240x128xf32, #tpu.memory_space<hbm>> -> memref<1x640x128xf32, #tpu.memory_space<hbm>>
      %dma_start3A_38 = tpu.memref_squeeze %dma_start3A_37 : memref<1x640x128xf32, #tpu.memory_space<hbm>> -> memref<640x128xf32, #tpu.memory_space<hbm>>
      %dma_start3A_39 = arith.constant 0 : i32
      %dma_start3A_40 = tpu.memref_slice %arg10[%mul3A_2, %dma_start3A_39] : memref<10240x128xf32, #tpu.memory_space<vmem_shared>> -> memref<640x128xf32, #tpu.memory_space<vmem_shared>>
      tpu.enqueue_dma source(%dma_start3A_40 : memref<640x128xf32, #tpu.memory_space<vmem_shared>>) target(%dma_start3A_38 : memref<640x128xf32, #tpu.memory_space<hbm>>) target_semaphore(%run_scoped3A : memref<!tpu.dma_semaphore, #tpu.memory_space<semaphore_mem>>)
      %dma_wait3A = arith.constant 0 : i32
      %dma_wait3A_41 = tpu.memref_slice %arg5[%arg0, %mul3A_2, %dma_wait3A] : memref<2x10240x128xf32, #tpu.memory_space<hbm>> -> memref<1x640x128xf32, #tpu.memory_space<hbm>>
      %dma_wait3A_42 = tpu.memref_squeeze %dma_wait3A_41 : memref<1x640x128xf32, #tpu.memory_space<hbm>> -> memref<640x128xf32, #tpu.memory_space<hbm>>
      %dma_wait3A_43 = arith.constant 0 : i32
      %dma_wait3A_44 = tpu.memref_slice %arg10[%mul3A_2, %dma_wait3A_43] : memref<10240x128xf32, #tpu.memory_space<vmem_shared>> -> memref<640x128xf32, #tpu.memory_space<vmem_shared>>
      tpu.wait_dma2 semaphore(%run_scoped3A : memref<!tpu.dma_semaphore, #tpu.memory_space<semaphore_mem>>) src(%dma_wait3A_44 : memref<640x128xf32, #tpu.memory_space<vmem_shared>>) dst(%dma_wait3A_42 : memref<640x128xf32, #tpu.memory_space<hbm>>)
      tpu.yield
    }) : () -> ()
    return
  }
}

module attributes {stable_mosaic.version = 14 : i64} {
  func.func @_tc2_body(%arg0: i32, %arg1: memref<2x1000x128xf32, #tpu.memory_space<vmem>>, %arg2: memref<1000x1xf32, #tpu.memory_space<vmem>>, %arg3: memref<1000x128xf32, #tpu.memory_space<vmem>>, %arg4: memref<128x128xf32, #tpu.memory_space<vmem>>, %arg5: memref<1x128xf32, #tpu.memory_space<vmem>>, %arg6: memref<128x128xf32, #tpu.memory_space<vmem>>, %arg7: memref<1000x128xf32, #tpu.memory_space<vmem>>) attributes {dimension_semantics = [#tpu.dimension_semantics<arbitrary>], iteration_bounds = array<i64: 10>, scalar_prefetch = 0 : i64, scratch_operands = 0 : i64, tpu.core_type = #tpu.core_type<tc>, window_params = [{transform_indices = @transform_0, window_bounds = array<i64: 2, 1000, 128>}, {transform_indices = @transform_1, window_bounds = array<i64: 1000, 1>}, {transform_indices = @transform_2, window_bounds = array<i64: 1000, 128>}, {pipeline_mode = #tpu.pipeline_mode<synchronous>, transform_indices = @transform_3, window_bounds = array<i64: 128, 128>}, {pipeline_mode = #tpu.pipeline_mode<synchronous>, transform_indices = @transform_4, window_bounds = array<i64: 1, 128>}, {pipeline_mode = #tpu.pipeline_mode<synchronous>, transform_indices = @transform_5, window_bounds = array<i64: 128, 128>}, {transform_indices = @transform_6, window_bounds = array<i64: 1000, 128>}]} {
    %get3A = arith.constant 0 : index
    %get3A_0 = arith.constant 0 : index
    %get3A_1 = arith.constant 0 : index
    %get3A_2 = vector.load %arg1[%get3A, %get3A_0, %get3A_1] : memref<2x1000x128xf32, #tpu.memory_space<vmem>>, vector<1x1000x128xf32>
    %get3A_3 = vector.shape_cast %get3A_2 : vector<1x1000x128xf32> to vector<1000x128xf32>
    %get3A_4 = arith.constant 1 : index
    %get3A_5 = arith.constant 0 : index
    %get3A_6 = arith.constant 0 : index
    %get3A_7 = vector.load %arg1[%get3A_4, %get3A_5, %get3A_6] : memref<2x1000x128xf32, #tpu.memory_space<vmem>>, vector<1x1000x128xf32>
    %get3A_8 = vector.shape_cast %get3A_7 : vector<1x1000x128xf32> to vector<1000x128xf32>
    %add3A = arith.addf %get3A_3, %get3A_8 : vector<1000x128xf32>
    %get3A_9 = arith.constant 0 : index
    %get3A_10 = arith.constant 0 : index
    %get3A_11 = vector.load %arg2[%get3A_9, %get3A_10] : memref<1000x1xf32, #tpu.memory_space<vmem>>, vector<1000x1xf32>
    %mul3A = vector.broadcast %get3A_11 : vector<1000x1xf32> to vector<1000x128xf32>
    %mul3A_12 = arith.mulf %add3A, %mul3A : vector<1000x128xf32>
    %get3A_13 = arith.constant 0 : index
    %get3A_14 = arith.constant 0 : index
    %get3A_15 = vector.load %arg4[%get3A_13, %get3A_14] : memref<128x128xf32, #tpu.memory_space<vmem>>, vector<128x128xf32>
    %dot_general3A = arith.constant dense<0.000000e+00> : vector<1000x128xf32>
    %dot_general3A_16 = tpu.matmul %mul3A_12, %get3A_15, %dot_general3A {dimension_numbers = #tpu.dot_dimension_numbers<[1], [1], [0], [0], [0, 0, 1, 0], [], []>, transpose_lhs_hint = false} : vector<1000x128xf32>, vector<128x128xf32>, vector<1000x128xf32> -> vector<1000x128xf32>
    %get3A_17 = arith.constant 0 : index
    %get3A_18 = arith.constant 0 : index
    %get3A_19 = vector.load %arg5[%get3A_17, %get3A_18] : memref<1x128xf32, #tpu.memory_space<vmem>>, vector<1x128xf32>
    %add3A_20 = vector.broadcast %get3A_19 : vector<1x128xf32> to vector<1000x128xf32>
    %add3A_21 = arith.addf %dot_general3A_16, %add3A_20 : vector<1000x128xf32>
    %get3A_22 = arith.constant 0 : index
    %get3A_23 = arith.constant 0 : index
    %get3A_24 = vector.load %arg3[%get3A_22, %get3A_23] : memref<1000x128xf32, #tpu.memory_space<vmem>>, vector<1000x128xf32>
    %get3A_25 = arith.constant 0 : index
    %get3A_26 = arith.constant 0 : index
    %get3A_27 = vector.load %arg6[%get3A_25, %get3A_26] : memref<128x128xf32, #tpu.memory_space<vmem>>, vector<128x128xf32>
    %dot_general3A_28 = arith.constant dense<0.000000e+00> : vector<1000x128xf32>
    %dot_general3A_29 = tpu.matmul %get3A_24, %get3A_27, %dot_general3A_28 {dimension_numbers = #tpu.dot_dimension_numbers<[1], [1], [0], [0], [0, 0, 1, 0], [], []>, transpose_lhs_hint = false} : vector<1000x128xf32>, vector<128x128xf32>, vector<1000x128xf32> -> vector<1000x128xf32>
    %add3A_30 = arith.addf %add3A_21, %dot_general3A_29 : vector<1000x128xf32>
    %swap3A = arith.constant 0 : index
    %swap3A_31 = arith.constant 0 : index
    %swap3A_32 = vector.load %arg7[%swap3A, %swap3A_31] : memref<1000x128xf32, #tpu.memory_space<vmem>>, vector<1000x128xf32>
    tpu.vector_store %arg7[%swap3A, %swap3A_31], %add3A_30 {strides = array<i32>} : memref<1000x128xf32, #tpu.memory_space<vmem>>, vector<1000x128xf32>,
    return
  }
  func.func @transform_0(%arg0: i32) -> (i32, i32, i32) {
    %c0_i32 = arith.constant 0 : i32
    %c0_i32_0 = arith.constant 0 : i32
    %c0_i32_1 = arith.constant 0 : i32
    return %c0_i32, %arg0, %c0_i32_0 : i32, i32, i32
  }
  func.func @transform_1(%arg0: i32) -> (i32, i32) {
    %c0_i32 = arith.constant 0 : i32
    %c0_i32_0 = arith.constant 0 : i32
    return %arg0, %c0_i32 : i32, i32
  }
  func.func @transform_2(%arg0: i32) -> (i32, i32) {
    %c0_i32 = arith.constant 0 : i32
    %c0_i32_0 = arith.constant 0 : i32
    return %arg0, %c0_i32 : i32, i32
  }
  func.func @transform_3(%arg0: i32) -> (i32, i32) {
    %c0_i32 = arith.constant 0 : i32
    %c0_i32_0 = arith.constant 0 : i32
    %c0_i32_1 = arith.constant 0 : i32
    return %c0_i32, %c0_i32_0 : i32, i32
  }
  func.func @transform_4(%arg0: i32) -> (i32, i32) {
    %c0_i32 = arith.constant 0 : i32
    %c0_i32_0 = arith.constant 0 : i32
    %c0_i32_1 = arith.constant 0 : i32
    return %c0_i32, %c0_i32_0 : i32, i32
  }
  func.func @transform_5(%arg0: i32) -> (i32, i32) {
    %c0_i32 = arith.constant 0 : i32
    %c0_i32_0 = arith.constant 0 : i32
    %c0_i32_1 = arith.constant 0 : i32
    return %c0_i32, %c0_i32_0 : i32, i32
  }
  func.func @transform_6(%arg0: i32) -> (i32, i32) {
    %c0_i32 = arith.constant 0 : i32
    %c0_i32_0 = arith.constant 0 : i32
    return %arg0, %c0_i32 : i32, i32
  }
}

module attributes {stable_mosaic.version = 14 : i64} {
  func.func @_tc1_body(%arg0: i32, %arg1: memref<2x1000x128xf32, #tpu.memory_space<vmem>>, %arg2: memref<2x1000x128xf32, #tpu.memory_space<vmem>>, %arg3: memref<1000x128xf32, #tpu.memory_space<vmem>>, %arg4: memref<128x128xf32, #tpu.memory_space<vmem>>, %arg5: memref<1x128xf32, #tpu.memory_space<vmem>>, %arg6: memref<128x128xf32, #tpu.memory_space<vmem>>, %arg7: memref<1000x128xf32, #tpu.memory_space<vmem>>, %arg8: memref<1000x1xf32, #tpu.memory_space<vmem>>) attributes {dimension_semantics = [#tpu.dimension_semantics<arbitrary>], iteration_bounds = array<i64: 10>, scalar_prefetch = 0 : i64, scratch_operands = 0 : i64, tpu.core_type = #tpu.core_type<tc>, window_params = [{transform_indices = @transform_0, window_bounds = array<i64: 2, 1000, 128>}, {transform_indices = @transform_1, window_bounds = array<i64: 2, 1000, 128>}, {transform_indices = @transform_2, window_bounds = array<i64: 1000, 128>}, {pipeline_mode = #tpu.pipeline_mode<synchronous>, transform_indices = @transform_3, window_bounds = array<i64: 128, 128>}, {pipeline_mode = #tpu.pipeline_mode<synchronous>, transform_indices = @transform_4, window_bounds = array<i64: 1, 128>}, {pipeline_mode = #tpu.pipeline_mode<synchronous>, transform_indices = @transform_5, window_bounds = array<i64: 128, 128>}, {transform_indices = @transform_6, window_bounds = array<i64: 1000, 128>}, {transform_indices = @transform_7, window_bounds = array<i64: 1000, 1>}]} {
    %get3A = arith.constant 0 : index
    %get3A_0 = arith.constant 0 : index
    %get3A_1 = arith.constant 0 : index
    %get3A_2 = vector.load %arg1[%get3A, %get3A_0, %get3A_1] : memref<2x1000x128xf32, #tpu.memory_space<vmem>>, vector<1x1000x128xf32>
    %get3A_3 = vector.shape_cast %get3A_2 : vector<1x1000x128xf32> to vector<1000x128xf32>
    %get3A_4 = arith.constant 1 : index
    %get3A_5 = arith.constant 0 : index
    %get3A_6 = arith.constant 0 : index
    %get3A_7 = vector.load %arg1[%get3A_4, %get3A_5, %get3A_6] : memref<2x1000x128xf32, #tpu.memory_space<vmem>>, vector<1x1000x128xf32>
    %get3A_8 = vector.shape_cast %get3A_7 : vector<1x1000x128xf32> to vector<1000x128xf32>
    %add3A = arith.addf %get3A_3, %get3A_8 : vector<1000x128xf32>
    %get3A_9 = arith.constant 0 : index
    %get3A_10 = arith.constant 0 : index
    %get3A_11 = arith.constant 0 : index
    %get3A_12 = vector.load %arg2[%get3A_9, %get3A_10, %get3A_11] : memref<2x1000x128xf32, #tpu.memory_space<vmem>>, vector<1x1000x1xf32>
    %get3A_13 = vector.shape_cast %get3A_12 : vector<1x1000x1xf32> to vector<1000x1xf32>
    %get3A_14 = arith.constant 1 : index
    %get3A_15 = arith.constant 0 : index
    %get3A_16 = arith.constant 0 : index
    %get3A_17 = vector.load %arg2[%get3A_14, %get3A_15, %get3A_16] : memref<2x1000x128xf32, #tpu.memory_space<vmem>>, vector<1x1000x1xf32>
    %get3A_18 = vector.shape_cast %get3A_17 : vector<1x1000x1xf32> to vector<1000x1xf32>
    %add3A_19 = arith.addf %get3A_13, %get3A_18 : vector<1000x1xf32>
    %max3A = arith.constant 1.000000e+00 : f32
    %max3A_20 = vector.broadcast %max3A : f32 to vector<1000x1xf32>
    %max3A_21 = arith.maximumf %add3A_19, %max3A_20 : vector<1000x1xf32>
    %div3A = arith.constant 1.000000e+00 : f32
    %div3A_22 = vector.broadcast %div3A : f32 to vector<1000x1xf32>
    %div3A_23 = arith.divf %div3A_22, %max3A_21 : vector<1000x1xf32>
    %mul3A = vector.broadcast %div3A_23 : vector<1000x1xf32> to vector<1000x128xf32>
    %mul3A_24 = arith.mulf %add3A, %mul3A : vector<1000x128xf32>
    %get3A_25 = arith.constant 0 : index
    %get3A_26 = arith.constant 0 : index
    %get3A_27 = vector.load %arg4[%get3A_25, %get3A_26] : memref<128x128xf32, #tpu.memory_space<vmem>>, vector<128x128xf32>
    %dot_general3A = arith.constant dense<0.000000e+00> : vector<1000x128xf32>
    %dot_general3A_28 = tpu.matmul %mul3A_24, %get3A_27, %dot_general3A {dimension_numbers = #tpu.dot_dimension_numbers<[1], [1], [0], [0], [0, 0, 1, 0], [], []>, transpose_lhs_hint = false} : vector<1000x128xf32>, vector<128x128xf32>, vector<1000x128xf32> -> vector<1000x128xf32>
    %get3A_29 = arith.constant 0 : index
    %get3A_30 = arith.constant 0 : index
    %get3A_31 = vector.load %arg5[%get3A_29, %get3A_30] : memref<1x128xf32, #tpu.memory_space<vmem>>, vector<1x128xf32>
    %add3A_32 = vector.broadcast %get3A_31 : vector<1x128xf32> to vector<1000x128xf32>
    %add3A_33 = arith.addf %dot_general3A_28, %add3A_32 : vector<1000x128xf32>
    %get3A_34 = arith.constant 0 : index
    %get3A_35 = arith.constant 0 : index
    %get3A_36 = vector.load %arg3[%get3A_34, %get3A_35] : memref<1000x128xf32, #tpu.memory_space<vmem>>, vector<1000x128xf32>
    %get3A_37 = arith.constant 0 : index
    %get3A_38 = arith.constant 0 : index
    %get3A_39 = vector.load %arg6[%get3A_37, %get3A_38] : memref<128x128xf32, #tpu.memory_space<vmem>>, vector<128x128xf32>
    %dot_general3A_40 = arith.constant dense<0.000000e+00> : vector<1000x128xf32>
    %dot_general3A_41 = tpu.matmul %get3A_36, %get3A_39, %dot_general3A_40 {dimension_numbers = #tpu.dot_dimension_numbers<[1], [1], [0], [0], [0, 0, 1, 0], [], []>, transpose_lhs_hint = false} : vector<1000x128xf32>, vector<128x128xf32>, vector<1000x128xf32> -> vector<1000x128xf32>
    %add3A_42 = arith.addf %add3A_33, %dot_general3A_41 : vector<1000x128xf32>
    %max3A_43 = arith.constant 0.000000e+00 : f32
    %max3A_44 = vector.broadcast %max3A_43 : f32 to vector<1000x128xf32>
    %max3A_45 = arith.maximumf %add3A_42, %max3A_44 : vector<1000x128xf32>
    %swap3A = arith.constant 0 : index
    %swap3A_46 = arith.constant 0 : index
    %swap3A_47 = vector.load %arg7[%swap3A, %swap3A_46] : memref<1000x128xf32, #tpu.memory_space<vmem>>, vector<1000x128xf32>
    tpu.vector_store %arg7[%swap3A, %swap3A_46], %max3A_45 {strides = array<i32>} : memref<1000x128xf32, #tpu.memory_space<vmem>>, vector<1000x128xf32>,
    %swap3A_48 = arith.constant 0 : index
    %swap3A_49 = arith.constant 0 : index
    %swap3A_50 = vector.load %arg8[%swap3A_48, %swap3A_49] : memref<1000x1xf32, #tpu.memory_space<vmem>>, vector<1000x1xf32>
    tpu.vector_store %arg8[%swap3A_48, %swap3A_49], %div3A_23 {strides = array<i32>} : memref<1000x1xf32, #tpu.memory_space<vmem>>, vector<1000x1xf32>,
    return
  }
  func.func @transform_0(%arg0: i32) -> (i32, i32, i32) {
    %c0_i32 = arith.constant 0 : i32
    %c0_i32_0 = arith.constant 0 : i32
    %c0_i32_1 = arith.constant 0 : i32
    return %c0_i32, %arg0, %c0_i32_0 : i32, i32, i32
  }
  func.func @transform_1(%arg0: i32) -> (i32, i32, i32) {
    %c0_i32 = arith.constant 0 : i32
    %c0_i32_0 = arith.constant 0 : i32
    %c0_i32_1 = arith.constant 0 : i32
    return %c0_i32, %arg0, %c0_i32_0 : i32, i32, i32
  }
  func.func @transform_2(%arg0: i32) -> (i32, i32) {
    %c0_i32 = arith.constant 0 : i32
    %c0_i32_0 = arith.constant 0 : i32
    return %arg0, %c0_i32 : i32, i32
  }
  func.func @transform_3(%arg0: i32) -> (i32, i32) {
    %c0_i32 = arith.constant 0 : i32
    %c0_i32_0 = arith.constant 0 : i32
    %c0_i32_1 = arith.constant 0 : i32
    return %c0_i32, %c0_i32_0 : i32, i32
  }
  func.func @transform_4(%arg0: i32) -> (i32, i32) {
    %c0_i32 = arith.constant 0 : i32
    %c0_i32_0 = arith.constant 0 : i32
    %c0_i32_1 = arith.constant 0 : i32
    return %c0_i32, %c0_i32_0 : i32, i32
  }
  func.func @transform_5(%arg0: i32) -> (i32, i32) {
    %c0_i32 = arith.constant 0 : i32
    %c0_i32_0 = arith.constant 0 : i32
    %c0_i32_1 = arith.constant 0 : i32
    return %c0_i32, %c0_i32_0 : i32, i32
  }
  func.func @transform_6(%arg0: i32) -> (i32, i32) {
    %c0_i32 = arith.constant 0 : i32
    %c0_i32_0 = arith.constant 0 : i32
    return %arg0, %c0_i32 : i32, i32
  }
  func.func @transform_7(%arg0: i32) -> (i32, i32) {
    %c0_i32 = arith.constant 0 : i32
    %c0_i32_0 = arith.constant 0 : i32
    return %arg0, %c0_i32 : i32, i32
  }
}

</mosaic_0001>

<sc_bundles>
// kernel: kernel.10.cloned.1.call-start
scs
__scs_entry_jumppad:
0x0: {  	(pc) =	sbr.rel $0x88, $3  }
0x1: {  	(tag) =	ssettag $0x0;
	lr =	simm.s32 $0x1  }
0x2: {  	[smem:$0x3F99] =	sst lr;
	_ =	strace $0xD0000000  }
0x3: {  	_ = 	snop  }
0x4: {  	_ = 	snop  }
0x5: {  	_ = 	snop  }
0x6: {  	_ = 	snop  }
0x7: {  	_ = 	snop  }
__scs_overlays_trampoline_lowered:
0x8: {  	[smem:$0x3FA8] =	sst s0  }
0x9: {  	[smem:$0x3FA9] =	sst s1  }
0xa: {  	[smem:$0x3FAA] =	sst s2  }
0xb: {  	[smem:$0x3FAB] =	sst s3  }
0xc: {  	[smem:$0x3FAC] =	sst s4  }
0xd: {  	[smem:$0x3FAD] =	sst s5  }
0xe: {  	[smem:$0x3FAE] =	sst s6  }
0xf: {  	[smem:$0x3FAF] =	sst s7  }
0x10: {  	[smem:$0x3FB0] =	sst s8  }
0x11: {  	[smem:$0x3FB1] =	sst s9;
	s0 =	simm.s32 @!p0 $0x0  }
0x12: {  	s1 =	sld [smem:$0x3F97];
	s0 =	simm.s32 @p0 $0x1  }
0x13: {  	[smem:$0x3FB2] =	sst s0;
	s0 =	simm.s32 @!p1 $0x0  }
0x14: {  	s2 =	sld [smem:$0x3F96];
	s0 =	simm.s32 @p1 $0x1  }
0x15: {  	[smem:$0x3FB3] =	sst s0;
	s0 =	simm.s32 @!p2 $0x0  }
0x16: {  	s3 =	sld [smem:$0x3FDB];
	s0 =	simm.s32 @p2 $0x1  }
0x17: {  	s4 =	simm.s32 $0x1BF5;
	[smem:$0x3FB5] =	sst s0  }
0x18: {  	s0 =	sld [smem:$0x3F98];
	_ =	swait.ge [sflag:s4], $0x0  }
0x19: {  	s7 =	sld [smem:$0x3F99]  }
0x1a: {  	s8 =	sadd.s32 $0xFFFFE003, lr  }
0x1b: {  	s9 =	sadd.s32 $0xFFFFFEF7, lr;
	s5 =	simm.s32 $0xFFFFFFFF;
	p2 =	slt.u32 s8, $0xFFFFF086  }
0x1c: {  	p1 =	slt.u32 s9, $0xF7A;
	s5 =	simm.s32 @!p2 $0x0  }
0x1d: {  	s5 =	simm.s32 @p1 $0x1;
	p0 =	seq.s32 s7, s2  }
0x1e: {  	s7 =	smul.u32 @!p0 $0xF7A, s2;
	p2 =	seq.s32 @!p0 s5, $0x0  }
0x1f: {  	s9 =	smul.u32 $0xF7A, s1;
	s8 =	simm.s32 @!p0 $0x1BF5;
	p2 =	por !p2, p0  }
0x20: {  	[sflag:s8] =	ssyncset.s32 @!p0 $0xFFFFF086;
	s6 =	sadd.s32 @!p0 s3, s7;
	s7 =	simm.s32 @!p0 $0x108  }
0x21: {  	s3 =	sadd.s32 s3, s9;
	s6 =	sadd.s32 @!p0 $0x88, s6;
	s7 =	simm.s32 @p2 $0x1082  }
0x22: {  	[simem:s7], [sflag:s8] =	dma.local @!p0 [hbm:s6], $0xF7A  }
0x23: {  	s9 =	sor.u32 $0xD0000000, s2;
	s6 =	simm.s32 $0x108;
	_ =	swait.ge @!p0 [sflag:s8], $0x0  }
0x24: {  	s3 =	sadd.s32 $0x88, s3;
	s6 =	simm.s32 @!p1 $0x1082;
	[sflag:s4] =	ssyncset.s32 $0xFFFFF086  }
0x25: {  	[simem:s6], [sflag:s4] =	dma.local [hbm:s3], $0xF7A  }
0x26: {  	[smem:$0x3F99] =	sst s1;
	(tag) =	ssettag s2;
	_ =	strace s9  }
0x27: {  	s1 =	sld [smem:$0x3FA9]  }
0x28: {  	s2 =	sld [smem:$0x3FAA]  }
0x29: {  	s4 =	sld [smem:$0x3FAC]  }
0x2a: {  	p0 =	seq.s32 s5, $0x0;
	s5 =	sld [smem:$0x3FAD]  }
0x2b: {  	s6 =	sld [smem:$0x3FAE]  }
0x2c: {  	s7 =	sld [smem:$0x3FAF]  }
0x2d: {  	s3 =	simm.s32 $0x108;
	s8 =	sld [smem:$0x3FB0]  }
0x2e: {  	s3 =	simm.s32 @!p0 $0x1082;
	s9 =	sld [smem:$0x3FB1]  }
0x2f: {  	lr =	sadd.s32 s0, s3;
	s0 =	sld [smem:$0x3FA8]  }
0x30: {  	s3 =	sld [smem:$0x3FAB]  }
0x31: {  	[smem:$0x3FB4] =	sst s10  }
0x32: {  	s10 =	sld [smem:$0x3FB2];
	_ =	sdelay $0x3  }
0x33: {  	p0 =	seq.s32 s10, $0x1;
	s10 =	sld [smem:$0x3FB4];
	_ =	sdelay $0x3  }
0x34: {  	[smem:$0x3FB4] =	sst s10  }
0x35: {  	s10 =	sld [smem:$0x3FB3];
	_ =	sdelay $0x3  }
0x36: {  	p1 =	seq.s32 s10, $0x1;
	s10 =	sld [smem:$0x3FB4];
	_ =	sdelay $0x3  }
0x37: {  	[smem:$0x3FB4] =	sst s10  }
0x38: {  	s10 =	sld [smem:$0x3FB5]  }
0x39: {  	_ = 	snop;
	(pc) =	sbr.ind lr, $3  }
0x3a: {  	_ = 	snop  }
0x3b: {  	_ = 	snop  }
0x3c: {  	p2 =	seq.s32 s10, $0x1;
	s10 =	sld [smem:$0x3FB4]  }
0x3d: {  	_ =	shalt  }
0x3e: {  	_ =	shalt  }
0x3f: {  	_ =	shalt  }
0x40: {  	_ =	shalt  }
0x41: {  	_ =	shalt  }
0x42: {  	_ =	shalt  }
0x43: {  	_ =	shalt  }
0x44: {  	_ =	shalt  }
0x45: {  	_ =	shalt  }
0x46: {  	_ =	shalt  }
0x47: {  	_ =	shalt  }
0x48: {  	_ =	shalt  }
0x49: {  	_ =	shalt  }
0x4a: {  	_ =	shalt  }
0x4b: {  	_ =	shalt  }
0x4c: {  	_ =	shalt  }
0x4d: {  	_ =	shalt  }
0x4e: {  	_ =	shalt  }
0x4f: {  	_ =	shalt  }
0x50: {  	_ =	shalt  }
0x51: {  	_ =	shalt  }
0x52: {  	_ =	shalt  }
0x53: {  	_ =	shalt  }
0x54: {  	_ =	shalt  }
0x55: {  	_ =	shalt  }
0x56: {  	_ =	shalt  }
0x57: {  	_ =	shalt  }
0x58: {  	_ =	shalt  }
0x59: {  	_ =	shalt  }
0x5a: {  	_ =	shalt  }
0x5b: {  	_ =	shalt  }
0x5c: {  	_ =	shalt  }
0x5d: {  	_ =	shalt  }
0x5e: {  	_ =	shalt  }
0x5f: {  	_ =	shalt  }
0x60: {  	_ =	shalt  }
0x61: {  	_ =	shalt  }
0x62: {  	_ =	shalt  }
0x63: {  	_ =	shalt  }
0x64: {  	_ =	shalt  }
0x65: {  	_ =	shalt  }
0x66: {  	_ =	shalt  }
0x67: {  	_ =	shalt  }
0x68: {  	_ =	shalt  }
0x69: {  	_ =	shalt  }
0x6a: {  	_ =	shalt  }
0x6b: {  	_ =	shalt  }
0x6c: {  	_ =	shalt  }
0x6d: {  	_ =	shalt  }
0x6e: {  	_ =	shalt  }
0x6f: {  	_ =	shalt  }
0x70: {  	_ =	shalt  }
0x71: {  	_ =	shalt  }
0x72: {  	_ =	shalt  }
0x73: {  	_ =	shalt  }
0x74: {  	_ =	shalt  }
0x75: {  	_ =	shalt  }
0x76: {  	_ =	shalt  }
0x77: {  	_ =	shalt  }
0x78: {  	_ =	shalt  }
0x79: {  	_ =	shalt  }
0x7a: {  	_ =	shalt  }
0x7b: {  	_ =	shalt  }
0x7c: {  	_ =	shalt  }
0x7d: {  	_ =	shalt  }
0x7e: {  	_ =	shalt  }
0x7f: {  	_ =	shalt  }
0x80: {  	_ =	shalt  }
0x81: {  	_ =	shalt  }
0x82: {  	_ =	shalt  }
0x83: {  	_ =	shalt  }
0x84: {  	_ =	shalt  }
0x85: {  	_ =	shalt  }
0x86: {  	_ =	shalt  }
0x87: {  	_ =	shalt  }
.Lfunc_end0:
.L_simem_size_0:
called_computation.1_lowered:
.L_overlay_start_0:
0x88: {  	s2 =	sld [smem:$0x3FD9]  }
0x89: {  	s3 =	sld [smem:$0x3FFE];
	_ =	sdelay $0x1  }
0x8a: {  	s1 =	srdreg.scid  }
0x8b: {  	s0 =	sand.u32 $0x1, s1  }
0x8c: {  	s17 =	sshll.u32 s0, $0xA;
	s2 =	sadd.s32 s3, s2  }
0x8d: {  	s2 =	sadd.s32 s2, s17  }
0x8e: {  	[smem:$0x3FC0] =	sst s2  }
0x8f: {  	_ = 	snop  }
0x90: {  	s18 =	sld [smem:$0x3FC9];
	(tm) =	ssettm $0x1  }
0x91: {  	s19 =	sld [smem:$0x3FFB];
	_ =	sdelay $0x3  }
0x92: {  	_ =	strace s19  }
0x93: {  	s2 =	sld [smem:$0x3FFC];
	_ =	sdelay $0x3  }
0x94: {  	_ =	strace s2  }
0x95: {  	s2 =	sld [smem:$0x3FFD];
	_ =	sdelay $0x3  }
0x96: {  	_ =	strace s2  }
0x97: {  	_ =	strace $0x8FFFFFFF  }
0x98: {  	s20 =	sld [smem:$0x3FDB];
	_ =	sdelay $0x1  }
0x99: {  	s4 =	simm.s32 $_scs_section_size  }
0x9a: {  	s5 =	simm.s32 $_size__tile_overlayer_lowered;
	s6 =	simm.s32 $_tile_overlayer_lowered  }
0x9b: {  	s7 =	simm.s32 $0x1BFF;
	s21 =	sshll.u32 s6, $0x1;
	s4 =	sadd.s32 s4, s20  }
0x9c: {  	s22 =	simm.s32 $0x0;
	s5 =	sshll.u32 s5, $0x1;
	s6 =	sadd.s32 s21, s4  }
0x9d: {  	[timem:s22], [sflag:s7] =	dma.local [hbm:s6], s5  }
0x9e: {  	_ =	swait.ge [sflag:s7], s5  }
0x9f: {  	s5 =	ssub.s32 $0x0, s5;
	[sflag:s7] =	ssyncset.done $0x0  }
0xa0: {  	[sflag:s7] =	ssyncadd.s32 s5;
	_ =	sdelay $0x1  }
0xa1: {  	s23 =	simm.s32 $0x1B8B  }
0xa2: {  	_ =	swait.ge [sflag:s23], $0x1  }
0xa3: {  	[sflag:s23] =	ssyncset.done $0x0  }
0xa4: {  	[sflag:s23] =	ssyncadd.s32 $0xFFFFFFFF  }
0xa5: {  	s5 =	sld [smem:$0x0]  }
0xa6: {  	s6 =	sand.u32 $0xFFFFFFFE, s1  }
0xa7: {  	p0 =	sne.s32 s1, s6  }
0xa8: {  	s6 =	sshll.u32 @p0 s6, $0xE  }
0xa9: {  	s6 =	sadd.s32 @p0 $0x11B8D, s6;
	s7 =	sshll.u32 @p0 s5, $0x11  }
0xaa: {  	s6 =	sor.u32 @p0 s7, s6  }
0xab: {  	[sflag:s6] =	ssyncadd.remote.s32 @p0 $0x1;
	_ =	sdelay $0x1  }
0xac: {  	s6 =	simm.s32 @p0 $0x1B8D  }
0xad: {  	_ =	swait.eq @p0 [sflag:s6], $0x1  }
0xae: {  	[sflag:s6] =	ssyncadd.s32 @p0 $0xFFFFFFFF  }
0xaf: {  	s7 =	sshll.u32 @!p0 s1, $0xE  }
0xb0: {  	s7 =	sor.u32 @!p0 $0x4000, s7;
	s6 =	simm.s32 @!p0 $0x1B8D  }
0xb1: {  	s5 =	sshll.u32 @!p0 s5, $0x11;
	s7 =	sadd.s32 @!p0 $0x11B8D, s7;
	_ =	swait.eq @!p0 [sflag:s6], $0x1  }
0xb2: {  	s5 =	sor.u32 @!p0 s5, s7;
	[sflag:s6] =	ssyncadd.s32 @!p0 $0xFFFFFFFF  }
0xb3: {  	s25 =	simm.s32 $0x1B8E;
	s24 =	sld [smem:$0x3FFE];
	[sflag:s5] =	ssyncadd.remote.s32 @!p0 $0x1  }
0xb4: {  	s26 =	simm.s32 $execute0_lowered;
	[smem:$0x3FD2] =	sst s25  }
0xb5: {  	s6 =	sshll.u32 s26, $0x1;
	_ =	strace $0x80000049;
	[dreg:$0x1] =	wrdreg $0xFFFFFFFF  }
0xb6: {  	s28 =	simm.s32 $_size_execute0_lowered;
	s4 =	sadd.s32 s4, s6;
	[dreg:$0x0] =	wrdreg $0x0  }
0xb7: {  	s6 =	sshll.u32 s28, $0x1;
	[dreg:$0x2] =	wrdreg s4  }
0xb8: {  	[dreg:$0x3] =	wrdreg s6  }
0xb9: {  	[dreg:$0x4] =	wrdreg $0xC0  }
0xba: {  	_ =	task [dreg:s22], $0x5FFFF  }
0xbb: {  	[dreg:$0x1] =	wrdreg $0xFFFFFFFF  }
0xbc: {  	[dreg:$0x0] =	wrdreg $0x60  }
0xbd: {  	[dreg:$0x2] =	wrdreg s18  }
0xbe: {  	[dreg:$0x3] =	wrdreg s24  }
0xbf: {  	[dreg:$0x4] =	wrdreg $0x90000  }
0xc0: {  	[dreg:$0x5] =	wrdreg $0xA  }
0xc1: {  	_ =	task.clear_ibuf [dreg:s22], $0x6FFFF;
	_ =	strace $0x90000049  }
0xc2: {  	s29 =	simm.s32 $0xA;
	_ =	strace $0x8000004B  }
0xc3: {  	_ =	swait.ge [sflag:s29], $0x1  }
0xc4: {  	[sflag:s29] =	ssyncadd.s32 $0xFFFFFFFF  }
0xc5: {  	_ =	strace $0x9000004B  }
0xc6: {  	_ =	sfence  }
0xc7: {  	s30 =	sld [smem:$0x0];
	_ =	sdelay $0x2  }
0xc8: {  	s31 =	sshll.u32 s1, $0xD;
	s1 =	sshrl.u32 s1, $0x2  }
0xc9: {  	s4 =	sand.u32 $0x4000, s31;
	s1 =	sadd.s32 s1, s30  }
0xca: {  	s0 =	sor.u32 s4, s0;
	s1 =	sshll.u32 s1, $0x11  }
0xcb: {  	s0 =	sor.u32 s1, s0  }
0xcc: {  	s0 =	sadd.s32 $0x8F2B, s0  }
0xcd: {  	[sflag:s0] =	ssyncadd.remote.s32 $0x1  }
0xce: {  	_ =	sfence.sel $0xFFFF  }
0xcf: {  	[dreg:$0x0] =	wrdreg $0xFFFFFFFF;
	(pc) =	sbr.abs _section_cstart, $3  }
0xd0: {  	[dreg:$0x1] =	wrdreg $0xFFFFFFFF  }
0xd1: {  	_ =	task.clear_ibuf [dreg:s22], $0x2FFFF;
	_ =	strace $0x9FFFFFFF  }
0xd2: {  	(tm) =	ssettm $0x7FFFFFFF  }
0xd3: {  	_ =	shalt  }
tec
execute0_lowered:
.L_overlay_start_1:
0x0: {  	(tag) =	ssettag $0x1  }
0x1: {  	s1 =	rddreg [dreg:$0x0]  }
0x2: {  	s5 =	rddreg [dreg:$0x1]  }
0x3: {  	s2 =	rddreg [dreg:$0x2]  }
0x4: {  	s4 =	simm.s32 $0x0;
	s6 =	srdreg.scid;
	s3 =	stileid.u32  }
0x5: {  	s18 =	simm.s32 $0x3;
	s19 =	simm.s32 $0x800;
	s20 =	simm.s32 $0x80  }
0x6: {  	s21 =	simm.s32 $0x5000;
	s22 =	simm.s32 $0x1;
	s7 =	smul.u32 $0x98, s3  }
0x7: {  	s23 =	simm.s32 $0x2;
	[smem:$0x7FF] =	sst s4;
	s29 =	smul.u32 $0x14000, s3  }
0x8: {  	s6 =	sand.u32 $0x1, s6;
	s8 =	sshll.u32 s3, $0x3;
	s10 =	smul.u32 $0x50000, s3  }
0x9: {  	p0 =	seq.s32 s6, $0x0;
	s8 =	sor.u32 $0x980, s8;
	s9 =	smul.u32 $0x140000, s6  }
0xa: {  	_ =	strace $0x8000004A;
	s6 =	ssub.s32 $0x2, s6;
	s8 =	smov.u32 @p0 s7  }
0xb: {  	s30 =	sshrl.u32 s6, $0x1;
	s31 =	sshrl.u32 s10, $0x2;
	s8 =	sshll.u32 s8, $0x4  }
0xc: {  	s7 =	sadd.s32 s29, s9;
	s14 =	ssub.s32 s6, s30;
	s16 =	sadd.s32 s8, s5  }
0xd: {  	s7 =	sshrl.u32 s7, $0x3;
	s8 =	simm.s32 $0x13;
	s14 =	smax.u32 s14, $0x1  }
0xe: {  	s13 =	sadd.s32 s7, s5;
	s5 =	sadd.s32 s31, s2;
	s8 =	simm.s32 @!p0 $0x1  }
0xf: {  	s11 =	sadd.s32 $0xC800, s16;
	s12 =	sadd.s32 $0x2800, s16;
	s15 =	sadd.s32 $0x2880, s16  }
0x10: {  	s16 =	sadd.s32 $0xC880, s16;
	s6 =	sadd.s32 $0x4000, s5;
	s7 =	sadd.s32 $0x8000, s5  }
0x11: {  	s9 =	sadd.s32 $0xC000, s5;
	s10 =	sadd.s32 $0x10000, s5;
	s17 =	sshll.u32 s8, $0xA  }
0x12: {  	v0 =	vimm.f32 $0.0e+00;
	s13 =	sadd.s32 $0x66800, s13;
	[dreg:$0x4] =	wrdreg s17;
	s17 =	simm.s32 $0x1000  }
.LBB2_1:
0x13: {  	s24 =	simm.s32 $0x0;
	s25 =	simm.s32 $0x200  }
.LBB2_2:
0x14: {  	p0 =	sne.s32 s25, $0xFE00;
	[tilespmem:s24+$0x1070] =	vst v0  }
0x15: {  	[tilespmem:s24+$0x1000] =	vst v0  }
0x16: {  	[tilespmem:s24+$0x1010] =	vst v0  }
.Ltmp0:
0x17: {  	[tilespmem:s24+$0x1020] =	vst v0;
	(pc) =	sbr.rel @p0 .LBB2_2-.Ltmp0, $4  }
0x18: {  	[tilespmem:s24+$0x1030] =	vst v0  }
0x19: {  	[tilespmem:s24+$0x1040] =	vst v0  }
0x1a: {  	[tilespmem:s24+$0x1050] =	vst v0  }
0x1b: {  	[tilespmem:s24+$0x1060] =	vst v0;
	s24 =	sshra.s32 s25, $0x2;
	s25 =	sadd.s32 $0x200, s25  }
0x1c: {  	[tilespmem:s24+$0x1070] =	vst v0  }
0x1d: {  	[tilespmem:s24+$0x1000] =	vst v0  }
0x1e: {  	[tilespmem:s24+$0x1010] =	vst v0  }
0x1f: {  	[tilespmem:s24+$0x1020] =	vst v0  }
0x20: {  	[tilespmem:s24+$0x1030] =	vst v0  }
0x21: {  	[tilespmem:s24+$0x1040] =	vst v0  }
0x22: {  	[tilespmem:s24+$0x1050] =	vst v0  }
0x23: {  	[tilespmem:s24+$0x1060] =	vst v0  }
0x24: {  	[spmem:s5] =	stream.linear.scatter [tilespmem:s17], [sflag:$0x3], $0x4000, $0x38;
	[tilespmem:$0x1D000] =	vst v63  }
0x25: {  	_ =	swait.ge [sflag:s18], $0x4000  }
0x26: {  	[sflag:s18] =	ssyncset.done $0x0  }
0x27: {  	[sflag:s18] =	ssyncadd.s32 $0xFFFFC000  }
0x28: {  	[spmem:s6] =	stream.linear.scatter [tilespmem:s17], [sflag:$0x3], $0x4000, $0x38;
	[tilespmem:$0x1D000] =	vst v63  }
0x29: {  	_ =	swait.ge [sflag:s18], $0x4000  }
0x2a: {  	[sflag:s18] =	ssyncset.done $0x0  }
0x2b: {  	[sflag:s18] =	ssyncadd.s32 $0xFFFFC000  }
0x2c: {  	[spmem:s7] =	stream.linear.scatter [tilespmem:s17], [sflag:$0x3], $0x4000, $0x38;
	[tilespmem:$0x1D000] =	vst v63  }
0x2d: {  	_ =	swait.ge [sflag:s18], $0x4000  }
0x2e: {  	[sflag:s18] =	ssyncset.done $0x0  }
0x2f: {  	[sflag:s18] =	ssyncadd.s32 $0xFFFFC000  }
0x30: {  	[spmem:s9] =	stream.linear.scatter [tilespmem:s17], [sflag:$0x3], $0x4000, $0x38;
	[tilespmem:$0x1D000] =	vst v63  }
0x31: {  	_ =	swait.ge [sflag:s18], $0x4000  }
0x32: {  	[sflag:s18] =	ssyncset.done $0x0  }
0x33: {  	[sflag:s18] =	ssyncadd.s32 $0xFFFFC000  }
0x34: {  	[spmem:s10] =	stream.linear.scatter [tilespmem:s17], [sflag:$0x3], $0x4000, $0x38;
	[tilespmem:$0x1D000] =	vst v63  }
0x35: {  	_ =	swait.ge [sflag:s18], $0x4000  }
0x36: {  	[sflag:s18] =	ssyncset.done $0x0  }
0x37: {  	[sflag:s18] =	ssyncadd.s32 $0xFFFFC000  }
0x38: {  	s24 =	simm.s32 $0x0;
	[bflag:$0x0] =	sbarrier.arrive $0xFFFF  }
0x39: {  	[tilespmem:s24], [sflag:$0x3] =	stream.linear.gather [hbm4b:s11+s24], $0x400, $0x38;
	[tilespmem:$0x1D000] =	vst v63  }
0x3a: {  	_ =	swait.ge [sflag:s18], $0x400  }
0x3b: {  	[sflag:s18] =	ssyncset.done $0x0  }
0x3c: {  	[sflag:s18] =	ssyncadd.s32 $0xFFFFFC00  }
0x3d: {  	[tilespmem:s19], [sflag:$0x3] =	stream.linear.gather [hbm4b:s12+s24], $0x400, $0x38;
	[tilespmem:$0x1D000] =	vst v63  }
0x3e: {  	_ =	swait.ge [sflag:s18], $0x400  }
0x3f: {  	s25 =	simm.s32 $0x1;
	[sflag:s18] =	ssyncset.done $0x0  }
0x40: {  	s26 =	smov.u32 s16;
	s28 =	smov.u32 s15;
	[sflag:s18] =	ssyncadd.s32 $0xFFFFFC00  }
0x41: {  	[tilespmem:s17], [sflag:$0x1] =	stream.indirect.gather [hbm4b:s1+s20], $0x80, s24, s20, $0xb8;
	[tilespmem:$0x1D000] =	vst v63  }
.LBB2_4:
0x42: {  	p0 =	sge.u32 s25, s8  }
0x43: {  	s29 =	sxor.u32 @!p0 $0xFFFFFFFF, s24  }
0x44: {  	s30 =	simm.s32 @!p0 $0x0;
	s31 =	simm.s32 @!p0 $0x3;
	s29 =	sand.u32 @!p0 $0x400, s29  }
0x45: {  	[tilespmem:s29], [sflag:$0x3] =	stream.linear.gather @!p0 [hbm4b:s26+s30], $0x400, $0x38;
	[tilespmem:$0x1D000] =	vst v63  }
0x46: {  	_ =	swait.ge @!p0 [sflag:s31], $0x400  }
0x47: {  	[sflag:s31] =	ssyncset.done @!p0 $0x0  }
0x48: {  	s0 =	sor.u32 @!p0 $0x800, s29;
	[sflag:s31] =	ssyncadd.s32 @!p0 $0xFFFFFC00  }
0x49: {  	[tilespmem:s0], [sflag:$0x3] =	stream.linear.gather @!p0 [hbm4b:s28+s30], $0x400, $0x38;
	[tilespmem:$0x1D000] =	vst v63  }
0x4a: {  	_ =	swait.ge @!p0 [sflag:s31], $0x400  }
0x4b: {  	s30 =	sand.u32 $0x400, s24;
	[sflag:s31] =	ssyncset.done @!p0 $0x0  }
0x4c: {  	[sflag:s31] =	ssyncadd.s32 @!p0 $0xFFFFFC00;
	s31 =	sor.u32 $0x80, s30  }
0x4d: {  	[tilespmem:s21], [sflag:$0x2] =	stream.indirect.gather [hbm4b:s1+s20], $0x80, s31, s20, $0xb8;
	[tilespmem:$0x1D000] =	vst v63  }
0x4e: {  	_ =	swait.ge [sflag:s22], $0x4000  }
0x4f: {  	[sflag:s22] =	ssyncset.done $0x0  }
0x50: {  	s31 =	sor.u32 $0x800, s30;
	[sflag:s22] =	ssyncadd.s32 $0xFFFFC000  }
0x51: {  	[spmem:s2] =	stream.indirect.scatter.add.f32 [tilespmem:s17], [sflag:$0x3], $0x80, s31, s20, $0xb8;
	[tilespmem:$0x1D000] =	vst v63  }
0x52: {  	_ =	swait.ge [sflag:s18], $0x4000  }
0x53: {  	[sflag:s18] =	ssyncset.done $0x0  }
0x54: {  	s31 =	sor.u32 $0x100, s30;
	[sflag:s18] =	ssyncadd.s32 $0xFFFFC000  }
0x55: {  	[tilespmem:s17], [sflag:$0x1] =	stream.indirect.gather [hbm4b:s1+s20], $0x80, s31, s20, $0xb8;
	[tilespmem:$0x1D000] =	vst v63  }
0x56: {  	_ =	swait.ge [sflag:s23], $0x4000  }
0x57: {  	[sflag:s23] =	ssyncset.done $0x0  }
0x58: {  	s31 =	sor.u32 $0x880, s30;
	[sflag:s23] =	ssyncadd.s32 $0xFFFFC000  }
0x59: {  	[spmem:s2] =	stream.indirect.scatter.add.f32 [tilespmem:s21], [sflag:$0x3], $0x80, s31, s20, $0xb8;
	[tilespmem:$0x1D000] =	vst v63  }
0x5a: {  	_ =	swait.ge [sflag:s18], $0x4000  }
0x5b: {  	[sflag:s18] =	ssyncset.done $0x0  }
0x5c: {  	s31 =	sor.u32 $0x180, s30;
	[sflag:s18] =	ssyncadd.s32 $0xFFFFC000  }
0x5d: {  	[tilespmem:s21], [sflag:$0x2] =	stream.indirect.gather [hbm4b:s1+s20], $0x80, s31, s20, $0xb8;
	[tilespmem:$0x1D000] =	vst v63  }
0x5e: {  	_ =	swait.ge [sflag:s22], $0x4000  }
0x5f: {  	[sflag:s22] =	ssyncset.done $0x0  }
0x60: {  	s31 =	sor.u32 $0x900, s30;
	[sflag:s22] =	ssyncadd.s32 $0xFFFFC000  }
0x61: {  	[spmem:s2] =	stream.indirect.scatter.add.f32 [tilespmem:s17], [sflag:$0x3], $0x80, s31, s20, $0xb8;
	[tilespmem:$0x1D000] =	vst v63  }
0x62: {  	_ =	swait.ge [sflag:s18], $0x4000  }
0x63: {  	[sflag:s18] =	ssyncset.done $0x0  }
0x64: {  	s31 =	sor.u32 $0x200, s30;
	[sflag:s18] =	ssyncadd.s32 $0xFFFFC000  }
0x65: {  	[tilespmem:s17], [sflag:$0x1] =	stream.indirect.gather [hbm4b:s1+s20], $0x80, s31, s20, $0xb8;
	[tilespmem:$0x1D000] =	vst v63  }
0x66: {  	_ =	swait.ge [sflag:s23], $0x4000  }
0x67: {  	[sflag:s23] =	ssyncset.done $0x0  }
0x68: {  	s31 =	sor.u32 $0x980, s30;
	[sflag:s23] =	ssyncadd.s32 $0xFFFFC000  }
0x69: {  	[spmem:s2] =	stream.indirect.scatter.add.f32 [tilespmem:s21], [sflag:$0x3], $0x80, s31, s20, $0xb8;
	[tilespmem:$0x1D000] =	vst v63  }
0x6a: {  	_ =	swait.ge [sflag:s18], $0x4000  }
0x6b: {  	[sflag:s18] =	ssyncset.done $0x0  }
0x6c: {  	s31 =	sor.u32 $0x280, s30;
	[sflag:s18] =	ssyncadd.s32 $0xFFFFC000  }
0x6d: {  	[tilespmem:s21], [sflag:$0x2] =	stream.indirect.gather [hbm4b:s1+s20], $0x80, s31, s20, $0xb8;
	[tilespmem:$0x1D000] =	vst v63  }
0x6e: {  	_ =	swait.ge [sflag:s22], $0x4000  }
0x6f: {  	[sflag:s22] =	ssyncset.done $0x0  }
0x70: {  	s31 =	sor.u32 $0xA00, s30;
	[sflag:s22] =	ssyncadd.s32 $0xFFFFC000  }
0x71: {  	[spmem:s2] =	stream.indirect.scatter.add.f32 [tilespmem:s17], [sflag:$0x3], $0x80, s31, s20, $0xb8;
	[tilespmem:$0x1D000] =	vst v63  }
0x72: {  	_ =	swait.ge [sflag:s18], $0x4000  }
0x73: {  	[sflag:s18] =	ssyncset.done $0x0  }
0x74: {  	s31 =	sor.u32 $0x300, s30;
	[sflag:s18] =	ssyncadd.s32 $0xFFFFC000  }
0x75: {  	[tilespmem:s17], [sflag:$0x1] =	stream.indirect.gather [hbm4b:s1+s20], $0x80, s31, s20, $0xb8;
	[tilespmem:$0x1D000] =	vst v63  }
0x76: {  	_ =	swait.ge [sflag:s23], $0x4000  }
0x77: {  	[sflag:s23] =	ssyncset.done $0x0  }
0x78: {  	s31 =	sor.u32 $0xA80, s30;
	[sflag:s23] =	ssyncadd.s32 $0xFFFFC000  }
0x79: {  	[spmem:s2] =	stream.indirect.scatter.add.f32 [tilespmem:s21], [sflag:$0x3], $0x80, s31, s20, $0xb8;
	[tilespmem:$0x1D000] =	vst v63  }
0x7a: {  	_ =	swait.ge [sflag:s18], $0x4000  }
0x7b: {  	[sflag:s18] =	ssyncset.done $0x0  }
0x7c: {  	s0 =	sor.u32 $0x380, s30;
	[sflag:s18] =	ssyncadd.s32 $0xFFFFC000  }
0x7d: {  	[tilespmem:s21], [sflag:$0x2] =	stream.indirect.gather [hbm4b:s1+s20], $0x80, s0, s20, $0xb8;
	[tilespmem:$0x1D000] =	vst v63  }
0x7e: {  	_ =	swait.ge [sflag:s22], $0x4000  }
0x7f: {  	[sflag:s22] =	ssyncset.done $0x0  }
0x80: {  	s30 =	sor.u32 $0xB00, s30;
	[sflag:s22] =	ssyncadd.s32 $0xFFFFC000  }
0x81: {  	[spmem:s2] =	stream.indirect.scatter.add.f32 [tilespmem:s17], [sflag:$0x3], $0x80, s30, s20, $0xb8;
	[tilespmem:$0x1D000] =	vst v63  }
0x82: {  	_ =	swait.ge [sflag:s18], $0x4000  }
0x83: {  	[sflag:s18] =	ssyncset.done $0x0  }
0x84: {  	s31 =	simm.s32 @!p0 $0x1000;
	s30 =	simm.s32 @!p0 $0x80;
	[sflag:s18] =	ssyncadd.s32 $0xFFFFC000  }
0x85: {  	[tilespmem:s31], [sflag:$0x1] =	stream.indirect.gather @!p0 [hbm4b:s1+s30], $0x80, s29, s30, $0xb8;
	[tilespmem:$0x1D000] =	vst v63  }
0x86: {  	_ =	swait.ge [sflag:s23], $0x4000  }
0x87: {  	[sflag:s23] =	ssyncset.done $0x0  }
0x88: {  	s0 =	sor.u32 $0x800, s0;
	[sflag:s23] =	ssyncadd.s32 $0xFFFFC000  }
0x89: {  	[spmem:s2] =	stream.indirect.scatter.add.f32 [tilespmem:s21], [sflag:$0x3], $0x80, s0, s20, $0xb8;
	[tilespmem:$0x1D000] =	vst v63  }
0x8a: {  	_ =	swait.ge [sflag:s18], $0x4000  }
0x8b: {  	s24 =	sadd.s32 $0x400, s24;
	s31 =	rddreg [dreg:$0x4]  }
0x8c: {  	p0 =	sne.s32 s31, s24  }
.Ltmp1:
0x8d: {  	_ = 	snop;
	(pc) =	sbr.rel @p0 .LBB2_4-.Ltmp1, $3  }
0x8e: {  	_ =	sdelay $0x1  }
0x8f: {  	s25 =	sadd.s32 $0x1, s25;
	[sflag:s18] =	ssyncset.done $0x0  }
0x90: {  	s26 =	sadd.s32 $0x80, s26;
	s28 =	sadd.s32 $0x80, s28;
	[sflag:s18] =	ssyncadd.s32 $0xFFFFC000  }
0x91: {  	s4 =	sadd.s32 $0x1, s4  }
0x92: {  	s0 =	sshll.u32 s3, $0x6;
	[bflag:$0x0] =	sbarrier.arrive $0xFFFF;
	p0 =	sne.s32 s4, s14  }
.Ltmp2:
0x93: {  	s24 =	sshrl.u32 s5, $0x3;
	s0 =	sor.u32 $0x1C03, s0;
	(pc) =	sbr.rel @p0 .LBB2_1-.Ltmp2, $4  }
0x94: {  	[hbm:s13], [sflag:s0] =	dma.local [spmem:s24], $0x2800  }
0x95: {  	_ =	swait.ge [sflag:s18], $0x2800  }
0x96: {  	[sflag:s18] =	ssyncset.done $0x0  }
0x97: {  	[sflag:s18] =	ssyncadd.s32 $0xFFFFD800  }
0x98: {  	_ =	sfence.sel $0x180000  }
0x99: {  	[bflag:$0x0] =	sbarrier.arrive $0xFFFF  }
0x9a: {  	_ =	strace $0x9000004A  }
0x9b: {  	[bflag:$0x2] =	sbarrier.arrive $0xFFFF  }
0x9c: {  	p0 =	sne.s32 s3, $0x0;
	s0 =	rddreg [dreg:$0x3]  }
0x9d: {  	s0 =	sadd.s32 @!p0 $0x100000, s0  }
0x9e: {  	[sflag:s0] =	ssyncadd.tile.s32 @!p0 $0x1;
	_ =	shalt  }
.Lfunc_end2:
_tile_overlayer_lowered:
.L_overlay_start_2:
0x9f: {  	(tag) =	ssettag $0x2  }
0xa0: {  	s0 =	rddreg [dreg:$0x0];
	s2 =	stileid.u32  }
0xa1: {  	s1 =	rddreg [dreg:$0x1];
	p0 =	sne.s32 s2, $0x0  }
0xa2: {  	s3 =	rddreg [dreg:$0x2];
	[bflag:$0x3] =	sbarrier.arrive $0xFFFF;
	s2 =	simm.s32 @!p0 $0x1C03  }
0xa3: {  	[timem:s3], [sflag:s2] =	dma.local @!p0 [hbm:s0], s1  }
0xa4: {  	s0 =	simm.s32 @!p0 $0x3  }
0xa5: {  	_ =	swait.ge @!p0 [sflag:s0], s1  }
0xa6: {  	s1 =	ssub.s32 @!p0 $0x0, s1;
	[sflag:s0] =	ssyncset.done @!p0 $0x0  }
0xa7: {  	[sflag:s0] =	ssyncadd.s32 @!p0 s1  }
0xa8: {  	[bflag:$0x3] =	sbarrier.arrive $0xFFFF  }
0xa9: {  	_ =	shalt  }

// kernel: kernel.13.cloned.1.call-start
scs
__scs_entry_jumppad:
0x0: {  	(pc) =	sbr.rel $0x88, $3  }
0x1: {  	(tag) =	ssettag $0x0;
	lr =	simm.s32 $0x1  }
0x2: {  	[smem:$0x3F99] =	sst lr;
	_ =	strace $0xD0000000  }
0x3: {  	_ = 	snop  }
0x4: {  	_ = 	snop  }
0x5: {  	_ = 	snop  }
0x6: {  	_ = 	snop  }
0x7: {  	_ = 	snop  }
__scs_overlays_trampoline_lowered:
0x8: {  	[smem:$0x3FA8] =	sst s0  }
0x9: {  	[smem:$0x3FA9] =	sst s1  }
0xa: {  	[smem:$0x3FAA] =	sst s2  }
0xb: {  	[smem:$0x3FAB] =	sst s3  }
0xc: {  	[smem:$0x3FAC] =	sst s4  }
0xd: {  	[smem:$0x3FAD] =	sst s5  }
0xe: {  	[smem:$0x3FAE] =	sst s6  }
0xf: {  	[smem:$0x3FAF] =	sst s7  }
0x10: {  	[smem:$0x3FB0] =	sst s8  }
0x11: {  	[smem:$0x3FB1] =	sst s9;
	s0 =	simm.s32 @!p0 $0x0  }
0x12: {  	s1 =	sld [smem:$0x3F97];
	s0 =	simm.s32 @p0 $0x1  }
0x13: {  	[smem:$0x3FB2] =	sst s0;
	s0 =	simm.s32 @!p1 $0x0  }
0x14: {  	s2 =	sld [smem:$0x3F96];
	s0 =	simm.s32 @p1 $0x1  }
0x15: {  	[smem:$0x3FB3] =	sst s0;
	s0 =	simm.s32 @!p2 $0x0  }
0x16: {  	s3 =	sld [smem:$0x3FDB];
	s0 =	simm.s32 @p2 $0x1  }
0x17: {  	s4 =	simm.s32 $0x1BF5;
	[smem:$0x3FB5] =	sst s0  }
0x18: {  	s0 =	sld [smem:$0x3F98];
	_ =	swait.ge [sflag:s4], $0x0  }
0x19: {  	s7 =	sld [smem:$0x3F99]  }
0x1a: {  	s8 =	sadd.s32 $0xFFFFE003, lr  }
0x1b: {  	s9 =	sadd.s32 $0xFFFFFEF7, lr;
	s5 =	simm.s32 $0xFFFFFFFF;
	p2 =	slt.u32 s8, $0xFFFFF086  }
0x1c: {  	p1 =	slt.u32 s9, $0xF7A;
	s5 =	simm.s32 @!p2 $0x0  }
0x1d: {  	s5 =	simm.s32 @p1 $0x1;
	p0 =	seq.s32 s7, s2  }
0x1e: {  	s7 =	smul.u32 @!p0 $0xF7A, s2;
	p2 =	seq.s32 @!p0 s5, $0x0  }
0x1f: {  	s9 =	smul.u32 $0xF7A, s1;
	s8 =	simm.s32 @!p0 $0x1BF5;
	p2 =	por !p2, p0  }
0x20: {  	[sflag:s8] =	ssyncset.s32 @!p0 $0xFFFFF086;
	s6 =	sadd.s32 @!p0 s3, s7;
	s7 =	simm.s32 @!p0 $0x108  }
0x21: {  	s3 =	sadd.s32 s3, s9;
	s6 =	sadd.s32 @!p0 $0x88, s6;
	s7 =	simm.s32 @p2 $0x1082  }
0x22: {  	[simem:s7], [sflag:s8] =	dma.local @!p0 [hbm:s6], $0xF7A  }
0x23: {  	s9 =	sor.u32 $0xD0000000, s2;
	s6 =	simm.s32 $0x108;
	_ =	swait.ge @!p0 [sflag:s8], $0x0  }
0x24: {  	s3 =	sadd.s32 $0x88, s3;
	s6 =	simm.s32 @!p1 $0x1082;
	[sflag:s4] =	ssyncset.s32 $0xFFFFF086  }
0x25: {  	[simem:s6], [sflag:s4] =	dma.local [hbm:s3], $0xF7A  }
0x26: {  	[smem:$0x3F99] =	sst s1;
	(tag) =	ssettag s2;
	_ =	strace s9  }
0x27: {  	s1 =	sld [smem:$0x3FA9]  }
0x28: {  	s2 =	sld [smem:$0x3FAA]  }
0x29: {  	s4 =	sld [smem:$0x3FAC]  }
0x2a: {  	p0 =	seq.s32 s5, $0x0;
	s5 =	sld [smem:$0x3FAD]  }
0x2b: {  	s6 =	sld [smem:$0x3FAE]  }
0x2c: {  	s7 =	sld [smem:$0x3FAF]  }
0x2d: {  	s3 =	simm.s32 $0x108;
	s8 =	sld [smem:$0x3FB0]  }
0x2e: {  	s3 =	simm.s32 @!p0 $0x1082;
	s9 =	sld [smem:$0x3FB1]  }
0x2f: {  	lr =	sadd.s32 s0, s3;
	s0 =	sld [smem:$0x3FA8]  }
0x30: {  	s3 =	sld [smem:$0x3FAB]  }
0x31: {  	[smem:$0x3FB4] =	sst s10  }
0x32: {  	s10 =	sld [smem:$0x3FB2];
	_ =	sdelay $0x3  }
0x33: {  	p0 =	seq.s32 s10, $0x1;
	s10 =	sld [smem:$0x3FB4];
	_ =	sdelay $0x3  }
0x34: {  	[smem:$0x3FB4] =	sst s10  }
0x35: {  	s10 =	sld [smem:$0x3FB3];
	_ =	sdelay $0x3  }
0x36: {  	p1 =	seq.s32 s10, $0x1;
	s10 =	sld [smem:$0x3FB4];
	_ =	sdelay $0x3  }
0x37: {  	[smem:$0x3FB4] =	sst s10  }
0x38: {  	s10 =	sld [smem:$0x3FB5]  }
0x39: {  	_ = 	snop;
	(pc) =	sbr.ind lr, $3  }
0x3a: {  	_ = 	snop  }
0x3b: {  	_ = 	snop  }
0x3c: {  	p2 =	seq.s32 s10, $0x1;
	s10 =	sld [smem:$0x3FB4]  }
0x3d: {  	_ =	shalt  }
0x3e: {  	_ =	shalt  }
0x3f: {  	_ =	shalt  }
0x40: {  	_ =	shalt  }
0x41: {  	_ =	shalt  }
0x42: {  	_ =	shalt  }
0x43: {  	_ =	shalt  }
0x44: {  	_ =	shalt  }
0x45: {  	_ =	shalt  }
0x46: {  	_ =	shalt  }
0x47: {  	_ =	shalt  }
0x48: {  	_ =	shalt  }
0x49: {  	_ =	shalt  }
0x4a: {  	_ =	shalt  }
0x4b: {  	_ =	shalt  }
0x4c: {  	_ =	shalt  }
0x4d: {  	_ =	shalt  }
0x4e: {  	_ =	shalt  }
0x4f: {  	_ =	shalt  }
0x50: {  	_ =	shalt  }
0x51: {  	_ =	shalt  }
0x52: {  	_ =	shalt  }
0x53: {  	_ =	shalt  }
0x54: {  	_ =	shalt  }
0x55: {  	_ =	shalt  }
0x56: {  	_ =	shalt  }
0x57: {  	_ =	shalt  }
0x58: {  	_ =	shalt  }
0x59: {  	_ =	shalt  }
0x5a: {  	_ =	shalt  }
0x5b: {  	_ =	shalt  }
0x5c: {  	_ =	shalt  }
0x5d: {  	_ =	shalt  }
0x5e: {  	_ =	shalt  }
0x5f: {  	_ =	shalt  }
0x60: {  	_ =	shalt  }
0x61: {  	_ =	shalt  }
0x62: {  	_ =	shalt  }
0x63: {  	_ =	shalt  }
0x64: {  	_ =	shalt  }
0x65: {  	_ =	shalt  }
0x66: {  	_ =	shalt  }
0x67: {  	_ =	shalt  }
0x68: {  	_ =	shalt  }
0x69: {  	_ =	shalt  }
0x6a: {  	_ =	shalt  }
0x6b: {  	_ =	shalt  }
0x6c: {  	_ =	shalt  }
0x6d: {  	_ =	shalt  }
0x6e: {  	_ =	shalt  }
0x6f: {  	_ =	shalt  }
0x70: {  	_ =	shalt  }
0x71: {  	_ =	shalt  }
0x72: {  	_ =	shalt  }
0x73: {  	_ =	shalt  }
0x74: {  	_ =	shalt  }
0x75: {  	_ =	shalt  }
0x76: {  	_ =	shalt  }
0x77: {  	_ =	shalt  }
0x78: {  	_ =	shalt  }
0x79: {  	_ =	shalt  }
0x7a: {  	_ =	shalt  }
0x7b: {  	_ =	shalt  }
0x7c: {  	_ =	shalt  }
0x7d: {  	_ =	shalt  }
0x7e: {  	_ =	shalt  }
0x7f: {  	_ =	shalt  }
0x80: {  	_ =	shalt  }
0x81: {  	_ =	shalt  }
0x82: {  	_ =	shalt  }
0x83: {  	_ =	shalt  }
0x84: {  	_ =	shalt  }
0x85: {  	_ =	shalt  }
0x86: {  	_ =	shalt  }
0x87: {  	_ =	shalt  }
.Lfunc_end0:
.L_simem_size_0:
called_computation.2_lowered:
.L_overlay_start_0:
0x88: {  	s2 =	sld [smem:$0x3FD9]  }
0x89: {  	s3 =	sld [smem:$0x3FFE];
	_ =	sdelay $0x1  }
0x8a: {  	s1 =	srdreg.scid  }
0x8b: {  	s0 =	sand.u32 $0x1, s1  }
0x8c: {  	s17 =	sshll.u32 s0, $0xA;
	s2 =	sadd.s32 s3, s2  }
0x8d: {  	s2 =	sadd.s32 s2, s17  }
0x8e: {  	[smem:$0x3FC0] =	sst s2  }
0x8f: {  	_ = 	snop  }
0x90: {  	s2 =	sld [smem:$0x3FD0];
	(tm) =	ssettm $0x1  }
0x91: {  	s18 =	sld [smem:$0x3FFB];
	_ =	sdelay $0x3  }
0x92: {  	_ =	strace s18  }
0x93: {  	s3 =	sld [smem:$0x3FFC];
	_ =	sdelay $0x3  }
0x94: {  	_ =	strace s3  }
0x95: {  	s3 =	sld [smem:$0x3FFD];
	_ =	sdelay $0x3  }
0x96: {  	_ =	strace s3  }
0x97: {  	_ =	strace $0x8FFFFFFF  }
0x98: {  	s19 =	sld [smem:$0x3FDB];
	_ =	sdelay $0x1  }
0x99: {  	s4 =	simm.s32 $_scs_section_size  }
0x9a: {  	s5 =	simm.s32 $_size__tile_overlayer_lowered;
	s6 =	simm.s32 $_tile_overlayer_lowered  }
0x9b: {  	s22 =	simm.s32 $0x1BFF;
	s21 =	sshll.u32 s6, $0x1;
	s3 =	sadd.s32 s4, s19  }
0x9c: {  	s7 =	simm.s32 $0x0;
	s20 =	sshll.u32 s5, $0x1;
	s5 =	sadd.s32 s21, s3  }
0x9d: {  	[timem:s7], [sflag:s22] =	dma.local [hbm:s5], s20  }
0x9e: {  	_ =	swait.ge [sflag:s22], s20  }
0x9f: {  	s4 =	ssub.s32 $0x0, s20;
	[sflag:s22] =	ssyncset.done $0x0  }
0xa0: {  	[sflag:s22] =	ssyncadd.s32 s4;
	_ =	sdelay $0x1  }
0xa1: {  	s23 =	simm.s32 $0x1B8B  }
0xa2: {  	_ =	swait.ge [sflag:s23], $0x1  }
0xa3: {  	[sflag:s23] =	ssyncset.done $0x0  }
0xa4: {  	s25 =	simm.s32 $0x1B8E;
	s24 =	sld [smem:$0x3FFE];
	[sflag:s23] =	ssyncadd.s32 $0xFFFFFFFF  }
0xa5: {  	s26 =	simm.s32 $execute0_lowered;
	[smem:$0x3FD2] =	sst s25  }
0xa6: {  	s5 =	sshll.u32 s26, $0x1;
	_ =	strace $0x8000004C;
	[dreg:$0x1] =	wrdreg $0xFFFFFFFF  }
0xa7: {  	s28 =	simm.s32 $_size_execute0_lowered;
	s3 =	sadd.s32 s3, s5;
	[dreg:$0x0] =	wrdreg $0x0  }
0xa8: {  	s5 =	sshll.u32 s28, $0x1;
	[dreg:$0x2] =	wrdreg s3  }
0xa9: {  	[dreg:$0x3] =	wrdreg s5  }
0xaa: {  	[dreg:$0x4] =	wrdreg $0xC0  }
0xab: {  	_ =	task [dreg:s7], $0x5FFFF  }
0xac: {  	[dreg:$0x1] =	wrdreg $0xFFFFFFFF  }
0xad: {  	[dreg:$0x0] =	wrdreg $0x60  }
0xae: {  	[dreg:$0x2] =	wrdreg s2  }
0xaf: {  	[dreg:$0x3] =	wrdreg s24  }
0xb0: {  	[dreg:$0x4] =	wrdreg $0x90000  }
0xb1: {  	[dreg:$0x5] =	wrdreg $0x9  }
0xb2: {  	_ =	task.clear_ibuf [dreg:s7], $0x6FFFF;
	_ =	strace $0x9000004C  }
0xb3: {  	s29 =	simm.s32 $0x9;
	_ =	strace $0x8000004E  }
0xb4: {  	_ =	swait.ge [sflag:s29], $0x1  }
0xb5: {  	[sflag:s29] =	ssyncadd.s32 $0xFFFFFFFF  }
0xb6: {  	_ =	strace $0x9000004E  }
0xb7: {  	_ =	sfence  }
0xb8: {  	s30 =	sld [smem:$0x0];
	_ =	sdelay $0x2  }
0xb9: {  	s31 =	sshll.u32 s1, $0xD;
	s1 =	sshrl.u32 s1, $0x2  }
0xba: {  	s3 =	sand.u32 $0x4000, s31;
	s1 =	sadd.s32 s1, s30  }
0xbb: {  	s0 =	sor.u32 s3, s0;
	s1 =	sshll.u32 s1, $0x11  }
0xbc: {  	s0 =	sor.u32 s1, s0  }
0xbd: {  	s0 =	sadd.s32 $0x8F2B, s0  }
0xbe: {  	[sflag:s0] =	ssyncadd.remote.s32 $0x1  }
0xbf: {  	_ =	sfence.sel $0xFFFF  }
0xc0: {  	[dreg:$0x0] =	wrdreg $0xFFFFFFFF;
	(pc) =	sbr.abs _section_cstart, $3  }
0xc1: {  	[dreg:$0x1] =	wrdreg $0xFFFFFFFF  }
0xc2: {  	_ =	task.clear_ibuf [dreg:s7], $0x2FFFF;
	_ =	strace $0x9FFFFFFF  }
0xc3: {  	(tm) =	ssettm $0x7FFFFFFF  }
tec
execute0_lowered:
.L_overlay_start_1:
0x0: {  	(tag) =	ssettag $0x1  }
0x1: {  	s1 =	rddreg [dreg:$0x0]  }
0x2: {  	s5 =	rddreg [dreg:$0x1]  }
0x3: {  	s2 =	rddreg [dreg:$0x2]  }
0x4: {  	s4 =	simm.s32 $0x0;
	s6 =	srdreg.scid;
	s3 =	stileid.u32  }
0x5: {  	s18 =	simm.s32 $0x3;
	s19 =	simm.s32 $0x800;
	s20 =	simm.s32 $0x80  }
0x6: {  	s21 =	simm.s32 $0x5000;
	s22 =	simm.s32 $0x1;
	s7 =	smul.u32 $0x98, s3  }
0x7: {  	s23 =	simm.s32 $0x2;
	[smem:$0x7FF] =	sst s4;
	s29 =	smul.u32 $0x14000, s3  }
0x8: {  	s6 =	sand.u32 $0x1, s6;
	s8 =	sshll.u32 s3, $0x3;
	s10 =	smul.u32 $0x50000, s3  }
0x9: {  	p0 =	seq.s32 s6, $0x0;
	s8 =	sor.u32 $0x980, s8;
	s9 =	smul.u32 $0x140000, s6  }
0xa: {  	_ =	strace $0x8000004D;
	s6 =	ssub.s32 $0x2, s6;
	s8 =	smov.u32 @p0 s7  }
0xb: {  	s30 =	sshrl.u32 s6, $0x1;
	s31 =	sshrl.u32 s10, $0x2;
	s8 =	sshll.u32 s8, $0x4  }
0xc: {  	s7 =	sadd.s32 s29, s9;
	s14 =	ssub.s32 s6, s30;
	s16 =	sadd.s32 s8, s5  }
0xd: {  	s7 =	sshrl.u32 s7, $0x3;
	s8 =	simm.s32 $0x13;
	s14 =	smax.u32 s14, $0x1  }
0xe: {  	s13 =	sadd.s32 s7, s5;
	s5 =	sadd.s32 s31, s2;
	s8 =	simm.s32 @!p0 $0x1  }
0xf: {  	s11 =	sadd.s32 $0xC800, s16;
	s12 =	sadd.s32 $0x2800, s16;
	s15 =	sadd.s32 $0x2880, s16  }
0x10: {  	s16 =	sadd.s32 $0xC880, s16;
	s6 =	sadd.s32 $0x4000, s5;
	s7 =	sadd.s32 $0x8000, s5  }
0x11: {  	s9 =	sadd.s32 $0xC000, s5;
	s10 =	sadd.s32 $0x10000, s5;
	s17 =	sshll.u32 s8, $0xA  }
0x12: {  	v0 =	vimm.f32 $0.0e+00;
	s13 =	sadd.s32 $0x16800, s13;
	[dreg:$0x4] =	wrdreg s17;
	s17 =	simm.s32 $0x1000  }
.LBB2_1:
0x13: {  	s24 =	simm.s32 $0x0;
	s25 =	simm.s32 $0x200  }
.LBB2_2:
0x14: {  	p0 =	sne.s32 s25, $0xFE00;
	[tilespmem:s24+$0x1070] =	vst v0  }
0x15: {  	[tilespmem:s24+$0x1000] =	vst v0  }
0x16: {  	[tilespmem:s24+$0x1010] =	vst v0  }
.Ltmp0:
0x17: {  	[tilespmem:s24+$0x1020] =	vst v0;
	(pc) =	sbr.rel @p0 .LBB2_2-.Ltmp0, $4  }
0x18: {  	[tilespmem:s24+$0x1030] =	vst v0  }
0x19: {  	[tilespmem:s24+$0x1040] =	vst v0  }
0x1a: {  	[tilespmem:s24+$0x1050] =	vst v0  }
0x1b: {  	[tilespmem:s24+$0x1060] =	vst v0;
	s24 =	sshra.s32 s25, $0x2;
	s25 =	sadd.s32 $0x200, s25  }
0x1c: {  	[tilespmem:s24+$0x1070] =	vst v0  }
0x1d: {  	[tilespmem:s24+$0x1000] =	vst v0  }
0x1e: {  	[tilespmem:s24+$0x1010] =	vst v0  }
0x1f: {  	[tilespmem:s24+$0x1020] =	vst v0  }
0x20: {  	[tilespmem:s24+$0x1030] =	vst v0  }
0x21: {  	[tilespmem:s24+$0x1040] =	vst v0  }
0x22: {  	[tilespmem:s24+$0x1050] =	vst v0  }
0x23: {  	[tilespmem:s24+$0x1060] =	vst v0  }
0x24: {  	[spmem:s5] =	stream.linear.scatter [tilespmem:s17], [sflag:$0x3], $0x4000, $0x38;
	[tilespmem:$0x1D000] =	vst v63  }
0x25: {  	_ =	swait.ge [sflag:s18], $0x4000  }
0x26: {  	[sflag:s18] =	ssyncset.done $0x0  }
0x27: {  	[sflag:s18] =	ssyncadd.s32 $0xFFFFC000  }
0x28: {  	[spmem:s6] =	stream.linear.scatter [tilespmem:s17], [sflag:$0x3], $0x4000, $0x38;
	[tilespmem:$0x1D000] =	vst v63  }
0x29: {  	_ =	swait.ge [sflag:s18], $0x4000  }
0x2a: {  	[sflag:s18] =	ssyncset.done $0x0  }
0x2b: {  	[sflag:s18] =	ssyncadd.s32 $0xFFFFC000  }
0x2c: {  	[spmem:s7] =	stream.linear.scatter [tilespmem:s17], [sflag:$0x3], $0x4000, $0x38;
	[tilespmem:$0x1D000] =	vst v63  }
0x2d: {  	_ =	swait.ge [sflag:s18], $0x4000  }
0x2e: {  	[sflag:s18] =	ssyncset.done $0x0  }
0x2f: {  	[sflag:s18] =	ssyncadd.s32 $0xFFFFC000  }
0x30: {  	[spmem:s9] =	stream.linear.scatter [tilespmem:s17], [sflag:$0x3], $0x4000, $0x38;
	[tilespmem:$0x1D000] =	vst v63  }
0x31: {  	_ =	swait.ge [sflag:s18], $0x4000  }
0x32: {  	[sflag:s18] =	ssyncset.done $0x0  }
0x33: {  	[sflag:s18] =	ssyncadd.s32 $0xFFFFC000  }
0x34: {  	[spmem:s10] =	stream.linear.scatter [tilespmem:s17], [sflag:$0x3], $0x4000, $0x38;
	[tilespmem:$0x1D000] =	vst v63  }
0x35: {  	_ =	swait.ge [sflag:s18], $0x4000  }
0x36: {  	[sflag:s18] =	ssyncset.done $0x0  }
0x37: {  	[sflag:s18] =	ssyncadd.s32 $0xFFFFC000  }
0x38: {  	s24 =	simm.s32 $0x0;
	[bflag:$0x0] =	sbarrier.arrive $0xFFFF  }
0x39: {  	[tilespmem:s24], [sflag:$0x3] =	stream.linear.gather [hbm4b:s11+s24], $0x400, $0x38;
	[tilespmem:$0x1D000] =	vst v63  }
0x3a: {  	_ =	swait.ge [sflag:s18], $0x400  }
0x3b: {  	[sflag:s18] =	ssyncset.done $0x0  }
0x3c: {  	[sflag:s18] =	ssyncadd.s32 $0xFFFFFC00  }
0x3d: {  	[tilespmem:s19], [sflag:$0x3] =	stream.linear.gather [hbm4b:s12+s24], $0x400, $0x38;
	[tilespmem:$0x1D000] =	vst v63  }
0x3e: {  	_ =	swait.ge [sflag:s18], $0x400  }
0x3f: {  	s25 =	simm.s32 $0x1;
	[sflag:s18] =	ssyncset.done $0x0  }
0x40: {  	s26 =	smov.u32 s16;
	s28 =	smov.u32 s15;
	[sflag:s18] =	ssyncadd.s32 $0xFFFFFC00  }
0x41: {  	[tilespmem:s17], [sflag:$0x1] =	stream.indirect.gather [hbm4b:s1+s20], $0x80, s24, s20, $0xb8;
	[tilespmem:$0x1D000] =	vst v63  }
.LBB2_4:
0x42: {  	p0 =	sge.u32 s25, s8  }
0x43: {  	s29 =	sxor.u32 @!p0 $0xFFFFFFFF, s24  }
0x44: {  	s30 =	simm.s32 @!p0 $0x0;
	s31 =	simm.s32 @!p0 $0x3;
	s29 =	sand.u32 @!p0 $0x400, s29  }
0x45: {  	[tilespmem:s29], [sflag:$0x3] =	stream.linear.gather @!p0 [hbm4b:s26+s30], $0x400, $0x38;
	[tilespmem:$0x1D000] =	vst v63  }
0x46: {  	_ =	swait.ge @!p0 [sflag:s31], $0x400  }
0x47: {  	[sflag:s31] =	ssyncset.done @!p0 $0x0  }
0x48: {  	s0 =	sor.u32 @!p0 $0x800, s29;
	[sflag:s31] =	ssyncadd.s32 @!p0 $0xFFFFFC00  }
0x49: {  	[tilespmem:s0], [sflag:$0x3] =	stream.linear.gather @!p0 [hbm4b:s28+s30], $0x400, $0x38;
	[tilespmem:$0x1D000] =	vst v63  }
0x4a: {  	_ =	swait.ge @!p0 [sflag:s31], $0x400  }
0x4b: {  	s30 =	sand.u32 $0x400, s24;
	[sflag:s31] =	ssyncset.done @!p0 $0x0  }
0x4c: {  	[sflag:s31] =	ssyncadd.s32 @!p0 $0xFFFFFC00;
	s31 =	sor.u32 $0x80, s30  }
0x4d: {  	[tilespmem:s21], [sflag:$0x2] =	stream.indirect.gather [hbm4b:s1+s20], $0x80, s31, s20, $0xb8;
	[tilespmem:$0x1D000] =	vst v63  }
0x4e: {  	_ =	swait.ge [sflag:s22], $0x4000  }
0x4f: {  	[sflag:s22] =	ssyncset.done $0x0  }
0x50: {  	s31 =	sor.u32 $0x800, s30;
	[sflag:s22] =	ssyncadd.s32 $0xFFFFC000  }
0x51: {  	[spmem:s2] =	stream.indirect.scatter.add.f32 [tilespmem:s17], [sflag:$0x3], $0x80, s31, s20, $0xb8;
	[tilespmem:$0x1D000] =	vst v63  }
0x52: {  	_ =	swait.ge [sflag:s18], $0x4000  }
0x53: {  	[sflag:s18] =	ssyncset.done $0x0  }
0x54: {  	s31 =	sor.u32 $0x100, s30;
	[sflag:s18] =	ssyncadd.s32 $0xFFFFC000  }
0x55: {  	[tilespmem:s17], [sflag:$0x1] =	stream.indirect.gather [hbm4b:s1+s20], $0x80, s31, s20, $0xb8;
	[tilespmem:$0x1D000] =	vst v63  }
0x56: {  	_ =	swait.ge [sflag:s23], $0x4000  }
0x57: {  	[sflag:s23] =	ssyncset.done $0x0  }
0x58: {  	s31 =	sor.u32 $0x880, s30;
	[sflag:s23] =	ssyncadd.s32 $0xFFFFC000  }
0x59: {  	[spmem:s2] =	stream.indirect.scatter.add.f32 [tilespmem:s21], [sflag:$0x3], $0x80, s31, s20, $0xb8;
	[tilespmem:$0x1D000] =	vst v63  }
0x5a: {  	_ =	swait.ge [sflag:s18], $0x4000  }
0x5b: {  	[sflag:s18] =	ssyncset.done $0x0  }
0x5c: {  	s31 =	sor.u32 $0x180, s30;
	[sflag:s18] =	ssyncadd.s32 $0xFFFFC000  }
0x5d: {  	[tilespmem:s21], [sflag:$0x2] =	stream.indirect.gather [hbm4b:s1+s20], $0x80, s31, s20, $0xb8;
	[tilespmem:$0x1D000] =	vst v63  }
0x5e: {  	_ =	swait.ge [sflag:s22], $0x4000  }
0x5f: {  	[sflag:s22] =	ssyncset.done $0x0  }
0x60: {  	s31 =	sor.u32 $0x900, s30;
	[sflag:s22] =	ssyncadd.s32 $0xFFFFC000  }
0x61: {  	[spmem:s2] =	stream.indirect.scatter.add.f32 [tilespmem:s17], [sflag:$0x3], $0x80, s31, s20, $0xb8;
	[tilespmem:$0x1D000] =	vst v63  }
0x62: {  	_ =	swait.ge [sflag:s18], $0x4000  }
0x63: {  	[sflag:s18] =	ssyncset.done $0x0  }
0x64: {  	s31 =	sor.u32 $0x200, s30;
	[sflag:s18] =	ssyncadd.s32 $0xFFFFC000  }
0x65: {  	[tilespmem:s17], [sflag:$0x1] =	stream.indirect.gather [hbm4b:s1+s20], $0x80, s31, s20, $0xb8;
	[tilespmem:$0x1D000] =	vst v63  }
0x66: {  	_ =	swait.ge [sflag:s23], $0x4000  }
0x67: {  	[sflag:s23] =	ssyncset.done $0x0  }
0x68: {  	s31 =	sor.u32 $0x980, s30;
	[sflag:s23] =	ssyncadd.s32 $0xFFFFC000  }
0x69: {  	[spmem:s2] =	stream.indirect.scatter.add.f32 [tilespmem:s21], [sflag:$0x3], $0x80, s31, s20, $0xb8;
	[tilespmem:$0x1D000] =	vst v63  }
0x6a: {  	_ =	swait.ge [sflag:s18], $0x4000  }
0x6b: {  	[sflag:s18] =	ssyncset.done $0x0  }
0x6c: {  	s31 =	sor.u32 $0x280, s30;
	[sflag:s18] =	ssyncadd.s32 $0xFFFFC000  }
0x6d: {  	[tilespmem:s21], [sflag:$0x2] =	stream.indirect.gather [hbm4b:s1+s20], $0x80, s31, s20, $0xb8;
	[tilespmem:$0x1D000] =	vst v63  }
0x6e: {  	_ =	swait.ge [sflag:s22], $0x4000  }
0x6f: {  	[sflag:s22] =	ssyncset.done $0x0  }
0x70: {  	s31 =	sor.u32 $0xA00, s30;
	[sflag:s22] =	ssyncadd.s32 $0xFFFFC000  }
0x71: {  	[spmem:s2] =	stream.indirect.scatter.add.f32 [tilespmem:s17], [sflag:$0x3], $0x80, s31, s20, $0xb8;
	[tilespmem:$0x1D000] =	vst v63  }
0x72: {  	_ =	swait.ge [sflag:s18], $0x4000  }
0x73: {  	[sflag:s18] =	ssyncset.done $0x0  }
0x74: {  	s31 =	sor.u32 $0x300, s30;
	[sflag:s18] =	ssyncadd.s32 $0xFFFFC000  }
0x75: {  	[tilespmem:s17], [sflag:$0x1] =	stream.indirect.gather [hbm4b:s1+s20], $0x80, s31, s20, $0xb8;
	[tilespmem:$0x1D000] =	vst v63  }
0x76: {  	_ =	swait.ge [sflag:s23], $0x4000  }
0x77: {  	[sflag:s23] =	ssyncset.done $0x0  }
0x78: {  	s31 =	sor.u32 $0xA80, s30;
	[sflag:s23] =	ssyncadd.s32 $0xFFFFC000  }
0x79: {  	[spmem:s2] =	stream.indirect.scatter.add.f32 [tilespmem:s21], [sflag:$0x3], $0x80, s31, s20, $0xb8;
	[tilespmem:$0x1D000] =	vst v63  }
0x7a: {  	_ =	swait.ge [sflag:s18], $0x4000  }
0x7b: {  	[sflag:s18] =	ssyncset.done $0x0  }
0x7c: {  	s0 =	sor.u32 $0x380, s30;
	[sflag:s18] =	ssyncadd.s32 $0xFFFFC000  }
0x7d: {  	[tilespmem:s21], [sflag:$0x2] =	stream.indirect.gather [hbm4b:s1+s20], $0x80, s0, s20, $0xb8;
	[tilespmem:$0x1D000] =	vst v63  }
0x7e: {  	_ =	swait.ge [sflag:s22], $0x4000  }
0x7f: {  	[sflag:s22] =	ssyncset.done $0x0  }
0x80: {  	s30 =	sor.u32 $0xB00, s30;
	[sflag:s22] =	ssyncadd.s32 $0xFFFFC000  }
0x81: {  	[spmem:s2] =	stream.indirect.scatter.add.f32 [tilespmem:s17], [sflag:$0x3], $0x80, s30, s20, $0xb8;
	[tilespmem:$0x1D000] =	vst v63  }
0x82: {  	_ =	swait.ge [sflag:s18], $0x4000  }
0x83: {  	[sflag:s18] =	ssyncset.done $0x0  }
0x84: {  	s31 =	simm.s32 @!p0 $0x1000;
	s30 =	simm.s32 @!p0 $0x80;
	[sflag:s18] =	ssyncadd.s32 $0xFFFFC000  }
0x85: {  	[tilespmem:s31], [sflag:$0x1] =	stream.indirect.gather @!p0 [hbm4b:s1+s30], $0x80, s29, s30, $0xb8;
	[tilespmem:$0x1D000] =	vst v63  }
0x86: {  	_ =	swait.ge [sflag:s23], $0x4000  }
0x87: {  	[sflag:s23] =	ssyncset.done $0x0  }
0x88: {  	s0 =	sor.u32 $0x800, s0;
	[sflag:s23] =	ssyncadd.s32 $0xFFFFC000  }
0x89: {  	[spmem:s2] =	stream.indirect.scatter.add.f32 [tilespmem:s21], [sflag:$0x3], $0x80, s0, s20, $0xb8;
	[tilespmem:$0x1D000] =	vst v63  }
0x8a: {  	_ =	swait.ge [sflag:s18], $0x4000  }
0x8b: {  	s24 =	sadd.s32 $0x400, s24;
	s31 =	rddreg [dreg:$0x4]  }
0x8c: {  	p0 =	sne.s32 s31, s24  }
.Ltmp1:
0x8d: {  	_ = 	snop;
	(pc) =	sbr.rel @p0 .LBB2_4-.Ltmp1, $3  }
0x8e: {  	_ =	sdelay $0x1  }
0x8f: {  	s25 =	sadd.s32 $0x1, s25;
	[sflag:s18] =	ssyncset.done $0x0  }
0x90: {  	s26 =	sadd.s32 $0x80, s26;
	s28 =	sadd.s32 $0x80, s28;
	[sflag:s18] =	ssyncadd.s32 $0xFFFFC000  }
0x91: {  	s4 =	sadd.s32 $0x1, s4  }
0x92: {  	s0 =	sshll.u32 s3, $0x6;
	[bflag:$0x0] =	sbarrier.arrive $0xFFFF;
	p0 =	sne.s32 s4, s14  }
.Ltmp2:
0x93: {  	s24 =	sshrl.u32 s5, $0x3;
	s0 =	sor.u32 $0x1C03, s0;
	(pc) =	sbr.rel @p0 .LBB2_1-.Ltmp2, $4  }
0x94: {  	[hbm:s13], [sflag:s0] =	dma.local [spmem:s24], $0x2800  }
0x95: {  	_ =	swait.ge [sflag:s18], $0x2800  }
0x96: {  	[sflag:s18] =	ssyncset.done $0x0  }
0x97: {  	[sflag:s18] =	ssyncadd.s32 $0xFFFFD800  }
0x98: {  	_ =	sfence.sel $0x180000  }
0x99: {  	[bflag:$0x0] =	sbarrier.arrive $0xFFFF  }
0x9a: {  	_ =	strace $0x9000004D  }
0x9b: {  	[bflag:$0x2] =	sbarrier.arrive $0xFFFF  }
0x9c: {  	p0 =	sne.s32 s3, $0x0;
	s0 =	rddreg [dreg:$0x3]  }
0x9d: {  	s0 =	sadd.s32 @!p0 $0x100000, s0  }
0x9e: {  	[sflag:s0] =	ssyncadd.tile.s32 @!p0 $0x1;
	_ =	shalt  }
.Lfunc_end2:
_tile_overlayer_lowered:
.L_overlay_start_2:
0x9f: {  	(tag) =	ssettag $0x2  }
0xa0: {  	s0 =	rddreg [dreg:$0x0];
	s2 =	stileid.u32  }
0xa1: {  	s1 =	rddreg [dreg:$0x1];
	p0 =	sne.s32 s2, $0x0  }
0xa2: {  	s3 =	rddreg [dreg:$0x2];
	[bflag:$0x3] =	sbarrier.arrive $0xFFFF;
	s2 =	simm.s32 @!p0 $0x1C03  }
0xa3: {  	[timem:s3], [sflag:s2] =	dma.local @!p0 [hbm:s0], s1  }
0xa4: {  	s0 =	simm.s32 @!p0 $0x3  }
0xa5: {  	_ =	swait.ge @!p0 [sflag:s0], s1  }
0xa6: {  	s1 =	ssub.s32 @!p0 $0x0, s1;
	[sflag:s0] =	ssyncset.done @!p0 $0x0  }
0xa7: {  	[sflag:s0] =	ssyncadd.s32 @!p0 s1  }
0xa8: {  	[bflag:$0x3] =	sbarrier.arrive $0xFFFF  }
0xa9: {  	_ =	shalt  }

// kernel: kernel.7.cloned.1.call-start
scs
__scs_entry_jumppad:
0x0: {  	(pc) =	sbr.rel $0x88, $3  }
0x1: {  	(tag) =	ssettag $0x0;
	lr =	simm.s32 $0x1  }
0x2: {  	[smem:$0x3F99] =	sst lr;
	_ =	strace $0xD0000000  }
0x3: {  	_ = 	snop  }
0x4: {  	_ = 	snop  }
0x5: {  	_ = 	snop  }
0x6: {  	_ = 	snop  }
0x7: {  	_ = 	snop  }
__scs_overlays_trampoline_lowered:
0x8: {  	[smem:$0x3FA8] =	sst s0  }
0x9: {  	[smem:$0x3FA9] =	sst s1  }
0xa: {  	[smem:$0x3FAA] =	sst s2  }
0xb: {  	[smem:$0x3FAB] =	sst s3  }
0xc: {  	[smem:$0x3FAC] =	sst s4  }
0xd: {  	[smem:$0x3FAD] =	sst s5  }
0xe: {  	[smem:$0x3FAE] =	sst s6  }
0xf: {  	[smem:$0x3FAF] =	sst s7  }
0x10: {  	[smem:$0x3FB0] =	sst s8  }
0x11: {  	[smem:$0x3FB1] =	sst s9;
	s0 =	simm.s32 @!p0 $0x0  }
0x12: {  	s1 =	sld [smem:$0x3F97];
	s0 =	simm.s32 @p0 $0x1  }
0x13: {  	[smem:$0x3FB2] =	sst s0;
	s0 =	simm.s32 @!p1 $0x0  }
0x14: {  	s2 =	sld [smem:$0x3F96];
	s0 =	simm.s32 @p1 $0x1  }
0x15: {  	[smem:$0x3FB3] =	sst s0;
	s0 =	simm.s32 @!p2 $0x0  }
0x16: {  	s3 =	sld [smem:$0x3FDB];
	s0 =	simm.s32 @p2 $0x1  }
0x17: {  	s4 =	simm.s32 $0x1BF5;
	[smem:$0x3FB5] =	sst s0  }
0x18: {  	s0 =	sld [smem:$0x3F98];
	_ =	swait.ge [sflag:s4], $0x0  }
0x19: {  	s7 =	sld [smem:$0x3F99]  }
0x1a: {  	s8 =	sadd.s32 $0xFFFFE003, lr  }
0x1b: {  	s9 =	sadd.s32 $0xFFFFFEF7, lr;
	s5 =	simm.s32 $0xFFFFFFFF;
	p2 =	slt.u32 s8, $0xFFFFF086  }
0x1c: {  	p1 =	slt.u32 s9, $0xF7A;
	s5 =	simm.s32 @!p2 $0x0  }
0x1d: {  	s5 =	simm.s32 @p1 $0x1;
	p0 =	seq.s32 s7, s2  }
0x1e: {  	s7 =	smul.u32 @!p0 $0xF7A, s2;
	p2 =	seq.s32 @!p0 s5, $0x0  }
0x1f: {  	s9 =	smul.u32 $0xF7A, s1;
	s8 =	simm.s32 @!p0 $0x1BF5;
	p2 =	por !p2, p0  }
0x20: {  	[sflag:s8] =	ssyncset.s32 @!p0 $0xFFFFF086;
	s6 =	sadd.s32 @!p0 s3, s7;
	s7 =	simm.s32 @!p0 $0x108  }
0x21: {  	s3 =	sadd.s32 s3, s9;
	s6 =	sadd.s32 @!p0 $0x88, s6;
	s7 =	simm.s32 @p2 $0x1082  }
0x22: {  	[simem:s7], [sflag:s8] =	dma.local @!p0 [hbm:s6], $0xF7A  }
0x23: {  	s9 =	sor.u32 $0xD0000000, s2;
	s6 =	simm.s32 $0x108;
	_ =	swait.ge @!p0 [sflag:s8], $0x0  }
0x24: {  	s3 =	sadd.s32 $0x88, s3;
	s6 =	simm.s32 @!p1 $0x1082;
	[sflag:s4] =	ssyncset.s32 $0xFFFFF086  }
0x25: {  	[simem:s6], [sflag:s4] =	dma.local [hbm:s3], $0xF7A  }
0x26: {  	[smem:$0x3F99] =	sst s1;
	(tag) =	ssettag s2;
	_ =	strace s9  }
0x27: {  	s1 =	sld [smem:$0x3FA9]  }
0x28: {  	s2 =	sld [smem:$0x3FAA]  }
0x29: {  	s4 =	sld [smem:$0x3FAC]  }
0x2a: {  	p0 =	seq.s32 s5, $0x0;
	s5 =	sld [smem:$0x3FAD]  }
0x2b: {  	s6 =	sld [smem:$0x3FAE]  }
0x2c: {  	s7 =	sld [smem:$0x3FAF]  }
0x2d: {  	s3 =	simm.s32 $0x108;
	s8 =	sld [smem:$0x3FB0]  }
0x2e: {  	s3 =	simm.s32 @!p0 $0x1082;
	s9 =	sld [smem:$0x3FB1]  }
0x2f: {  	lr =	sadd.s32 s0, s3;
	s0 =	sld [smem:$0x3FA8]  }
0x30: {  	s3 =	sld [smem:$0x3FAB]  }
0x31: {  	[smem:$0x3FB4] =	sst s10  }
0x32: {  	s10 =	sld [smem:$0x3FB2];
	_ =	sdelay $0x3  }
0x33: {  	p0 =	seq.s32 s10, $0x1;
	s10 =	sld [smem:$0x3FB4];
	_ =	sdelay $0x3  }
0x34: {  	[smem:$0x3FB4] =	sst s10  }
0x35: {  	s10 =	sld [smem:$0x3FB3];
	_ =	sdelay $0x3  }
0x36: {  	p1 =	seq.s32 s10, $0x1;
	s10 =	sld [smem:$0x3FB4];
	_ =	sdelay $0x3  }
0x37: {  	[smem:$0x3FB4] =	sst s10  }
0x38: {  	s10 =	sld [smem:$0x3FB5]  }
0x39: {  	_ = 	snop;
	(pc) =	sbr.ind lr, $3  }
0x3a: {  	_ = 	snop  }
0x3b: {  	_ = 	snop  }
0x3c: {  	p2 =	seq.s32 s10, $0x1;
	s10 =	sld [smem:$0x3FB4]  }
0x3d: {  	_ =	shalt  }
0x3e: {  	_ =	shalt  }
0x3f: {  	_ =	shalt  }
0x40: {  	_ =	shalt  }
0x41: {  	_ =	shalt  }
0x42: {  	_ =	shalt  }
0x43: {  	_ =	shalt  }
0x44: {  	_ =	shalt  }
0x45: {  	_ =	shalt  }
0x46: {  	_ =	shalt  }
0x47: {  	_ =	shalt  }
0x48: {  	_ =	shalt  }
0x49: {  	_ =	shalt  }
0x4a: {  	_ =	shalt  }
0x4b: {  	_ =	shalt  }
0x4c: {  	_ =	shalt  }
0x4d: {  	_ =	shalt  }
0x4e: {  	_ =	shalt  }
0x4f: {  	_ =	shalt  }
0x50: {  	_ =	shalt  }
0x51: {  	_ =	shalt  }
0x52: {  	_ =	shalt  }
0x53: {  	_ =	shalt  }
0x54: {  	_ =	shalt  }
0x55: {  	_ =	shalt  }
0x56: {  	_ =	shalt  }
0x57: {  	_ =	shalt  }
0x58: {  	_ =	shalt  }
0x59: {  	_ =	shalt  }
0x5a: {  	_ =	shalt  }
0x5b: {  	_ =	shalt  }
0x5c: {  	_ =	shalt  }
0x5d: {  	_ =	shalt  }
0x5e: {  	_ =	shalt  }
0x5f: {  	_ =	shalt  }
0x60: {  	_ =	shalt  }
0x61: {  	_ =	shalt  }
0x62: {  	_ =	shalt  }
0x63: {  	_ =	shalt  }
0x64: {  	_ =	shalt  }
0x65: {  	_ =	shalt  }
0x66: {  	_ =	shalt  }
0x67: {  	_ =	shalt  }
0x68: {  	_ =	shalt  }
0x69: {  	_ =	shalt  }
0x6a: {  	_ =	shalt  }
0x6b: {  	_ =	shalt  }
0x6c: {  	_ =	shalt  }
0x6d: {  	_ =	shalt  }
0x6e: {  	_ =	shalt  }
0x6f: {  	_ =	shalt  }
0x70: {  	_ =	shalt  }
0x71: {  	_ =	shalt  }
0x72: {  	_ =	shalt  }
0x73: {  	_ =	shalt  }
0x74: {  	_ =	shalt  }
0x75: {  	_ =	shalt  }
0x76: {  	_ =	shalt  }
0x77: {  	_ =	shalt  }
0x78: {  	_ =	shalt  }
0x79: {  	_ =	shalt  }
0x7a: {  	_ =	shalt  }
0x7b: {  	_ =	shalt  }
0x7c: {  	_ =	shalt  }
0x7d: {  	_ =	shalt  }
0x7e: {  	_ =	shalt  }
0x7f: {  	_ =	shalt  }
0x80: {  	_ =	shalt  }
0x81: {  	_ =	shalt  }
0x82: {  	_ =	shalt  }
0x83: {  	_ =	shalt  }
0x84: {  	_ =	shalt  }
0x85: {  	_ =	shalt  }
0x86: {  	_ =	shalt  }
0x87: {  	_ =	shalt  }
.Lfunc_end0:
.L_simem_size_0:
called_computation_lowered:
.L_overlay_start_0:
0x88: {  	s2 =	sld [smem:$0x3FD9]  }
0x89: {  	s3 =	sld [smem:$0x3FFE];
	_ =	sdelay $0x1  }
0x8a: {  	s1 =	srdreg.scid  }
0x8b: {  	s0 =	sand.u32 $0x1, s1  }
0x8c: {  	s16 =	sshll.u32 s0, $0xA;
	s2 =	sadd.s32 s3, s2  }
0x8d: {  	s2 =	sadd.s32 s2, s16  }
0x8e: {  	[smem:$0x3FC0] =	sst s2  }
0x8f: {  	_ = 	snop  }
0x90: {  	(tm) =	ssettm $0x1  }
0x91: {  	s17 =	sld [smem:$0x3FFB];
	_ =	sdelay $0x3  }
0x92: {  	_ =	strace s17  }
0x93: {  	s2 =	sld [smem:$0x3FFC];
	_ =	sdelay $0x3  }
0x94: {  	_ =	strace s2  }
0x95: {  	s2 =	sld [smem:$0x3FFD];
	_ =	sdelay $0x3  }
0x96: {  	_ =	strace s2  }
0x97: {  	_ =	strace $0x8FFFFFFF  }
0x98: {  	s18 =	sld [smem:$0x3FDB];
	_ =	sdelay $0x1  }
0x99: {  	s19 =	simm.s32 $_scs_section_size  }
0x9a: {  	s4 =	simm.s32 $_size__tile_overlayer_lowered;
	s5 =	simm.s32 $_tile_overlayer_lowered  }
0x9b: {  	s22 =	simm.s32 $0x1BFF;
	s21 =	sshll.u32 s5, $0x1;
	s2 =	sadd.s32 s19, s18  }
0x9c: {  	s6 =	simm.s32 $0x0;
	s20 =	sshll.u32 s4, $0x1;
	s4 =	sadd.s32 s21, s2  }
0x9d: {  	[timem:s6], [sflag:s22] =	dma.local [hbm:s4], s20  }
0x9e: {  	_ =	swait.ge [sflag:s22], s20  }
0x9f: {  	s3 =	ssub.s32 $0x0, s20;
	[sflag:s22] =	ssyncset.done $0x0  }
0xa0: {  	[sflag:s22] =	ssyncadd.s32 s3;
	_ =	sdelay $0x1  }
0xa1: {  	s23 =	simm.s32 $0x1B8B  }
0xa2: {  	_ =	swait.ge [sflag:s23], $0x1  }
0xa3: {  	[sflag:s23] =	ssyncset.done $0x0  }
0xa4: {  	s25 =	simm.s32 $0x1B8E;
	s24 =	sld [smem:$0x3FFE];
	[sflag:s23] =	ssyncadd.s32 $0xFFFFFFFF  }
0xa5: {  	s26 =	simm.s32 $execute0_lowered;
	[smem:$0x3FD2] =	sst s25  }
0xa6: {  	s4 =	sshll.u32 s26, $0x1;
	_ =	strace $0x80000046;
	[dreg:$0x1] =	wrdreg $0xFFFFFFFF  }
0xa7: {  	s28 =	simm.s32 $_size_execute0_lowered;
	s2 =	sadd.s32 s2, s4;
	[dreg:$0x0] =	wrdreg $0x0  }
0xa8: {  	s4 =	sshll.u32 s28, $0x1;
	[dreg:$0x2] =	wrdreg s2  }
0xa9: {  	[dreg:$0x3] =	wrdreg s4  }
0xaa: {  	[dreg:$0x4] =	wrdreg $0xC0  }
0xab: {  	_ =	task [dreg:s6], $0x5FFFF  }
0xac: {  	[dreg:$0x1] =	wrdreg $0xFFFFFFFF  }
0xad: {  	[dreg:$0x0] =	wrdreg $0x60  }
0xae: {  	[dreg:$0x2] =	wrdreg s24  }
0xaf: {  	[dreg:$0x3] =	wrdreg $0x48000  }
0xb0: {  	[dreg:$0x4] =	wrdreg $0x9  }
0xb1: {  	_ =	task.clear_ibuf [dreg:s6], $0x5FFFF;
	_ =	strace $0x90000046  }
0xb2: {  	s29 =	simm.s32 $0x9;
	_ =	strace $0x80000048  }
0xb3: {  	_ =	swait.ge [sflag:s29], $0x1  }
0xb4: {  	[sflag:s29] =	ssyncadd.s32 $0xFFFFFFFF  }
0xb5: {  	_ =	strace $0x90000048  }
0xb6: {  	_ =	sfence  }
0xb7: {  	s30 =	sld [smem:$0x0];
	_ =	sdelay $0x2  }
0xb8: {  	s31 =	sshll.u32 s1, $0xD;
	s1 =	sshrl.u32 s1, $0x2  }
0xb9: {  	s3 =	sand.u32 $0x4000, s31;
	s1 =	sadd.s32 s1, s30  }
0xba: {  	s0 =	sor.u32 s3, s0;
	s1 =	sshll.u32 s1, $0x11  }
0xbb: {  	s0 =	sor.u32 s1, s0  }
0xbc: {  	s0 =	sadd.s32 $0x8F2B, s0  }
0xbd: {  	[sflag:s0] =	ssyncadd.remote.s32 $0x1  }
0xbe: {  	_ =	sfence.sel $0xFFFF  }
0xbf: {  	[dreg:$0x0] =	wrdreg $0xFFFFFFFF;
	(pc) =	sbr.abs _section_cstart, $3  }
0xc0: {  	[dreg:$0x1] =	wrdreg $0xFFFFFFFF  }
0xc1: {  	_ =	task.clear_ibuf [dreg:s6], $0x2FFFF;
	_ =	strace $0x9FFFFFFF  }
0xc2: {  	(tm) =	ssettm $0x7FFFFFFF  }
0xc3: {  	_ =	shalt  }
tec
execute0_lowered:
.L_overlay_start_1:
0x0: {  	(tag) =	ssettag $0x1  }
0x1: {  	s4 =	rddreg [dreg:$0x0]  }
0x2: {  	s2 =	rddreg [dreg:$0x1]  }
0x3: {  	s0 =	srdreg.scid;
	s1 =	rddreg [dreg:$0x2]  }
0x4: {  	s3 =	simm.s32 $0x0;
	s13 =	simm.s32 $0x1;
	s14 =	simm.s32 $0x80  }
0x5: {  	s15 =	simm.s32 $0x100;
	s16 =	simm.s32 $0x180;
	s5 =	sand.u32 $0x1, s0  }
0x6: {  	s17 =	simm.s32 $0x200;
	s0 =	stileid.u32;
	s6 =	smul.u32 $0x140000, s5  }
0x7: {  	s18 =	simm.s32 $0x280;
	s19 =	simm.s32 $0x300;
	s7 =	smul.u32 $0x14000, s0  }
0x8: {  	s20 =	simm.s32 $0x380;
	[smem:$0x7FF] =	sst s3;
	s8 =	smul.u32 $0xA00, s0  }
0x9: {  	s22 =	simm.s32 $0x0;
	s28 =	smul.u32 $0x50000, s0;
	_ =	strace $0x80000047  }
0xa: {  	s29 =	ssub.s32 $0x2, s5;
	s11 =	smul.u32 $0x500, s5;
	s21 =	sshll.u32 s0, $0x6  }
0xb: {  	s31 =	sshrl.u32 s29, $0x1;
	s21 =	sor.u32 $0x1C01, s21;
	s6 =	sadd.s32 s7, s6  }
0xc: {  	s9 =	sadd.s32 s8, s4;
	s30 =	sshrl.u32 s28, $0x2;
	s6 =	sshrl.u32 s6, $0x3  }
0xd: {  	s11 =	sadd.s32 s11, s9;
	s10 =	sadd.s32 s6, s4;
	s4 =	sadd.s32 s30, s2  }
0xe: {  	s12 =	ssub.s32 s29, s31;
	s11 =	sadd.s32 $0x2800, s11;
	s5 =	sadd.s32 $0x4000, s4  }
0xf: {  	s6 =	sadd.s32 $0x8000, s4;
	s7 =	sadd.s32 $0xC000, s4;
	s8 =	sadd.s32 $0x10000, s4  }
0x10: {  	v0 =	vimm.f32 $0.0e+00;
	v1 =	vimm.f32 $1.000000000e+00;
	s9 =	sadd.s32 $0x16800, s10;
	s10 =	smax.u32 s12, $0x1;
	s12 =	simm.s32 $0x800  }
.LBB2_1:
0x11: {  	s23 =	simm.s32 $0x0;
	s24 =	simm.s32 $0x200  }
.LBB2_2:
0x12: {  	p0 =	sne.s32 s24, $0xFE00;
	[tilespmem:s23+$0x870] =	vst v0  }
0x13: {  	[tilespmem:s23+$0x800] =	vst v0  }
0x14: {  	[tilespmem:s23+$0x810] =	vst v0  }
.Ltmp0:
0x15: {  	[tilespmem:s23+$0x820] =	vst v0;
	(pc) =	sbr.rel @p0 .LBB2_2-.Ltmp0, $4  }
0x16: {  	[tilespmem:s23+$0x830] =	vst v0  }
0x17: {  	[tilespmem:s23+$0x840] =	vst v0  }
0x18: {  	[tilespmem:s23+$0x850] =	vst v0  }
0x19: {  	[tilespmem:s23+$0x860] =	vst v0;
	s23 =	sshra.s32 s24, $0x2;
	s24 =	sadd.s32 $0x200, s24  }
0x1a: {  	[tilespmem:s23+$0x870] =	vst v0  }
0x1b: {  	[tilespmem:s23+$0x800] =	vst v0  }
0x1c: {  	[tilespmem:s23+$0x810] =	vst v0  }
0x1d: {  	[tilespmem:s23+$0x820] =	vst v0  }
0x1e: {  	[tilespmem:s23+$0x830] =	vst v0  }
0x1f: {  	[tilespmem:s23+$0x840] =	vst v0  }
0x20: {  	[tilespmem:s23+$0x850] =	vst v0  }
0x21: {  	[tilespmem:s23+$0x860] =	vst v0  }
0x22: {  	[spmem:s4] =	stream.linear.scatter [tilespmem:s12], [sflag:$0x1], $0x4000, $0x38;
	[tilespmem:$0x18800] =	vst v63  }
0x23: {  	_ =	swait.ge [sflag:s13], $0x4000  }
0x24: {  	[sflag:s13] =	ssyncset.done $0x0  }
0x25: {  	[sflag:s13] =	ssyncadd.s32 $0xFFFFC000  }
0x26: {  	[spmem:s5] =	stream.linear.scatter [tilespmem:s12], [sflag:$0x1], $0x4000, $0x38;
	[tilespmem:$0x18800] =	vst v63  }
0x27: {  	_ =	swait.ge [sflag:s13], $0x4000  }
0x28: {  	[sflag:s13] =	ssyncset.done $0x0  }
0x29: {  	[sflag:s13] =	ssyncadd.s32 $0xFFFFC000  }
0x2a: {  	[spmem:s6] =	stream.linear.scatter [tilespmem:s12], [sflag:$0x1], $0x4000, $0x38;
	[tilespmem:$0x18800] =	vst v63  }
0x2b: {  	_ =	swait.ge [sflag:s13], $0x4000  }
0x2c: {  	[sflag:s13] =	ssyncset.done $0x0  }
0x2d: {  	[sflag:s13] =	ssyncadd.s32 $0xFFFFC000  }
0x2e: {  	[spmem:s7] =	stream.linear.scatter [tilespmem:s12], [sflag:$0x1], $0x4000, $0x38;
	[tilespmem:$0x18800] =	vst v63  }
0x2f: {  	_ =	swait.ge [sflag:s13], $0x4000  }
0x30: {  	[sflag:s13] =	ssyncset.done $0x0  }
0x31: {  	[sflag:s13] =	ssyncadd.s32 $0xFFFFC000  }
0x32: {  	[spmem:s8] =	stream.linear.scatter [tilespmem:s12], [sflag:$0x1], $0x4000, $0x38;
	[tilespmem:$0x18800] =	vst v63  }
0x33: {  	_ =	swait.ge [sflag:s13], $0x4000  }
0x34: {  	[sflag:s13] =	ssyncset.done $0x0  }
0x35: {  	s23 =	simm.s32 $0x0;
	s24 =	simm.s32 $0x200;
	[sflag:s13] =	ssyncadd.s32 $0xFFFFC000  }
.LBB2_4:
0x36: {  	p0 =	sne.s32 s24, $0xFE00;
	[tilespmem:s23+$0x870] =	vst v1  }
0x37: {  	[tilespmem:s23+$0x800] =	vst v1  }
0x38: {  	[tilespmem:s23+$0x810] =	vst v1  }
.Ltmp1:
0x39: {  	[tilespmem:s23+$0x820] =	vst v1;
	(pc) =	sbr.rel @p0 .LBB2_4-.Ltmp1, $4  }
0x3a: {  	[tilespmem:s23+$0x830] =	vst v1  }
0x3b: {  	[tilespmem:s23+$0x840] =	vst v1  }
0x3c: {  	[tilespmem:s23+$0x850] =	vst v1  }
0x3d: {  	[tilespmem:s23+$0x860] =	vst v1;
	s23 =	sshra.s32 s24, $0x2;
	s24 =	sadd.s32 $0x200, s24  }
0x3e: {  	[tilespmem:s23+$0x870] =	vst v1  }
0x3f: {  	[tilespmem:s23+$0x800] =	vst v1  }
0x40: {  	[tilespmem:s23+$0x810] =	vst v1  }
0x41: {  	[tilespmem:s23+$0x820] =	vst v1  }
0x42: {  	[tilespmem:s23+$0x830] =	vst v1  }
0x43: {  	[tilespmem:s23+$0x840] =	vst v1  }
0x44: {  	[tilespmem:s23+$0x850] =	vst v1  }
0x45: {  	[tilespmem:s23+$0x860] =	vst v1  }
0x46: {  	s31 =	sadd.s32 $0x0, s11;
	[bflag:$0x0] =	sbarrier.arrive $0xFFFF  }
0x47: {  	[tilespmem:s3], [sflag:$0x1] =	stream.linear.gather [hbm4b:s31+s3], $0x400, $0x38;
	[tilespmem:$0x18800] =	vst v63  }
0x48: {  	_ =	swait.ge [sflag:s13], $0x400  }
0x49: {  	[sflag:s13] =	ssyncset.done $0x0  }
0x4a: {  	[sflag:s13] =	ssyncadd.s32 $0xFFFFFC00  }
0x4b: {  	[spmem:s2] =	stream.indirect.scatter.add.f32 [tilespmem:s12], [sflag:$0x1], $0x80, s3, s14, $0xb8;
	[tilespmem:$0x18800] =	vst v63  }
0x4c: {  	_ =	swait.ge [sflag:s13], $0x4000  }
0x4d: {  	[sflag:s13] =	ssyncset.done $0x0  }
0x4e: {  	[sflag:s13] =	ssyncadd.s32 $0xFFFFC000  }
0x4f: {  	[spmem:s2] =	stream.indirect.scatter.add.f32 [tilespmem:s12], [sflag:$0x1], $0x80, s14, s14, $0xb8;
	[tilespmem:$0x18800] =	vst v63  }
0x50: {  	_ =	swait.ge [sflag:s13], $0x4000  }
0x51: {  	[sflag:s13] =	ssyncset.done $0x0  }
0x52: {  	[sflag:s13] =	ssyncadd.s32 $0xFFFFC000  }
0x53: {  	[spmem:s2] =	stream.indirect.scatter.add.f32 [tilespmem:s12], [sflag:$0x1], $0x80, s15, s14, $0xb8;
	[tilespmem:$0x18800] =	vst v63  }
0x54: {  	_ =	swait.ge [sflag:s13], $0x4000  }
0x55: {  	[sflag:s13] =	ssyncset.done $0x0  }
0x56: {  	[sflag:s13] =	ssyncadd.s32 $0xFFFFC000  }
0x57: {  	[spmem:s2] =	stream.indirect.scatter.add.f32 [tilespmem:s12], [sflag:$0x1], $0x80, s16, s14, $0xb8;
	[tilespmem:$0x18800] =	vst v63  }
0x58: {  	_ =	swait.ge [sflag:s13], $0x4000  }
0x59: {  	[sflag:s13] =	ssyncset.done $0x0  }
0x5a: {  	[sflag:s13] =	ssyncadd.s32 $0xFFFFC000  }
0x5b: {  	[spmem:s2] =	stream.indirect.scatter.add.f32 [tilespmem:s12], [sflag:$0x1], $0x80, s17, s14, $0xb8;
	[tilespmem:$0x18800] =	vst v63  }
0x5c: {  	_ =	swait.ge [sflag:s13], $0x4000  }
0x5d: {  	[sflag:s13] =	ssyncset.done $0x0  }
0x5e: {  	[sflag:s13] =	ssyncadd.s32 $0xFFFFC000  }
0x5f: {  	[spmem:s2] =	stream.indirect.scatter.add.f32 [tilespmem:s12], [sflag:$0x1], $0x80, s18, s14, $0xb8;
	[tilespmem:$0x18800] =	vst v63  }
0x60: {  	_ =	swait.ge [sflag:s13], $0x4000  }
0x61: {  	[sflag:s13] =	ssyncset.done $0x0  }
0x62: {  	[sflag:s13] =	ssyncadd.s32 $0xFFFFC000  }
0x63: {  	[spmem:s2] =	stream.indirect.scatter.add.f32 [tilespmem:s12], [sflag:$0x1], $0x80, s19, s14, $0xb8;
	[tilespmem:$0x18800] =	vst v63  }
0x64: {  	_ =	swait.ge [sflag:s13], $0x4000  }
0x65: {  	[sflag:s13] =	ssyncset.done $0x0  }
0x66: {  	[sflag:s13] =	ssyncadd.s32 $0xFFFFC000  }
0x67: {  	[spmem:s2] =	stream.indirect.scatter.add.f32 [tilespmem:s12], [sflag:$0x1], $0x80, s20, s14, $0xb8;
	[tilespmem:$0x18800] =	vst v63  }
0x68: {  	_ =	swait.ge [sflag:s13], $0x4000  }
0x69: {  	s23 =	simm.s32 $0x80;
	s25 =	simm.s32 $0x100;
	[sflag:s13] =	ssyncset.done $0x0  }
.LBB2_6:
0x6a: {  	s26 =	sadd.s32 s23, s11  }
0x6b: {  	[sflag:s13] =	ssyncadd.s32 $0xFFFFC000;
	s23 =	smov.u32 s25;
	s24 =	sadd.s32 $0x80, s25  }
0x6c: {  	[tilespmem:s3], [sflag:$0x1] =	stream.linear.gather [hbm4b:s26+s3], $0x400, $0x38;
	[tilespmem:$0x18800] =	vst v63  }
0x6d: {  	p0 =	sne.s32 s25, $0x480;
	_ =	swait.ge [sflag:s13], $0x400  }
0x6e: {  	[sflag:s13] =	ssyncset.done $0x0  }
0x6f: {  	[sflag:s13] =	ssyncadd.s32 $0xFFFFFC00  }
0x70: {  	[spmem:s2] =	stream.indirect.scatter.add.f32 [tilespmem:s12], [sflag:$0x1], $0x80, s3, s14, $0xb8;
	[tilespmem:$0x18800] =	vst v63  }
0x71: {  	_ =	swait.ge [sflag:s13], $0x4000  }
0x72: {  	[sflag:s13] =	ssyncset.done $0x0  }
0x73: {  	[sflag:s13] =	ssyncadd.s32 $0xFFFFC000  }
0x74: {  	[spmem:s2] =	stream.indirect.scatter.add.f32 [tilespmem:s12], [sflag:$0x1], $0x80, s14, s14, $0xb8;
	[tilespmem:$0x18800] =	vst v63  }
0x75: {  	_ =	swait.ge [sflag:s13], $0x4000  }
0x76: {  	[sflag:s13] =	ssyncset.done $0x0  }
0x77: {  	[sflag:s13] =	ssyncadd.s32 $0xFFFFC000  }
0x78: {  	[spmem:s2] =	stream.indirect.scatter.add.f32 [tilespmem:s12], [sflag:$0x1], $0x80, s15, s14, $0xb8;
	[tilespmem:$0x18800] =	vst v63  }
0x79: {  	_ =	swait.ge [sflag:s13], $0x4000  }
0x7a: {  	[sflag:s13] =	ssyncset.done $0x0  }
0x7b: {  	[sflag:s13] =	ssyncadd.s32 $0xFFFFC000  }
0x7c: {  	[spmem:s2] =	stream.indirect.scatter.add.f32 [tilespmem:s12], [sflag:$0x1], $0x80, s16, s14, $0xb8;
	[tilespmem:$0x18800] =	vst v63  }
0x7d: {  	_ =	swait.ge [sflag:s13], $0x4000  }
0x7e: {  	[sflag:s13] =	ssyncset.done $0x0  }
0x7f: {  	[sflag:s13] =	ssyncadd.s32 $0xFFFFC000  }
0x80: {  	[spmem:s2] =	stream.indirect.scatter.add.f32 [tilespmem:s12], [sflag:$0x1], $0x80, s17, s14, $0xb8;
	[tilespmem:$0x18800] =	vst v63  }
0x81: {  	_ =	swait.ge [sflag:s13], $0x4000  }
0x82: {  	[sflag:s13] =	ssyncset.done $0x0  }
0x83: {  	[sflag:s13] =	ssyncadd.s32 $0xFFFFC000  }
0x84: {  	[spmem:s2] =	stream.indirect.scatter.add.f32 [tilespmem:s12], [sflag:$0x1], $0x80, s18, s14, $0xb8;
	[tilespmem:$0x18800] =	vst v63  }
0x85: {  	_ =	swait.ge [sflag:s13], $0x4000  }
0x86: {  	[sflag:s13] =	ssyncset.done $0x0  }
0x87: {  	[sflag:s13] =	ssyncadd.s32 $0xFFFFC000  }
0x88: {  	[spmem:s2] =	stream.indirect.scatter.add.f32 [tilespmem:s12], [sflag:$0x1], $0x80, s19, s14, $0xb8;
	[tilespmem:$0x18800] =	vst v63  }
0x89: {  	_ =	swait.ge [sflag:s13], $0x4000  }
.Ltmp2:
0x8a: {  	[sflag:s13] =	ssyncset.done $0x0;
	(pc) =	sbr.rel @p0 .LBB2_6-.Ltmp2, $4  }
0x8b: {  	[sflag:s13] =	ssyncadd.s32 $0xFFFFC000  }
0x8c: {  	[spmem:s2] =	stream.indirect.scatter.add.f32 [tilespmem:s12], [sflag:$0x1], $0x80, s20, s14, $0xb8;
	[tilespmem:$0x18800] =	vst v63  }
0x8d: {  	_ =	swait.ge [sflag:s13], $0x4000  }
0x8e: {  	s25 =	smov.u32 s24;
	[sflag:s13] =	ssyncset.done $0x0  }
0x8f: {  	s23 =	sadd.s32 s23, s11;
	[sflag:s13] =	ssyncadd.s32 $0xFFFFC000  }
0x90: {  	[tilespmem:s3], [sflag:$0x1] =	stream.linear.gather [hbm4b:s23+s3], $0x400, $0x38;
	[tilespmem:$0x18800] =	vst v63  }
0x91: {  	_ =	swait.ge [sflag:s13], $0x400  }
0x92: {  	[sflag:s13] =	ssyncset.done $0x0  }
0x93: {  	[sflag:s13] =	ssyncadd.s32 $0xFFFFFC00  }
0x94: {  	[spmem:s2] =	stream.indirect.scatter.add.f32 [tilespmem:s12], [sflag:$0x1], $0x80, s3, s14, $0xb8;
	[tilespmem:$0x18800] =	vst v63  }
0x95: {  	_ =	swait.ge [sflag:s13], $0x4000  }
0x96: {  	[sflag:s13] =	ssyncset.done $0x0  }
0x97: {  	[sflag:s13] =	ssyncadd.s32 $0xFFFFC000  }
0x98: {  	[spmem:s2] =	stream.indirect.scatter.add.f32 [tilespmem:s12], [sflag:$0x1], $0x80, s14, s14, $0xb8;
	[tilespmem:$0x18800] =	vst v63  }
0x99: {  	_ =	swait.ge [sflag:s13], $0x4000  }
0x9a: {  	[sflag:s13] =	ssyncset.done $0x0  }
0x9b: {  	[sflag:s13] =	ssyncadd.s32 $0xFFFFC000  }
0x9c: {  	[spmem:s2] =	stream.indirect.scatter.add.f32 [tilespmem:s12], [sflag:$0x1], $0x80, s15, s14, $0xb8;
	[tilespmem:$0x18800] =	vst v63  }
0x9d: {  	_ =	swait.ge [sflag:s13], $0x4000  }
0x9e: {  	[sflag:s13] =	ssyncset.done $0x0  }
0x9f: {  	[sflag:s13] =	ssyncadd.s32 $0xFFFFC000  }
0xa0: {  	[spmem:s2] =	stream.indirect.scatter.add.f32 [tilespmem:s12], [sflag:$0x1], $0x80, s16, s14, $0xb8;
	[tilespmem:$0x18800] =	vst v63  }
0xa1: {  	_ =	swait.ge [sflag:s13], $0x4000  }
0xa2: {  	[sflag:s13] =	ssyncset.done $0x0  }
0xa3: {  	[sflag:s13] =	ssyncadd.s32 $0xFFFFC000  }
0xa4: {  	[spmem:s2] =	stream.indirect.scatter.add.f32 [tilespmem:s12], [sflag:$0x1], $0x80, s17, s14, $0xb8;
	[tilespmem:$0x18800] =	vst v63  }
0xa5: {  	_ =	swait.ge [sflag:s13], $0x4000  }
0xa6: {  	[sflag:s13] =	ssyncset.done $0x0  }
0xa7: {  	[sflag:s13] =	ssyncadd.s32 $0xFFFFC000  }
0xa8: {  	[spmem:s2] =	stream.indirect.scatter.add.f32 [tilespmem:s12], [sflag:$0x1], $0x80, s18, s14, $0xb8;
	[tilespmem:$0x18800] =	vst v63  }
0xa9: {  	_ =	swait.ge [sflag:s13], $0x4000  }
0xaa: {  	[sflag:s13] =	ssyncset.done $0x0  }
0xab: {  	[sflag:s13] =	ssyncadd.s32 $0xFFFFC000  }
0xac: {  	[spmem:s2] =	stream.indirect.scatter.add.f32 [tilespmem:s12], [sflag:$0x1], $0x80, s19, s14, $0xb8;
	[tilespmem:$0x18800] =	vst v63  }
0xad: {  	_ =	swait.ge [sflag:s13], $0x4000  }
0xae: {  	[sflag:s13] =	ssyncset.done $0x0  }
0xaf: {  	[sflag:s13] =	ssyncadd.s32 $0xFFFFC000  }
0xb0: {  	[spmem:s2] =	stream.indirect.scatter.add.f32 [tilespmem:s12], [sflag:$0x1], $0x80, s20, s14, $0xb8;
	[tilespmem:$0x18800] =	vst v63  }
0xb1: {  	_ =	swait.ge [sflag:s13], $0x4000  }
0xb2: {  	s22 =	sadd.s32 $0x1, s22;
	[sflag:s13] =	ssyncset.done $0x0  }
0xb3: {  	p0 =	sne.s32 s22, s10;
	[sflag:s13] =	ssyncadd.s32 $0xFFFFC000  }
.Ltmp3:
0xb4: {  	s31 =	sshrl.u32 s4, $0x3;
	[bflag:$0x0] =	sbarrier.arrive $0xFFFF;
	(pc) =	sbr.rel @p0 .LBB2_1-.Ltmp3, $4  }
0xb5: {  	[hbm:s9], [sflag:s21] =	dma.local [spmem:s31], $0x2800  }
0xb6: {  	_ =	swait.ge [sflag:s13], $0x2800  }
0xb7: {  	[sflag:s13] =	ssyncset.done $0x0  }
0xb8: {  	[sflag:s13] =	ssyncadd.s32 $0xFFFFD800  }
0xb9: {  	_ =	sfence.sel $0x180000  }
0xba: {  	[bflag:$0x0] =	sbarrier.arrive $0xFFFF  }
0xbb: {  	p0 =	sne.s32 s0, $0x0;
	_ =	strace $0x90000047  }
0xbc: {  	s0 =	sadd.s32 @!p0 $0x100000, s1;
	[bflag:$0x2] =	sbarrier.arrive $0xFFFF  }
0xbd: {  	[sflag:s0] =	ssyncadd.tile.s32 @!p0 $0x1;
	_ =	shalt  }
.Lfunc_end2:
_tile_overlayer_lowered:
.L_overlay_start_2:
0xbe: {  	(tag) =	ssettag $0x2  }
0xbf: {  	s0 =	rddreg [dreg:$0x0];
	s2 =	stileid.u32  }
0xc0: {  	s1 =	rddreg [dreg:$0x1];
	p0 =	sne.s32 s2, $0x0  }
0xc1: {  	s3 =	rddreg [dreg:$0x2];
	[bflag:$0x3] =	sbarrier.arrive $0xFFFF;
	s2 =	simm.s32 @!p0 $0x1C01  }
0xc2: {  	[timem:s3], [sflag:s2] =	dma.local @!p0 [hbm:s0], s1  }
0xc3: {  	s0 =	simm.s32 @!p0 $0x1  }
0xc4: {  	_ =	swait.ge @!p0 [sflag:s0], s1  }
0xc5: {  	s1 =	ssub.s32 @!p0 $0x0, s1;
	[sflag:s0] =	ssyncset.done @!p0 $0x0  }
0xc6: {  	[sflag:s0] =	ssyncadd.s32 @!p0 s1  }
0xc7: {  	[bflag:$0x3] =	sbarrier.arrive $0xFFFF  }
0xc8: {  	_ =	shalt  }

</sc_bundles>
